<compile_context>
chip_gen: v7x
topology: tpu7x:2x2x1
jax: 0.10.2.dev20260603
libtpu: 0.0.44.dev20260713+nightly
codegen_flags: <defaults>
</compile_context>

<pallas_src>
import jax
import jax.numpy as jnp
from jax import lax
from jax.experimental import pallas as pl
from jax.experimental.pallas import tpu as pltpu
import jax.experimental.pallas.tpu_sc as plsc

N = 10000
E = 320000
T = 2
L = 2
H = 128
O = 64
R = 5
G = 32
BN_EPS = 1e-5

BLK = 1000
NBLK = N // BLK

NC = 2
NS = 16
HH = H // NC
EPT = E // NS
K = 80
EPTP = EPT
CHUNKS = EPTP // K
NBUF = 5
NP = 10240
RPT = NP // NS



def _prep_body(src_ref, ea_ref, idx0_ref, idx1_ref):
    base = (ea_ref[...] * N + src_ref[...]) * NC
    idx0_ref[...] = base
    idx1_ref[...] = base + 1


def _stage_a1_body(preh_ref, scale_ref, shift_ref, vcat_ref, hv_ref):
    hn = preh_ref[...] * scale_ref[...] + shift_ref[...]
    res = lax.dot_general(hn.astype(jnp.bfloat16), vcat_ref[...],
                          (((1,), (0,)), ((), ())),
                          preferred_element_type=jnp.float32)
    for r in range(R):
        hv_ref[r] = res[:, r * H:(r + 1) * H]


def _stage_a2_body(preh_ref, scale_ref, shift_ref, a_ref, b_ref, bp_ref,
                   ha_ref, pooled_ref):
    i = pl.program_id(0)
    hn = preh_ref[...] * scale_ref[...] + shift_ref[...]
    ha_ref[...] = lax.dot_general(hn.astype(jnp.bfloat16), a_ref[...],
                                  (((1,), (0,)), ((), ())),
                                  preferred_element_type=jnp.float32) + b_ref[...]
    part = lax.dot_general(bp_ref[...], hn, (((0,), (0,)), ((), ())),
                           preferred_element_type=jnp.float32,
                           precision=lax.Precision.HIGHEST)

    @pl.when(i == 0)
    def _():
        pooled_ref[...] = part

    @pl.when(i > 0)
    def _():
        pooled_ref[...] += part


def _stage_c_body(ha_ref, agg_ref, pooled_ref, rw_ref, bp_ref, g_ref, be_ref,
                  preh_ref, scale_ref, shift_ref, acc_ref):
    i = pl.program_id(0)
    rd = lax.dot_general(pooled_ref[...].astype(jnp.bfloat16), rw_ref[...],
                         (((1,), (0,)), ((), ())),
                         preferred_element_type=jnp.float32)
    agg_full = jnp.concatenate([agg_ref[0], agg_ref[1]], axis=1)
    out = (ha_ref[...] + agg_full
           + lax.dot_general(bp_ref[...], rd, (((1,), (0,)), ((), ())),
                             preferred_element_type=jnp.float32,
                             precision=lax.Precision.HIGHEST))
    out = jnp.maximum(out, 0.0)
    preh_ref[...] = out
    s1 = jnp.sum(out, axis=0)[None, :]
    s2 = jnp.sum(out * out, axis=0)[None, :]

    @pl.when(i == 0)
    def _():
        acc_ref[0:1] = s1
        acc_ref[1:2] = s2

    @pl.when(i > 0)
    def _():
        acc_ref[0:1] += s1
        acc_ref[1:2] += s2

    @pl.when(i == NBLK - 1)
    def _():
        mean = acc_ref[0:1] / N
        var = acc_ref[1:2] / N - mean * mean
        rstd = lax.rsqrt(var + BN_EPS)
        sc = g_ref[...] * rstd
        scale_ref[...] = sc
        shift_ref[...] = be_ref[...] - mean * sc


def _final_body(preh_ref, scale_ref, shift_ref, wp_ref, bp_ref, out_ref):
    hn = preh_ref[...] * scale_ref[...] + shift_ref[...]
    out_ref[...] = lax.dot_general(hn.astype(jnp.bfloat16), wp_ref[...],
                                   (((1,), (0,)), ((), ())),
                                   preferred_element_type=jnp.float32) + bp_ref[...]


_full = lambda shape: pl.BlockSpec(shape, lambda i: tuple(0 for _ in shape))
_rowblk = pl.BlockSpec((BLK, H), lambda i: (i, 0))

_prep_call = pl.pallas_call(
    _prep_body,
    grid=(25,),
    in_specs=[pl.BlockSpec((25, 8, 128), lambda i: (i, 0, 0))] * 2,
    out_specs=[pl.BlockSpec((25, 8, 128), lambda i: (i, 0, 0))] * 2,
    out_shape=[jax.ShapeDtypeStruct((625, 8, 128), jnp.int32)] * 2,
)

_stage_a1_call = pl.pallas_call(
    _stage_a1_body,
    grid=(NBLK,),
    in_specs=[
        _rowblk,
        _full((1, H)),
        _full((1, H)),
        _full((H, R * H)),
    ],
    out_specs=pl.BlockSpec((R, BLK, H), lambda i: (0, i, 0)),
    out_shape=jax.ShapeDtypeStruct((R, N, H), jnp.float32),
)

_stage_a2_call = pl.pallas_call(
    _stage_a2_body,
    grid=(NBLK,),
    in_specs=[
        _rowblk,
        _full((1, H)),
        _full((1, H)),
        _full((H, H)),
        _full((1, H)),
        _rowblk,
    ],
    out_specs=[
        _rowblk,
        _full((H, H)),
    ],
    out_shape=[
        jax.ShapeDtypeStruct((N, H), jnp.float32),
        jax.ShapeDtypeStruct((H, H), jnp.float32),
    ],
)

_stage_c_call = pl.pallas_call(
    _stage_c_body,
    grid=(NBLK,),
    in_specs=[
        _rowblk,
        pl.BlockSpec((2, BLK, HH), lambda i: (0, i, 0)),
        _full((H, H)),
        _full((H, H)),
        _rowblk,
        _full((1, H)),
        _full((1, H)),
    ],
    out_specs=[
        _rowblk,
        _full((1, H)),
        _full((1, H)),
    ],
    out_shape=[
        jax.ShapeDtypeStruct((N, H), jnp.float32),
        jax.ShapeDtypeStruct((1, H), jnp.float32),
        jax.ShapeDtypeStruct((1, H), jnp.float32),
    ],
    scratch_shapes=[pltpu.VMEM((8, H), jnp.float32)],
)

_final_call = pl.pallas_call(
    _final_body,
    grid=(NBLK,),
    in_specs=[
        _rowblk,
        _full((1, H)),
        _full((1, H)),
        _full((H, H)),
        _full((1, H)),
    ],
    out_specs=_rowblk,
    out_shape=jax.ShapeDtypeStruct((N, H), jnp.float32),
)



def _sc_scatter_body(hv_hbm, idx_hbm, dst_hbm, zer_hbm, out_hbm,
                     idx_v, dst_v, rows_v, agg_sh, *sems):
    cid = lax.axis_index("c")
    sid = lax.axis_index("s")

    pltpu.sync_copy(zer_hbm.at[pl.ds(sid * RPT, RPT)],
                    agg_sh.at[pl.ds(sid * RPT, RPT)])
    pltpu.sync_copy(idx_hbm.at[cid, sid], idx_v)
    pltpu.sync_copy(dst_hbm.at[sid], dst_v)
    plsc.subcore_barrier()

    for b in range(NBUF):
        pltpu.async_copy(hv_hbm.at[idx_v.at[b]], rows_v.at[b], sems[b])

    def chunk(c, b):
        pltpu.make_async_copy(hv_hbm.at[idx_v.at[c]], rows_v.at[b],
                              sems[b]).wait()
        pltpu.sync_copy(rows_v.at[b], agg_sh.at[dst_v.at[c]], add=True)

        @pl.when(c + NBUF < CHUNKS)
        def _():
            pltpu.async_copy(hv_hbm.at[idx_v.at[c + NBUF]], rows_v.at[b],
                             sems[b])

    def loop_body(i, carry):
        for b in range(NBUF):
            chunk(i * NBUF + b, b)
        return carry

    lax.fori_loop(0, CHUNKS // NBUF, loop_body, 0)

    plsc.subcore_barrier()
    pltpu.sync_copy(agg_sh.at[pl.ds(sid * RPT, RPT)],
                    out_hbm.at[cid, pl.ds(sid * RPT, RPT)])


_sc_scatter_call = pl.kernel(
    _sc_scatter_body,
    out_type=jax.ShapeDtypeStruct((NC, NP, HH), jnp.float32),
    mesh=plsc.VectorSubcoreMesh(core_axis_name="c", subcore_axis_name="s",
                                num_cores=NC),
    scratch_types=[
        pltpu.VMEM((CHUNKS, K), jnp.int32),
        pltpu.VMEM((CHUNKS, K), jnp.int32),
        pltpu.VMEM((NBUF, K, HH), jnp.float32),
        pltpu.VMEM_SHARED((NP, HH), jnp.float32),
    ] + [pltpu.SemaphoreType.DMA] * NBUF,
    compiler_params=pltpu.CompilerParams(use_tc_tiling_on_sc=False),
)



def kernel(x, edge_index, edge_attr, batch, A, V, Rw, b, gamma, beta, Wp, bp):
    f32 = jnp.float32
    bf16 = jnp.bfloat16
    src = edge_index[:, 0, :].reshape(625, 8, 128)
    ear = edge_attr.reshape(625, 8, 128)
    idx0, idx1 = _prep_call(src, ear)

    def _tile_reshape(a):
        return a.reshape(T, NS, CHUNKS, K)

    idx = jnp.stack([_tile_reshape(idx0), _tile_reshape(idx1)],
                    axis=1)
    dst = _tile_reshape(edge_index[:, 1, :])

    bcols = jnp.arange(H, dtype=batch.dtype)
    Bp = (batch[:, :, None] == bcols[None, None, :]).astype(f32)

    zeros = jnp.zeros((NP, HH), f32)
    ones_r = jnp.ones((1, H), f32)
    zeros_r = jnp.zeros((1, H), f32)

    preh = x
    scale, shift = ones_r, zeros_r
    for t in range(T):
        for l in range(L):
            li = t * L + l
            vcat = jnp.concatenate(
                [V[li, r] for r in range(R)], axis=1).astype(bf16)
            hv = _stage_a1_call(preh, scale, shift, vcat)
            agg = _sc_scatter_call(
                hv.reshape(R * N * NC, HH), idx[t], dst[t], zeros)
            ha, pooled = _stage_a2_call(
                preh, scale, shift, A[li].astype(bf16), b[li][None, :], Bp[t])
            preh, scale, shift = _stage_c_call(
                ha, agg, pooled, Rw[li].astype(bf16), Bp[t],
                gamma[li][None, :], beta[li][None, :])

    wp_pad = jnp.concatenate([Wp, jnp.zeros((H, H - O), f32)],
                             axis=1).astype(bf16)
    bp_pad = jnp.concatenate([bp, jnp.zeros((H - O,), f32)])[None, :]
    out = _final_call(preh, scale, shift, wp_pad, bp_pad)
    return out[:, :O]

# --- scband reference (transcript-rebuilt; emitter-appended) ---
"""Pipeline reference for scband-acrgnn-39427799777369 (READ-ONLY COPY).

The authoritative reference and input builder live on the scoring server;
editing this copy changes nothing except your own understanding.
"""

import jax, jax.numpy as jnp
import numpy as np

N = 10000      # nodes
E = 320000     # edges per time step
T = 2          # time_range
L = 2          # num_layers (per time step)
LAYERS = T * L # total conv layers
H = 128        # hidden_dim == input_dim
O = 64         # output_dim
R = 5          # num_relation
G = 32         # number of graphs in batch vector
BN_EPS = 1e-5


def setup_inputs(seed: int = 0) -> dict:
    key = jax.random.key(seed)
    ks = jax.random.split(key, 10)
    x = jax.random.normal(ks[0], (N, H), dtype=jnp.float32)
    edge_index = jax.random.randint(ks[1], (T, 2, E), 0, N, dtype=jnp.int32)
    edge_attr = jax.random.randint(ks[2], (T, E), 0, R, dtype=jnp.int32)
    batch = jnp.sort(jax.random.randint(ks[3], (T, N), 0, G, dtype=jnp.int32), axis=-1)
    sc = 1.0 / np.sqrt(H)
    A = jax.random.normal(ks[4], (LAYERS, H, H), dtype=jnp.float32) * sc      # self/combine weight
    V = jax.random.normal(ks[5], (LAYERS, R, H, H), dtype=jnp.float32) * sc   # per-relation aggregate weight
    Rw = jax.random.normal(ks[6], (LAYERS, H, H), dtype=jnp.float32) * sc     # readout weight
    b = jnp.zeros((LAYERS, H), dtype=jnp.float32)
    gamma = jnp.ones((LAYERS, H), dtype=jnp.float32)   # batchnorm scale
    beta = jnp.zeros((LAYERS, H), dtype=jnp.float32)   # batchnorm shift
    Wp = jax.random.normal(ks[7], (H, O), dtype=jnp.float32) * sc             # final linear_prediction
    bp = jnp.zeros((O,), dtype=jnp.float32)
    return {"x": x, "edge_index": edge_index, "edge_attr": edge_attr, "batch": batch,
            "A": A, "V": V, "Rw": Rw, "b": b, "gamma": gamma, "beta": beta,
            "Wp": Wp, "bp": bp}


def reference(x, edge_index, edge_attr, batch, A, V, Rw, b, gamma, beta, Wp, bp):
    # ACRGNN forward, task='node', combine_type='simple' (linear combine + ReLU),
    # aggregate='add' (per-relation scatter-add), readout='add' (global add pool),
    # input_dim == hidden_dim so padding is a no-op; BatchNorm1d in training mode.
    h = x
    for t in range(T):
        for l in range(L):
            li = t * L + l
            src = edge_index[t, 0]
            dst = edge_index[t, 1]
            ea = edge_attr[t]
            bt = batch[t]
            msgs = jnp.take(h, src, axis=0)                       # gather source feats [E, H]
            agg_c = jnp.zeros_like(h)
            for r in range(R):
                mask = (ea == r).astype(h.dtype)[:, None]
                agg_r = jax.ops.segment_sum(msgs * mask, dst, num_segments=N)  # relational scatter-add
                agg_c = agg_c + agg_r @ V[li, r]
            pooled = jax.ops.segment_sum(h, bt, num_segments=G)   # global add readout per graph
            readout = jnp.take(pooled, bt, axis=0)                # broadcast back to nodes
            out = h @ A[li] + agg_c + readout @ Rw[li] + b[li]    # simple combine
            out = jax.nn.relu(out)                                # activation (non-mlp combine)
            mean = out.mean(axis=0)
            var = out.var(axis=0)
            h = gamma[li] * (out - mean) / jnp.sqrt(var + BN_EPS) + beta[li]  # BatchNorm1d (train)
    return h @ Wp + bp

if __name__ == "__main__":
    import jax
    _d = setup_inputs()
    print(jax.jit(kernel)(*tuple(_d.values())))

</pallas_src>

<mosaic_0001>
#map = affine_map<(d0, d1) -> (0, 0)>
#map1 = affine_map<(d0, d1) -> (0, 0, 0, 0)>
#map2 = affine_map<(d0, d1) -> (0, 0, 0)>
module attributes {stable_mosaic.version = 14 : i64} {
  func.func @_sc_scatter_body(%arg0: i32, %arg1: i32, %arg2: memref<100000x64xf32, #tpu.memory_space<hbm>>, %arg3: memref<2x16x250x80xi32, #tpu.memory_space<hbm>>, %arg4: memref<16x250x80xi32, #tpu.memory_space<hbm>>, %arg5: memref<10240x64xf32, #tpu.memory_space<hbm>>, %arg6: memref<2x10240x64xf32, #tpu.memory_space<hbm>>, %arg7: memref<250x80xi32, #tpu.memory_space<vmem>>, %arg8: memref<250x80xi32, #tpu.memory_space<vmem>>, %arg9: memref<5x80x64xf32, #tpu.memory_space<vmem>>, %arg10: memref<10240x64xf32, #tpu.memory_space<vmem_shared>>, %arg11: memref<!tpu.dma_semaphore, #tpu.memory_space<semaphore_mem>>, %arg12: memref<!tpu.dma_semaphore, #tpu.memory_space<semaphore_mem>>, %arg13: memref<!tpu.dma_semaphore, #tpu.memory_space<semaphore_mem>>, %arg14: memref<!tpu.dma_semaphore, #tpu.memory_space<semaphore_mem>>, %arg15: memref<!tpu.dma_semaphore, #tpu.memory_space<semaphore_mem>>) attributes {dimension_semantics = [#tpu.dimension_semantics<core_parallel>, #tpu.dimension_semantics<subcore_parallel>], iteration_bounds = array<i64: 2, 16>, scalar_prefetch = 0 : i64, scratch_operands = 9 : i64, tpu.core_type = #tpu.core_type<sc_vector_subcore>, window_params = [{transform_indices = #map}, {transform_indices = #map1}, {transform_indices = #map2}, {transform_indices = #map}, {transform_indices = #map2}]} {
    %mul3A = arith.constant 640 : i32
    %mul3A_0 = arith.muli %arg1, %mul3A : i32
    %mul3A_1 = arith.constant 640 : i32
    %mul3A_2 = arith.muli %arg1, %mul3A_1 : i32
    "tpu.region"() ({
      %run_scoped3A = tpu.sem_alloc : memref<!tpu.dma_semaphore, #tpu.memory_space<semaphore_mem>>
      %dma_start3A_72 = arith.constant 0 : i32
      %dma_start3A_73 = tpu.memref_slice %arg10[%mul3A_2, %dma_start3A_72] : memref<10240x64xf32, #tpu.memory_space<vmem_shared>> -> memref<640x64xf32, #tpu.memory_space<vmem_shared>>
      %dma_start3A_74 = arith.constant 0 : i32
      %dma_start3A_75 = tpu.memref_slice %arg5[%mul3A_0, %dma_start3A_74] : memref<10240x64xf32, #tpu.memory_space<hbm>> -> memref<640x64xf32, #tpu.memory_space<hbm>>
      tpu.enqueue_dma source(%dma_start3A_75 : memref<640x64xf32, #tpu.memory_space<hbm>>) target(%dma_start3A_73 : memref<640x64xf32, #tpu.memory_space<vmem_shared>>) target_semaphore(%run_scoped3A : memref<!tpu.dma_semaphore, #tpu.memory_space<semaphore_mem>>)
      %dma_wait3A = arith.constant 0 : i32
      %dma_wait3A_76 = tpu.memref_slice %arg10[%mul3A_2, %dma_wait3A] : memref<10240x64xf32, #tpu.memory_space<vmem_shared>> -> memref<640x64xf32, #tpu.memory_space<vmem_shared>>
      %dma_wait3A_77 = arith.constant 0 : i32
      %dma_wait3A_78 = tpu.memref_slice %arg5[%mul3A_0, %dma_wait3A_77] : memref<10240x64xf32, #tpu.memory_space<hbm>> -> memref<640x64xf32, #tpu.memory_space<hbm>>
      tpu.wait_dma2 semaphore(%run_scoped3A : memref<!tpu.dma_semaphore, #tpu.memory_space<semaphore_mem>>) src(%dma_wait3A_78 : memref<640x64xf32, #tpu.memory_space<hbm>>) dst(%dma_wait3A_76 : memref<640x64xf32, #tpu.memory_space<vmem_shared>>)
      tpu.yield
    }) : () -> ()
    "tpu.region"() ({
      %run_scoped3A = tpu.sem_alloc : memref<!tpu.dma_semaphore, #tpu.memory_space<semaphore_mem>>
      %dma_start3A_72 = arith.constant 0 : i32
      %dma_start3A_73 = arith.constant 0 : i32
      %dma_start3A_74 = tpu.memref_slice %arg3[%arg0, %arg1, %dma_start3A_72, %dma_start3A_73] : memref<2x16x250x80xi32, #tpu.memory_space<hbm>> -> memref<1x1x250x80xi32, #tpu.memory_space<hbm>>
      %dma_start3A_75 = tpu.memref_squeeze %dma_start3A_74 : memref<1x1x250x80xi32, #tpu.memory_space<hbm>> -> memref<250x80xi32, #tpu.memory_space<hbm>>
      %dma_start3A_76 = arith.constant 0 : i32
      %dma_start3A_77 = arith.constant 0 : i32
      %dma_start3A_78 = tpu.memref_slice %arg3[%arg0, %arg1, %dma_start3A_76, %dma_start3A_77] : memref<2x16x250x80xi32, #tpu.memory_space<hbm>> -> memref<1x1x250x80xi32, #tpu.memory_space<hbm>>
      %dma_start3A_79 = tpu.memref_squeeze %dma_start3A_78 : memref<1x1x250x80xi32, #tpu.memory_space<hbm>> -> memref<250x80xi32, #tpu.memory_space<hbm>>
      tpu.enqueue_dma source(%dma_start3A_79 : memref<250x80xi32, #tpu.memory_space<hbm>>) target(%arg7 : memref<250x80xi32, #tpu.memory_space<vmem>>) target_semaphore(%run_scoped3A : memref<!tpu.dma_semaphore, #tpu.memory_space<semaphore_mem>>)
      %dma_wait3A = arith.constant 0 : i32
      %dma_wait3A_80 = arith.constant 0 : i32
      %dma_wait3A_81 = tpu.memref_slice %arg3[%arg0, %arg1, %dma_wait3A, %dma_wait3A_80] : memref<2x16x250x80xi32, #tpu.memory_space<hbm>> -> memref<1x1x250x80xi32, #tpu.memory_space<hbm>>
      %dma_wait3A_82 = tpu.memref_squeeze %dma_wait3A_81 : memref<1x1x250x80xi32, #tpu.memory_space<hbm>> -> memref<250x80xi32, #tpu.memory_space<hbm>>
      %dma_wait3A_83 = arith.constant 0 : i32
      %dma_wait3A_84 = arith.constant 0 : i32
      %dma_wait3A_85 = tpu.memref_slice %arg3[%arg0, %arg1, %dma_wait3A_83, %dma_wait3A_84] : memref<2x16x250x80xi32, #tpu.memory_space<hbm>> -> memref<1x1x250x80xi32, #tpu.memory_space<hbm>>
      %dma_wait3A_86 = tpu.memref_squeeze %dma_wait3A_85 : memref<1x1x250x80xi32, #tpu.memory_space<hbm>> -> memref<250x80xi32, #tpu.memory_space<hbm>>
      tpu.wait_dma2 semaphore(%run_scoped3A : memref<!tpu.dma_semaphore, #tpu.memory_space<semaphore_mem>>) src(%dma_wait3A_86 : memref<250x80xi32, #tpu.memory_space<hbm>>) dst(%arg7 : memref<250x80xi32, #tpu.memory_space<vmem>>)
      tpu.yield
    }) : () -> ()
    "tpu.region"() ({
      %run_scoped3A = tpu.sem_alloc : memref<!tpu.dma_semaphore, #tpu.memory_space<semaphore_mem>>
      %dma_start3A_72 = arith.constant 0 : i32
      %dma_start3A_73 = arith.constant 0 : i32
      %dma_start3A_74 = tpu.memref_slice %arg4[%arg1, %dma_start3A_72, %dma_start3A_73] : memref<16x250x80xi32, #tpu.memory_space<hbm>> -> memref<1x250x80xi32, #tpu.memory_space<hbm>>
      %dma_start3A_75 = tpu.memref_squeeze %dma_start3A_74 : memref<1x250x80xi32, #tpu.memory_space<hbm>> -> memref<250x80xi32, #tpu.memory_space<hbm>>
      %dma_start3A_76 = arith.constant 0 : i32
      %dma_start3A_77 = arith.constant 0 : i32
      %dma_start3A_78 = tpu.memref_slice %arg4[%arg1, %dma_start3A_76, %dma_start3A_77] : memref<16x250x80xi32, #tpu.memory_space<hbm>> -> memref<1x250x80xi32, #tpu.memory_space<hbm>>
      %dma_start3A_79 = tpu.memref_squeeze %dma_start3A_78 : memref<1x250x80xi32, #tpu.memory_space<hbm>> -> memref<250x80xi32, #tpu.memory_space<hbm>>
      tpu.enqueue_dma source(%dma_start3A_79 : memref<250x80xi32, #tpu.memory_space<hbm>>) target(%arg8 : memref<250x80xi32, #tpu.memory_space<vmem>>) target_semaphore(%run_scoped3A : memref<!tpu.dma_semaphore, #tpu.memory_space<semaphore_mem>>)
      %dma_wait3A = arith.constant 0 : i32
      %dma_wait3A_80 = arith.constant 0 : i32
      %dma_wait3A_81 = tpu.memref_slice %arg4[%arg1, %dma_wait3A, %dma_wait3A_80] : memref<16x250x80xi32, #tpu.memory_space<hbm>> -> memref<1x250x80xi32, #tpu.memory_space<hbm>>
      %dma_wait3A_82 = tpu.memref_squeeze %dma_wait3A_81 : memref<1x250x80xi32, #tpu.memory_space<hbm>> -> memref<250x80xi32, #tpu.memory_space<hbm>>
      %dma_wait3A_83 = arith.constant 0 : i32
      %dma_wait3A_84 = arith.constant 0 : i32
      %dma_wait3A_85 = tpu.memref_slice %arg4[%arg1, %dma_wait3A_83, %dma_wait3A_84] : memref<16x250x80xi32, #tpu.memory_space<hbm>> -> memref<1x250x80xi32, #tpu.memory_space<hbm>>
      %dma_wait3A_86 = tpu.memref_squeeze %dma_wait3A_85 : memref<1x250x80xi32, #tpu.memory_space<hbm>> -> memref<250x80xi32, #tpu.memory_space<hbm>>
      tpu.wait_dma2 semaphore(%run_scoped3A : memref<!tpu.dma_semaphore, #tpu.memory_space<semaphore_mem>>) src(%dma_wait3A_86 : memref<250x80xi32, #tpu.memory_space<hbm>>) dst(%arg8 : memref<250x80xi32, #tpu.memory_space<vmem>>)
      tpu.yield
    }) : () -> ()
    %barrier3A = arith.constant 0 : index
    tpu.barrier barrier_id(%barrier3A)
    %dma_start3A = arith.constant 0 : i32
    %dma_start3A_3 = arith.constant 0 : i32
    %dma_start3A_4 = arith.constant 0 : i32
    %dma_start3A_5 = arith.constant 0 : i32
    %dma_start3A_6 = tpu.memref_slice %arg9[%dma_start3A_3, %dma_start3A_4, %dma_start3A_5] : memref<5x80x64xf32, #tpu.memory_space<vmem>> -> memref<1x80x64xf32, #tpu.memory_space<vmem>>
    %dma_start3A_7 = tpu.memref_squeeze %dma_start3A_6 : memref<1x80x64xf32, #tpu.memory_space<vmem>> -> memref<80x64xf32, #tpu.memory_space<vmem>>
    %dma_start3A_8 = arith.constant 0 : i32
    %dma_start3A_9 = tpu.memref_slice %arg7[%dma_start3A, %dma_start3A_8] : memref<250x80xi32, #tpu.memory_space<vmem>> -> memref<1x80xi32, #tpu.memory_space<vmem>>
    %dma_start3A_10 = tpu.memref_squeeze %dma_start3A_9 : memref<1x80xi32, #tpu.memory_space<vmem>> -> memref<80xi32, #tpu.memory_space<vmem>>
    %dma_start3A_11 = arith.constant 0 : i32
    %dma_start3A_12 = arith.constant 0 : i32
    %dma_start3A_13 = tpu.memref_slice %arg2[%dma_start3A_11, %dma_start3A_12] : memref<100000x64xf32, #tpu.memory_space<hbm>> -> memref<100000x64xf32, #tpu.memory_space<hbm>>
    tpu.enqueue_indirect_dma source(%dma_start3A_13 : memref<100000x64xf32, #tpu.memory_space<hbm>>) target(%dma_start3A_7 : memref<80x64xf32, #tpu.memory_space<vmem>>) offsets(%dma_start3A_10 : memref<80xi32, #tpu.memory_space<vmem>>) semaphore(%arg11 : memref<!tpu.dma_semaphore, #tpu.memory_space<semaphore_mem>>)
    %dma_start3A_14 = arith.constant 1 : i32
    %dma_start3A_15 = arith.constant 1 : i32
    %dma_start3A_16 = arith.constant 0 : i32
    %dma_start3A_17 = arith.constant 0 : i32
    %dma_start3A_18 = tpu.memref_slice %arg9[%dma_start3A_15, %dma_start3A_16, %dma_start3A_17] : memref<5x80x64xf32, #tpu.memory_space<vmem>> -> memref<1x80x64xf32, #tpu.memory_space<vmem>>
    %dma_start3A_19 = tpu.memref_squeeze %dma_start3A_18 : memref<1x80x64xf32, #tpu.memory_space<vmem>> -> memref<80x64xf32, #tpu.memory_space<vmem>>
    %dma_start3A_20 = arith.constant 0 : i32
    %dma_start3A_21 = tpu.memref_slice %arg7[%dma_start3A_14, %dma_start3A_20] : memref<250x80xi32, #tpu.memory_space<vmem>> -> memref<1x80xi32, #tpu.memory_space<vmem>>
    %dma_start3A_22 = tpu.memref_squeeze %dma_start3A_21 : memref<1x80xi32, #tpu.memory_space<vmem>> -> memref<80xi32, #tpu.memory_space<vmem>>
    %dma_start3A_23 = arith.constant 0 : i32
    %dma_start3A_24 = arith.constant 0 : i32
    %dma_start3A_25 = tpu.memref_slice %arg2[%dma_start3A_23, %dma_start3A_24] : memref<100000x64xf32, #tpu.memory_space<hbm>> -> memref<100000x64xf32, #tpu.memory_space<hbm>>
    tpu.enqueue_indirect_dma source(%dma_start3A_25 : memref<100000x64xf32, #tpu.memory_space<hbm>>) target(%dma_start3A_19 : memref<80x64xf32, #tpu.memory_space<vmem>>) offsets(%dma_start3A_22 : memref<80xi32, #tpu.memory_space<vmem>>) semaphore(%arg12 : memref<!tpu.dma_semaphore, #tpu.memory_space<semaphore_mem>>)
    %dma_start3A_26 = arith.constant 2 : i32
    %dma_start3A_27 = arith.constant 2 : i32
    %dma_start3A_28 = arith.constant 0 : i32
    %dma_start3A_29 = arith.constant 0 : i32
    %dma_start3A_30 = tpu.memref_slice %arg9[%dma_start3A_27, %dma_start3A_28, %dma_start3A_29] : memref<5x80x64xf32, #tpu.memory_space<vmem>> -> memref<1x80x64xf32, #tpu.memory_space<vmem>>
    %dma_start3A_31 = tpu.memref_squeeze %dma_start3A_30 : memref<1x80x64xf32, #tpu.memory_space<vmem>> -> memref<80x64xf32, #tpu.memory_space<vmem>>
    %dma_start3A_32 = arith.constant 0 : i32
    %dma_start3A_33 = tpu.memref_slice %arg7[%dma_start3A_26, %dma_start3A_32] : memref<250x80xi32, #tpu.memory_space<vmem>> -> memref<1x80xi32, #tpu.memory_space<vmem>>
    %dma_start3A_34 = tpu.memref_squeeze %dma_start3A_33 : memref<1x80xi32, #tpu.memory_space<vmem>> -> memref<80xi32, #tpu.memory_space<vmem>>
    %dma_start3A_35 = arith.constant 0 : i32
    %dma_start3A_36 = arith.constant 0 : i32
    %dma_start3A_37 = tpu.memref_slice %arg2[%dma_start3A_35, %dma_start3A_36] : memref<100000x64xf32, #tpu.memory_space<hbm>> -> memref<100000x64xf32, #tpu.memory_space<hbm>>
    tpu.enqueue_indirect_dma source(%dma_start3A_37 : memref<100000x64xf32, #tpu.memory_space<hbm>>) target(%dma_start3A_31 : memref<80x64xf32, #tpu.memory_space<vmem>>) offsets(%dma_start3A_34 : memref<80xi32, #tpu.memory_space<vmem>>) semaphore(%arg13 : memref<!tpu.dma_semaphore, #tpu.memory_space<semaphore_mem>>)
    %dma_start3A_38 = arith.constant 3 : i32
    %dma_start3A_39 = arith.constant 3 : i32
    %dma_start3A_40 = arith.constant 0 : i32
    %dma_start3A_41 = arith.constant 0 : i32
    %dma_start3A_42 = tpu.memref_slice %arg9[%dma_start3A_39, %dma_start3A_40, %dma_start3A_41] : memref<5x80x64xf32, #tpu.memory_space<vmem>> -> memref<1x80x64xf32, #tpu.memory_space<vmem>>
    %dma_start3A_43 = tpu.memref_squeeze %dma_start3A_42 : memref<1x80x64xf32, #tpu.memory_space<vmem>> -> memref<80x64xf32, #tpu.memory_space<vmem>>
    %dma_start3A_44 = arith.constant 0 : i32
    %dma_start3A_45 = tpu.memref_slice %arg7[%dma_start3A_38, %dma_start3A_44] : memref<250x80xi32, #tpu.memory_space<vmem>> -> memref<1x80xi32, #tpu.memory_space<vmem>>
    %dma_start3A_46 = tpu.memref_squeeze %dma_start3A_45 : memref<1x80xi32, #tpu.memory_space<vmem>> -> memref<80xi32, #tpu.memory_space<vmem>>
    %dma_start3A_47 = arith.constant 0 : i32
    %dma_start3A_48 = arith.constant 0 : i32
    %dma_start3A_49 = tpu.memref_slice %arg2[%dma_start3A_47, %dma_start3A_48] : memref<100000x64xf32, #tpu.memory_space<hbm>> -> memref<100000x64xf32, #tpu.memory_space<hbm>>
    tpu.enqueue_indirect_dma source(%dma_start3A_49 : memref<100000x64xf32, #tpu.memory_space<hbm>>) target(%dma_start3A_43 : memref<80x64xf32, #tpu.memory_space<vmem>>) offsets(%dma_start3A_46 : memref<80xi32, #tpu.memory_space<vmem>>) semaphore(%arg14 : memref<!tpu.dma_semaphore, #tpu.memory_space<semaphore_mem>>)
    %dma_start3A_50 = arith.constant 4 : i32
    %dma_start3A_51 = arith.constant 4 : i32
    %dma_start3A_52 = arith.constant 0 : i32
    %dma_start3A_53 = arith.constant 0 : i32
    %dma_start3A_54 = tpu.memref_slice %arg9[%dma_start3A_51, %dma_start3A_52, %dma_start3A_53] : memref<5x80x64xf32, #tpu.memory_space<vmem>> -> memref<1x80x64xf32, #tpu.memory_space<vmem>>
    %dma_start3A_55 = tpu.memref_squeeze %dma_start3A_54 : memref<1x80x64xf32, #tpu.memory_space<vmem>> -> memref<80x64xf32, #tpu.memory_space<vmem>>
    %dma_start3A_56 = arith.constant 0 : i32
    %dma_start3A_57 = tpu.memref_slice %arg7[%dma_start3A_50, %dma_start3A_56] : memref<250x80xi32, #tpu.memory_space<vmem>> -> memref<1x80xi32, #tpu.memory_space<vmem>>
    %dma_start3A_58 = tpu.memref_squeeze %dma_start3A_57 : memref<1x80xi32, #tpu.memory_space<vmem>> -> memref<80xi32, #tpu.memory_space<vmem>>
    %dma_start3A_59 = arith.constant 0 : i32
    %dma_start3A_60 = arith.constant 0 : i32
    %dma_start3A_61 = tpu.memref_slice %arg2[%dma_start3A_59, %dma_start3A_60] : memref<100000x64xf32, #tpu.memory_space<hbm>> -> memref<100000x64xf32, #tpu.memory_space<hbm>>
    tpu.enqueue_indirect_dma source(%dma_start3A_61 : memref<100000x64xf32, #tpu.memory_space<hbm>>) target(%dma_start3A_55 : memref<80x64xf32, #tpu.memory_space<vmem>>) offsets(%dma_start3A_58 : memref<80xi32, #tpu.memory_space<vmem>>) semaphore(%arg15 : memref<!tpu.dma_semaphore, #tpu.memory_space<semaphore_mem>>)
    %scan3A = arith.constant 0 : i32
    %scan3A_62 = arith.constant 0 : i32
    %scan3A_63 = arith.constant 50 : i32
    %scan3A_64 = arith.addi %scan3A_62, %scan3A_63 : i32
    %scan3A_65 = arith.constant 1 : i32
    scf.for %scan3A_72 = %scan3A_62 to %scan3A_64 step %scan3A_65  : i32 {
      %mul3A_73 = arith.constant 5 : i32
      %mul3A_74 = arith.muli %scan3A_72, %mul3A_73 : i32
      %add3A = arith.constant 0 : i32
      %add3A_75 = arith.addi %mul3A_74, %add3A : i32
      %dma_wait3A = arith.constant 0 : i32
      %dma_wait3A_76 = arith.constant 0 : i32
      %dma_wait3A_77 = arith.constant 0 : i32
      %dma_wait3A_78 = tpu.memref_slice %arg9[%dma_wait3A, %dma_wait3A_76, %dma_wait3A_77] : memref<5x80x64xf32, #tpu.memory_space<vmem>> -> memref<1x80x64xf32, #tpu.memory_space<vmem>>
      %dma_wait3A_79 = tpu.memref_squeeze %dma_wait3A_78 : memref<1x80x64xf32, #tpu.memory_space<vmem>> -> memref<80x64xf32, #tpu.memory_space<vmem>>
      %dma_wait3A_80 = arith.constant 0 : i32
      %dma_wait3A_81 = tpu.memref_slice %arg7[%add3A_75, %dma_wait3A_80] : memref<250x80xi32, #tpu.memory_space<vmem>> -> memref<1x80xi32, #tpu.memory_space<vmem>>
      %dma_wait3A_82 = tpu.memref_squeeze %dma_wait3A_81 : memref<1x80xi32, #tpu.memory_space<vmem>> -> memref<80xi32, #tpu.memory_space<vmem>>
      %dma_wait3A_83 = arith.constant 0 : i32
      %dma_wait3A_84 = arith.constant 0 : i32
      %dma_wait3A_85 = tpu.memref_slice %arg2[%dma_wait3A_83, %dma_wait3A_84] : memref<100000x64xf32, #tpu.memory_space<hbm>> -> memref<100000x64xf32, #tpu.memory_space<hbm>>
      tpu.wait_indirect_dma semaphore(%arg11 : memref<!tpu.dma_semaphore, #tpu.memory_space<semaphore_mem>>) src(%dma_wait3A_85 : memref<100000x64xf32, #tpu.memory_space<hbm>>) dst(%dma_wait3A_79 : memref<80x64xf32, #tpu.memory_space<vmem>>)
      %run_scoped3A = arith.constant 0 : i32
      "tpu.region"() ({
        %run_scoped3A_182 = tpu.sem_alloc : memref<!tpu.dma_semaphore, #tpu.memory_space<semaphore_mem>>
        %dma_start3A_183 = arith.constant 0 : i32
        %dma_start3A_184 = arith.constant 0 : i32
        %dma_start3A_185 = tpu.memref_slice %arg9[%run_scoped3A, %dma_start3A_183, %dma_start3A_184] : memref<5x80x64xf32, #tpu.memory_space<vmem>> -> memref<1x80x64xf32, #tpu.memory_space<vmem>>
        %dma_start3A_186 = tpu.memref_squeeze %dma_start3A_185 : memref<1x80x64xf32, #tpu.memory_space<vmem>> -> memref<80x64xf32, #tpu.memory_space<vmem>>
        %dma_start3A_187 = arith.constant 0 : i32
        %dma_start3A_188 = tpu.memref_slice %arg8[%add3A_75, %dma_start3A_187] : memref<250x80xi32, #tpu.memory_space<vmem>> -> memref<1x80xi32, #tpu.memory_space<vmem>>
        %dma_start3A_189 = tpu.memref_squeeze %dma_start3A_188 : memref<1x80xi32, #tpu.memory_space<vmem>> -> memref<80xi32, #tpu.memory_space<vmem>>
        %dma_start3A_190 = arith.constant 0 : i32
        %dma_start3A_191 = arith.constant 0 : i32
        %dma_start3A_192 = tpu.memref_slice %arg10[%dma_start3A_190, %dma_start3A_191] : memref<10240x64xf32, #tpu.memory_space<vmem_shared>> -> memref<10240x64xf32, #tpu.memory_space<vmem_shared>>
        tpu.enqueue_indirect_dma source(%dma_start3A_186 : memref<80x64xf32, #tpu.memory_space<vmem>>) target(%dma_start3A_192 : memref<10240x64xf32, #tpu.memory_space<vmem_shared>>) offsets(%dma_start3A_189 : memref<80xi32, #tpu.memory_space<vmem>>) semaphore(%run_scoped3A_182 : memref<!tpu.dma_semaphore, #tpu.memory_space<semaphore_mem>>) {add = true}
        %dma_wait3A_193 = arith.constant 0 : i32
        %dma_wait3A_194 = arith.constant 0 : i32
        %dma_wait3A_195 = tpu.memref_slice %arg9[%run_scoped3A, %dma_wait3A_193, %dma_wait3A_194] : memref<5x80x64xf32, #tpu.memory_space<vmem>> -> memref<1x80x64xf32, #tpu.memory_space<vmem>>
        %dma_wait3A_196 = tpu.memref_squeeze %dma_wait3A_195 : memref<1x80x64xf32, #tpu.memory_space<vmem>> -> memref<80x64xf32, #tpu.memory_space<vmem>>
        %dma_wait3A_197 = arith.constant 0 : i32
        %dma_wait3A_198 = tpu.memref_slice %arg8[%add3A_75, %dma_wait3A_197] : memref<250x80xi32, #tpu.memory_space<vmem>> -> memref<1x80xi32, #tpu.memory_space<vmem>>
        %dma_wait3A_199 = tpu.memref_squeeze %dma_wait3A_198 : memref<1x80xi32, #tpu.memory_space<vmem>> -> memref<80xi32, #tpu.memory_space<vmem>>
        %dma_wait3A_200 = arith.constant 0 : i32
        %dma_wait3A_201 = arith.constant 0 : i32
        %dma_wait3A_202 = tpu.memref_slice %arg10[%dma_wait3A_200, %dma_wait3A_201] : memref<10240x64xf32, #tpu.memory_space<vmem_shared>> -> memref<10240x64xf32, #tpu.memory_space<vmem_shared>>
        tpu.wait_indirect_dma semaphore(%run_scoped3A_182 : memref<!tpu.dma_semaphore, #tpu.memory_space<semaphore_mem>>) src(%dma_wait3A_196 : memref<80x64xf32, #tpu.memory_space<vmem>>) dst(%dma_wait3A_202 : memref<10240x64xf32, #tpu.memory_space<vmem_shared>>)
        tpu.yield
      }) : () -> ()
      %add3A_86 = arith.constant 5 : i32
      %add3A_87 = arith.addi %add3A_75, %add3A_86 : i32
      %lt3A = arith.constant 250 : i32
      %lt3A_88 = arith.cmpi slt, %add3A_87, %lt3A : i32
      %convert_element_type3A = arith.extui %lt3A_88 : i1 to i32
      %cond3A = arith.constant 0 : i32
      %cond3A_89 = arith.cmpi ne, %convert_element_type3A, %cond3A : i32
      scf.if %cond3A_89 {
        %add3A_182 = arith.constant 5 : i32
        %add3A_183 = arith.addi %add3A_75, %add3A_182 : i32
        %dma_start3A_184 = arith.constant 0 : i32
        %dma_start3A_185 = arith.constant 0 : i32
        %dma_start3A_186 = arith.constant 0 : i32
        %dma_start3A_187 = tpu.memref_slice %arg9[%dma_start3A_184, %dma_start3A_185, %dma_start3A_186] : memref<5x80x64xf32, #tpu.memory_space<vmem>> -> memref<1x80x64xf32, #tpu.memory_space<vmem>>
        %dma_start3A_188 = tpu.memref_squeeze %dma_start3A_187 : memref<1x80x64xf32, #tpu.memory_space<vmem>> -> memref<80x64xf32, #tpu.memory_space<vmem>>
        %dma_start3A_189 = arith.constant 0 : i32
        %dma_start3A_190 = tpu.memref_slice %arg7[%add3A_183, %dma_start3A_189] : memref<250x80xi32, #tpu.memory_space<vmem>> -> memref<1x80xi32, #tpu.memory_space<vmem>>
        %dma_start3A_191 = tpu.memref_squeeze %dma_start3A_190 : memref<1x80xi32, #tpu.memory_space<vmem>> -> memref<80xi32, #tpu.memory_space<vmem>>
        %dma_start3A_192 = arith.constant 0 : i32
        %dma_start3A_193 = arith.constant 0 : i32
        %dma_start3A_194 = tpu.memref_slice %arg2[%dma_start3A_192, %dma_start3A_193] : memref<100000x64xf32, #tpu.memory_space<hbm>> -> memref<100000x64xf32, #tpu.memory_space<hbm>>
        tpu.enqueue_indirect_dma source(%dma_start3A_194 : memref<100000x64xf32, #tpu.memory_space<hbm>>) target(%dma_start3A_188 : memref<80x64xf32, #tpu.memory_space<vmem>>) offsets(%dma_start3A_191 : memref<80xi32, #tpu.memory_space<vmem>>) semaphore(%arg11 : memref<!tpu.dma_semaphore, #tpu.memory_space<semaphore_mem>>)
      } else {
      }
      %mul3A_90 = arith.constant 5 : i32
      %mul3A_91 = arith.muli %scan3A_72, %mul3A_90 : i32
      %add3A_92 = arith.constant 1 : i32
      %add3A_93 = arith.addi %mul3A_91, %add3A_92 : i32
      %dma_wait3A_94 = arith.constant 1 : i32
      %dma_wait3A_95 = arith.constant 0 : i32
      %dma_wait3A_96 = arith.constant 0 : i32
      %dma_wait3A_97 = tpu.memref_slice %arg9[%dma_wait3A_94, %dma_wait3A_95, %dma_wait3A_96] : memref<5x80x64xf32, #tpu.memory_space<vmem>> -> memref<1x80x64xf32, #tpu.memory_space<vmem>>
      %dma_wait3A_98 = tpu.memref_squeeze %dma_wait3A_97 : memref<1x80x64xf32, #tpu.memory_space<vmem>> -> memref<80x64xf32, #tpu.memory_space<vmem>>
      %dma_wait3A_99 = arith.constant 0 : i32
      %dma_wait3A_100 = tpu.memref_slice %arg7[%add3A_93, %dma_wait3A_99] : memref<250x80xi32, #tpu.memory_space<vmem>> -> memref<1x80xi32, #tpu.memory_space<vmem>>
      %dma_wait3A_101 = tpu.memref_squeeze %dma_wait3A_100 : memref<1x80xi32, #tpu.memory_space<vmem>> -> memref<80xi32, #tpu.memory_space<vmem>>
      %dma_wait3A_102 = arith.constant 0 : i32
      %dma_wait3A_103 = arith.constant 0 : i32
      %dma_wait3A_104 = tpu.memref_slice %arg2[%dma_wait3A_102, %dma_wait3A_103] : memref<100000x64xf32, #tpu.memory_space<hbm>> -> memref<100000x64xf32, #tpu.memory_space<hbm>>
      tpu.wait_indirect_dma semaphore(%arg12 : memref<!tpu.dma_semaphore, #tpu.memory_space<semaphore_mem>>) src(%dma_wait3A_104 : memref<100000x64xf32, #tpu.memory_space<hbm>>) dst(%dma_wait3A_98 : memref<80x64xf32, #tpu.memory_space<vmem>>)
      %run_scoped3A_105 = arith.constant 1 : i32
      "tpu.region"() ({
        %run_scoped3A_182 = tpu.sem_alloc : memref<!tpu.dma_semaphore, #tpu.memory_space<semaphore_mem>>
        %dma_start3A_183 = arith.constant 0 : i32
        %dma_start3A_184 = arith.constant 0 : i32
        %dma_start3A_185 = tpu.memref_slice %arg9[%run_scoped3A_105, %dma_start3A_183, %dma_start3A_184] : memref<5x80x64xf32, #tpu.memory_space<vmem>> -> memref<1x80x64xf32, #tpu.memory_space<vmem>>
        %dma_start3A_186 = tpu.memref_squeeze %dma_start3A_185 : memref<1x80x64xf32, #tpu.memory_space<vmem>> -> memref<80x64xf32, #tpu.memory_space<vmem>>
        %dma_start3A_187 = arith.constant 0 : i32
        %dma_start3A_188 = tpu.memref_slice %arg8[%add3A_93, %dma_start3A_187] : memref<250x80xi32, #tpu.memory_space<vmem>> -> memref<1x80xi32, #tpu.memory_space<vmem>>
        %dma_start3A_189 = tpu.memref_squeeze %dma_start3A_188 : memref<1x80xi32, #tpu.memory_space<vmem>> -> memref<80xi32, #tpu.memory_space<vmem>>
        %dma_start3A_190 = arith.constant 0 : i32
        %dma_start3A_191 = arith.constant 0 : i32
        %dma_start3A_192 = tpu.memref_slice %arg10[%dma_start3A_190, %dma_start3A_191] : memref<10240x64xf32, #tpu.memory_space<vmem_shared>> -> memref<10240x64xf32, #tpu.memory_space<vmem_shared>>
        tpu.enqueue_indirect_dma source(%dma_start3A_186 : memref<80x64xf32, #tpu.memory_space<vmem>>) target(%dma_start3A_192 : memref<10240x64xf32, #tpu.memory_space<vmem_shared>>) offsets(%dma_start3A_189 : memref<80xi32, #tpu.memory_space<vmem>>) semaphore(%run_scoped3A_182 : memref<!tpu.dma_semaphore, #tpu.memory_space<semaphore_mem>>) {add = true}
        %dma_wait3A_193 = arith.constant 0 : i32
        %dma_wait3A_194 = arith.constant 0 : i32
        %dma_wait3A_195 = tpu.memref_slice %arg9[%run_scoped3A_105, %dma_wait3A_193, %dma_wait3A_194] : memref<5x80x64xf32, #tpu.memory_space<vmem>> -> memref<1x80x64xf32, #tpu.memory_space<vmem>>
        %dma_wait3A_196 = tpu.memref_squeeze %dma_wait3A_195 : memref<1x80x64xf32, #tpu.memory_space<vmem>> -> memref<80x64xf32, #tpu.memory_space<vmem>>
        %dma_wait3A_197 = arith.constant 0 : i32
        %dma_wait3A_198 = tpu.memref_slice %arg8[%add3A_93, %dma_wait3A_197] : memref<250x80xi32, #tpu.memory_space<vmem>> -> memref<1x80xi32, #tpu.memory_space<vmem>>
        %dma_wait3A_199 = tpu.memref_squeeze %dma_wait3A_198 : memref<1x80xi32, #tpu.memory_space<vmem>> -> memref<80xi32, #tpu.memory_space<vmem>>
        %dma_wait3A_200 = arith.constant 0 : i32
        %dma_wait3A_201 = arith.constant 0 : i32
        %dma_wait3A_202 = tpu.memref_slice %arg10[%dma_wait3A_200, %dma_wait3A_201] : memref<10240x64xf32, #tpu.memory_space<vmem_shared>> -> memref<10240x64xf32, #tpu.memory_space<vmem_shared>>
        tpu.wait_indirect_dma semaphore(%run_scoped3A_182 : memref<!tpu.dma_semaphore, #tpu.memory_space<semaphore_mem>>) src(%dma_wait3A_196 : memref<80x64xf32, #tpu.memory_space<vmem>>) dst(%dma_wait3A_202 : memref<10240x64xf32, #tpu.memory_space<vmem_shared>>)
        tpu.yield
      }) : () -> ()
      %add3A_106 = arith.constant 5 : i32
      %add3A_107 = arith.addi %add3A_93, %add3A_106 : i32
      %lt3A_108 = arith.constant 250 : i32
      %lt3A_109 = arith.cmpi slt, %add3A_107, %lt3A_108 : i32
      %convert_element_type3A_110 = arith.extui %lt3A_109 : i1 to i32
      %cond3A_111 = arith.constant 0 : i32
      %cond3A_112 = arith.cmpi ne, %convert_element_type3A_110, %cond3A_111 : i32
      scf.if %cond3A_112 {
        %add3A_182 = arith.constant 5 : i32
        %add3A_183 = arith.addi %add3A_93, %add3A_182 : i32
        %dma_start3A_184 = arith.constant 1 : i32
        %dma_start3A_185 = arith.constant 0 : i32
        %dma_start3A_186 = arith.constant 0 : i32
        %dma_start3A_187 = tpu.memref_slice %arg9[%dma_start3A_184, %dma_start3A_185, %dma_start3A_186] : memref<5x80x64xf32, #tpu.memory_space<vmem>> -> memref<1x80x64xf32, #tpu.memory_space<vmem>>
        %dma_start3A_188 = tpu.memref_squeeze %dma_start3A_187 : memref<1x80x64xf32, #tpu.memory_space<vmem>> -> memref<80x64xf32, #tpu.memory_space<vmem>>
        %dma_start3A_189 = arith.constant 0 : i32
        %dma_start3A_190 = tpu.memref_slice %arg7[%add3A_183, %dma_start3A_189] : memref<250x80xi32, #tpu.memory_space<vmem>> -> memref<1x80xi32, #tpu.memory_space<vmem>>
        %dma_start3A_191 = tpu.memref_squeeze %dma_start3A_190 : memref<1x80xi32, #tpu.memory_space<vmem>> -> memref<80xi32, #tpu.memory_space<vmem>>
        %dma_start3A_192 = arith.constant 0 : i32
        %dma_start3A_193 = arith.constant 0 : i32
        %dma_start3A_194 = tpu.memref_slice %arg2[%dma_start3A_192, %dma_start3A_193] : memref<100000x64xf32, #tpu.memory_space<hbm>> -> memref<100000x64xf32, #tpu.memory_space<hbm>>
        tpu.enqueue_indirect_dma source(%dma_start3A_194 : memref<100000x64xf32, #tpu.memory_space<hbm>>) target(%dma_start3A_188 : memref<80x64xf32, #tpu.memory_space<vmem>>) offsets(%dma_start3A_191 : memref<80xi32, #tpu.memory_space<vmem>>) semaphore(%arg12 : memref<!tpu.dma_semaphore, #tpu.memory_space<semaphore_mem>>)
      } else {
      }
      %mul3A_113 = arith.constant 5 : i32
      %mul3A_114 = arith.muli %scan3A_72, %mul3A_113 : i32
      %add3A_115 = arith.constant 2 : i32
      %add3A_116 = arith.addi %mul3A_114, %add3A_115 : i32
      %dma_wait3A_117 = arith.constant 2 : i32
      %dma_wait3A_118 = arith.constant 0 : i32
      %dma_wait3A_119 = arith.constant 0 : i32
      %dma_wait3A_120 = tpu.memref_slice %arg9[%dma_wait3A_117, %dma_wait3A_118, %dma_wait3A_119] : memref<5x80x64xf32, #tpu.memory_space<vmem>> -> memref<1x80x64xf32, #tpu.memory_space<vmem>>
      %dma_wait3A_121 = tpu.memref_squeeze %dma_wait3A_120 : memref<1x80x64xf32, #tpu.memory_space<vmem>> -> memref<80x64xf32, #tpu.memory_space<vmem>>
      %dma_wait3A_122 = arith.constant 0 : i32
      %dma_wait3A_123 = tpu.memref_slice %arg7[%add3A_116, %dma_wait3A_122] : memref<250x80xi32, #tpu.memory_space<vmem>> -> memref<1x80xi32, #tpu.memory_space<vmem>>
      %dma_wait3A_124 = tpu.memref_squeeze %dma_wait3A_123 : memref<1x80xi32, #tpu.memory_space<vmem>> -> memref<80xi32, #tpu.memory_space<vmem>>
      %dma_wait3A_125 = arith.constant 0 : i32
      %dma_wait3A_126 = arith.constant 0 : i32
      %dma_wait3A_127 = tpu.memref_slice %arg2[%dma_wait3A_125, %dma_wait3A_126] : memref<100000x64xf32, #tpu.memory_space<hbm>> -> memref<100000x64xf32, #tpu.memory_space<hbm>>
      tpu.wait_indirect_dma semaphore(%arg13 : memref<!tpu.dma_semaphore, #tpu.memory_space<semaphore_mem>>) src(%dma_wait3A_127 : memref<100000x64xf32, #tpu.memory_space<hbm>>) dst(%dma_wait3A_121 : memref<80x64xf32, #tpu.memory_space<vmem>>)
      %run_scoped3A_128 = arith.constant 2 : i32
      "tpu.region"() ({
        %run_scoped3A_182 = tpu.sem_alloc : memref<!tpu.dma_semaphore, #tpu.memory_space<semaphore_mem>>
        %dma_start3A_183 = arith.constant 0 : i32
        %dma_start3A_184 = arith.constant 0 : i32
        %dma_start3A_185 = tpu.memref_slice %arg9[%run_scoped3A_128, %dma_start3A_183, %dma_start3A_184] : memref<5x80x64xf32, #tpu.memory_space<vmem>> -> memref<1x80x64xf32, #tpu.memory_space<vmem>>
        %dma_start3A_186 = tpu.memref_squeeze %dma_start3A_185 : memref<1x80x64xf32, #tpu.memory_space<vmem>> -> memref<80x64xf32, #tpu.memory_space<vmem>>
        %dma_start3A_187 = arith.constant 0 : i32
        %dma_start3A_188 = tpu.memref_slice %arg8[%add3A_116, %dma_start3A_187] : memref<250x80xi32, #tpu.memory_space<vmem>> -> memref<1x80xi32, #tpu.memory_space<vmem>>
        %dma_start3A_189 = tpu.memref_squeeze %dma_start3A_188 : memref<1x80xi32, #tpu.memory_space<vmem>> -> memref<80xi32, #tpu.memory_space<vmem>>
        %dma_start3A_190 = arith.constant 0 : i32
        %dma_start3A_191 = arith.constant 0 : i32
        %dma_start3A_192 = tpu.memref_slice %arg10[%dma_start3A_190, %dma_start3A_191] : memref<10240x64xf32, #tpu.memory_space<vmem_shared>> -> memref<10240x64xf32, #tpu.memory_space<vmem_shared>>
        tpu.enqueue_indirect_dma source(%dma_start3A_186 : memref<80x64xf32, #tpu.memory_space<vmem>>) target(%dma_start3A_192 : memref<10240x64xf32, #tpu.memory_space<vmem_shared>>) offsets(%dma_start3A_189 : memref<80xi32, #tpu.memory_space<vmem>>) semaphore(%run_scoped3A_182 : memref<!tpu.dma_semaphore, #tpu.memory_space<semaphore_mem>>) {add = true}
        %dma_wait3A_193 = arith.constant 0 : i32
        %dma_wait3A_194 = arith.constant 0 : i32
        %dma_wait3A_195 = tpu.memref_slice %arg9[%run_scoped3A_128, %dma_wait3A_193, %dma_wait3A_194] : memref<5x80x64xf32, #tpu.memory_space<vmem>> -> memref<1x80x64xf32, #tpu.memory_space<vmem>>
        %dma_wait3A_196 = tpu.memref_squeeze %dma_wait3A_195 : memref<1x80x64xf32, #tpu.memory_space<vmem>> -> memref<80x64xf32, #tpu.memory_space<vmem>>
        %dma_wait3A_197 = arith.constant 0 : i32
        %dma_wait3A_198 = tpu.memref_slice %arg8[%add3A_116, %dma_wait3A_197] : memref<250x80xi32, #tpu.memory_space<vmem>> -> memref<1x80xi32, #tpu.memory_space<vmem>>
        %dma_wait3A_199 = tpu.memref_squeeze %dma_wait3A_198 : memref<1x80xi32, #tpu.memory_space<vmem>> -> memref<80xi32, #tpu.memory_space<vmem>>
        %dma_wait3A_200 = arith.constant 0 : i32
        %dma_wait3A_201 = arith.constant 0 : i32
        %dma_wait3A_202 = tpu.memref_slice %arg10[%dma_wait3A_200, %dma_wait3A_201] : memref<10240x64xf32, #tpu.memory_space<vmem_shared>> -> memref<10240x64xf32, #tpu.memory_space<vmem_shared>>
        tpu.wait_indirect_dma semaphore(%run_scoped3A_182 : memref<!tpu.dma_semaphore, #tpu.memory_space<semaphore_mem>>) src(%dma_wait3A_196 : memref<80x64xf32, #tpu.memory_space<vmem>>) dst(%dma_wait3A_202 : memref<10240x64xf32, #tpu.memory_space<vmem_shared>>)
        tpu.yield
      }) : () -> ()
      %add3A_129 = arith.constant 5 : i32
      %add3A_130 = arith.addi %add3A_116, %add3A_129 : i32
      %lt3A_131 = arith.constant 250 : i32
      %lt3A_132 = arith.cmpi slt, %add3A_130, %lt3A_131 : i32
      %convert_element_type3A_133 = arith.extui %lt3A_132 : i1 to i32
      %cond3A_134 = arith.constant 0 : i32
      %cond3A_135 = arith.cmpi ne, %convert_element_type3A_133, %cond3A_134 : i32
      scf.if %cond3A_135 {
        %add3A_182 = arith.constant 5 : i32
        %add3A_183 = arith.addi %add3A_116, %add3A_182 : i32
        %dma_start3A_184 = arith.constant 2 : i32
        %dma_start3A_185 = arith.constant 0 : i32
        %dma_start3A_186 = arith.constant 0 : i32
        %dma_start3A_187 = tpu.memref_slice %arg9[%dma_start3A_184, %dma_start3A_185, %dma_start3A_186] : memref<5x80x64xf32, #tpu.memory_space<vmem>> -> memref<1x80x64xf32, #tpu.memory_space<vmem>>
        %dma_start3A_188 = tpu.memref_squeeze %dma_start3A_187 : memref<1x80x64xf32, #tpu.memory_space<vmem>> -> memref<80x64xf32, #tpu.memory_space<vmem>>
        %dma_start3A_189 = arith.constant 0 : i32
        %dma_start3A_190 = tpu.memref_slice %arg7[%add3A_183, %dma_start3A_189] : memref<250x80xi32, #tpu.memory_space<vmem>> -> memref<1x80xi32, #tpu.memory_space<vmem>>
        %dma_start3A_191 = tpu.memref_squeeze %dma_start3A_190 : memref<1x80xi32, #tpu.memory_space<vmem>> -> memref<80xi32, #tpu.memory_space<vmem>>
        %dma_start3A_192 = arith.constant 0 : i32
        %dma_start3A_193 = arith.constant 0 : i32
        %dma_start3A_194 = tpu.memref_slice %arg2[%dma_start3A_192, %dma_start3A_193] : memref<100000x64xf32, #tpu.memory_space<hbm>> -> memref<100000x64xf32, #tpu.memory_space<hbm>>
        tpu.enqueue_indirect_dma source(%dma_start3A_194 : memref<100000x64xf32, #tpu.memory_space<hbm>>) target(%dma_start3A_188 : memref<80x64xf32, #tpu.memory_space<vmem>>) offsets(%dma_start3A_191 : memref<80xi32, #tpu.memory_space<vmem>>) semaphore(%arg13 : memref<!tpu.dma_semaphore, #tpu.memory_space<semaphore_mem>>)
      } else {
      }
      %mul3A_136 = arith.constant 5 : i32
      %mul3A_137 = arith.muli %scan3A_72, %mul3A_136 : i32
      %add3A_138 = arith.constant 3 : i32
      %add3A_139 = arith.addi %mul3A_137, %add3A_138 : i32
      %dma_wait3A_140 = arith.constant 3 : i32
      %dma_wait3A_141 = arith.constant 0 : i32
      %dma_wait3A_142 = arith.constant 0 : i32
      %dma_wait3A_143 = tpu.memref_slice %arg9[%dma_wait3A_140, %dma_wait3A_141, %dma_wait3A_142] : memref<5x80x64xf32, #tpu.memory_space<vmem>> -> memref<1x80x64xf32, #tpu.memory_space<vmem>>
      %dma_wait3A_144 = tpu.memref_squeeze %dma_wait3A_143 : memref<1x80x64xf32, #tpu.memory_space<vmem>> -> memref<80x64xf32, #tpu.memory_space<vmem>>
      %dma_wait3A_145 = arith.constant 0 : i32
      %dma_wait3A_146 = tpu.memref_slice %arg7[%add3A_139, %dma_wait3A_145] : memref<250x80xi32, #tpu.memory_space<vmem>> -> memref<1x80xi32, #tpu.memory_space<vmem>>
      %dma_wait3A_147 = tpu.memref_squeeze %dma_wait3A_146 : memref<1x80xi32, #tpu.memory_space<vmem>> -> memref<80xi32, #tpu.memory_space<vmem>>
      %dma_wait3A_148 = arith.constant 0 : i32
      %dma_wait3A_149 = arith.constant 0 : i32
      %dma_wait3A_150 = tpu.memref_slice %arg2[%dma_wait3A_148, %dma_wait3A_149] : memref<100000x64xf32, #tpu.memory_space<hbm>> -> memref<100000x64xf32, #tpu.memory_space<hbm>>
      tpu.wait_indirect_dma semaphore(%arg14 : memref<!tpu.dma_semaphore, #tpu.memory_space<semaphore_mem>>) src(%dma_wait3A_150 : memref<100000x64xf32, #tpu.memory_space<hbm>>) dst(%dma_wait3A_144 : memref<80x64xf32, #tpu.memory_space<vmem>>)
      %run_scoped3A_151 = arith.constant 3 : i32
      "tpu.region"() ({
        %run_scoped3A_182 = tpu.sem_alloc : memref<!tpu.dma_semaphore, #tpu.memory_space<semaphore_mem>>
        %dma_start3A_183 = arith.constant 0 : i32
        %dma_start3A_184 = arith.constant 0 : i32
        %dma_start3A_185 = tpu.memref_slice %arg9[%run_scoped3A_151, %dma_start3A_183, %dma_start3A_184] : memref<5x80x64xf32, #tpu.memory_space<vmem>> -> memref<1x80x64xf32, #tpu.memory_space<vmem>>
        %dma_start3A_186 = tpu.memref_squeeze %dma_start3A_185 : memref<1x80x64xf32, #tpu.memory_space<vmem>> -> memref<80x64xf32, #tpu.memory_space<vmem>>
        %dma_start3A_187 = arith.constant 0 : i32
        %dma_start3A_188 = tpu.memref_slice %arg8[%add3A_139, %dma_start3A_187] : memref<250x80xi32, #tpu.memory_space<vmem>> -> memref<1x80xi32, #tpu.memory_space<vmem>>
        %dma_start3A_189 = tpu.memref_squeeze %dma_start3A_188 : memref<1x80xi32, #tpu.memory_space<vmem>> -> memref<80xi32, #tpu.memory_space<vmem>>
        %dma_start3A_190 = arith.constant 0 : i32
        %dma_start3A_191 = arith.constant 0 : i32
        %dma_start3A_192 = tpu.memref_slice %arg10[%dma_start3A_190, %dma_start3A_191] : memref<10240x64xf32, #tpu.memory_space<vmem_shared>> -> memref<10240x64xf32, #tpu.memory_space<vmem_shared>>
        tpu.enqueue_indirect_dma source(%dma_start3A_186 : memref<80x64xf32, #tpu.memory_space<vmem>>) target(%dma_start3A_192 : memref<10240x64xf32, #tpu.memory_space<vmem_shared>>) offsets(%dma_start3A_189 : memref<80xi32, #tpu.memory_space<vmem>>) semaphore(%run_scoped3A_182 : memref<!tpu.dma_semaphore, #tpu.memory_space<semaphore_mem>>) {add = true}
        %dma_wait3A_193 = arith.constant 0 : i32
        %dma_wait3A_194 = arith.constant 0 : i32
        %dma_wait3A_195 = tpu.memref_slice %arg9[%run_scoped3A_151, %dma_wait3A_193, %dma_wait3A_194] : memref<5x80x64xf32, #tpu.memory_space<vmem>> -> memref<1x80x64xf32, #tpu.memory_space<vmem>>
        %dma_wait3A_196 = tpu.memref_squeeze %dma_wait3A_195 : memref<1x80x64xf32, #tpu.memory_space<vmem>> -> memref<80x64xf32, #tpu.memory_space<vmem>>
        %dma_wait3A_197 = arith.constant 0 : i32
        %dma_wait3A_198 = tpu.memref_slice %arg8[%add3A_139, %dma_wait3A_197] : memref<250x80xi32, #tpu.memory_space<vmem>> -> memref<1x80xi32, #tpu.memory_space<vmem>>
        %dma_wait3A_199 = tpu.memref_squeeze %dma_wait3A_198 : memref<1x80xi32, #tpu.memory_space<vmem>> -> memref<80xi32, #tpu.memory_space<vmem>>
        %dma_wait3A_200 = arith.constant 0 : i32
        %dma_wait3A_201 = arith.constant 0 : i32
        %dma_wait3A_202 = tpu.memref_slice %arg10[%dma_wait3A_200, %dma_wait3A_201] : memref<10240x64xf32, #tpu.memory_space<vmem_shared>> -> memref<10240x64xf32, #tpu.memory_space<vmem_shared>>
        tpu.wait_indirect_dma semaphore(%run_scoped3A_182 : memref<!tpu.dma_semaphore, #tpu.memory_space<semaphore_mem>>) src(%dma_wait3A_196 : memref<80x64xf32, #tpu.memory_space<vmem>>) dst(%dma_wait3A_202 : memref<10240x64xf32, #tpu.memory_space<vmem_shared>>)
        tpu.yield
      }) : () -> ()
      %add3A_152 = arith.constant 5 : i32
      %add3A_153 = arith.addi %add3A_139, %add3A_152 : i32
      %lt3A_154 = arith.constant 250 : i32
      %lt3A_155 = arith.cmpi slt, %add3A_153, %lt3A_154 : i32
      %convert_element_type3A_156 = arith.extui %lt3A_155 : i1 to i32
      %cond3A_157 = arith.constant 0 : i32
      %cond3A_158 = arith.cmpi ne, %convert_element_type3A_156, %cond3A_157 : i32
      scf.if %cond3A_158 {
        %add3A_182 = arith.constant 5 : i32
        %add3A_183 = arith.addi %add3A_139, %add3A_182 : i32
        %dma_start3A_184 = arith.constant 3 : i32
        %dma_start3A_185 = arith.constant 0 : i32
        %dma_start3A_186 = arith.constant 0 : i32
        %dma_start3A_187 = tpu.memref_slice %arg9[%dma_start3A_184, %dma_start3A_185, %dma_start3A_186] : memref<5x80x64xf32, #tpu.memory_space<vmem>> -> memref<1x80x64xf32, #tpu.memory_space<vmem>>
        %dma_start3A_188 = tpu.memref_squeeze %dma_start3A_187 : memref<1x80x64xf32, #tpu.memory_space<vmem>> -> memref<80x64xf32, #tpu.memory_space<vmem>>
        %dma_start3A_189 = arith.constant 0 : i32
        %dma_start3A_190 = tpu.memref_slice %arg7[%add3A_183, %dma_start3A_189] : memref<250x80xi32, #tpu.memory_space<vmem>> -> memref<1x80xi32, #tpu.memory_space<vmem>>
        %dma_start3A_191 = tpu.memref_squeeze %dma_start3A_190 : memref<1x80xi32, #tpu.memory_space<vmem>> -> memref<80xi32, #tpu.memory_space<vmem>>
        %dma_start3A_192 = arith.constant 0 : i32
        %dma_start3A_193 = arith.constant 0 : i32
        %dma_start3A_194 = tpu.memref_slice %arg2[%dma_start3A_192, %dma_start3A_193] : memref<100000x64xf32, #tpu.memory_space<hbm>> -> memref<100000x64xf32, #tpu.memory_space<hbm>>
        tpu.enqueue_indirect_dma source(%dma_start3A_194 : memref<100000x64xf32, #tpu.memory_space<hbm>>) target(%dma_start3A_188 : memref<80x64xf32, #tpu.memory_space<vmem>>) offsets(%dma_start3A_191 : memref<80xi32, #tpu.memory_space<vmem>>) semaphore(%arg14 : memref<!tpu.dma_semaphore, #tpu.memory_space<semaphore_mem>>)
      } else {
      }
      %mul3A_159 = arith.constant 5 : i32
      %mul3A_160 = arith.muli %scan3A_72, %mul3A_159 : i32
      %add3A_161 = arith.constant 4 : i32
      %add3A_162 = arith.addi %mul3A_160, %add3A_161 : i32
      %dma_wait3A_163 = arith.constant 4 : i32
      %dma_wait3A_164 = arith.constant 0 : i32
      %dma_wait3A_165 = arith.constant 0 : i32
      %dma_wait3A_166 = tpu.memref_slice %arg9[%dma_wait3A_163, %dma_wait3A_164, %dma_wait3A_165] : memref<5x80x64xf32, #tpu.memory_space<vmem>> -> memref<1x80x64xf32, #tpu.memory_space<vmem>>
      %dma_wait3A_167 = tpu.memref_squeeze %dma_wait3A_166 : memref<1x80x64xf32, #tpu.memory_space<vmem>> -> memref<80x64xf32, #tpu.memory_space<vmem>>
      %dma_wait3A_168 = arith.constant 0 : i32
      %dma_wait3A_169 = tpu.memref_slice %arg7[%add3A_162, %dma_wait3A_168] : memref<250x80xi32, #tpu.memory_space<vmem>> -> memref<1x80xi32, #tpu.memory_space<vmem>>
      %dma_wait3A_170 = tpu.memref_squeeze %dma_wait3A_169 : memref<1x80xi32, #tpu.memory_space<vmem>> -> memref<80xi32, #tpu.memory_space<vmem>>
      %dma_wait3A_171 = arith.constant 0 : i32
      %dma_wait3A_172 = arith.constant 0 : i32
      %dma_wait3A_173 = tpu.memref_slice %arg2[%dma_wait3A_171, %dma_wait3A_172] : memref<100000x64xf32, #tpu.memory_space<hbm>> -> memref<100000x64xf32, #tpu.memory_space<hbm>>
      tpu.wait_indirect_dma semaphore(%arg15 : memref<!tpu.dma_semaphore, #tpu.memory_space<semaphore_mem>>) src(%dma_wait3A_173 : memref<100000x64xf32, #tpu.memory_space<hbm>>) dst(%dma_wait3A_167 : memref<80x64xf32, #tpu.memory_space<vmem>>)
      %run_scoped3A_174 = arith.constant 4 : i32
      "tpu.region"() ({
        %run_scoped3A_182 = tpu.sem_alloc : memref<!tpu.dma_semaphore, #tpu.memory_space<semaphore_mem>>
        %dma_start3A_183 = arith.constant 0 : i32
        %dma_start3A_184 = arith.constant 0 : i32
        %dma_start3A_185 = tpu.memref_slice %arg9[%run_scoped3A_174, %dma_start3A_183, %dma_start3A_184] : memref<5x80x64xf32, #tpu.memory_space<vmem>> -> memref<1x80x64xf32, #tpu.memory_space<vmem>>
        %dma_start3A_186 = tpu.memref_squeeze %dma_start3A_185 : memref<1x80x64xf32, #tpu.memory_space<vmem>> -> memref<80x64xf32, #tpu.memory_space<vmem>>
        %dma_start3A_187 = arith.constant 0 : i32
        %dma_start3A_188 = tpu.memref_slice %arg8[%add3A_162, %dma_start3A_187] : memref<250x80xi32, #tpu.memory_space<vmem>> -> memref<1x80xi32, #tpu.memory_space<vmem>>
        %dma_start3A_189 = tpu.memref_squeeze %dma_start3A_188 : memref<1x80xi32, #tpu.memory_space<vmem>> -> memref<80xi32, #tpu.memory_space<vmem>>
        %dma_start3A_190 = arith.constant 0 : i32
        %dma_start3A_191 = arith.constant 0 : i32
        %dma_start3A_192 = tpu.memref_slice %arg10[%dma_start3A_190, %dma_start3A_191] : memref<10240x64xf32, #tpu.memory_space<vmem_shared>> -> memref<10240x64xf32, #tpu.memory_space<vmem_shared>>
        tpu.enqueue_indirect_dma source(%dma_start3A_186 : memref<80x64xf32, #tpu.memory_space<vmem>>) target(%dma_start3A_192 : memref<10240x64xf32, #tpu.memory_space<vmem_shared>>) offsets(%dma_start3A_189 : memref<80xi32, #tpu.memory_space<vmem>>) semaphore(%run_scoped3A_182 : memref<!tpu.dma_semaphore, #tpu.memory_space<semaphore_mem>>) {add = true}
        %dma_wait3A_193 = arith.constant 0 : i32
        %dma_wait3A_194 = arith.constant 0 : i32
        %dma_wait3A_195 = tpu.memref_slice %arg9[%run_scoped3A_174, %dma_wait3A_193, %dma_wait3A_194] : memref<5x80x64xf32, #tpu.memory_space<vmem>> -> memref<1x80x64xf32, #tpu.memory_space<vmem>>
        %dma_wait3A_196 = tpu.memref_squeeze %dma_wait3A_195 : memref<1x80x64xf32, #tpu.memory_space<vmem>> -> memref<80x64xf32, #tpu.memory_space<vmem>>
        %dma_wait3A_197 = arith.constant 0 : i32
        %dma_wait3A_198 = tpu.memref_slice %arg8[%add3A_162, %dma_wait3A_197] : memref<250x80xi32, #tpu.memory_space<vmem>> -> memref<1x80xi32, #tpu.memory_space<vmem>>
        %dma_wait3A_199 = tpu.memref_squeeze %dma_wait3A_198 : memref<1x80xi32, #tpu.memory_space<vmem>> -> memref<80xi32, #tpu.memory_space<vmem>>
        %dma_wait3A_200 = arith.constant 0 : i32
        %dma_wait3A_201 = arith.constant 0 : i32
        %dma_wait3A_202 = tpu.memref_slice %arg10[%dma_wait3A_200, %dma_wait3A_201] : memref<10240x64xf32, #tpu.memory_space<vmem_shared>> -> memref<10240x64xf32, #tpu.memory_space<vmem_shared>>
        tpu.wait_indirect_dma semaphore(%run_scoped3A_182 : memref<!tpu.dma_semaphore, #tpu.memory_space<semaphore_mem>>) src(%dma_wait3A_196 : memref<80x64xf32, #tpu.memory_space<vmem>>) dst(%dma_wait3A_202 : memref<10240x64xf32, #tpu.memory_space<vmem_shared>>)
        tpu.yield
      }) : () -> ()
      %add3A_175 = arith.constant 5 : i32
      %add3A_176 = arith.addi %add3A_162, %add3A_175 : i32
      %lt3A_177 = arith.constant 250 : i32
      %lt3A_178 = arith.cmpi slt, %add3A_176, %lt3A_177 : i32
      %convert_element_type3A_179 = arith.extui %lt3A_178 : i1 to i32
      %cond3A_180 = arith.constant 0 : i32
      %cond3A_181 = arith.cmpi ne, %convert_element_type3A_179, %cond3A_180 : i32
      scf.if %cond3A_181 {
        %add3A_182 = arith.constant 5 : i32
        %add3A_183 = arith.addi %add3A_162, %add3A_182 : i32
        %dma_start3A_184 = arith.constant 4 : i32
        %dma_start3A_185 = arith.constant 0 : i32
        %dma_start3A_186 = arith.constant 0 : i32
        %dma_start3A_187 = tpu.memref_slice %arg9[%dma_start3A_184, %dma_start3A_185, %dma_start3A_186] : memref<5x80x64xf32, #tpu.memory_space<vmem>> -> memref<1x80x64xf32, #tpu.memory_space<vmem>>
        %dma_start3A_188 = tpu.memref_squeeze %dma_start3A_187 : memref<1x80x64xf32, #tpu.memory_space<vmem>> -> memref<80x64xf32, #tpu.memory_space<vmem>>
        %dma_start3A_189 = arith.constant 0 : i32
        %dma_start3A_190 = tpu.memref_slice %arg7[%add3A_183, %dma_start3A_189] : memref<250x80xi32, #tpu.memory_space<vmem>> -> memref<1x80xi32, #tpu.memory_space<vmem>>
        %dma_start3A_191 = tpu.memref_squeeze %dma_start3A_190 : memref<1x80xi32, #tpu.memory_space<vmem>> -> memref<80xi32, #tpu.memory_space<vmem>>
        %dma_start3A_192 = arith.constant 0 : i32
        %dma_start3A_193 = arith.constant 0 : i32
        %dma_start3A_194 = tpu.memref_slice %arg2[%dma_start3A_192, %dma_start3A_193] : memref<100000x64xf32, #tpu.memory_space<hbm>> -> memref<100000x64xf32, #tpu.memory_space<hbm>>
        tpu.enqueue_indirect_dma source(%dma_start3A_194 : memref<100000x64xf32, #tpu.memory_space<hbm>>) target(%dma_start3A_188 : memref<80x64xf32, #tpu.memory_space<vmem>>) offsets(%dma_start3A_191 : memref<80xi32, #tpu.memory_space<vmem>>) semaphore(%arg15 : memref<!tpu.dma_semaphore, #tpu.memory_space<semaphore_mem>>)
      } else {
      }
    }
    %scan3A_66 = arith.constant 50 : i32
    %barrier3A_67 = arith.constant 0 : index
    tpu.barrier barrier_id(%barrier3A_67)
    %mul3A_68 = arith.constant 640 : i32
    %mul3A_69 = arith.muli %arg1, %mul3A_68 : i32
    %mul3A_70 = arith.constant 640 : i32
    %mul3A_71 = arith.muli %arg1, %mul3A_70 : i32
    "tpu.region"() ({
      %run_scoped3A = tpu.sem_alloc : memref<!tpu.dma_semaphore, #tpu.memory_space<semaphore_mem>>
      %dma_start3A_72 = arith.constant 0 : i32
      %dma_start3A_73 = tpu.memref_slice %arg6[%arg0, %mul3A_71, %dma_start3A_72] : memref<2x10240x64xf32, #tpu.memory_space<hbm>> -> memref<1x640x64xf32, #tpu.memory_space<hbm>>
      %dma_start3A_74 = tpu.memref_squeeze %dma_start3A_73 : memref<1x640x64xf32, #tpu.memory_space<hbm>> -> memref<640x64xf32, #tpu.memory_space<hbm>>
      %dma_start3A_75 = arith.constant 0 : i32
      %dma_start3A_76 = tpu.memref_slice %arg10[%mul3A_69, %dma_start3A_75] : memref<10240x64xf32, #tpu.memory_space<vmem_shared>> -> memref<640x64xf32, #tpu.memory_space<vmem_shared>>
      tpu.enqueue_dma source(%dma_start3A_76 : memref<640x64xf32, #tpu.memory_space<vmem_shared>>) target(%dma_start3A_74 : memref<640x64xf32, #tpu.memory_space<hbm>>) target_semaphore(%run_scoped3A : memref<!tpu.dma_semaphore, #tpu.memory_space<semaphore_mem>>)
      %dma_wait3A = arith.constant 0 : i32
      %dma_wait3A_77 = tpu.memref_slice %arg6[%arg0, %mul3A_71, %dma_wait3A] : memref<2x10240x64xf32, #tpu.memory_space<hbm>> -> memref<1x640x64xf32, #tpu.memory_space<hbm>>
      %dma_wait3A_78 = tpu.memref_squeeze %dma_wait3A_77 : memref<1x640x64xf32, #tpu.memory_space<hbm>> -> memref<640x64xf32, #tpu.memory_space<hbm>>
      %dma_wait3A_79 = arith.constant 0 : i32
      %dma_wait3A_80 = tpu.memref_slice %arg10[%mul3A_69, %dma_wait3A_79] : memref<10240x64xf32, #tpu.memory_space<vmem_shared>> -> memref<640x64xf32, #tpu.memory_space<vmem_shared>>
      tpu.wait_dma2 semaphore(%run_scoped3A : memref<!tpu.dma_semaphore, #tpu.memory_space<semaphore_mem>>) src(%dma_wait3A_80 : memref<640x64xf32, #tpu.memory_space<vmem_shared>>) dst(%dma_wait3A_78 : memref<640x64xf32, #tpu.memory_space<hbm>>)
      tpu.yield
    }) : () -> ()
    return
  }
}

#map = affine_map<(d0, d1) -> (0, 0)>
#map1 = affine_map<(d0, d1) -> (0, 0, 0, 0)>
#map2 = affine_map<(d0, d1) -> (0, 0, 0)>
module attributes {stable_mosaic.version = 14 : i64} {
  func.func @_sc_scatter_body(%arg0: i32, %arg1: i32, %arg2: memref<100000x64xf32, #tpu.memory_space<hbm>>, %arg3: memref<2x16x250x80xi32, #tpu.memory_space<hbm>>, %arg4: memref<16x250x80xi32, #tpu.memory_space<hbm>>, %arg5: memref<10240x64xf32, #tpu.memory_space<hbm>>, %arg6: memref<2x10240x64xf32, #tpu.memory_space<hbm>>, %arg7: memref<250x80xi32, #tpu.memory_space<vmem>>, %arg8: memref<250x80xi32, #tpu.memory_space<vmem>>, %arg9: memref<5x80x64xf32, #tpu.memory_space<vmem>>, %arg10: memref<10240x64xf32, #tpu.memory_space<vmem_shared>>, %arg11: memref<!tpu.dma_semaphore, #tpu.memory_space<semaphore_mem>>, %arg12: memref<!tpu.dma_semaphore, #tpu.memory_space<semaphore_mem>>, %arg13: memref<!tpu.dma_semaphore, #tpu.memory_space<semaphore_mem>>, %arg14: memref<!tpu.dma_semaphore, #tpu.memory_space<semaphore_mem>>, %arg15: memref<!tpu.dma_semaphore, #tpu.memory_space<semaphore_mem>>) attributes {dimension_semantics = [#tpu.dimension_semantics<core_parallel>, #tpu.dimension_semantics<subcore_parallel>], iteration_bounds = array<i64: 2, 16>, scalar_prefetch = 0 : i64, scratch_operands = 9 : i64, tpu.core_type = #tpu.core_type<sc_vector_subcore>, window_params = [{transform_indices = #map}, {transform_indices = #map1}, {transform_indices = #map2}, {transform_indices = #map}, {transform_indices = #map2}]} {
    %mul3A = arith.constant 640 : i32
    %mul3A_0 = arith.muli %arg1, %mul3A : i32
    %mul3A_1 = arith.constant 640 : i32
    %mul3A_2 = arith.muli %arg1, %mul3A_1 : i32
    "tpu.region"() ({
      %run_scoped3A = tpu.sem_alloc : memref<!tpu.dma_semaphore, #tpu.memory_space<semaphore_mem>>
      %dma_start3A_72 = arith.constant 0 : i32
      %dma_start3A_73 = tpu.memref_slice %arg10[%mul3A_2, %dma_start3A_72] : memref<10240x64xf32, #tpu.memory_space<vmem_shared>> -> memref<640x64xf32, #tpu.memory_space<vmem_shared>>
      %dma_start3A_74 = arith.constant 0 : i32
      %dma_start3A_75 = tpu.memref_slice %arg5[%mul3A_0, %dma_start3A_74] : memref<10240x64xf32, #tpu.memory_space<hbm>> -> memref<640x64xf32, #tpu.memory_space<hbm>>
      tpu.enqueue_dma source(%dma_start3A_75 : memref<640x64xf32, #tpu.memory_space<hbm>>) target(%dma_start3A_73 : memref<640x64xf32, #tpu.memory_space<vmem_shared>>) target_semaphore(%run_scoped3A : memref<!tpu.dma_semaphore, #tpu.memory_space<semaphore_mem>>)
      %dma_wait3A = arith.constant 0 : i32
      %dma_wait3A_76 = tpu.memref_slice %arg10[%mul3A_2, %dma_wait3A] : memref<10240x64xf32, #tpu.memory_space<vmem_shared>> -> memref<640x64xf32, #tpu.memory_space<vmem_shared>>
      %dma_wait3A_77 = arith.constant 0 : i32
      %dma_wait3A_78 = tpu.memref_slice %arg5[%mul3A_0, %dma_wait3A_77] : memref<10240x64xf32, #tpu.memory_space<hbm>> -> memref<640x64xf32, #tpu.memory_space<hbm>>
      tpu.wait_dma2 semaphore(%run_scoped3A : memref<!tpu.dma_semaphore, #tpu.memory_space<semaphore_mem>>) src(%dma_wait3A_78 : memref<640x64xf32, #tpu.memory_space<hbm>>) dst(%dma_wait3A_76 : memref<640x64xf32, #tpu.memory_space<vmem_shared>>)
      tpu.yield
    }) : () -> ()
    "tpu.region"() ({
      %run_scoped3A = tpu.sem_alloc : memref<!tpu.dma_semaphore, #tpu.memory_space<semaphore_mem>>
      %dma_start3A_72 = arith.constant 0 : i32
      %dma_start3A_73 = arith.constant 0 : i32
      %dma_start3A_74 = tpu.memref_slice %arg3[%arg0, %arg1, %dma_start3A_72, %dma_start3A_73] : memref<2x16x250x80xi32, #tpu.memory_space<hbm>> -> memref<1x1x250x80xi32, #tpu.memory_space<hbm>>
      %dma_start3A_75 = tpu.memref_squeeze %dma_start3A_74 : memref<1x1x250x80xi32, #tpu.memory_space<hbm>> -> memref<250x80xi32, #tpu.memory_space<hbm>>
      %dma_start3A_76 = arith.constant 0 : i32
      %dma_start3A_77 = arith.constant 0 : i32
      %dma_start3A_78 = tpu.memref_slice %arg3[%arg0, %arg1, %dma_start3A_76, %dma_start3A_77] : memref<2x16x250x80xi32, #tpu.memory_space<hbm>> -> memref<1x1x250x80xi32, #tpu.memory_space<hbm>>
      %dma_start3A_79 = tpu.memref_squeeze %dma_start3A_78 : memref<1x1x250x80xi32, #tpu.memory_space<hbm>> -> memref<250x80xi32, #tpu.memory_space<hbm>>
      tpu.enqueue_dma source(%dma_start3A_79 : memref<250x80xi32, #tpu.memory_space<hbm>>) target(%arg7 : memref<250x80xi32, #tpu.memory_space<vmem>>) target_semaphore(%run_scoped3A : memref<!tpu.dma_semaphore, #tpu.memory_space<semaphore_mem>>)
      %dma_wait3A = arith.constant 0 : i32
      %dma_wait3A_80 = arith.constant 0 : i32
      %dma_wait3A_81 = tpu.memref_slice %arg3[%arg0, %arg1, %dma_wait3A, %dma_wait3A_80] : memref<2x16x250x80xi32, #tpu.memory_space<hbm>> -> memref<1x1x250x80xi32, #tpu.memory_space<hbm>>
      %dma_wait3A_82 = tpu.memref_squeeze %dma_wait3A_81 : memref<1x1x250x80xi32, #tpu.memory_space<hbm>> -> memref<250x80xi32, #tpu.memory_space<hbm>>
      %dma_wait3A_83 = arith.constant 0 : i32
      %dma_wait3A_84 = arith.constant 0 : i32
      %dma_wait3A_85 = tpu.memref_slice %arg3[%arg0, %arg1, %dma_wait3A_83, %dma_wait3A_84] : memref<2x16x250x80xi32, #tpu.memory_space<hbm>> -> memref<1x1x250x80xi32, #tpu.memory_space<hbm>>
      %dma_wait3A_86 = tpu.memref_squeeze %dma_wait3A_85 : memref<1x1x250x80xi32, #tpu.memory_space<hbm>> -> memref<250x80xi32, #tpu.memory_space<hbm>>
      tpu.wait_dma2 semaphore(%run_scoped3A : memref<!tpu.dma_semaphore, #tpu.memory_space<semaphore_mem>>) src(%dma_wait3A_86 : memref<250x80xi32, #tpu.memory_space<hbm>>) dst(%arg7 : memref<250x80xi32, #tpu.memory_space<vmem>>)
      tpu.yield
    }) : () -> ()
    "tpu.region"() ({
      %run_scoped3A = tpu.sem_alloc : memref<!tpu.dma_semaphore, #tpu.memory_space<semaphore_mem>>
      %dma_start3A_72 = arith.constant 0 : i32
      %dma_start3A_73 = arith.constant 0 : i32
      %dma_start3A_74 = tpu.memref_slice %arg4[%arg1, %dma_start3A_72, %dma_start3A_73] : memref<16x250x80xi32, #tpu.memory_space<hbm>> -> memref<1x250x80xi32, #tpu.memory_space<hbm>>
      %dma_start3A_75 = tpu.memref_squeeze %dma_start3A_74 : memref<1x250x80xi32, #tpu.memory_space<hbm>> -> memref<250x80xi32, #tpu.memory_space<hbm>>
      %dma_start3A_76 = arith.constant 0 : i32
      %dma_start3A_77 = arith.constant 0 : i32
      %dma_start3A_78 = tpu.memref_slice %arg4[%arg1, %dma_start3A_76, %dma_start3A_77] : memref<16x250x80xi32, #tpu.memory_space<hbm>> -> memref<1x250x80xi32, #tpu.memory_space<hbm>>
      %dma_start3A_79 = tpu.memref_squeeze %dma_start3A_78 : memref<1x250x80xi32, #tpu.memory_space<hbm>> -> memref<250x80xi32, #tpu.memory_space<hbm>>
      tpu.enqueue_dma source(%dma_start3A_79 : memref<250x80xi32, #tpu.memory_space<hbm>>) target(%arg8 : memref<250x80xi32, #tpu.memory_space<vmem>>) target_semaphore(%run_scoped3A : memref<!tpu.dma_semaphore, #tpu.memory_space<semaphore_mem>>)
      %dma_wait3A = arith.constant 0 : i32
      %dma_wait3A_80 = arith.constant 0 : i32
      %dma_wait3A_81 = tpu.memref_slice %arg4[%arg1, %dma_wait3A, %dma_wait3A_80] : memref<16x250x80xi32, #tpu.memory_space<hbm>> -> memref<1x250x80xi32, #tpu.memory_space<hbm>>
      %dma_wait3A_82 = tpu.memref_squeeze %dma_wait3A_81 : memref<1x250x80xi32, #tpu.memory_space<hbm>> -> memref<250x80xi32, #tpu.memory_space<hbm>>
      %dma_wait3A_83 = arith.constant 0 : i32
      %dma_wait3A_84 = arith.constant 0 : i32
      %dma_wait3A_85 = tpu.memref_slice %arg4[%arg1, %dma_wait3A_83, %dma_wait3A_84] : memref<16x250x80xi32, #tpu.memory_space<hbm>> -> memref<1x250x80xi32, #tpu.memory_space<hbm>>
      %dma_wait3A_86 = tpu.memref_squeeze %dma_wait3A_85 : memref<1x250x80xi32, #tpu.memory_space<hbm>> -> memref<250x80xi32, #tpu.memory_space<hbm>>
      tpu.wait_dma2 semaphore(%run_scoped3A : memref<!tpu.dma_semaphore, #tpu.memory_space<semaphore_mem>>) src(%dma_wait3A_86 : memref<250x80xi32, #tpu.memory_space<hbm>>) dst(%arg8 : memref<250x80xi32, #tpu.memory_space<vmem>>)
      tpu.yield
    }) : () -> ()
    %barrier3A = arith.constant 0 : index
    tpu.barrier barrier_id(%barrier3A)
    %dma_start3A = arith.constant 0 : i32
    %dma_start3A_3 = arith.constant 0 : i32
    %dma_start3A_4 = arith.constant 0 : i32
    %dma_start3A_5 = arith.constant 0 : i32
    %dma_start3A_6 = tpu.memref_slice %arg9[%dma_start3A_3, %dma_start3A_4, %dma_start3A_5] : memref<5x80x64xf32, #tpu.memory_space<vmem>> -> memref<1x80x64xf32, #tpu.memory_space<vmem>>
    %dma_start3A_7 = tpu.memref_squeeze %dma_start3A_6 : memref<1x80x64xf32, #tpu.memory_space<vmem>> -> memref<80x64xf32, #tpu.memory_space<vmem>>
    %dma_start3A_8 = arith.constant 0 : i32
    %dma_start3A_9 = tpu.memref_slice %arg7[%dma_start3A, %dma_start3A_8] : memref<250x80xi32, #tpu.memory_space<vmem>> -> memref<1x80xi32, #tpu.memory_space<vmem>>
    %dma_start3A_10 = tpu.memref_squeeze %dma_start3A_9 : memref<1x80xi32, #tpu.memory_space<vmem>> -> memref<80xi32, #tpu.memory_space<vmem>>
    %dma_start3A_11 = arith.constant 0 : i32
    %dma_start3A_12 = arith.constant 0 : i32
    %dma_start3A_13 = tpu.memref_slice %arg2[%dma_start3A_11, %dma_start3A_12] : memref<100000x64xf32, #tpu.memory_space<hbm>> -> memref<100000x64xf32, #tpu.memory_space<hbm>>
    tpu.enqueue_indirect_dma source(%dma_start3A_13 : memref<100000x64xf32, #tpu.memory_space<hbm>>) target(%dma_start3A_7 : memref<80x64xf32, #tpu.memory_space<vmem>>) offsets(%dma_start3A_10 : memref<80xi32, #tpu.memory_space<vmem>>) semaphore(%arg11 : memref<!tpu.dma_semaphore, #tpu.memory_space<semaphore_mem>>)
    %dma_start3A_14 = arith.constant 1 : i32
    %dma_start3A_15 = arith.constant 1 : i32
    %dma_start3A_16 = arith.constant 0 : i32
    %dma_start3A_17 = arith.constant 0 : i32
    %dma_start3A_18 = tpu.memref_slice %arg9[%dma_start3A_15, %dma_start3A_16, %dma_start3A_17] : memref<5x80x64xf32, #tpu.memory_space<vmem>> -> memref<1x80x64xf32, #tpu.memory_space<vmem>>
    %dma_start3A_19 = tpu.memref_squeeze %dma_start3A_18 : memref<1x80x64xf32, #tpu.memory_space<vmem>> -> memref<80x64xf32, #tpu.memory_space<vmem>>
    %dma_start3A_20 = arith.constant 0 : i32
    %dma_start3A_21 = tpu.memref_slice %arg7[%dma_start3A_14, %dma_start3A_20] : memref<250x80xi32, #tpu.memory_space<vmem>> -> memref<1x80xi32, #tpu.memory_space<vmem>>
    %dma_start3A_22 = tpu.memref_squeeze %dma_start3A_21 : memref<1x80xi32, #tpu.memory_space<vmem>> -> memref<80xi32, #tpu.memory_space<vmem>>
    %dma_start3A_23 = arith.constant 0 : i32
    %dma_start3A_24 = arith.constant 0 : i32
    %dma_start3A_25 = tpu.memref_slice %arg2[%dma_start3A_23, %dma_start3A_24] : memref<100000x64xf32, #tpu.memory_space<hbm>> -> memref<100000x64xf32, #tpu.memory_space<hbm>>
    tpu.enqueue_indirect_dma source(%dma_start3A_25 : memref<100000x64xf32, #tpu.memory_space<hbm>>) target(%dma_start3A_19 : memref<80x64xf32, #tpu.memory_space<vmem>>) offsets(%dma_start3A_22 : memref<80xi32, #tpu.memory_space<vmem>>) semaphore(%arg12 : memref<!tpu.dma_semaphore, #tpu.memory_space<semaphore_mem>>)
    %dma_start3A_26 = arith.constant 2 : i32
    %dma_start3A_27 = arith.constant 2 : i32
    %dma_start3A_28 = arith.constant 0 : i32
    %dma_start3A_29 = arith.constant 0 : i32
    %dma_start3A_30 = tpu.memref_slice %arg9[%dma_start3A_27, %dma_start3A_28, %dma_start3A_29] : memref<5x80x64xf32, #tpu.memory_space<vmem>> -> memref<1x80x64xf32, #tpu.memory_space<vmem>>
    %dma_start3A_31 = tpu.memref_squeeze %dma_start3A_30 : memref<1x80x64xf32, #tpu.memory_space<vmem>> -> memref<80x64xf32, #tpu.memory_space<vmem>>
    %dma_start3A_32 = arith.constant 0 : i32
    %dma_start3A_33 = tpu.memref_slice %arg7[%dma_start3A_26, %dma_start3A_32] : memref<250x80xi32, #tpu.memory_space<vmem>> -> memref<1x80xi32, #tpu.memory_space<vmem>>
    %dma_start3A_34 = tpu.memref_squeeze %dma_start3A_33 : memref<1x80xi32, #tpu.memory_space<vmem>> -> memref<80xi32, #tpu.memory_space<vmem>>
    %dma_start3A_35 = arith.constant 0 : i32
    %dma_start3A_36 = arith.constant 0 : i32
    %dma_start3A_37 = tpu.memref_slice %arg2[%dma_start3A_35, %dma_start3A_36] : memref<100000x64xf32, #tpu.memory_space<hbm>> -> memref<100000x64xf32, #tpu.memory_space<hbm>>
    tpu.enqueue_indirect_dma source(%dma_start3A_37 : memref<100000x64xf32, #tpu.memory_space<hbm>>) target(%dma_start3A_31 : memref<80x64xf32, #tpu.memory_space<vmem>>) offsets(%dma_start3A_34 : memref<80xi32, #tpu.memory_space<vmem>>) semaphore(%arg13 : memref<!tpu.dma_semaphore, #tpu.memory_space<semaphore_mem>>)
    %dma_start3A_38 = arith.constant 3 : i32
    %dma_start3A_39 = arith.constant 3 : i32
    %dma_start3A_40 = arith.constant 0 : i32
    %dma_start3A_41 = arith.constant 0 : i32
    %dma_start3A_42 = tpu.memref_slice %arg9[%dma_start3A_39, %dma_start3A_40, %dma_start3A_41] : memref<5x80x64xf32, #tpu.memory_space<vmem>> -> memref<1x80x64xf32, #tpu.memory_space<vmem>>
    %dma_start3A_43 = tpu.memref_squeeze %dma_start3A_42 : memref<1x80x64xf32, #tpu.memory_space<vmem>> -> memref<80x64xf32, #tpu.memory_space<vmem>>
    %dma_start3A_44 = arith.constant 0 : i32
    %dma_start3A_45 = tpu.memref_slice %arg7[%dma_start3A_38, %dma_start3A_44] : memref<250x80xi32, #tpu.memory_space<vmem>> -> memref<1x80xi32, #tpu.memory_space<vmem>>
    %dma_start3A_46 = tpu.memref_squeeze %dma_start3A_45 : memref<1x80xi32, #tpu.memory_space<vmem>> -> memref<80xi32, #tpu.memory_space<vmem>>
    %dma_start3A_47 = arith.constant 0 : i32
    %dma_start3A_48 = arith.constant 0 : i32
    %dma_start3A_49 = tpu.memref_slice %arg2[%dma_start3A_47, %dma_start3A_48] : memref<100000x64xf32, #tpu.memory_space<hbm>> -> memref<100000x64xf32, #tpu.memory_space<hbm>>
    tpu.enqueue_indirect_dma source(%dma_start3A_49 : memref<100000x64xf32, #tpu.memory_space<hbm>>) target(%dma_start3A_43 : memref<80x64xf32, #tpu.memory_space<vmem>>) offsets(%dma_start3A_46 : memref<80xi32, #tpu.memory_space<vmem>>) semaphore(%arg14 : memref<!tpu.dma_semaphore, #tpu.memory_space<semaphore_mem>>)
    %dma_start3A_50 = arith.constant 4 : i32
    %dma_start3A_51 = arith.constant 4 : i32
    %dma_start3A_52 = arith.constant 0 : i32
    %dma_start3A_53 = arith.constant 0 : i32
    %dma_start3A_54 = tpu.memref_slice %arg9[%dma_start3A_51, %dma_start3A_52, %dma_start3A_53] : memref<5x80x64xf32, #tpu.memory_space<vmem>> -> memref<1x80x64xf32, #tpu.memory_space<vmem>>
    %dma_start3A_55 = tpu.memref_squeeze %dma_start3A_54 : memref<1x80x64xf32, #tpu.memory_space<vmem>> -> memref<80x64xf32, #tpu.memory_space<vmem>>
    %dma_start3A_56 = arith.constant 0 : i32
    %dma_start3A_57 = tpu.memref_slice %arg7[%dma_start3A_50, %dma_start3A_56] : memref<250x80xi32, #tpu.memory_space<vmem>> -> memref<1x80xi32, #tpu.memory_space<vmem>>
    %dma_start3A_58 = tpu.memref_squeeze %dma_start3A_57 : memref<1x80xi32, #tpu.memory_space<vmem>> -> memref<80xi32, #tpu.memory_space<vmem>>
    %dma_start3A_59 = arith.constant 0 : i32
    %dma_start3A_60 = arith.constant 0 : i32
    %dma_start3A_61 = tpu.memref_slice %arg2[%dma_start3A_59, %dma_start3A_60] : memref<100000x64xf32, #tpu.memory_space<hbm>> -> memref<100000x64xf32, #tpu.memory_space<hbm>>
    tpu.enqueue_indirect_dma source(%dma_start3A_61 : memref<100000x64xf32, #tpu.memory_space<hbm>>) target(%dma_start3A_55 : memref<80x64xf32, #tpu.memory_space<vmem>>) offsets(%dma_start3A_58 : memref<80xi32, #tpu.memory_space<vmem>>) semaphore(%arg15 : memref<!tpu.dma_semaphore, #tpu.memory_space<semaphore_mem>>)
    %scan3A = arith.constant 0 : i32
    %scan3A_62 = arith.constant 0 : i32
    %scan3A_63 = arith.constant 50 : i32
    %scan3A_64 = arith.addi %scan3A_62, %scan3A_63 : i32
    %scan3A_65 = arith.constant 1 : i32
    scf.for %scan3A_72 = %scan3A_62 to %scan3A_64 step %scan3A_65  : i32 {
      %mul3A_73 = arith.constant 5 : i32
      %mul3A_74 = arith.muli %scan3A_72, %mul3A_73 : i32
      %add3A = arith.constant 0 : i32
      %add3A_75 = arith.addi %mul3A_74, %add3A : i32
      %dma_wait3A = arith.constant 0 : i32
      %dma_wait3A_76 = arith.constant 0 : i32
      %dma_wait3A_77 = arith.constant 0 : i32
      %dma_wait3A_78 = tpu.memref_slice %arg9[%dma_wait3A, %dma_wait3A_76, %dma_wait3A_77] : memref<5x80x64xf32, #tpu.memory_space<vmem>> -> memref<1x80x64xf32, #tpu.memory_space<vmem>>
      %dma_wait3A_79 = tpu.memref_squeeze %dma_wait3A_78 : memref<1x80x64xf32, #tpu.memory_space<vmem>> -> memref<80x64xf32, #tpu.memory_space<vmem>>
      %dma_wait3A_80 = arith.constant 0 : i32
      %dma_wait3A_81 = tpu.memref_slice %arg7[%add3A_75, %dma_wait3A_80] : memref<250x80xi32, #tpu.memory_space<vmem>> -> memref<1x80xi32, #tpu.memory_space<vmem>>
      %dma_wait3A_82 = tpu.memref_squeeze %dma_wait3A_81 : memref<1x80xi32, #tpu.memory_space<vmem>> -> memref<80xi32, #tpu.memory_space<vmem>>
      %dma_wait3A_83 = arith.constant 0 : i32
      %dma_wait3A_84 = arith.constant 0 : i32
      %dma_wait3A_85 = tpu.memref_slice %arg2[%dma_wait3A_83, %dma_wait3A_84] : memref<100000x64xf32, #tpu.memory_space<hbm>> -> memref<100000x64xf32, #tpu.memory_space<hbm>>
      tpu.wait_indirect_dma semaphore(%arg11 : memref<!tpu.dma_semaphore, #tpu.memory_space<semaphore_mem>>) src(%dma_wait3A_85 : memref<100000x64xf32, #tpu.memory_space<hbm>>) dst(%dma_wait3A_79 : memref<80x64xf32, #tpu.memory_space<vmem>>)
      %run_scoped3A = arith.constant 0 : i32
      "tpu.region"() ({
        %run_scoped3A_182 = tpu.sem_alloc : memref<!tpu.dma_semaphore, #tpu.memory_space<semaphore_mem>>
        %dma_start3A_183 = arith.constant 0 : i32
        %dma_start3A_184 = arith.constant 0 : i32
        %dma_start3A_185 = tpu.memref_slice %arg9[%run_scoped3A, %dma_start3A_183, %dma_start3A_184] : memref<5x80x64xf32, #tpu.memory_space<vmem>> -> memref<1x80x64xf32, #tpu.memory_space<vmem>>
        %dma_start3A_186 = tpu.memref_squeeze %dma_start3A_185 : memref<1x80x64xf32, #tpu.memory_space<vmem>> -> memref<80x64xf32, #tpu.memory_space<vmem>>
        %dma_start3A_187 = arith.constant 0 : i32
        %dma_start3A_188 = tpu.memref_slice %arg8[%add3A_75, %dma_start3A_187] : memref<250x80xi32, #tpu.memory_space<vmem>> -> memref<1x80xi32, #tpu.memory_space<vmem>>
        %dma_start3A_189 = tpu.memref_squeeze %dma_start3A_188 : memref<1x80xi32, #tpu.memory_space<vmem>> -> memref<80xi32, #tpu.memory_space<vmem>>
        %dma_start3A_190 = arith.constant 0 : i32
        %dma_start3A_191 = arith.constant 0 : i32
        %dma_start3A_192 = tpu.memref_slice %arg10[%dma_start3A_190, %dma_start3A_191] : memref<10240x64xf32, #tpu.memory_space<vmem_shared>> -> memref<10240x64xf32, #tpu.memory_space<vmem_shared>>
        tpu.enqueue_indirect_dma source(%dma_start3A_186 : memref<80x64xf32, #tpu.memory_space<vmem>>) target(%dma_start3A_192 : memref<10240x64xf32, #tpu.memory_space<vmem_shared>>) offsets(%dma_start3A_189 : memref<80xi32, #tpu.memory_space<vmem>>) semaphore(%run_scoped3A_182 : memref<!tpu.dma_semaphore, #tpu.memory_space<semaphore_mem>>) {add = true}
        %dma_wait3A_193 = arith.constant 0 : i32
        %dma_wait3A_194 = arith.constant 0 : i32
        %dma_wait3A_195 = tpu.memref_slice %arg9[%run_scoped3A, %dma_wait3A_193, %dma_wait3A_194] : memref<5x80x64xf32, #tpu.memory_space<vmem>> -> memref<1x80x64xf32, #tpu.memory_space<vmem>>
        %dma_wait3A_196 = tpu.memref_squeeze %dma_wait3A_195 : memref<1x80x64xf32, #tpu.memory_space<vmem>> -> memref<80x64xf32, #tpu.memory_space<vmem>>
        %dma_wait3A_197 = arith.constant 0 : i32
        %dma_wait3A_198 = tpu.memref_slice %arg8[%add3A_75, %dma_wait3A_197] : memref<250x80xi32, #tpu.memory_space<vmem>> -> memref<1x80xi32, #tpu.memory_space<vmem>>
        %dma_wait3A_199 = tpu.memref_squeeze %dma_wait3A_198 : memref<1x80xi32, #tpu.memory_space<vmem>> -> memref<80xi32, #tpu.memory_space<vmem>>
        %dma_wait3A_200 = arith.constant 0 : i32
        %dma_wait3A_201 = arith.constant 0 : i32
        %dma_wait3A_202 = tpu.memref_slice %arg10[%dma_wait3A_200, %dma_wait3A_201] : memref<10240x64xf32, #tpu.memory_space<vmem_shared>> -> memref<10240x64xf32, #tpu.memory_space<vmem_shared>>
        tpu.wait_indirect_dma semaphore(%run_scoped3A_182 : memref<!tpu.dma_semaphore, #tpu.memory_space<semaphore_mem>>) src(%dma_wait3A_196 : memref<80x64xf32, #tpu.memory_space<vmem>>) dst(%dma_wait3A_202 : memref<10240x64xf32, #tpu.memory_space<vmem_shared>>)
        tpu.yield
      }) : () -> ()
      %add3A_86 = arith.constant 5 : i32
      %add3A_87 = arith.addi %add3A_75, %add3A_86 : i32
      %lt3A = arith.constant 250 : i32
      %lt3A_88 = arith.cmpi slt, %add3A_87, %lt3A : i32
      %convert_element_type3A = arith.extui %lt3A_88 : i1 to i32
      %cond3A = arith.constant 0 : i32
      %cond3A_89 = arith.cmpi ne, %convert_element_type3A, %cond3A : i32
      scf.if %cond3A_89 {
        %add3A_182 = arith.constant 5 : i32
        %add3A_183 = arith.addi %add3A_75, %add3A_182 : i32
        %dma_start3A_184 = arith.constant 0 : i32
        %dma_start3A_185 = arith.constant 0 : i32
        %dma_start3A_186 = arith.constant 0 : i32
        %dma_start3A_187 = tpu.memref_slice %arg9[%dma_start3A_184, %dma_start3A_185, %dma_start3A_186] : memref<5x80x64xf32, #tpu.memory_space<vmem>> -> memref<1x80x64xf32, #tpu.memory_space<vmem>>
        %dma_start3A_188 = tpu.memref_squeeze %dma_start3A_187 : memref<1x80x64xf32, #tpu.memory_space<vmem>> -> memref<80x64xf32, #tpu.memory_space<vmem>>
        %dma_start3A_189 = arith.constant 0 : i32
        %dma_start3A_190 = tpu.memref_slice %arg7[%add3A_183, %dma_start3A_189] : memref<250x80xi32, #tpu.memory_space<vmem>> -> memref<1x80xi32, #tpu.memory_space<vmem>>
        %dma_start3A_191 = tpu.memref_squeeze %dma_start3A_190 : memref<1x80xi32, #tpu.memory_space<vmem>> -> memref<80xi32, #tpu.memory_space<vmem>>
        %dma_start3A_192 = arith.constant 0 : i32
        %dma_start3A_193 = arith.constant 0 : i32
        %dma_start3A_194 = tpu.memref_slice %arg2[%dma_start3A_192, %dma_start3A_193] : memref<100000x64xf32, #tpu.memory_space<hbm>> -> memref<100000x64xf32, #tpu.memory_space<hbm>>
        tpu.enqueue_indirect_dma source(%dma_start3A_194 : memref<100000x64xf32, #tpu.memory_space<hbm>>) target(%dma_start3A_188 : memref<80x64xf32, #tpu.memory_space<vmem>>) offsets(%dma_start3A_191 : memref<80xi32, #tpu.memory_space<vmem>>) semaphore(%arg11 : memref<!tpu.dma_semaphore, #tpu.memory_space<semaphore_mem>>)
      } else {
      }
      %mul3A_90 = arith.constant 5 : i32
      %mul3A_91 = arith.muli %scan3A_72, %mul3A_90 : i32
      %add3A_92 = arith.constant 1 : i32
      %add3A_93 = arith.addi %mul3A_91, %add3A_92 : i32
      %dma_wait3A_94 = arith.constant 1 : i32
      %dma_wait3A_95 = arith.constant 0 : i32
      %dma_wait3A_96 = arith.constant 0 : i32
      %dma_wait3A_97 = tpu.memref_slice %arg9[%dma_wait3A_94, %dma_wait3A_95, %dma_wait3A_96] : memref<5x80x64xf32, #tpu.memory_space<vmem>> -> memref<1x80x64xf32, #tpu.memory_space<vmem>>
      %dma_wait3A_98 = tpu.memref_squeeze %dma_wait3A_97 : memref<1x80x64xf32, #tpu.memory_space<vmem>> -> memref<80x64xf32, #tpu.memory_space<vmem>>
      %dma_wait3A_99 = arith.constant 0 : i32
      %dma_wait3A_100 = tpu.memref_slice %arg7[%add3A_93, %dma_wait3A_99] : memref<250x80xi32, #tpu.memory_space<vmem>> -> memref<1x80xi32, #tpu.memory_space<vmem>>
      %dma_wait3A_101 = tpu.memref_squeeze %dma_wait3A_100 : memref<1x80xi32, #tpu.memory_space<vmem>> -> memref<80xi32, #tpu.memory_space<vmem>>
      %dma_wait3A_102 = arith.constant 0 : i32
      %dma_wait3A_103 = arith.constant 0 : i32
      %dma_wait3A_104 = tpu.memref_slice %arg2[%dma_wait3A_102, %dma_wait3A_103] : memref<100000x64xf32, #tpu.memory_space<hbm>> -> memref<100000x64xf32, #tpu.memory_space<hbm>>
      tpu.wait_indirect_dma semaphore(%arg12 : memref<!tpu.dma_semaphore, #tpu.memory_space<semaphore_mem>>) src(%dma_wait3A_104 : memref<100000x64xf32, #tpu.memory_space<hbm>>) dst(%dma_wait3A_98 : memref<80x64xf32, #tpu.memory_space<vmem>>)
      %run_scoped3A_105 = arith.constant 1 : i32
      "tpu.region"() ({
        %run_scoped3A_182 = tpu.sem_alloc : memref<!tpu.dma_semaphore, #tpu.memory_space<semaphore_mem>>
        %dma_start3A_183 = arith.constant 0 : i32
        %dma_start3A_184 = arith.constant 0 : i32
        %dma_start3A_185 = tpu.memref_slice %arg9[%run_scoped3A_105, %dma_start3A_183, %dma_start3A_184] : memref<5x80x64xf32, #tpu.memory_space<vmem>> -> memref<1x80x64xf32, #tpu.memory_space<vmem>>
        %dma_start3A_186 = tpu.memref_squeeze %dma_start3A_185 : memref<1x80x64xf32, #tpu.memory_space<vmem>> -> memref<80x64xf32, #tpu.memory_space<vmem>>
        %dma_start3A_187 = arith.constant 0 : i32
        %dma_start3A_188 = tpu.memref_slice %arg8[%add3A_93, %dma_start3A_187] : memref<250x80xi32, #tpu.memory_space<vmem>> -> memref<1x80xi32, #tpu.memory_space<vmem>>
        %dma_start3A_189 = tpu.memref_squeeze %dma_start3A_188 : memref<1x80xi32, #tpu.memory_space<vmem>> -> memref<80xi32, #tpu.memory_space<vmem>>
        %dma_start3A_190 = arith.constant 0 : i32
        %dma_start3A_191 = arith.constant 0 : i32
        %dma_start3A_192 = tpu.memref_slice %arg10[%dma_start3A_190, %dma_start3A_191] : memref<10240x64xf32, #tpu.memory_space<vmem_shared>> -> memref<10240x64xf32, #tpu.memory_space<vmem_shared>>
        tpu.enqueue_indirect_dma source(%dma_start3A_186 : memref<80x64xf32, #tpu.memory_space<vmem>>) target(%dma_start3A_192 : memref<10240x64xf32, #tpu.memory_space<vmem_shared>>) offsets(%dma_start3A_189 : memref<80xi32, #tpu.memory_space<vmem>>) semaphore(%run_scoped3A_182 : memref<!tpu.dma_semaphore, #tpu.memory_space<semaphore_mem>>) {add = true}
        %dma_wait3A_193 = arith.constant 0 : i32
        %dma_wait3A_194 = arith.constant 0 : i32
        %dma_wait3A_195 = tpu.memref_slice %arg9[%run_scoped3A_105, %dma_wait3A_193, %dma_wait3A_194] : memref<5x80x64xf32, #tpu.memory_space<vmem>> -> memref<1x80x64xf32, #tpu.memory_space<vmem>>
        %dma_wait3A_196 = tpu.memref_squeeze %dma_wait3A_195 : memref<1x80x64xf32, #tpu.memory_space<vmem>> -> memref<80x64xf32, #tpu.memory_space<vmem>>
        %dma_wait3A_197 = arith.constant 0 : i32
        %dma_wait3A_198 = tpu.memref_slice %arg8[%add3A_93, %dma_wait3A_197] : memref<250x80xi32, #tpu.memory_space<vmem>> -> memref<1x80xi32, #tpu.memory_space<vmem>>
        %dma_wait3A_199 = tpu.memref_squeeze %dma_wait3A_198 : memref<1x80xi32, #tpu.memory_space<vmem>> -> memref<80xi32, #tpu.memory_space<vmem>>
        %dma_wait3A_200 = arith.constant 0 : i32
        %dma_wait3A_201 = arith.constant 0 : i32
        %dma_wait3A_202 = tpu.memref_slice %arg10[%dma_wait3A_200, %dma_wait3A_201] : memref<10240x64xf32, #tpu.memory_space<vmem_shared>> -> memref<10240x64xf32, #tpu.memory_space<vmem_shared>>
        tpu.wait_indirect_dma semaphore(%run_scoped3A_182 : memref<!tpu.dma_semaphore, #tpu.memory_space<semaphore_mem>>) src(%dma_wait3A_196 : memref<80x64xf32, #tpu.memory_space<vmem>>) dst(%dma_wait3A_202 : memref<10240x64xf32, #tpu.memory_space<vmem_shared>>)
        tpu.yield
      }) : () -> ()
      %add3A_106 = arith.constant 5 : i32
      %add3A_107 = arith.addi %add3A_93, %add3A_106 : i32
      %lt3A_108 = arith.constant 250 : i32
      %lt3A_109 = arith.cmpi slt, %add3A_107, %lt3A_108 : i32
      %convert_element_type3A_110 = arith.extui %lt3A_109 : i1 to i32
      %cond3A_111 = arith.constant 0 : i32
      %cond3A_112 = arith.cmpi ne, %convert_element_type3A_110, %cond3A_111 : i32
      scf.if %cond3A_112 {
        %add3A_182 = arith.constant 5 : i32
        %add3A_183 = arith.addi %add3A_93, %add3A_182 : i32
        %dma_start3A_184 = arith.constant 1 : i32
        %dma_start3A_185 = arith.constant 0 : i32
        %dma_start3A_186 = arith.constant 0 : i32
        %dma_start3A_187 = tpu.memref_slice %arg9[%dma_start3A_184, %dma_start3A_185, %dma_start3A_186] : memref<5x80x64xf32, #tpu.memory_space<vmem>> -> memref<1x80x64xf32, #tpu.memory_space<vmem>>
        %dma_start3A_188 = tpu.memref_squeeze %dma_start3A_187 : memref<1x80x64xf32, #tpu.memory_space<vmem>> -> memref<80x64xf32, #tpu.memory_space<vmem>>
        %dma_start3A_189 = arith.constant 0 : i32
        %dma_start3A_190 = tpu.memref_slice %arg7[%add3A_183, %dma_start3A_189] : memref<250x80xi32, #tpu.memory_space<vmem>> -> memref<1x80xi32, #tpu.memory_space<vmem>>
        %dma_start3A_191 = tpu.memref_squeeze %dma_start3A_190 : memref<1x80xi32, #tpu.memory_space<vmem>> -> memref<80xi32, #tpu.memory_space<vmem>>
        %dma_start3A_192 = arith.constant 0 : i32
        %dma_start3A_193 = arith.constant 0 : i32
        %dma_start3A_194 = tpu.memref_slice %arg2[%dma_start3A_192, %dma_start3A_193] : memref<100000x64xf32, #tpu.memory_space<hbm>> -> memref<100000x64xf32, #tpu.memory_space<hbm>>
        tpu.enqueue_indirect_dma source(%dma_start3A_194 : memref<100000x64xf32, #tpu.memory_space<hbm>>) target(%dma_start3A_188 : memref<80x64xf32, #tpu.memory_space<vmem>>) offsets(%dma_start3A_191 : memref<80xi32, #tpu.memory_space<vmem>>) semaphore(%arg12 : memref<!tpu.dma_semaphore, #tpu.memory_space<semaphore_mem>>)
      } else {
      }
      %mul3A_113 = arith.constant 5 : i32
      %mul3A_114 = arith.muli %scan3A_72, %mul3A_113 : i32
      %add3A_115 = arith.constant 2 : i32
      %add3A_116 = arith.addi %mul3A_114, %add3A_115 : i32
      %dma_wait3A_117 = arith.constant 2 : i32
      %dma_wait3A_118 = arith.constant 0 : i32
      %dma_wait3A_119 = arith.constant 0 : i32
      %dma_wait3A_120 = tpu.memref_slice %arg9[%dma_wait3A_117, %dma_wait3A_118, %dma_wait3A_119] : memref<5x80x64xf32, #tpu.memory_space<vmem>> -> memref<1x80x64xf32, #tpu.memory_space<vmem>>
      %dma_wait3A_121 = tpu.memref_squeeze %dma_wait3A_120 : memref<1x80x64xf32, #tpu.memory_space<vmem>> -> memref<80x64xf32, #tpu.memory_space<vmem>>
      %dma_wait3A_122 = arith.constant 0 : i32
      %dma_wait3A_123 = tpu.memref_slice %arg7[%add3A_116, %dma_wait3A_122] : memref<250x80xi32, #tpu.memory_space<vmem>> -> memref<1x80xi32, #tpu.memory_space<vmem>>
      %dma_wait3A_124 = tpu.memref_squeeze %dma_wait3A_123 : memref<1x80xi32, #tpu.memory_space<vmem>> -> memref<80xi32, #tpu.memory_space<vmem>>
      %dma_wait3A_125 = arith.constant 0 : i32
      %dma_wait3A_126 = arith.constant 0 : i32
      %dma_wait3A_127 = tpu.memref_slice %arg2[%dma_wait3A_125, %dma_wait3A_126] : memref<100000x64xf32, #tpu.memory_space<hbm>> -> memref<100000x64xf32, #tpu.memory_space<hbm>>
      tpu.wait_indirect_dma semaphore(%arg13 : memref<!tpu.dma_semaphore, #tpu.memory_space<semaphore_mem>>) src(%dma_wait3A_127 : memref<100000x64xf32, #tpu.memory_space<hbm>>) dst(%dma_wait3A_121 : memref<80x64xf32, #tpu.memory_space<vmem>>)
      %run_scoped3A_128 = arith.constant 2 : i32
      "tpu.region"() ({
        %run_scoped3A_182 = tpu.sem_alloc : memref<!tpu.dma_semaphore, #tpu.memory_space<semaphore_mem>>
        %dma_start3A_183 = arith.constant 0 : i32
        %dma_start3A_184 = arith.constant 0 : i32
        %dma_start3A_185 = tpu.memref_slice %arg9[%run_scoped3A_128, %dma_start3A_183, %dma_start3A_184] : memref<5x80x64xf32, #tpu.memory_space<vmem>> -> memref<1x80x64xf32, #tpu.memory_space<vmem>>
        %dma_start3A_186 = tpu.memref_squeeze %dma_start3A_185 : memref<1x80x64xf32, #tpu.memory_space<vmem>> -> memref<80x64xf32, #tpu.memory_space<vmem>>
        %dma_start3A_187 = arith.constant 0 : i32
        %dma_start3A_188 = tpu.memref_slice %arg8[%add3A_116, %dma_start3A_187] : memref<250x80xi32, #tpu.memory_space<vmem>> -> memref<1x80xi32, #tpu.memory_space<vmem>>
        %dma_start3A_189 = tpu.memref_squeeze %dma_start3A_188 : memref<1x80xi32, #tpu.memory_space<vmem>> -> memref<80xi32, #tpu.memory_space<vmem>>
        %dma_start3A_190 = arith.constant 0 : i32
        %dma_start3A_191 = arith.constant 0 : i32
        %dma_start3A_192 = tpu.memref_slice %arg10[%dma_start3A_190, %dma_start3A_191] : memref<10240x64xf32, #tpu.memory_space<vmem_shared>> -> memref<10240x64xf32, #tpu.memory_space<vmem_shared>>
        tpu.enqueue_indirect_dma source(%dma_start3A_186 : memref<80x64xf32, #tpu.memory_space<vmem>>) target(%dma_start3A_192 : memref<10240x64xf32, #tpu.memory_space<vmem_shared>>) offsets(%dma_start3A_189 : memref<80xi32, #tpu.memory_space<vmem>>) semaphore(%run_scoped3A_182 : memref<!tpu.dma_semaphore, #tpu.memory_space<semaphore_mem>>) {add = true}
        %dma_wait3A_193 = arith.constant 0 : i32
        %dma_wait3A_194 = arith.constant 0 : i32
        %dma_wait3A_195 = tpu.memref_slice %arg9[%run_scoped3A_128, %dma_wait3A_193, %dma_wait3A_194] : memref<5x80x64xf32, #tpu.memory_space<vmem>> -> memref<1x80x64xf32, #tpu.memory_space<vmem>>
        %dma_wait3A_196 = tpu.memref_squeeze %dma_wait3A_195 : memref<1x80x64xf32, #tpu.memory_space<vmem>> -> memref<80x64xf32, #tpu.memory_space<vmem>>
        %dma_wait3A_197 = arith.constant 0 : i32
        %dma_wait3A_198 = tpu.memref_slice %arg8[%add3A_116, %dma_wait3A_197] : memref<250x80xi32, #tpu.memory_space<vmem>> -> memref<1x80xi32, #tpu.memory_space<vmem>>
        %dma_wait3A_199 = tpu.memref_squeeze %dma_wait3A_198 : memref<1x80xi32, #tpu.memory_space<vmem>> -> memref<80xi32, #tpu.memory_space<vmem>>
        %dma_wait3A_200 = arith.constant 0 : i32
        %dma_wait3A_201 = arith.constant 0 : i32
        %dma_wait3A_202 = tpu.memref_slice %arg10[%dma_wait3A_200, %dma_wait3A_201] : memref<10240x64xf32, #tpu.memory_space<vmem_shared>> -> memref<10240x64xf32, #tpu.memory_space<vmem_shared>>
        tpu.wait_indirect_dma semaphore(%run_scoped3A_182 : memref<!tpu.dma_semaphore, #tpu.memory_space<semaphore_mem>>) src(%dma_wait3A_196 : memref<80x64xf32, #tpu.memory_space<vmem>>) dst(%dma_wait3A_202 : memref<10240x64xf32, #tpu.memory_space<vmem_shared>>)
        tpu.yield
      }) : () -> ()
      %add3A_129 = arith.constant 5 : i32
      %add3A_130 = arith.addi %add3A_116, %add3A_129 : i32
      %lt3A_131 = arith.constant 250 : i32
      %lt3A_132 = arith.cmpi slt, %add3A_130, %lt3A_131 : i32
      %convert_element_type3A_133 = arith.extui %lt3A_132 : i1 to i32
      %cond3A_134 = arith.constant 0 : i32
      %cond3A_135 = arith.cmpi ne, %convert_element_type3A_133, %cond3A_134 : i32
      scf.if %cond3A_135 {
        %add3A_182 = arith.constant 5 : i32
        %add3A_183 = arith.addi %add3A_116, %add3A_182 : i32
        %dma_start3A_184 = arith.constant 2 : i32
        %dma_start3A_185 = arith.constant 0 : i32
        %dma_start3A_186 = arith.constant 0 : i32
        %dma_start3A_187 = tpu.memref_slice %arg9[%dma_start3A_184, %dma_start3A_185, %dma_start3A_186] : memref<5x80x64xf32, #tpu.memory_space<vmem>> -> memref<1x80x64xf32, #tpu.memory_space<vmem>>
        %dma_start3A_188 = tpu.memref_squeeze %dma_start3A_187 : memref<1x80x64xf32, #tpu.memory_space<vmem>> -> memref<80x64xf32, #tpu.memory_space<vmem>>
        %dma_start3A_189 = arith.constant 0 : i32
        %dma_start3A_190 = tpu.memref_slice %arg7[%add3A_183, %dma_start3A_189] : memref<250x80xi32, #tpu.memory_space<vmem>> -> memref<1x80xi32, #tpu.memory_space<vmem>>
        %dma_start3A_191 = tpu.memref_squeeze %dma_start3A_190 : memref<1x80xi32, #tpu.memory_space<vmem>> -> memref<80xi32, #tpu.memory_space<vmem>>
        %dma_start3A_192 = arith.constant 0 : i32
        %dma_start3A_193 = arith.constant 0 : i32
        %dma_start3A_194 = tpu.memref_slice %arg2[%dma_start3A_192, %dma_start3A_193] : memref<100000x64xf32, #tpu.memory_space<hbm>> -> memref<100000x64xf32, #tpu.memory_space<hbm>>
        tpu.enqueue_indirect_dma source(%dma_start3A_194 : memref<100000x64xf32, #tpu.memory_space<hbm>>) target(%dma_start3A_188 : memref<80x64xf32, #tpu.memory_space<vmem>>) offsets(%dma_start3A_191 : memref<80xi32, #tpu.memory_space<vmem>>) semaphore(%arg13 : memref<!tpu.dma_semaphore, #tpu.memory_space<semaphore_mem>>)
      } else {
      }
      %mul3A_136 = arith.constant 5 : i32
      %mul3A_137 = arith.muli %scan3A_72, %mul3A_136 : i32
      %add3A_138 = arith.constant 3 : i32
      %add3A_139 = arith.addi %mul3A_137, %add3A_138 : i32
      %dma_wait3A_140 = arith.constant 3 : i32
      %dma_wait3A_141 = arith.constant 0 : i32
      %dma_wait3A_142 = arith.constant 0 : i32
      %dma_wait3A_143 = tpu.memref_slice %arg9[%dma_wait3A_140, %dma_wait3A_141, %dma_wait3A_142] : memref<5x80x64xf32, #tpu.memory_space<vmem>> -> memref<1x80x64xf32, #tpu.memory_space<vmem>>
      %dma_wait3A_144 = tpu.memref_squeeze %dma_wait3A_143 : memref<1x80x64xf32, #tpu.memory_space<vmem>> -> memref<80x64xf32, #tpu.memory_space<vmem>>
      %dma_wait3A_145 = arith.constant 0 : i32
      %dma_wait3A_146 = tpu.memref_slice %arg7[%add3A_139, %dma_wait3A_145] : memref<250x80xi32, #tpu.memory_space<vmem>> -> memref<1x80xi32, #tpu.memory_space<vmem>>
      %dma_wait3A_147 = tpu.memref_squeeze %dma_wait3A_146 : memref<1x80xi32, #tpu.memory_space<vmem>> -> memref<80xi32, #tpu.memory_space<vmem>>
      %dma_wait3A_148 = arith.constant 0 : i32
      %dma_wait3A_149 = arith.constant 0 : i32
      %dma_wait3A_150 = tpu.memref_slice %arg2[%dma_wait3A_148, %dma_wait3A_149] : memref<100000x64xf32, #tpu.memory_space<hbm>> -> memref<100000x64xf32, #tpu.memory_space<hbm>>
      tpu.wait_indirect_dma semaphore(%arg14 : memref<!tpu.dma_semaphore, #tpu.memory_space<semaphore_mem>>) src(%dma_wait3A_150 : memref<100000x64xf32, #tpu.memory_space<hbm>>) dst(%dma_wait3A_144 : memref<80x64xf32, #tpu.memory_space<vmem>>)
      %run_scoped3A_151 = arith.constant 3 : i32
      "tpu.region"() ({
        %run_scoped3A_182 = tpu.sem_alloc : memref<!tpu.dma_semaphore, #tpu.memory_space<semaphore_mem>>
        %dma_start3A_183 = arith.constant 0 : i32
        %dma_start3A_184 = arith.constant 0 : i32
        %dma_start3A_185 = tpu.memref_slice %arg9[%run_scoped3A_151, %dma_start3A_183, %dma_start3A_184] : memref<5x80x64xf32, #tpu.memory_space<vmem>> -> memref<1x80x64xf32, #tpu.memory_space<vmem>>
        %dma_start3A_186 = tpu.memref_squeeze %dma_start3A_185 : memref<1x80x64xf32, #tpu.memory_space<vmem>> -> memref<80x64xf32, #tpu.memory_space<vmem>>
        %dma_start3A_187 = arith.constant 0 : i32
        %dma_start3A_188 = tpu.memref_slice %arg8[%add3A_139, %dma_start3A_187] : memref<250x80xi32, #tpu.memory_space<vmem>> -> memref<1x80xi32, #tpu.memory_space<vmem>>
        %dma_start3A_189 = tpu.memref_squeeze %dma_start3A_188 : memref<1x80xi32, #tpu.memory_space<vmem>> -> memref<80xi32, #tpu.memory_space<vmem>>
        %dma_start3A_190 = arith.constant 0 : i32
        %dma_start3A_191 = arith.constant 0 : i32
        %dma_start3A_192 = tpu.memref_slice %arg10[%dma_start3A_190, %dma_start3A_191] : memref<10240x64xf32, #tpu.memory_space<vmem_shared>> -> memref<10240x64xf32, #tpu.memory_space<vmem_shared>>
        tpu.enqueue_indirect_dma source(%dma_start3A_186 : memref<80x64xf32, #tpu.memory_space<vmem>>) target(%dma_start3A_192 : memref<10240x64xf32, #tpu.memory_space<vmem_shared>>) offsets(%dma_start3A_189 : memref<80xi32, #tpu.memory_space<vmem>>) semaphore(%run_scoped3A_182 : memref<!tpu.dma_semaphore, #tpu.memory_space<semaphore_mem>>) {add = true}
        %dma_wait3A_193 = arith.constant 0 : i32
        %dma_wait3A_194 = arith.constant 0 : i32
        %dma_wait3A_195 = tpu.memref_slice %arg9[%run_scoped3A_151, %dma_wait3A_193, %dma_wait3A_194] : memref<5x80x64xf32, #tpu.memory_space<vmem>> -> memref<1x80x64xf32, #tpu.memory_space<vmem>>
        %dma_wait3A_196 = tpu.memref_squeeze %dma_wait3A_195 : memref<1x80x64xf32, #tpu.memory_space<vmem>> -> memref<80x64xf32, #tpu.memory_space<vmem>>
        %dma_wait3A_197 = arith.constant 0 : i32
        %dma_wait3A_198 = tpu.memref_slice %arg8[%add3A_139, %dma_wait3A_197] : memref<250x80xi32, #tpu.memory_space<vmem>> -> memref<1x80xi32, #tpu.memory_space<vmem>>
        %dma_wait3A_199 = tpu.memref_squeeze %dma_wait3A_198 : memref<1x80xi32, #tpu.memory_space<vmem>> -> memref<80xi32, #tpu.memory_space<vmem>>
        %dma_wait3A_200 = arith.constant 0 : i32
        %dma_wait3A_201 = arith.constant 0 : i32
        %dma_wait3A_202 = tpu.memref_slice %arg10[%dma_wait3A_200, %dma_wait3A_201] : memref<10240x64xf32, #tpu.memory_space<vmem_shared>> -> memref<10240x64xf32, #tpu.memory_space<vmem_shared>>
        tpu.wait_indirect_dma semaphore(%run_scoped3A_182 : memref<!tpu.dma_semaphore, #tpu.memory_space<semaphore_mem>>) src(%dma_wait3A_196 : memref<80x64xf32, #tpu.memory_space<vmem>>) dst(%dma_wait3A_202 : memref<10240x64xf32, #tpu.memory_space<vmem_shared>>)
        tpu.yield
      }) : () -> ()
      %add3A_152 = arith.constant 5 : i32
      %add3A_153 = arith.addi %add3A_139, %add3A_152 : i32
      %lt3A_154 = arith.constant 250 : i32
      %lt3A_155 = arith.cmpi slt, %add3A_153, %lt3A_154 : i32
      %convert_element_type3A_156 = arith.extui %lt3A_155 : i1 to i32
      %cond3A_157 = arith.constant 0 : i32
      %cond3A_158 = arith.cmpi ne, %convert_element_type3A_156, %cond3A_157 : i32
      scf.if %cond3A_158 {
        %add3A_182 = arith.constant 5 : i32
        %add3A_183 = arith.addi %add3A_139, %add3A_182 : i32
        %dma_start3A_184 = arith.constant 3 : i32
        %dma_start3A_185 = arith.constant 0 : i32
        %dma_start3A_186 = arith.constant 0 : i32
        %dma_start3A_187 = tpu.memref_slice %arg9[%dma_start3A_184, %dma_start3A_185, %dma_start3A_186] : memref<5x80x64xf32, #tpu.memory_space<vmem>> -> memref<1x80x64xf32, #tpu.memory_space<vmem>>
        %dma_start3A_188 = tpu.memref_squeeze %dma_start3A_187 : memref<1x80x64xf32, #tpu.memory_space<vmem>> -> memref<80x64xf32, #tpu.memory_space<vmem>>
        %dma_start3A_189 = arith.constant 0 : i32
        %dma_start3A_190 = tpu.memref_slice %arg7[%add3A_183, %dma_start3A_189] : memref<250x80xi32, #tpu.memory_space<vmem>> -> memref<1x80xi32, #tpu.memory_space<vmem>>
        %dma_start3A_191 = tpu.memref_squeeze %dma_start3A_190 : memref<1x80xi32, #tpu.memory_space<vmem>> -> memref<80xi32, #tpu.memory_space<vmem>>
        %dma_start3A_192 = arith.constant 0 : i32
        %dma_start3A_193 = arith.constant 0 : i32
        %dma_start3A_194 = tpu.memref_slice %arg2[%dma_start3A_192, %dma_start3A_193] : memref<100000x64xf32, #tpu.memory_space<hbm>> -> memref<100000x64xf32, #tpu.memory_space<hbm>>
        tpu.enqueue_indirect_dma source(%dma_start3A_194 : memref<100000x64xf32, #tpu.memory_space<hbm>>) target(%dma_start3A_188 : memref<80x64xf32, #tpu.memory_space<vmem>>) offsets(%dma_start3A_191 : memref<80xi32, #tpu.memory_space<vmem>>) semaphore(%arg14 : memref<!tpu.dma_semaphore, #tpu.memory_space<semaphore_mem>>)
      } else {
      }
      %mul3A_159 = arith.constant 5 : i32
      %mul3A_160 = arith.muli %scan3A_72, %mul3A_159 : i32
      %add3A_161 = arith.constant 4 : i32
      %add3A_162 = arith.addi %mul3A_160, %add3A_161 : i32
      %dma_wait3A_163 = arith.constant 4 : i32
      %dma_wait3A_164 = arith.constant 0 : i32
      %dma_wait3A_165 = arith.constant 0 : i32
      %dma_wait3A_166 = tpu.memref_slice %arg9[%dma_wait3A_163, %dma_wait3A_164, %dma_wait3A_165] : memref<5x80x64xf32, #tpu.memory_space<vmem>> -> memref<1x80x64xf32, #tpu.memory_space<vmem>>
      %dma_wait3A_167 = tpu.memref_squeeze %dma_wait3A_166 : memref<1x80x64xf32, #tpu.memory_space<vmem>> -> memref<80x64xf32, #tpu.memory_space<vmem>>
      %dma_wait3A_168 = arith.constant 0 : i32
      %dma_wait3A_169 = tpu.memref_slice %arg7[%add3A_162, %dma_wait3A_168] : memref<250x80xi32, #tpu.memory_space<vmem>> -> memref<1x80xi32, #tpu.memory_space<vmem>>
      %dma_wait3A_170 = tpu.memref_squeeze %dma_wait3A_169 : memref<1x80xi32, #tpu.memory_space<vmem>> -> memref<80xi32, #tpu.memory_space<vmem>>
      %dma_wait3A_171 = arith.constant 0 : i32
      %dma_wait3A_172 = arith.constant 0 : i32
      %dma_wait3A_173 = tpu.memref_slice %arg2[%dma_wait3A_171, %dma_wait3A_172] : memref<100000x64xf32, #tpu.memory_space<hbm>> -> memref<100000x64xf32, #tpu.memory_space<hbm>>
      tpu.wait_indirect_dma semaphore(%arg15 : memref<!tpu.dma_semaphore, #tpu.memory_space<semaphore_mem>>) src(%dma_wait3A_173 : memref<100000x64xf32, #tpu.memory_space<hbm>>) dst(%dma_wait3A_167 : memref<80x64xf32, #tpu.memory_space<vmem>>)
      %run_scoped3A_174 = arith.constant 4 : i32
      "tpu.region"() ({
        %run_scoped3A_182 = tpu.sem_alloc : memref<!tpu.dma_semaphore, #tpu.memory_space<semaphore_mem>>
        %dma_start3A_183 = arith.constant 0 : i32
        %dma_start3A_184 = arith.constant 0 : i32
        %dma_start3A_185 = tpu.memref_slice %arg9[%run_scoped3A_174, %dma_start3A_183, %dma_start3A_184] : memref<5x80x64xf32, #tpu.memory_space<vmem>> -> memref<1x80x64xf32, #tpu.memory_space<vmem>>
        %dma_start3A_186 = tpu.memref_squeeze %dma_start3A_185 : memref<1x80x64xf32, #tpu.memory_space<vmem>> -> memref<80x64xf32, #tpu.memory_space<vmem>>
        %dma_start3A_187 = arith.constant 0 : i32
        %dma_start3A_188 = tpu.memref_slice %arg8[%add3A_162, %dma_start3A_187] : memref<250x80xi32, #tpu.memory_space<vmem>> -> memref<1x80xi32, #tpu.memory_space<vmem>>
        %dma_start3A_189 = tpu.memref_squeeze %dma_start3A_188 : memref<1x80xi32, #tpu.memory_space<vmem>> -> memref<80xi32, #tpu.memory_space<vmem>>
        %dma_start3A_190 = arith.constant 0 : i32
        %dma_start3A_191 = arith.constant 0 : i32
        %dma_start3A_192 = tpu.memref_slice %arg10[%dma_start3A_190, %dma_start3A_191] : memref<10240x64xf32, #tpu.memory_space<vmem_shared>> -> memref<10240x64xf32, #tpu.memory_space<vmem_shared>>
        tpu.enqueue_indirect_dma source(%dma_start3A_186 : memref<80x64xf32, #tpu.memory_space<vmem>>) target(%dma_start3A_192 : memref<10240x64xf32, #tpu.memory_space<vmem_shared>>) offsets(%dma_start3A_189 : memref<80xi32, #tpu.memory_space<vmem>>) semaphore(%run_scoped3A_182 : memref<!tpu.dma_semaphore, #tpu.memory_space<semaphore_mem>>) {add = true}
        %dma_wait3A_193 = arith.constant 0 : i32
        %dma_wait3A_194 = arith.constant 0 : i32
        %dma_wait3A_195 = tpu.memref_slice %arg9[%run_scoped3A_174, %dma_wait3A_193, %dma_wait3A_194] : memref<5x80x64xf32, #tpu.memory_space<vmem>> -> memref<1x80x64xf32, #tpu.memory_space<vmem>>
        %dma_wait3A_196 = tpu.memref_squeeze %dma_wait3A_195 : memref<1x80x64xf32, #tpu.memory_space<vmem>> -> memref<80x64xf32, #tpu.memory_space<vmem>>
        %dma_wait3A_197 = arith.constant 0 : i32
        %dma_wait3A_198 = tpu.memref_slice %arg8[%add3A_162, %dma_wait3A_197] : memref<250x80xi32, #tpu.memory_space<vmem>> -> memref<1x80xi32, #tpu.memory_space<vmem>>
        %dma_wait3A_199 = tpu.memref_squeeze %dma_wait3A_198 : memref<1x80xi32, #tpu.memory_space<vmem>> -> memref<80xi32, #tpu.memory_space<vmem>>
        %dma_wait3A_200 = arith.constant 0 : i32
        %dma_wait3A_201 = arith.constant 0 : i32
        %dma_wait3A_202 = tpu.memref_slice %arg10[%dma_wait3A_200, %dma_wait3A_201] : memref<10240x64xf32, #tpu.memory_space<vmem_shared>> -> memref<10240x64xf32, #tpu.memory_space<vmem_shared>>
        tpu.wait_indirect_dma semaphore(%run_scoped3A_182 : memref<!tpu.dma_semaphore, #tpu.memory_space<semaphore_mem>>) src(%dma_wait3A_196 : memref<80x64xf32, #tpu.memory_space<vmem>>) dst(%dma_wait3A_202 : memref<10240x64xf32, #tpu.memory_space<vmem_shared>>)
        tpu.yield
      }) : () -> ()
      %add3A_175 = arith.constant 5 : i32
      %add3A_176 = arith.addi %add3A_162, %add3A_175 : i32
      %lt3A_177 = arith.constant 250 : i32
      %lt3A_178 = arith.cmpi slt, %add3A_176, %lt3A_177 : i32
      %convert_element_type3A_179 = arith.extui %lt3A_178 : i1 to i32
      %cond3A_180 = arith.constant 0 : i32
      %cond3A_181 = arith.cmpi ne, %convert_element_type3A_179, %cond3A_180 : i32
      scf.if %cond3A_181 {
        %add3A_182 = arith.constant 5 : i32
        %add3A_183 = arith.addi %add3A_162, %add3A_182 : i32
        %dma_start3A_184 = arith.constant 4 : i32
        %dma_start3A_185 = arith.constant 0 : i32
        %dma_start3A_186 = arith.constant 0 : i32
        %dma_start3A_187 = tpu.memref_slice %arg9[%dma_start3A_184, %dma_start3A_185, %dma_start3A_186] : memref<5x80x64xf32, #tpu.memory_space<vmem>> -> memref<1x80x64xf32, #tpu.memory_space<vmem>>
        %dma_start3A_188 = tpu.memref_squeeze %dma_start3A_187 : memref<1x80x64xf32, #tpu.memory_space<vmem>> -> memref<80x64xf32, #tpu.memory_space<vmem>>
        %dma_start3A_189 = arith.constant 0 : i32
        %dma_start3A_190 = tpu.memref_slice %arg7[%add3A_183, %dma_start3A_189] : memref<250x80xi32, #tpu.memory_space<vmem>> -> memref<1x80xi32, #tpu.memory_space<vmem>>
        %dma_start3A_191 = tpu.memref_squeeze %dma_start3A_190 : memref<1x80xi32, #tpu.memory_space<vmem>> -> memref<80xi32, #tpu.memory_space<vmem>>
        %dma_start3A_192 = arith.constant 0 : i32
        %dma_start3A_193 = arith.constant 0 : i32
        %dma_start3A_194 = tpu.memref_slice %arg2[%dma_start3A_192, %dma_start3A_193] : memref<100000x64xf32, #tpu.memory_space<hbm>> -> memref<100000x64xf32, #tpu.memory_space<hbm>>
        tpu.enqueue_indirect_dma source(%dma_start3A_194 : memref<100000x64xf32, #tpu.memory_space<hbm>>) target(%dma_start3A_188 : memref<80x64xf32, #tpu.memory_space<vmem>>) offsets(%dma_start3A_191 : memref<80xi32, #tpu.memory_space<vmem>>) semaphore(%arg15 : memref<!tpu.dma_semaphore, #tpu.memory_space<semaphore_mem>>)
      } else {
      }
    }
    %scan3A_66 = arith.constant 50 : i32
    %barrier3A_67 = arith.constant 0 : index
    tpu.barrier barrier_id(%barrier3A_67)
    %mul3A_68 = arith.constant 640 : i32
    %mul3A_69 = arith.muli %arg1, %mul3A_68 : i32
    %mul3A_70 = arith.constant 640 : i32
    %mul3A_71 = arith.muli %arg1, %mul3A_70 : i32
    "tpu.region"() ({
      %run_scoped3A = tpu.sem_alloc : memref<!tpu.dma_semaphore, #tpu.memory_space<semaphore_mem>>
      %dma_start3A_72 = arith.constant 0 : i32
      %dma_start3A_73 = tpu.memref_slice %arg6[%arg0, %mul3A_71, %dma_start3A_72] : memref<2x10240x64xf32, #tpu.memory_space<hbm>> -> memref<1x640x64xf32, #tpu.memory_space<hbm>>
      %dma_start3A_74 = tpu.memref_squeeze %dma_start3A_73 : memref<1x640x64xf32, #tpu.memory_space<hbm>> -> memref<640x64xf32, #tpu.memory_space<hbm>>
      %dma_start3A_75 = arith.constant 0 : i32
      %dma_start3A_76 = tpu.memref_slice %arg10[%mul3A_69, %dma_start3A_75] : memref<10240x64xf32, #tpu.memory_space<vmem_shared>> -> memref<640x64xf32, #tpu.memory_space<vmem_shared>>
      tpu.enqueue_dma source(%dma_start3A_76 : memref<640x64xf32, #tpu.memory_space<vmem_shared>>) target(%dma_start3A_74 : memref<640x64xf32, #tpu.memory_space<hbm>>) target_semaphore(%run_scoped3A : memref<!tpu.dma_semaphore, #tpu.memory_space<semaphore_mem>>)
      %dma_wait3A = arith.constant 0 : i32
      %dma_wait3A_77 = tpu.memref_slice %arg6[%arg0, %mul3A_71, %dma_wait3A] : memref<2x10240x64xf32, #tpu.memory_space<hbm>> -> memref<1x640x64xf32, #tpu.memory_space<hbm>>
      %dma_wait3A_78 = tpu.memref_squeeze %dma_wait3A_77 : memref<1x640x64xf32, #tpu.memory_space<hbm>> -> memref<640x64xf32, #tpu.memory_space<hbm>>
      %dma_wait3A_79 = arith.constant 0 : i32
      %dma_wait3A_80 = tpu.memref_slice %arg10[%mul3A_69, %dma_wait3A_79] : memref<10240x64xf32, #tpu.memory_space<vmem_shared>> -> memref<640x64xf32, #tpu.memory_space<vmem_shared>>
      tpu.wait_dma2 semaphore(%run_scoped3A : memref<!tpu.dma_semaphore, #tpu.memory_space<semaphore_mem>>) src(%dma_wait3A_80 : memref<640x64xf32, #tpu.memory_space<vmem_shared>>) dst(%dma_wait3A_78 : memref<640x64xf32, #tpu.memory_space<hbm>>)
      tpu.yield
    }) : () -> ()
    return
  }
}

#map = affine_map<(d0, d1) -> (0, 0)>
#map1 = affine_map<(d0, d1) -> (0, 0, 0, 0)>
#map2 = affine_map<(d0, d1) -> (0, 0, 0)>
module attributes {stable_mosaic.version = 14 : i64} {
  func.func @_sc_scatter_body(%arg0: i32, %arg1: i32, %arg2: memref<100000x64xf32, #tpu.memory_space<hbm>>, %arg3: memref<2x16x250x80xi32, #tpu.memory_space<hbm>>, %arg4: memref<16x250x80xi32, #tpu.memory_space<hbm>>, %arg5: memref<10240x64xf32, #tpu.memory_space<hbm>>, %arg6: memref<2x10240x64xf32, #tpu.memory_space<hbm>>, %arg7: memref<250x80xi32, #tpu.memory_space<vmem>>, %arg8: memref<250x80xi32, #tpu.memory_space<vmem>>, %arg9: memref<5x80x64xf32, #tpu.memory_space<vmem>>, %arg10: memref<10240x64xf32, #tpu.memory_space<vmem_shared>>, %arg11: memref<!tpu.dma_semaphore, #tpu.memory_space<semaphore_mem>>, %arg12: memref<!tpu.dma_semaphore, #tpu.memory_space<semaphore_mem>>, %arg13: memref<!tpu.dma_semaphore, #tpu.memory_space<semaphore_mem>>, %arg14: memref<!tpu.dma_semaphore, #tpu.memory_space<semaphore_mem>>, %arg15: memref<!tpu.dma_semaphore, #tpu.memory_space<semaphore_mem>>) attributes {dimension_semantics = [#tpu.dimension_semantics<core_parallel>, #tpu.dimension_semantics<subcore_parallel>], iteration_bounds = array<i64: 2, 16>, scalar_prefetch = 0 : i64, scratch_operands = 9 : i64, tpu.core_type = #tpu.core_type<sc_vector_subcore>, window_params = [{transform_indices = #map}, {transform_indices = #map1}, {transform_indices = #map2}, {transform_indices = #map}, {transform_indices = #map2}]} {
    %mul3A = arith.constant 640 : i32
    %mul3A_0 = arith.muli %arg1, %mul3A : i32
    %mul3A_1 = arith.constant 640 : i32
    %mul3A_2 = arith.muli %arg1, %mul3A_1 : i32
    "tpu.region"() ({
      %run_scoped3A = tpu.sem_alloc : memref<!tpu.dma_semaphore, #tpu.memory_space<semaphore_mem>>
      %dma_start3A_72 = arith.constant 0 : i32
      %dma_start3A_73 = tpu.memref_slice %arg10[%mul3A_2, %dma_start3A_72] : memref<10240x64xf32, #tpu.memory_space<vmem_shared>> -> memref<640x64xf32, #tpu.memory_space<vmem_shared>>
      %dma_start3A_74 = arith.constant 0 : i32
      %dma_start3A_75 = tpu.memref_slice %arg5[%mul3A_0, %dma_start3A_74] : memref<10240x64xf32, #tpu.memory_space<hbm>> -> memref<640x64xf32, #tpu.memory_space<hbm>>
      tpu.enqueue_dma source(%dma_start3A_75 : memref<640x64xf32, #tpu.memory_space<hbm>>) target(%dma_start3A_73 : memref<640x64xf32, #tpu.memory_space<vmem_shared>>) target_semaphore(%run_scoped3A : memref<!tpu.dma_semaphore, #tpu.memory_space<semaphore_mem>>)
      %dma_wait3A = arith.constant 0 : i32
      %dma_wait3A_76 = tpu.memref_slice %arg10[%mul3A_2, %dma_wait3A] : memref<10240x64xf32, #tpu.memory_space<vmem_shared>> -> memref<640x64xf32, #tpu.memory_space<vmem_shared>>
      %dma_wait3A_77 = arith.constant 0 : i32
      %dma_wait3A_78 = tpu.memref_slice %arg5[%mul3A_0, %dma_wait3A_77] : memref<10240x64xf32, #tpu.memory_space<hbm>> -> memref<640x64xf32, #tpu.memory_space<hbm>>
      tpu.wait_dma2 semaphore(%run_scoped3A : memref<!tpu.dma_semaphore, #tpu.memory_space<semaphore_mem>>) src(%dma_wait3A_78 : memref<640x64xf32, #tpu.memory_space<hbm>>) dst(%dma_wait3A_76 : memref<640x64xf32, #tpu.memory_space<vmem_shared>>)
      tpu.yield
    }) : () -> ()
    "tpu.region"() ({
      %run_scoped3A = tpu.sem_alloc : memref<!tpu.dma_semaphore, #tpu.memory_space<semaphore_mem>>
      %dma_start3A_72 = arith.constant 0 : i32
      %dma_start3A_73 = arith.constant 0 : i32
      %dma_start3A_74 = tpu.memref_slice %arg3[%arg0, %arg1, %dma_start3A_72, %dma_start3A_73] : memref<2x16x250x80xi32, #tpu.memory_space<hbm>> -> memref<1x1x250x80xi32, #tpu.memory_space<hbm>>
      %dma_start3A_75 = tpu.memref_squeeze %dma_start3A_74 : memref<1x1x250x80xi32, #tpu.memory_space<hbm>> -> memref<250x80xi32, #tpu.memory_space<hbm>>
      %dma_start3A_76 = arith.constant 0 : i32
      %dma_start3A_77 = arith.constant 0 : i32
      %dma_start3A_78 = tpu.memref_slice %arg3[%arg0, %arg1, %dma_start3A_76, %dma_start3A_77] : memref<2x16x250x80xi32, #tpu.memory_space<hbm>> -> memref<1x1x250x80xi32, #tpu.memory_space<hbm>>
      %dma_start3A_79 = tpu.memref_squeeze %dma_start3A_78 : memref<1x1x250x80xi32, #tpu.memory_space<hbm>> -> memref<250x80xi32, #tpu.memory_space<hbm>>
      tpu.enqueue_dma source(%dma_start3A_79 : memref<250x80xi32, #tpu.memory_space<hbm>>) target(%arg7 : memref<250x80xi32, #tpu.memory_space<vmem>>) target_semaphore(%run_scoped3A : memref<!tpu.dma_semaphore, #tpu.memory_space<semaphore_mem>>)
      %dma_wait3A = arith.constant 0 : i32
      %dma_wait3A_80 = arith.constant 0 : i32
      %dma_wait3A_81 = tpu.memref_slice %arg3[%arg0, %arg1, %dma_wait3A, %dma_wait3A_80] : memref<2x16x250x80xi32, #tpu.memory_space<hbm>> -> memref<1x1x250x80xi32, #tpu.memory_space<hbm>>
      %dma_wait3A_82 = tpu.memref_squeeze %dma_wait3A_81 : memref<1x1x250x80xi32, #tpu.memory_space<hbm>> -> memref<250x80xi32, #tpu.memory_space<hbm>>
      %dma_wait3A_83 = arith.constant 0 : i32
      %dma_wait3A_84 = arith.constant 0 : i32
      %dma_wait3A_85 = tpu.memref_slice %arg3[%arg0, %arg1, %dma_wait3A_83, %dma_wait3A_84] : memref<2x16x250x80xi32, #tpu.memory_space<hbm>> -> memref<1x1x250x80xi32, #tpu.memory_space<hbm>>
      %dma_wait3A_86 = tpu.memref_squeeze %dma_wait3A_85 : memref<1x1x250x80xi32, #tpu.memory_space<hbm>> -> memref<250x80xi32, #tpu.memory_space<hbm>>
      tpu.wait_dma2 semaphore(%run_scoped3A : memref<!tpu.dma_semaphore, #tpu.memory_space<semaphore_mem>>) src(%dma_wait3A_86 : memref<250x80xi32, #tpu.memory_space<hbm>>) dst(%arg7 : memref<250x80xi32, #tpu.memory_space<vmem>>)
      tpu.yield
    }) : () -> ()
    "tpu.region"() ({
      %run_scoped3A = tpu.sem_alloc : memref<!tpu.dma_semaphore, #tpu.memory_space<semaphore_mem>>
      %dma_start3A_72 = arith.constant 0 : i32
      %dma_start3A_73 = arith.constant 0 : i32
      %dma_start3A_74 = tpu.memref_slice %arg4[%arg1, %dma_start3A_72, %dma_start3A_73] : memref<16x250x80xi32, #tpu.memory_space<hbm>> -> memref<1x250x80xi32, #tpu.memory_space<hbm>>
      %dma_start3A_75 = tpu.memref_squeeze %dma_start3A_74 : memref<1x250x80xi32, #tpu.memory_space<hbm>> -> memref<250x80xi32, #tpu.memory_space<hbm>>
      %dma_start3A_76 = arith.constant 0 : i32
      %dma_start3A_77 = arith.constant 0 : i32
      %dma_start3A_78 = tpu.memref_slice %arg4[%arg1, %dma_start3A_76, %dma_start3A_77] : memref<16x250x80xi32, #tpu.memory_space<hbm>> -> memref<1x250x80xi32, #tpu.memory_space<hbm>>
      %dma_start3A_79 = tpu.memref_squeeze %dma_start3A_78 : memref<1x250x80xi32, #tpu.memory_space<hbm>> -> memref<250x80xi32, #tpu.memory_space<hbm>>
      tpu.enqueue_dma source(%dma_start3A_79 : memref<250x80xi32, #tpu.memory_space<hbm>>) target(%arg8 : memref<250x80xi32, #tpu.memory_space<vmem>>) target_semaphore(%run_scoped3A : memref<!tpu.dma_semaphore, #tpu.memory_space<semaphore_mem>>)
      %dma_wait3A = arith.constant 0 : i32
      %dma_wait3A_80 = arith.constant 0 : i32
      %dma_wait3A_81 = tpu.memref_slice %arg4[%arg1, %dma_wait3A, %dma_wait3A_80] : memref<16x250x80xi32, #tpu.memory_space<hbm>> -> memref<1x250x80xi32, #tpu.memory_space<hbm>>
      %dma_wait3A_82 = tpu.memref_squeeze %dma_wait3A_81 : memref<1x250x80xi32, #tpu.memory_space<hbm>> -> memref<250x80xi32, #tpu.memory_space<hbm>>
      %dma_wait3A_83 = arith.constant 0 : i32
      %dma_wait3A_84 = arith.constant 0 : i32
      %dma_wait3A_85 = tpu.memref_slice %arg4[%arg1, %dma_wait3A_83, %dma_wait3A_84] : memref<16x250x80xi32, #tpu.memory_space<hbm>> -> memref<1x250x80xi32, #tpu.memory_space<hbm>>
      %dma_wait3A_86 = tpu.memref_squeeze %dma_wait3A_85 : memref<1x250x80xi32, #tpu.memory_space<hbm>> -> memref<250x80xi32, #tpu.memory_space<hbm>>
      tpu.wait_dma2 semaphore(%run_scoped3A : memref<!tpu.dma_semaphore, #tpu.memory_space<semaphore_mem>>) src(%dma_wait3A_86 : memref<250x80xi32, #tpu.memory_space<hbm>>) dst(%arg8 : memref<250x80xi32, #tpu.memory_space<vmem>>)
      tpu.yield
    }) : () -> ()
    %barrier3A = arith.constant 0 : index
    tpu.barrier barrier_id(%barrier3A)
    %dma_start3A = arith.constant 0 : i32
    %dma_start3A_3 = arith.constant 0 : i32
    %dma_start3A_4 = arith.constant 0 : i32
    %dma_start3A_5 = arith.constant 0 : i32
    %dma_start3A_6 = tpu.memref_slice %arg9[%dma_start3A_3, %dma_start3A_4, %dma_start3A_5] : memref<5x80x64xf32, #tpu.memory_space<vmem>> -> memref<1x80x64xf32, #tpu.memory_space<vmem>>
    %dma_start3A_7 = tpu.memref_squeeze %dma_start3A_6 : memref<1x80x64xf32, #tpu.memory_space<vmem>> -> memref<80x64xf32, #tpu.memory_space<vmem>>
    %dma_start3A_8 = arith.constant 0 : i32
    %dma_start3A_9 = tpu.memref_slice %arg7[%dma_start3A, %dma_start3A_8] : memref<250x80xi32, #tpu.memory_space<vmem>> -> memref<1x80xi32, #tpu.memory_space<vmem>>
    %dma_start3A_10 = tpu.memref_squeeze %dma_start3A_9 : memref<1x80xi32, #tpu.memory_space<vmem>> -> memref<80xi32, #tpu.memory_space<vmem>>
    %dma_start3A_11 = arith.constant 0 : i32
    %dma_start3A_12 = arith.constant 0 : i32
    %dma_start3A_13 = tpu.memref_slice %arg2[%dma_start3A_11, %dma_start3A_12] : memref<100000x64xf32, #tpu.memory_space<hbm>> -> memref<100000x64xf32, #tpu.memory_space<hbm>>
    tpu.enqueue_indirect_dma source(%dma_start3A_13 : memref<100000x64xf32, #tpu.memory_space<hbm>>) target(%dma_start3A_7 : memref<80x64xf32, #tpu.memory_space<vmem>>) offsets(%dma_start3A_10 : memref<80xi32, #tpu.memory_space<vmem>>) semaphore(%arg11 : memref<!tpu.dma_semaphore, #tpu.memory_space<semaphore_mem>>)
    %dma_start3A_14 = arith.constant 1 : i32
    %dma_start3A_15 = arith.constant 1 : i32
    %dma_start3A_16 = arith.constant 0 : i32
    %dma_start3A_17 = arith.constant 0 : i32
    %dma_start3A_18 = tpu.memref_slice %arg9[%dma_start3A_15, %dma_start3A_16, %dma_start3A_17] : memref<5x80x64xf32, #tpu.memory_space<vmem>> -> memref<1x80x64xf32, #tpu.memory_space<vmem>>
    %dma_start3A_19 = tpu.memref_squeeze %dma_start3A_18 : memref<1x80x64xf32, #tpu.memory_space<vmem>> -> memref<80x64xf32, #tpu.memory_space<vmem>>
    %dma_start3A_20 = arith.constant 0 : i32
    %dma_start3A_21 = tpu.memref_slice %arg7[%dma_start3A_14, %dma_start3A_20] : memref<250x80xi32, #tpu.memory_space<vmem>> -> memref<1x80xi32, #tpu.memory_space<vmem>>
    %dma_start3A_22 = tpu.memref_squeeze %dma_start3A_21 : memref<1x80xi32, #tpu.memory_space<vmem>> -> memref<80xi32, #tpu.memory_space<vmem>>
    %dma_start3A_23 = arith.constant 0 : i32
    %dma_start3A_24 = arith.constant 0 : i32
    %dma_start3A_25 = tpu.memref_slice %arg2[%dma_start3A_23, %dma_start3A_24] : memref<100000x64xf32, #tpu.memory_space<hbm>> -> memref<100000x64xf32, #tpu.memory_space<hbm>>
    tpu.enqueue_indirect_dma source(%dma_start3A_25 : memref<100000x64xf32, #tpu.memory_space<hbm>>) target(%dma_start3A_19 : memref<80x64xf32, #tpu.memory_space<vmem>>) offsets(%dma_start3A_22 : memref<80xi32, #tpu.memory_space<vmem>>) semaphore(%arg12 : memref<!tpu.dma_semaphore, #tpu.memory_space<semaphore_mem>>)
    %dma_start3A_26 = arith.constant 2 : i32
    %dma_start3A_27 = arith.constant 2 : i32
    %dma_start3A_28 = arith.constant 0 : i32
    %dma_start3A_29 = arith.constant 0 : i32
    %dma_start3A_30 = tpu.memref_slice %arg9[%dma_start3A_27, %dma_start3A_28, %dma_start3A_29] : memref<5x80x64xf32, #tpu.memory_space<vmem>> -> memref<1x80x64xf32, #tpu.memory_space<vmem>>
    %dma_start3A_31 = tpu.memref_squeeze %dma_start3A_30 : memref<1x80x64xf32, #tpu.memory_space<vmem>> -> memref<80x64xf32, #tpu.memory_space<vmem>>
    %dma_start3A_32 = arith.constant 0 : i32
    %dma_start3A_33 = tpu.memref_slice %arg7[%dma_start3A_26, %dma_start3A_32] : memref<250x80xi32, #tpu.memory_space<vmem>> -> memref<1x80xi32, #tpu.memory_space<vmem>>
    %dma_start3A_34 = tpu.memref_squeeze %dma_start3A_33 : memref<1x80xi32, #tpu.memory_space<vmem>> -> memref<80xi32, #tpu.memory_space<vmem>>
    %dma_start3A_35 = arith.constant 0 : i32
    %dma_start3A_36 = arith.constant 0 : i32
    %dma_start3A_37 = tpu.memref_slice %arg2[%dma_start3A_35, %dma_start3A_36] : memref<100000x64xf32, #tpu.memory_space<hbm>> -> memref<100000x64xf32, #tpu.memory_space<hbm>>
    tpu.enqueue_indirect_dma source(%dma_start3A_37 : memref<100000x64xf32, #tpu.memory_space<hbm>>) target(%dma_start3A_31 : memref<80x64xf32, #tpu.memory_space<vmem>>) offsets(%dma_start3A_34 : memref<80xi32, #tpu.memory_space<vmem>>) semaphore(%arg13 : memref<!tpu.dma_semaphore, #tpu.memory_space<semaphore_mem>>)
    %dma_start3A_38 = arith.constant 3 : i32
    %dma_start3A_39 = arith.constant 3 : i32
    %dma_start3A_40 = arith.constant 0 : i32
    %dma_start3A_41 = arith.constant 0 : i32
    %dma_start3A_42 = tpu.memref_slice %arg9[%dma_start3A_39, %dma_start3A_40, %dma_start3A_41] : memref<5x80x64xf32, #tpu.memory_space<vmem>> -> memref<1x80x64xf32, #tpu.memory_space<vmem>>
    %dma_start3A_43 = tpu.memref_squeeze %dma_start3A_42 : memref<1x80x64xf32, #tpu.memory_space<vmem>> -> memref<80x64xf32, #tpu.memory_space<vmem>>
    %dma_start3A_44 = arith.constant 0 : i32
    %dma_start3A_45 = tpu.memref_slice %arg7[%dma_start3A_38, %dma_start3A_44] : memref<250x80xi32, #tpu.memory_space<vmem>> -> memref<1x80xi32, #tpu.memory_space<vmem>>
    %dma_start3A_46 = tpu.memref_squeeze %dma_start3A_45 : memref<1x80xi32, #tpu.memory_space<vmem>> -> memref<80xi32, #tpu.memory_space<vmem>>
    %dma_start3A_47 = arith.constant 0 : i32
    %dma_start3A_48 = arith.constant 0 : i32
    %dma_start3A_49 = tpu.memref_slice %arg2[%dma_start3A_47, %dma_start3A_48] : memref<100000x64xf32, #tpu.memory_space<hbm>> -> memref<100000x64xf32, #tpu.memory_space<hbm>>
    tpu.enqueue_indirect_dma source(%dma_start3A_49 : memref<100000x64xf32, #tpu.memory_space<hbm>>) target(%dma_start3A_43 : memref<80x64xf32, #tpu.memory_space<vmem>>) offsets(%dma_start3A_46 : memref<80xi32, #tpu.memory_space<vmem>>) semaphore(%arg14 : memref<!tpu.dma_semaphore, #tpu.memory_space<semaphore_mem>>)
    %dma_start3A_50 = arith.constant 4 : i32
    %dma_start3A_51 = arith.constant 4 : i32
    %dma_start3A_52 = arith.constant 0 : i32
    %dma_start3A_53 = arith.constant 0 : i32
    %dma_start3A_54 = tpu.memref_slice %arg9[%dma_start3A_51, %dma_start3A_52, %dma_start3A_53] : memref<5x80x64xf32, #tpu.memory_space<vmem>> -> memref<1x80x64xf32, #tpu.memory_space<vmem>>
    %dma_start3A_55 = tpu.memref_squeeze %dma_start3A_54 : memref<1x80x64xf32, #tpu.memory_space<vmem>> -> memref<80x64xf32, #tpu.memory_space<vmem>>
    %dma_start3A_56 = arith.constant 0 : i32
    %dma_start3A_57 = tpu.memref_slice %arg7[%dma_start3A_50, %dma_start3A_56] : memref<250x80xi32, #tpu.memory_space<vmem>> -> memref<1x80xi32, #tpu.memory_space<vmem>>
    %dma_start3A_58 = tpu.memref_squeeze %dma_start3A_57 : memref<1x80xi32, #tpu.memory_space<vmem>> -> memref<80xi32, #tpu.memory_space<vmem>>
    %dma_start3A_59 = arith.constant 0 : i32
    %dma_start3A_60 = arith.constant 0 : i32
    %dma_start3A_61 = tpu.memref_slice %arg2[%dma_start3A_59, %dma_start3A_60] : memref<100000x64xf32, #tpu.memory_space<hbm>> -> memref<100000x64xf32, #tpu.memory_space<hbm>>
    tpu.enqueue_indirect_dma source(%dma_start3A_61 : memref<100000x64xf32, #tpu.memory_space<hbm>>) target(%dma_start3A_55 : memref<80x64xf32, #tpu.memory_space<vmem>>) offsets(%dma_start3A_58 : memref<80xi32, #tpu.memory_space<vmem>>) semaphore(%arg15 : memref<!tpu.dma_semaphore, #tpu.memory_space<semaphore_mem>>)
    %scan3A = arith.constant 0 : i32
    %scan3A_62 = arith.constant 0 : i32
    %scan3A_63 = arith.constant 50 : i32
    %scan3A_64 = arith.addi %scan3A_62, %scan3A_63 : i32
    %scan3A_65 = arith.constant 1 : i32
    scf.for %scan3A_72 = %scan3A_62 to %scan3A_64 step %scan3A_65  : i32 {
      %mul3A_73 = arith.constant 5 : i32
      %mul3A_74 = arith.muli %scan3A_72, %mul3A_73 : i32
      %add3A = arith.constant 0 : i32
      %add3A_75 = arith.addi %mul3A_74, %add3A : i32
      %dma_wait3A = arith.constant 0 : i32
      %dma_wait3A_76 = arith.constant 0 : i32
      %dma_wait3A_77 = arith.constant 0 : i32
      %dma_wait3A_78 = tpu.memref_slice %arg9[%dma_wait3A, %dma_wait3A_76, %dma_wait3A_77] : memref<5x80x64xf32, #tpu.memory_space<vmem>> -> memref<1x80x64xf32, #tpu.memory_space<vmem>>
      %dma_wait3A_79 = tpu.memref_squeeze %dma_wait3A_78 : memref<1x80x64xf32, #tpu.memory_space<vmem>> -> memref<80x64xf32, #tpu.memory_space<vmem>>
      %dma_wait3A_80 = arith.constant 0 : i32
      %dma_wait3A_81 = tpu.memref_slice %arg7[%add3A_75, %dma_wait3A_80] : memref<250x80xi32, #tpu.memory_space<vmem>> -> memref<1x80xi32, #tpu.memory_space<vmem>>
      %dma_wait3A_82 = tpu.memref_squeeze %dma_wait3A_81 : memref<1x80xi32, #tpu.memory_space<vmem>> -> memref<80xi32, #tpu.memory_space<vmem>>
      %dma_wait3A_83 = arith.constant 0 : i32
      %dma_wait3A_84 = arith.constant 0 : i32
      %dma_wait3A_85 = tpu.memref_slice %arg2[%dma_wait3A_83, %dma_wait3A_84] : memref<100000x64xf32, #tpu.memory_space<hbm>> -> memref<100000x64xf32, #tpu.memory_space<hbm>>
      tpu.wait_indirect_dma semaphore(%arg11 : memref<!tpu.dma_semaphore, #tpu.memory_space<semaphore_mem>>) src(%dma_wait3A_85 : memref<100000x64xf32, #tpu.memory_space<hbm>>) dst(%dma_wait3A_79 : memref<80x64xf32, #tpu.memory_space<vmem>>)
      %run_scoped3A = arith.constant 0 : i32
      "tpu.region"() ({
        %run_scoped3A_182 = tpu.sem_alloc : memref<!tpu.dma_semaphore, #tpu.memory_space<semaphore_mem>>
        %dma_start3A_183 = arith.constant 0 : i32
        %dma_start3A_184 = arith.constant 0 : i32
        %dma_start3A_185 = tpu.memref_slice %arg9[%run_scoped3A, %dma_start3A_183, %dma_start3A_184] : memref<5x80x64xf32, #tpu.memory_space<vmem>> -> memref<1x80x64xf32, #tpu.memory_space<vmem>>
        %dma_start3A_186 = tpu.memref_squeeze %dma_start3A_185 : memref<1x80x64xf32, #tpu.memory_space<vmem>> -> memref<80x64xf32, #tpu.memory_space<vmem>>
        %dma_start3A_187 = arith.constant 0 : i32
        %dma_start3A_188 = tpu.memref_slice %arg8[%add3A_75, %dma_start3A_187] : memref<250x80xi32, #tpu.memory_space<vmem>> -> memref<1x80xi32, #tpu.memory_space<vmem>>
        %dma_start3A_189 = tpu.memref_squeeze %dma_start3A_188 : memref<1x80xi32, #tpu.memory_space<vmem>> -> memref<80xi32, #tpu.memory_space<vmem>>
        %dma_start3A_190 = arith.constant 0 : i32
        %dma_start3A_191 = arith.constant 0 : i32
        %dma_start3A_192 = tpu.memref_slice %arg10[%dma_start3A_190, %dma_start3A_191] : memref<10240x64xf32, #tpu.memory_space<vmem_shared>> -> memref<10240x64xf32, #tpu.memory_space<vmem_shared>>
        tpu.enqueue_indirect_dma source(%dma_start3A_186 : memref<80x64xf32, #tpu.memory_space<vmem>>) target(%dma_start3A_192 : memref<10240x64xf32, #tpu.memory_space<vmem_shared>>) offsets(%dma_start3A_189 : memref<80xi32, #tpu.memory_space<vmem>>) semaphore(%run_scoped3A_182 : memref<!tpu.dma_semaphore, #tpu.memory_space<semaphore_mem>>) {add = true}
        %dma_wait3A_193 = arith.constant 0 : i32
        %dma_wait3A_194 = arith.constant 0 : i32
        %dma_wait3A_195 = tpu.memref_slice %arg9[%run_scoped3A, %dma_wait3A_193, %dma_wait3A_194] : memref<5x80x64xf32, #tpu.memory_space<vmem>> -> memref<1x80x64xf32, #tpu.memory_space<vmem>>
        %dma_wait3A_196 = tpu.memref_squeeze %dma_wait3A_195 : memref<1x80x64xf32, #tpu.memory_space<vmem>> -> memref<80x64xf32, #tpu.memory_space<vmem>>
        %dma_wait3A_197 = arith.constant 0 : i32
        %dma_wait3A_198 = tpu.memref_slice %arg8[%add3A_75, %dma_wait3A_197] : memref<250x80xi32, #tpu.memory_space<vmem>> -> memref<1x80xi32, #tpu.memory_space<vmem>>
        %dma_wait3A_199 = tpu.memref_squeeze %dma_wait3A_198 : memref<1x80xi32, #tpu.memory_space<vmem>> -> memref<80xi32, #tpu.memory_space<vmem>>
        %dma_wait3A_200 = arith.constant 0 : i32
        %dma_wait3A_201 = arith.constant 0 : i32
        %dma_wait3A_202 = tpu.memref_slice %arg10[%dma_wait3A_200, %dma_wait3A_201] : memref<10240x64xf32, #tpu.memory_space<vmem_shared>> -> memref<10240x64xf32, #tpu.memory_space<vmem_shared>>
        tpu.wait_indirect_dma semaphore(%run_scoped3A_182 : memref<!tpu.dma_semaphore, #tpu.memory_space<semaphore_mem>>) src(%dma_wait3A_196 : memref<80x64xf32, #tpu.memory_space<vmem>>) dst(%dma_wait3A_202 : memref<10240x64xf32, #tpu.memory_space<vmem_shared>>)
        tpu.yield
      }) : () -> ()
      %add3A_86 = arith.constant 5 : i32
      %add3A_87 = arith.addi %add3A_75, %add3A_86 : i32
      %lt3A = arith.constant 250 : i32
      %lt3A_88 = arith.cmpi slt, %add3A_87, %lt3A : i32
      %convert_element_type3A = arith.extui %lt3A_88 : i1 to i32
      %cond3A = arith.constant 0 : i32
      %cond3A_89 = arith.cmpi ne, %convert_element_type3A, %cond3A : i32
      scf.if %cond3A_89 {
        %add3A_182 = arith.constant 5 : i32
        %add3A_183 = arith.addi %add3A_75, %add3A_182 : i32
        %dma_start3A_184 = arith.constant 0 : i32
        %dma_start3A_185 = arith.constant 0 : i32
        %dma_start3A_186 = arith.constant 0 : i32
        %dma_start3A_187 = tpu.memref_slice %arg9[%dma_start3A_184, %dma_start3A_185, %dma_start3A_186] : memref<5x80x64xf32, #tpu.memory_space<vmem>> -> memref<1x80x64xf32, #tpu.memory_space<vmem>>
        %dma_start3A_188 = tpu.memref_squeeze %dma_start3A_187 : memref<1x80x64xf32, #tpu.memory_space<vmem>> -> memref<80x64xf32, #tpu.memory_space<vmem>>
        %dma_start3A_189 = arith.constant 0 : i32
        %dma_start3A_190 = tpu.memref_slice %arg7[%add3A_183, %dma_start3A_189] : memref<250x80xi32, #tpu.memory_space<vmem>> -> memref<1x80xi32, #tpu.memory_space<vmem>>
        %dma_start3A_191 = tpu.memref_squeeze %dma_start3A_190 : memref<1x80xi32, #tpu.memory_space<vmem>> -> memref<80xi32, #tpu.memory_space<vmem>>
        %dma_start3A_192 = arith.constant 0 : i32
        %dma_start3A_193 = arith.constant 0 : i32
        %dma_start3A_194 = tpu.memref_slice %arg2[%dma_start3A_192, %dma_start3A_193] : memref<100000x64xf32, #tpu.memory_space<hbm>> -> memref<100000x64xf32, #tpu.memory_space<hbm>>
        tpu.enqueue_indirect_dma source(%dma_start3A_194 : memref<100000x64xf32, #tpu.memory_space<hbm>>) target(%dma_start3A_188 : memref<80x64xf32, #tpu.memory_space<vmem>>) offsets(%dma_start3A_191 : memref<80xi32, #tpu.memory_space<vmem>>) semaphore(%arg11 : memref<!tpu.dma_semaphore, #tpu.memory_space<semaphore_mem>>)
      } else {
      }
      %mul3A_90 = arith.constant 5 : i32
      %mul3A_91 = arith.muli %scan3A_72, %mul3A_90 : i32
      %add3A_92 = arith.constant 1 : i32
      %add3A_93 = arith.addi %mul3A_91, %add3A_92 : i32
      %dma_wait3A_94 = arith.constant 1 : i32
      %dma_wait3A_95 = arith.constant 0 : i32
      %dma_wait3A_96 = arith.constant 0 : i32
      %dma_wait3A_97 = tpu.memref_slice %arg9[%dma_wait3A_94, %dma_wait3A_95, %dma_wait3A_96] : memref<5x80x64xf32, #tpu.memory_space<vmem>> -> memref<1x80x64xf32, #tpu.memory_space<vmem>>
      %dma_wait3A_98 = tpu.memref_squeeze %dma_wait3A_97 : memref<1x80x64xf32, #tpu.memory_space<vmem>> -> memref<80x64xf32, #tpu.memory_space<vmem>>
      %dma_wait3A_99 = arith.constant 0 : i32
      %dma_wait3A_100 = tpu.memref_slice %arg7[%add3A_93, %dma_wait3A_99] : memref<250x80xi32, #tpu.memory_space<vmem>> -> memref<1x80xi32, #tpu.memory_space<vmem>>
      %dma_wait3A_101 = tpu.memref_squeeze %dma_wait3A_100 : memref<1x80xi32, #tpu.memory_space<vmem>> -> memref<80xi32, #tpu.memory_space<vmem>>
      %dma_wait3A_102 = arith.constant 0 : i32
      %dma_wait3A_103 = arith.constant 0 : i32
      %dma_wait3A_104 = tpu.memref_slice %arg2[%dma_wait3A_102, %dma_wait3A_103] : memref<100000x64xf32, #tpu.memory_space<hbm>> -> memref<100000x64xf32, #tpu.memory_space<hbm>>
      tpu.wait_indirect_dma semaphore(%arg12 : memref<!tpu.dma_semaphore, #tpu.memory_space<semaphore_mem>>) src(%dma_wait3A_104 : memref<100000x64xf32, #tpu.memory_space<hbm>>) dst(%dma_wait3A_98 : memref<80x64xf32, #tpu.memory_space<vmem>>)
      %run_scoped3A_105 = arith.constant 1 : i32
      "tpu.region"() ({
        %run_scoped3A_182 = tpu.sem_alloc : memref<!tpu.dma_semaphore, #tpu.memory_space<semaphore_mem>>
        %dma_start3A_183 = arith.constant 0 : i32
        %dma_start3A_184 = arith.constant 0 : i32
        %dma_start3A_185 = tpu.memref_slice %arg9[%run_scoped3A_105, %dma_start3A_183, %dma_start3A_184] : memref<5x80x64xf32, #tpu.memory_space<vmem>> -> memref<1x80x64xf32, #tpu.memory_space<vmem>>
        %dma_start3A_186 = tpu.memref_squeeze %dma_start3A_185 : memref<1x80x64xf32, #tpu.memory_space<vmem>> -> memref<80x64xf32, #tpu.memory_space<vmem>>
        %dma_start3A_187 = arith.constant 0 : i32
        %dma_start3A_188 = tpu.memref_slice %arg8[%add3A_93, %dma_start3A_187] : memref<250x80xi32, #tpu.memory_space<vmem>> -> memref<1x80xi32, #tpu.memory_space<vmem>>
        %dma_start3A_189 = tpu.memref_squeeze %dma_start3A_188 : memref<1x80xi32, #tpu.memory_space<vmem>> -> memref<80xi32, #tpu.memory_space<vmem>>
        %dma_start3A_190 = arith.constant 0 : i32
        %dma_start3A_191 = arith.constant 0 : i32
        %dma_start3A_192 = tpu.memref_slice %arg10[%dma_start3A_190, %dma_start3A_191] : memref<10240x64xf32, #tpu.memory_space<vmem_shared>> -> memref<10240x64xf32, #tpu.memory_space<vmem_shared>>
        tpu.enqueue_indirect_dma source(%dma_start3A_186 : memref<80x64xf32, #tpu.memory_space<vmem>>) target(%dma_start3A_192 : memref<10240x64xf32, #tpu.memory_space<vmem_shared>>) offsets(%dma_start3A_189 : memref<80xi32, #tpu.memory_space<vmem>>) semaphore(%run_scoped3A_182 : memref<!tpu.dma_semaphore, #tpu.memory_space<semaphore_mem>>) {add = true}
        %dma_wait3A_193 = arith.constant 0 : i32
        %dma_wait3A_194 = arith.constant 0 : i32
        %dma_wait3A_195 = tpu.memref_slice %arg9[%run_scoped3A_105, %dma_wait3A_193, %dma_wait3A_194] : memref<5x80x64xf32, #tpu.memory_space<vmem>> -> memref<1x80x64xf32, #tpu.memory_space<vmem>>
        %dma_wait3A_196 = tpu.memref_squeeze %dma_wait3A_195 : memref<1x80x64xf32, #tpu.memory_space<vmem>> -> memref<80x64xf32, #tpu.memory_space<vmem>>
        %dma_wait3A_197 = arith.constant 0 : i32
        %dma_wait3A_198 = tpu.memref_slice %arg8[%add3A_93, %dma_wait3A_197] : memref<250x80xi32, #tpu.memory_space<vmem>> -> memref<1x80xi32, #tpu.memory_space<vmem>>
        %dma_wait3A_199 = tpu.memref_squeeze %dma_wait3A_198 : memref<1x80xi32, #tpu.memory_space<vmem>> -> memref<80xi32, #tpu.memory_space<vmem>>
        %dma_wait3A_200 = arith.constant 0 : i32
        %dma_wait3A_201 = arith.constant 0 : i32
        %dma_wait3A_202 = tpu.memref_slice %arg10[%dma_wait3A_200, %dma_wait3A_201] : memref<10240x64xf32, #tpu.memory_space<vmem_shared>> -> memref<10240x64xf32, #tpu.memory_space<vmem_shared>>
        tpu.wait_indirect_dma semaphore(%run_scoped3A_182 : memref<!tpu.dma_semaphore, #tpu.memory_space<semaphore_mem>>) src(%dma_wait3A_196 : memref<80x64xf32, #tpu.memory_space<vmem>>) dst(%dma_wait3A_202 : memref<10240x64xf32, #tpu.memory_space<vmem_shared>>)
        tpu.yield
      }) : () -> ()
      %add3A_106 = arith.constant 5 : i32
      %add3A_107 = arith.addi %add3A_93, %add3A_106 : i32
      %lt3A_108 = arith.constant 250 : i32
      %lt3A_109 = arith.cmpi slt, %add3A_107, %lt3A_108 : i32
      %convert_element_type3A_110 = arith.extui %lt3A_109 : i1 to i32
      %cond3A_111 = arith.constant 0 : i32
      %cond3A_112 = arith.cmpi ne, %convert_element_type3A_110, %cond3A_111 : i32
      scf.if %cond3A_112 {
        %add3A_182 = arith.constant 5 : i32
        %add3A_183 = arith.addi %add3A_93, %add3A_182 : i32
        %dma_start3A_184 = arith.constant 1 : i32
        %dma_start3A_185 = arith.constant 0 : i32
        %dma_start3A_186 = arith.constant 0 : i32
        %dma_start3A_187 = tpu.memref_slice %arg9[%dma_start3A_184, %dma_start3A_185, %dma_start3A_186] : memref<5x80x64xf32, #tpu.memory_space<vmem>> -> memref<1x80x64xf32, #tpu.memory_space<vmem>>
        %dma_start3A_188 = tpu.memref_squeeze %dma_start3A_187 : memref<1x80x64xf32, #tpu.memory_space<vmem>> -> memref<80x64xf32, #tpu.memory_space<vmem>>
        %dma_start3A_189 = arith.constant 0 : i32
        %dma_start3A_190 = tpu.memref_slice %arg7[%add3A_183, %dma_start3A_189] : memref<250x80xi32, #tpu.memory_space<vmem>> -> memref<1x80xi32, #tpu.memory_space<vmem>>
        %dma_start3A_191 = tpu.memref_squeeze %dma_start3A_190 : memref<1x80xi32, #tpu.memory_space<vmem>> -> memref<80xi32, #tpu.memory_space<vmem>>
        %dma_start3A_192 = arith.constant 0 : i32
        %dma_start3A_193 = arith.constant 0 : i32
        %dma_start3A_194 = tpu.memref_slice %arg2[%dma_start3A_192, %dma_start3A_193] : memref<100000x64xf32, #tpu.memory_space<hbm>> -> memref<100000x64xf32, #tpu.memory_space<hbm>>
        tpu.enqueue_indirect_dma source(%dma_start3A_194 : memref<100000x64xf32, #tpu.memory_space<hbm>>) target(%dma_start3A_188 : memref<80x64xf32, #tpu.memory_space<vmem>>) offsets(%dma_start3A_191 : memref<80xi32, #tpu.memory_space<vmem>>) semaphore(%arg12 : memref<!tpu.dma_semaphore, #tpu.memory_space<semaphore_mem>>)
      } else {
      }
      %mul3A_113 = arith.constant 5 : i32
      %mul3A_114 = arith.muli %scan3A_72, %mul3A_113 : i32
      %add3A_115 = arith.constant 2 : i32
      %add3A_116 = arith.addi %mul3A_114, %add3A_115 : i32
      %dma_wait3A_117 = arith.constant 2 : i32
      %dma_wait3A_118 = arith.constant 0 : i32
      %dma_wait3A_119 = arith.constant 0 : i32
      %dma_wait3A_120 = tpu.memref_slice %arg9[%dma_wait3A_117, %dma_wait3A_118, %dma_wait3A_119] : memref<5x80x64xf32, #tpu.memory_space<vmem>> -> memref<1x80x64xf32, #tpu.memory_space<vmem>>
      %dma_wait3A_121 = tpu.memref_squeeze %dma_wait3A_120 : memref<1x80x64xf32, #tpu.memory_space<vmem>> -> memref<80x64xf32, #tpu.memory_space<vmem>>
      %dma_wait3A_122 = arith.constant 0 : i32
      %dma_wait3A_123 = tpu.memref_slice %arg7[%add3A_116, %dma_wait3A_122] : memref<250x80xi32, #tpu.memory_space<vmem>> -> memref<1x80xi32, #tpu.memory_space<vmem>>
      %dma_wait3A_124 = tpu.memref_squeeze %dma_wait3A_123 : memref<1x80xi32, #tpu.memory_space<vmem>> -> memref<80xi32, #tpu.memory_space<vmem>>
      %dma_wait3A_125 = arith.constant 0 : i32
      %dma_wait3A_126 = arith.constant 0 : i32
      %dma_wait3A_127 = tpu.memref_slice %arg2[%dma_wait3A_125, %dma_wait3A_126] : memref<100000x64xf32, #tpu.memory_space<hbm>> -> memref<100000x64xf32, #tpu.memory_space<hbm>>
      tpu.wait_indirect_dma semaphore(%arg13 : memref<!tpu.dma_semaphore, #tpu.memory_space<semaphore_mem>>) src(%dma_wait3A_127 : memref<100000x64xf32, #tpu.memory_space<hbm>>) dst(%dma_wait3A_121 : memref<80x64xf32, #tpu.memory_space<vmem>>)
      %run_scoped3A_128 = arith.constant 2 : i32
      "tpu.region"() ({
        %run_scoped3A_182 = tpu.sem_alloc : memref<!tpu.dma_semaphore, #tpu.memory_space<semaphore_mem>>
        %dma_start3A_183 = arith.constant 0 : i32
        %dma_start3A_184 = arith.constant 0 : i32
        %dma_start3A_185 = tpu.memref_slice %arg9[%run_scoped3A_128, %dma_start3A_183, %dma_start3A_184] : memref<5x80x64xf32, #tpu.memory_space<vmem>> -> memref<1x80x64xf32, #tpu.memory_space<vmem>>
        %dma_start3A_186 = tpu.memref_squeeze %dma_start3A_185 : memref<1x80x64xf32, #tpu.memory_space<vmem>> -> memref<80x64xf32, #tpu.memory_space<vmem>>
        %dma_start3A_187 = arith.constant 0 : i32
        %dma_start3A_188 = tpu.memref_slice %arg8[%add3A_116, %dma_start3A_187] : memref<250x80xi32, #tpu.memory_space<vmem>> -> memref<1x80xi32, #tpu.memory_space<vmem>>
        %dma_start3A_189 = tpu.memref_squeeze %dma_start3A_188 : memref<1x80xi32, #tpu.memory_space<vmem>> -> memref<80xi32, #tpu.memory_space<vmem>>
        %dma_start3A_190 = arith.constant 0 : i32
        %dma_start3A_191 = arith.constant 0 : i32
        %dma_start3A_192 = tpu.memref_slice %arg10[%dma_start3A_190, %dma_start3A_191] : memref<10240x64xf32, #tpu.memory_space<vmem_shared>> -> memref<10240x64xf32, #tpu.memory_space<vmem_shared>>
        tpu.enqueue_indirect_dma source(%dma_start3A_186 : memref<80x64xf32, #tpu.memory_space<vmem>>) target(%dma_start3A_192 : memref<10240x64xf32, #tpu.memory_space<vmem_shared>>) offsets(%dma_start3A_189 : memref<80xi32, #tpu.memory_space<vmem>>) semaphore(%run_scoped3A_182 : memref<!tpu.dma_semaphore, #tpu.memory_space<semaphore_mem>>) {add = true}
        %dma_wait3A_193 = arith.constant 0 : i32
        %dma_wait3A_194 = arith.constant 0 : i32
        %dma_wait3A_195 = tpu.memref_slice %arg9[%run_scoped3A_128, %dma_wait3A_193, %dma_wait3A_194] : memref<5x80x64xf32, #tpu.memory_space<vmem>> -> memref<1x80x64xf32, #tpu.memory_space<vmem>>
        %dma_wait3A_196 = tpu.memref_squeeze %dma_wait3A_195 : memref<1x80x64xf32, #tpu.memory_space<vmem>> -> memref<80x64xf32, #tpu.memory_space<vmem>>
        %dma_wait3A_197 = arith.constant 0 : i32
        %dma_wait3A_198 = tpu.memref_slice %arg8[%add3A_116, %dma_wait3A_197] : memref<250x80xi32, #tpu.memory_space<vmem>> -> memref<1x80xi32, #tpu.memory_space<vmem>>
        %dma_wait3A_199 = tpu.memref_squeeze %dma_wait3A_198 : memref<1x80xi32, #tpu.memory_space<vmem>> -> memref<80xi32, #tpu.memory_space<vmem>>
        %dma_wait3A_200 = arith.constant 0 : i32
        %dma_wait3A_201 = arith.constant 0 : i32
        %dma_wait3A_202 = tpu.memref_slice %arg10[%dma_wait3A_200, %dma_wait3A_201] : memref<10240x64xf32, #tpu.memory_space<vmem_shared>> -> memref<10240x64xf32, #tpu.memory_space<vmem_shared>>
        tpu.wait_indirect_dma semaphore(%run_scoped3A_182 : memref<!tpu.dma_semaphore, #tpu.memory_space<semaphore_mem>>) src(%dma_wait3A_196 : memref<80x64xf32, #tpu.memory_space<vmem>>) dst(%dma_wait3A_202 : memref<10240x64xf32, #tpu.memory_space<vmem_shared>>)
        tpu.yield
      }) : () -> ()
      %add3A_129 = arith.constant 5 : i32
      %add3A_130 = arith.addi %add3A_116, %add3A_129 : i32
      %lt3A_131 = arith.constant 250 : i32
      %lt3A_132 = arith.cmpi slt, %add3A_130, %lt3A_131 : i32
      %convert_element_type3A_133 = arith.extui %lt3A_132 : i1 to i32
      %cond3A_134 = arith.constant 0 : i32
      %cond3A_135 = arith.cmpi ne, %convert_element_type3A_133, %cond3A_134 : i32
      scf.if %cond3A_135 {
        %add3A_182 = arith.constant 5 : i32
        %add3A_183 = arith.addi %add3A_116, %add3A_182 : i32
        %dma_start3A_184 = arith.constant 2 : i32
        %dma_start3A_185 = arith.constant 0 : i32
        %dma_start3A_186 = arith.constant 0 : i32
        %dma_start3A_187 = tpu.memref_slice %arg9[%dma_start3A_184, %dma_start3A_185, %dma_start3A_186] : memref<5x80x64xf32, #tpu.memory_space<vmem>> -> memref<1x80x64xf32, #tpu.memory_space<vmem>>
        %dma_start3A_188 = tpu.memref_squeeze %dma_start3A_187 : memref<1x80x64xf32, #tpu.memory_space<vmem>> -> memref<80x64xf32, #tpu.memory_space<vmem>>
        %dma_start3A_189 = arith.constant 0 : i32
        %dma_start3A_190 = tpu.memref_slice %arg7[%add3A_183, %dma_start3A_189] : memref<250x80xi32, #tpu.memory_space<vmem>> -> memref<1x80xi32, #tpu.memory_space<vmem>>
        %dma_start3A_191 = tpu.memref_squeeze %dma_start3A_190 : memref<1x80xi32, #tpu.memory_space<vmem>> -> memref<80xi32, #tpu.memory_space<vmem>>
        %dma_start3A_192 = arith.constant 0 : i32
        %dma_start3A_193 = arith.constant 0 : i32
        %dma_start3A_194 = tpu.memref_slice %arg2[%dma_start3A_192, %dma_start3A_193] : memref<100000x64xf32, #tpu.memory_space<hbm>> -> memref<100000x64xf32, #tpu.memory_space<hbm>>
        tpu.enqueue_indirect_dma source(%dma_start3A_194 : memref<100000x64xf32, #tpu.memory_space<hbm>>) target(%dma_start3A_188 : memref<80x64xf32, #tpu.memory_space<vmem>>) offsets(%dma_start3A_191 : memref<80xi32, #tpu.memory_space<vmem>>) semaphore(%arg13 : memref<!tpu.dma_semaphore, #tpu.memory_space<semaphore_mem>>)
      } else {
      }
      %mul3A_136 = arith.constant 5 : i32
      %mul3A_137 = arith.muli %scan3A_72, %mul3A_136 : i32
      %add3A_138 = arith.constant 3 : i32
      %add3A_139 = arith.addi %mul3A_137, %add3A_138 : i32
      %dma_wait3A_140 = arith.constant 3 : i32
      %dma_wait3A_141 = arith.constant 0 : i32
      %dma_wait3A_142 = arith.constant 0 : i32
      %dma_wait3A_143 = tpu.memref_slice %arg9[%dma_wait3A_140, %dma_wait3A_141, %dma_wait3A_142] : memref<5x80x64xf32, #tpu.memory_space<vmem>> -> memref<1x80x64xf32, #tpu.memory_space<vmem>>
      %dma_wait3A_144 = tpu.memref_squeeze %dma_wait3A_143 : memref<1x80x64xf32, #tpu.memory_space<vmem>> -> memref<80x64xf32, #tpu.memory_space<vmem>>
      %dma_wait3A_145 = arith.constant 0 : i32
      %dma_wait3A_146 = tpu.memref_slice %arg7[%add3A_139, %dma_wait3A_145] : memref<250x80xi32, #tpu.memory_space<vmem>> -> memref<1x80xi32, #tpu.memory_space<vmem>>
      %dma_wait3A_147 = tpu.memref_squeeze %dma_wait3A_146 : memref<1x80xi32, #tpu.memory_space<vmem>> -> memref<80xi32, #tpu.memory_space<vmem>>
      %dma_wait3A_148 = arith.constant 0 : i32
      %dma_wait3A_149 = arith.constant 0 : i32
      %dma_wait3A_150 = tpu.memref_slice %arg2[%dma_wait3A_148, %dma_wait3A_149] : memref<100000x64xf32, #tpu.memory_space<hbm>> -> memref<100000x64xf32, #tpu.memory_space<hbm>>
      tpu.wait_indirect_dma semaphore(%arg14 : memref<!tpu.dma_semaphore, #tpu.memory_space<semaphore_mem>>) src(%dma_wait3A_150 : memref<100000x64xf32, #tpu.memory_space<hbm>>) dst(%dma_wait3A_144 : memref<80x64xf32, #tpu.memory_space<vmem>>)
      %run_scoped3A_151 = arith.constant 3 : i32
      "tpu.region"() ({
        %run_scoped3A_182 = tpu.sem_alloc : memref<!tpu.dma_semaphore, #tpu.memory_space<semaphore_mem>>
        %dma_start3A_183 = arith.constant 0 : i32
        %dma_start3A_184 = arith.constant 0 : i32
        %dma_start3A_185 = tpu.memref_slice %arg9[%run_scoped3A_151, %dma_start3A_183, %dma_start3A_184] : memref<5x80x64xf32, #tpu.memory_space<vmem>> -> memref<1x80x64xf32, #tpu.memory_space<vmem>>
        %dma_start3A_186 = tpu.memref_squeeze %dma_start3A_185 : memref<1x80x64xf32, #tpu.memory_space<vmem>> -> memref<80x64xf32, #tpu.memory_space<vmem>>
        %dma_start3A_187 = arith.constant 0 : i32
        %dma_start3A_188 = tpu.memref_slice %arg8[%add3A_139, %dma_start3A_187] : memref<250x80xi32, #tpu.memory_space<vmem>> -> memref<1x80xi32, #tpu.memory_space<vmem>>
        %dma_start3A_189 = tpu.memref_squeeze %dma_start3A_188 : memref<1x80xi32, #tpu.memory_space<vmem>> -> memref<80xi32, #tpu.memory_space<vmem>>
        %dma_start3A_190 = arith.constant 0 : i32
        %dma_start3A_191 = arith.constant 0 : i32
        %dma_start3A_192 = tpu.memref_slice %arg10[%dma_start3A_190, %dma_start3A_191] : memref<10240x64xf32, #tpu.memory_space<vmem_shared>> -> memref<10240x64xf32, #tpu.memory_space<vmem_shared>>
        tpu.enqueue_indirect_dma source(%dma_start3A_186 : memref<80x64xf32, #tpu.memory_space<vmem>>) target(%dma_start3A_192 : memref<10240x64xf32, #tpu.memory_space<vmem_shared>>) offsets(%dma_start3A_189 : memref<80xi32, #tpu.memory_space<vmem>>) semaphore(%run_scoped3A_182 : memref<!tpu.dma_semaphore, #tpu.memory_space<semaphore_mem>>) {add = true}
        %dma_wait3A_193 = arith.constant 0 : i32
        %dma_wait3A_194 = arith.constant 0 : i32
        %dma_wait3A_195 = tpu.memref_slice %arg9[%run_scoped3A_151, %dma_wait3A_193, %dma_wait3A_194] : memref<5x80x64xf32, #tpu.memory_space<vmem>> -> memref<1x80x64xf32, #tpu.memory_space<vmem>>
        %dma_wait3A_196 = tpu.memref_squeeze %dma_wait3A_195 : memref<1x80x64xf32, #tpu.memory_space<vmem>> -> memref<80x64xf32, #tpu.memory_space<vmem>>
        %dma_wait3A_197 = arith.constant 0 : i32
        %dma_wait3A_198 = tpu.memref_slice %arg8[%add3A_139, %dma_wait3A_197] : memref<250x80xi32, #tpu.memory_space<vmem>> -> memref<1x80xi32, #tpu.memory_space<vmem>>
        %dma_wait3A_199 = tpu.memref_squeeze %dma_wait3A_198 : memref<1x80xi32, #tpu.memory_space<vmem>> -> memref<80xi32, #tpu.memory_space<vmem>>
        %dma_wait3A_200 = arith.constant 0 : i32
        %dma_wait3A_201 = arith.constant 0 : i32
        %dma_wait3A_202 = tpu.memref_slice %arg10[%dma_wait3A_200, %dma_wait3A_201] : memref<10240x64xf32, #tpu.memory_space<vmem_shared>> -> memref<10240x64xf32, #tpu.memory_space<vmem_shared>>
        tpu.wait_indirect_dma semaphore(%run_scoped3A_182 : memref<!tpu.dma_semaphore, #tpu.memory_space<semaphore_mem>>) src(%dma_wait3A_196 : memref<80x64xf32, #tpu.memory_space<vmem>>) dst(%dma_wait3A_202 : memref<10240x64xf32, #tpu.memory_space<vmem_shared>>)
        tpu.yield
      }) : () -> ()
      %add3A_152 = arith.constant 5 : i32
      %add3A_153 = arith.addi %add3A_139, %add3A_152 : i32
      %lt3A_154 = arith.constant 250 : i32
      %lt3A_155 = arith.cmpi slt, %add3A_153, %lt3A_154 : i32
      %convert_element_type3A_156 = arith.extui %lt3A_155 : i1 to i32
      %cond3A_157 = arith.constant 0 : i32
      %cond3A_158 = arith.cmpi ne, %convert_element_type3A_156, %cond3A_157 : i32
      scf.if %cond3A_158 {
        %add3A_182 = arith.constant 5 : i32
        %add3A_183 = arith.addi %add3A_139, %add3A_182 : i32
        %dma_start3A_184 = arith.constant 3 : i32
        %dma_start3A_185 = arith.constant 0 : i32
        %dma_start3A_186 = arith.constant 0 : i32
        %dma_start3A_187 = tpu.memref_slice %arg9[%dma_start3A_184, %dma_start3A_185, %dma_start3A_186] : memref<5x80x64xf32, #tpu.memory_space<vmem>> -> memref<1x80x64xf32, #tpu.memory_space<vmem>>
        %dma_start3A_188 = tpu.memref_squeeze %dma_start3A_187 : memref<1x80x64xf32, #tpu.memory_space<vmem>> -> memref<80x64xf32, #tpu.memory_space<vmem>>
        %dma_start3A_189 = arith.constant 0 : i32
        %dma_start3A_190 = tpu.memref_slice %arg7[%add3A_183, %dma_start3A_189] : memref<250x80xi32, #tpu.memory_space<vmem>> -> memref<1x80xi32, #tpu.memory_space<vmem>>
        %dma_start3A_191 = tpu.memref_squeeze %dma_start3A_190 : memref<1x80xi32, #tpu.memory_space<vmem>> -> memref<80xi32, #tpu.memory_space<vmem>>
        %dma_start3A_192 = arith.constant 0 : i32
        %dma_start3A_193 = arith.constant 0 : i32
        %dma_start3A_194 = tpu.memref_slice %arg2[%dma_start3A_192, %dma_start3A_193] : memref<100000x64xf32, #tpu.memory_space<hbm>> -> memref<100000x64xf32, #tpu.memory_space<hbm>>
        tpu.enqueue_indirect_dma source(%dma_start3A_194 : memref<100000x64xf32, #tpu.memory_space<hbm>>) target(%dma_start3A_188 : memref<80x64xf32, #tpu.memory_space<vmem>>) offsets(%dma_start3A_191 : memref<80xi32, #tpu.memory_space<vmem>>) semaphore(%arg14 : memref<!tpu.dma_semaphore, #tpu.memory_space<semaphore_mem>>)
      } else {
      }
      %mul3A_159 = arith.constant 5 : i32
      %mul3A_160 = arith.muli %scan3A_72, %mul3A_159 : i32
      %add3A_161 = arith.constant 4 : i32
      %add3A_162 = arith.addi %mul3A_160, %add3A_161 : i32
      %dma_wait3A_163 = arith.constant 4 : i32
      %dma_wait3A_164 = arith.constant 0 : i32
      %dma_wait3A_165 = arith.constant 0 : i32
      %dma_wait3A_166 = tpu.memref_slice %arg9[%dma_wait3A_163, %dma_wait3A_164, %dma_wait3A_165] : memref<5x80x64xf32, #tpu.memory_space<vmem>> -> memref<1x80x64xf32, #tpu.memory_space<vmem>>
      %dma_wait3A_167 = tpu.memref_squeeze %dma_wait3A_166 : memref<1x80x64xf32, #tpu.memory_space<vmem>> -> memref<80x64xf32, #tpu.memory_space<vmem>>
      %dma_wait3A_168 = arith.constant 0 : i32
      %dma_wait3A_169 = tpu.memref_slice %arg7[%add3A_162, %dma_wait3A_168] : memref<250x80xi32, #tpu.memory_space<vmem>> -> memref<1x80xi32, #tpu.memory_space<vmem>>
      %dma_wait3A_170 = tpu.memref_squeeze %dma_wait3A_169 : memref<1x80xi32, #tpu.memory_space<vmem>> -> memref<80xi32, #tpu.memory_space<vmem>>
      %dma_wait3A_171 = arith.constant 0 : i32
      %dma_wait3A_172 = arith.constant 0 : i32
      %dma_wait3A_173 = tpu.memref_slice %arg2[%dma_wait3A_171, %dma_wait3A_172] : memref<100000x64xf32, #tpu.memory_space<hbm>> -> memref<100000x64xf32, #tpu.memory_space<hbm>>
      tpu.wait_indirect_dma semaphore(%arg15 : memref<!tpu.dma_semaphore, #tpu.memory_space<semaphore_mem>>) src(%dma_wait3A_173 : memref<100000x64xf32, #tpu.memory_space<hbm>>) dst(%dma_wait3A_167 : memref<80x64xf32, #tpu.memory_space<vmem>>)
      %run_scoped3A_174 = arith.constant 4 : i32
      "tpu.region"() ({
        %run_scoped3A_182 = tpu.sem_alloc : memref<!tpu.dma_semaphore, #tpu.memory_space<semaphore_mem>>
        %dma_start3A_183 = arith.constant 0 : i32
        %dma_start3A_184 = arith.constant 0 : i32
        %dma_start3A_185 = tpu.memref_slice %arg9[%run_scoped3A_174, %dma_start3A_183, %dma_start3A_184] : memref<5x80x64xf32, #tpu.memory_space<vmem>> -> memref<1x80x64xf32, #tpu.memory_space<vmem>>
        %dma_start3A_186 = tpu.memref_squeeze %dma_start3A_185 : memref<1x80x64xf32, #tpu.memory_space<vmem>> -> memref<80x64xf32, #tpu.memory_space<vmem>>
        %dma_start3A_187 = arith.constant 0 : i32
        %dma_start3A_188 = tpu.memref_slice %arg8[%add3A_162, %dma_start3A_187] : memref<250x80xi32, #tpu.memory_space<vmem>> -> memref<1x80xi32, #tpu.memory_space<vmem>>
        %dma_start3A_189 = tpu.memref_squeeze %dma_start3A_188 : memref<1x80xi32, #tpu.memory_space<vmem>> -> memref<80xi32, #tpu.memory_space<vmem>>
        %dma_start3A_190 = arith.constant 0 : i32
        %dma_start3A_191 = arith.constant 0 : i32
        %dma_start3A_192 = tpu.memref_slice %arg10[%dma_start3A_190, %dma_start3A_191] : memref<10240x64xf32, #tpu.memory_space<vmem_shared>> -> memref<10240x64xf32, #tpu.memory_space<vmem_shared>>
        tpu.enqueue_indirect_dma source(%dma_start3A_186 : memref<80x64xf32, #tpu.memory_space<vmem>>) target(%dma_start3A_192 : memref<10240x64xf32, #tpu.memory_space<vmem_shared>>) offsets(%dma_start3A_189 : memref<80xi32, #tpu.memory_space<vmem>>) semaphore(%run_scoped3A_182 : memref<!tpu.dma_semaphore, #tpu.memory_space<semaphore_mem>>) {add = true}
        %dma_wait3A_193 = arith.constant 0 : i32
        %dma_wait3A_194 = arith.constant 0 : i32
        %dma_wait3A_195 = tpu.memref_slice %arg9[%run_scoped3A_174, %dma_wait3A_193, %dma_wait3A_194] : memref<5x80x64xf32, #tpu.memory_space<vmem>> -> memref<1x80x64xf32, #tpu.memory_space<vmem>>
        %dma_wait3A_196 = tpu.memref_squeeze %dma_wait3A_195 : memref<1x80x64xf32, #tpu.memory_space<vmem>> -> memref<80x64xf32, #tpu.memory_space<vmem>>
        %dma_wait3A_197 = arith.constant 0 : i32
        %dma_wait3A_198 = tpu.memref_slice %arg8[%add3A_162, %dma_wait3A_197] : memref<250x80xi32, #tpu.memory_space<vmem>> -> memref<1x80xi32, #tpu.memory_space<vmem>>
        %dma_wait3A_199 = tpu.memref_squeeze %dma_wait3A_198 : memref<1x80xi32, #tpu.memory_space<vmem>> -> memref<80xi32, #tpu.memory_space<vmem>>
        %dma_wait3A_200 = arith.constant 0 : i32
        %dma_wait3A_201 = arith.constant 0 : i32
        %dma_wait3A_202 = tpu.memref_slice %arg10[%dma_wait3A_200, %dma_wait3A_201] : memref<10240x64xf32, #tpu.memory_space<vmem_shared>> -> memref<10240x64xf32, #tpu.memory_space<vmem_shared>>
        tpu.wait_indirect_dma semaphore(%run_scoped3A_182 : memref<!tpu.dma_semaphore, #tpu.memory_space<semaphore_mem>>) src(%dma_wait3A_196 : memref<80x64xf32, #tpu.memory_space<vmem>>) dst(%dma_wait3A_202 : memref<10240x64xf32, #tpu.memory_space<vmem_shared>>)
        tpu.yield
      }) : () -> ()
      %add3A_175 = arith.constant 5 : i32
      %add3A_176 = arith.addi %add3A_162, %add3A_175 : i32
      %lt3A_177 = arith.constant 250 : i32
      %lt3A_178 = arith.cmpi slt, %add3A_176, %lt3A_177 : i32
      %convert_element_type3A_179 = arith.extui %lt3A_178 : i1 to i32
      %cond3A_180 = arith.constant 0 : i32
      %cond3A_181 = arith.cmpi ne, %convert_element_type3A_179, %cond3A_180 : i32
      scf.if %cond3A_181 {
        %add3A_182 = arith.constant 5 : i32
        %add3A_183 = arith.addi %add3A_162, %add3A_182 : i32
        %dma_start3A_184 = arith.constant 4 : i32
        %dma_start3A_185 = arith.constant 0 : i32
        %dma_start3A_186 = arith.constant 0 : i32
        %dma_start3A_187 = tpu.memref_slice %arg9[%dma_start3A_184, %dma_start3A_185, %dma_start3A_186] : memref<5x80x64xf32, #tpu.memory_space<vmem>> -> memref<1x80x64xf32, #tpu.memory_space<vmem>>
        %dma_start3A_188 = tpu.memref_squeeze %dma_start3A_187 : memref<1x80x64xf32, #tpu.memory_space<vmem>> -> memref<80x64xf32, #tpu.memory_space<vmem>>
        %dma_start3A_189 = arith.constant 0 : i32
        %dma_start3A_190 = tpu.memref_slice %arg7[%add3A_183, %dma_start3A_189] : memref<250x80xi32, #tpu.memory_space<vmem>> -> memref<1x80xi32, #tpu.memory_space<vmem>>
        %dma_start3A_191 = tpu.memref_squeeze %dma_start3A_190 : memref<1x80xi32, #tpu.memory_space<vmem>> -> memref<80xi32, #tpu.memory_space<vmem>>
        %dma_start3A_192 = arith.constant 0 : i32
        %dma_start3A_193 = arith.constant 0 : i32
        %dma_start3A_194 = tpu.memref_slice %arg2[%dma_start3A_192, %dma_start3A_193] : memref<100000x64xf32, #tpu.memory_space<hbm>> -> memref<100000x64xf32, #tpu.memory_space<hbm>>
        tpu.enqueue_indirect_dma source(%dma_start3A_194 : memref<100000x64xf32, #tpu.memory_space<hbm>>) target(%dma_start3A_188 : memref<80x64xf32, #tpu.memory_space<vmem>>) offsets(%dma_start3A_191 : memref<80xi32, #tpu.memory_space<vmem>>) semaphore(%arg15 : memref<!tpu.dma_semaphore, #tpu.memory_space<semaphore_mem>>)
      } else {
      }
    }
    %scan3A_66 = arith.constant 50 : i32
    %barrier3A_67 = arith.constant 0 : index
    tpu.barrier barrier_id(%barrier3A_67)
    %mul3A_68 = arith.constant 640 : i32
    %mul3A_69 = arith.muli %arg1, %mul3A_68 : i32
    %mul3A_70 = arith.constant 640 : i32
    %mul3A_71 = arith.muli %arg1, %mul3A_70 : i32
    "tpu.region"() ({
      %run_scoped3A = tpu.sem_alloc : memref<!tpu.dma_semaphore, #tpu.memory_space<semaphore_mem>>
      %dma_start3A_72 = arith.constant 0 : i32
      %dma_start3A_73 = tpu.memref_slice %arg6[%arg0, %mul3A_71, %dma_start3A_72] : memref<2x10240x64xf32, #tpu.memory_space<hbm>> -> memref<1x640x64xf32, #tpu.memory_space<hbm>>
      %dma_start3A_74 = tpu.memref_squeeze %dma_start3A_73 : memref<1x640x64xf32, #tpu.memory_space<hbm>> -> memref<640x64xf32, #tpu.memory_space<hbm>>
      %dma_start3A_75 = arith.constant 0 : i32
      %dma_start3A_76 = tpu.memref_slice %arg10[%mul3A_69, %dma_start3A_75] : memref<10240x64xf32, #tpu.memory_space<vmem_shared>> -> memref<640x64xf32, #tpu.memory_space<vmem_shared>>
      tpu.enqueue_dma source(%dma_start3A_76 : memref<640x64xf32, #tpu.memory_space<vmem_shared>>) target(%dma_start3A_74 : memref<640x64xf32, #tpu.memory_space<hbm>>) target_semaphore(%run_scoped3A : memref<!tpu.dma_semaphore, #tpu.memory_space<semaphore_mem>>)
      %dma_wait3A = arith.constant 0 : i32
      %dma_wait3A_77 = tpu.memref_slice %arg6[%arg0, %mul3A_71, %dma_wait3A] : memref<2x10240x64xf32, #tpu.memory_space<hbm>> -> memref<1x640x64xf32, #tpu.memory_space<hbm>>
      %dma_wait3A_78 = tpu.memref_squeeze %dma_wait3A_77 : memref<1x640x64xf32, #tpu.memory_space<hbm>> -> memref<640x64xf32, #tpu.memory_space<hbm>>
      %dma_wait3A_79 = arith.constant 0 : i32
      %dma_wait3A_80 = tpu.memref_slice %arg10[%mul3A_69, %dma_wait3A_79] : memref<10240x64xf32, #tpu.memory_space<vmem_shared>> -> memref<640x64xf32, #tpu.memory_space<vmem_shared>>
      tpu.wait_dma2 semaphore(%run_scoped3A : memref<!tpu.dma_semaphore, #tpu.memory_space<semaphore_mem>>) src(%dma_wait3A_80 : memref<640x64xf32, #tpu.memory_space<vmem_shared>>) dst(%dma_wait3A_78 : memref<640x64xf32, #tpu.memory_space<hbm>>)
      tpu.yield
    }) : () -> ()
    return
  }
}

#map = affine_map<(d0, d1) -> (0, 0)>
#map1 = affine_map<(d0, d1) -> (0, 0, 0, 0)>
#map2 = affine_map<(d0, d1) -> (0, 0, 0)>
module attributes {stable_mosaic.version = 14 : i64} {
  func.func @_sc_scatter_body(%arg0: i32, %arg1: i32, %arg2: memref<100000x64xf32, #tpu.memory_space<hbm>>, %arg3: memref<2x16x250x80xi32, #tpu.memory_space<hbm>>, %arg4: memref<16x250x80xi32, #tpu.memory_space<hbm>>, %arg5: memref<10240x64xf32, #tpu.memory_space<hbm>>, %arg6: memref<2x10240x64xf32, #tpu.memory_space<hbm>>, %arg7: memref<250x80xi32, #tpu.memory_space<vmem>>, %arg8: memref<250x80xi32, #tpu.memory_space<vmem>>, %arg9: memref<5x80x64xf32, #tpu.memory_space<vmem>>, %arg10: memref<10240x64xf32, #tpu.memory_space<vmem_shared>>, %arg11: memref<!tpu.dma_semaphore, #tpu.memory_space<semaphore_mem>>, %arg12: memref<!tpu.dma_semaphore, #tpu.memory_space<semaphore_mem>>, %arg13: memref<!tpu.dma_semaphore, #tpu.memory_space<semaphore_mem>>, %arg14: memref<!tpu.dma_semaphore, #tpu.memory_space<semaphore_mem>>, %arg15: memref<!tpu.dma_semaphore, #tpu.memory_space<semaphore_mem>>) attributes {dimension_semantics = [#tpu.dimension_semantics<core_parallel>, #tpu.dimension_semantics<subcore_parallel>], iteration_bounds = array<i64: 2, 16>, scalar_prefetch = 0 : i64, scratch_operands = 9 : i64, tpu.core_type = #tpu.core_type<sc_vector_subcore>, window_params = [{transform_indices = #map}, {transform_indices = #map1}, {transform_indices = #map2}, {transform_indices = #map}, {transform_indices = #map2}]} {
    %mul3A = arith.constant 640 : i32
    %mul3A_0 = arith.muli %arg1, %mul3A : i32
    %mul3A_1 = arith.constant 640 : i32
    %mul3A_2 = arith.muli %arg1, %mul3A_1 : i32
    "tpu.region"() ({
      %run_scoped3A = tpu.sem_alloc : memref<!tpu.dma_semaphore, #tpu.memory_space<semaphore_mem>>
      %dma_start3A_72 = arith.constant 0 : i32
      %dma_start3A_73 = tpu.memref_slice %arg10[%mul3A_2, %dma_start3A_72] : memref<10240x64xf32, #tpu.memory_space<vmem_shared>> -> memref<640x64xf32, #tpu.memory_space<vmem_shared>>
      %dma_start3A_74 = arith.constant 0 : i32
      %dma_start3A_75 = tpu.memref_slice %arg5[%mul3A_0, %dma_start3A_74] : memref<10240x64xf32, #tpu.memory_space<hbm>> -> memref<640x64xf32, #tpu.memory_space<hbm>>
      tpu.enqueue_dma source(%dma_start3A_75 : memref<640x64xf32, #tpu.memory_space<hbm>>) target(%dma_start3A_73 : memref<640x64xf32, #tpu.memory_space<vmem_shared>>) target_semaphore(%run_scoped3A : memref<!tpu.dma_semaphore, #tpu.memory_space<semaphore_mem>>)
      %dma_wait3A = arith.constant 0 : i32
      %dma_wait3A_76 = tpu.memref_slice %arg10[%mul3A_2, %dma_wait3A] : memref<10240x64xf32, #tpu.memory_space<vmem_shared>> -> memref<640x64xf32, #tpu.memory_space<vmem_shared>>
      %dma_wait3A_77 = arith.constant 0 : i32
      %dma_wait3A_78 = tpu.memref_slice %arg5[%mul3A_0, %dma_wait3A_77] : memref<10240x64xf32, #tpu.memory_space<hbm>> -> memref<640x64xf32, #tpu.memory_space<hbm>>
      tpu.wait_dma2 semaphore(%run_scoped3A : memref<!tpu.dma_semaphore, #tpu.memory_space<semaphore_mem>>) src(%dma_wait3A_78 : memref<640x64xf32, #tpu.memory_space<hbm>>) dst(%dma_wait3A_76 : memref<640x64xf32, #tpu.memory_space<vmem_shared>>)
      tpu.yield
    }) : () -> ()
    "tpu.region"() ({
      %run_scoped3A = tpu.sem_alloc : memref<!tpu.dma_semaphore, #tpu.memory_space<semaphore_mem>>
      %dma_start3A_72 = arith.constant 0 : i32
      %dma_start3A_73 = arith.constant 0 : i32
      %dma_start3A_74 = tpu.memref_slice %arg3[%arg0, %arg1, %dma_start3A_72, %dma_start3A_73] : memref<2x16x250x80xi32, #tpu.memory_space<hbm>> -> memref<1x1x250x80xi32, #tpu.memory_space<hbm>>
      %dma_start3A_75 = tpu.memref_squeeze %dma_start3A_74 : memref<1x1x250x80xi32, #tpu.memory_space<hbm>> -> memref<250x80xi32, #tpu.memory_space<hbm>>
      %dma_start3A_76 = arith.constant 0 : i32
      %dma_start3A_77 = arith.constant 0 : i32
      %dma_start3A_78 = tpu.memref_slice %arg3[%arg0, %arg1, %dma_start3A_76, %dma_start3A_77] : memref<2x16x250x80xi32, #tpu.memory_space<hbm>> -> memref<1x1x250x80xi32, #tpu.memory_space<hbm>>
      %dma_start3A_79 = tpu.memref_squeeze %dma_start3A_78 : memref<1x1x250x80xi32, #tpu.memory_space<hbm>> -> memref<250x80xi32, #tpu.memory_space<hbm>>
      tpu.enqueue_dma source(%dma_start3A_79 : memref<250x80xi32, #tpu.memory_space<hbm>>) target(%arg7 : memref<250x80xi32, #tpu.memory_space<vmem>>) target_semaphore(%run_scoped3A : memref<!tpu.dma_semaphore, #tpu.memory_space<semaphore_mem>>)
      %dma_wait3A = arith.constant 0 : i32
      %dma_wait3A_80 = arith.constant 0 : i32
      %dma_wait3A_81 = tpu.memref_slice %arg3[%arg0, %arg1, %dma_wait3A, %dma_wait3A_80] : memref<2x16x250x80xi32, #tpu.memory_space<hbm>> -> memref<1x1x250x80xi32, #tpu.memory_space<hbm>>
      %dma_wait3A_82 = tpu.memref_squeeze %dma_wait3A_81 : memref<1x1x250x80xi32, #tpu.memory_space<hbm>> -> memref<250x80xi32, #tpu.memory_space<hbm>>
      %dma_wait3A_83 = arith.constant 0 : i32
      %dma_wait3A_84 = arith.constant 0 : i32
      %dma_wait3A_85 = tpu.memref_slice %arg3[%arg0, %arg1, %dma_wait3A_83, %dma_wait3A_84] : memref<2x16x250x80xi32, #tpu.memory_space<hbm>> -> memref<1x1x250x80xi32, #tpu.memory_space<hbm>>
      %dma_wait3A_86 = tpu.memref_squeeze %dma_wait3A_85 : memref<1x1x250x80xi32, #tpu.memory_space<hbm>> -> memref<250x80xi32, #tpu.memory_space<hbm>>
      tpu.wait_dma2 semaphore(%run_scoped3A : memref<!tpu.dma_semaphore, #tpu.memory_space<semaphore_mem>>) src(%dma_wait3A_86 : memref<250x80xi32, #tpu.memory_space<hbm>>) dst(%arg7 : memref<250x80xi32, #tpu.memory_space<vmem>>)
      tpu.yield
    }) : () -> ()
    "tpu.region"() ({
      %run_scoped3A = tpu.sem_alloc : memref<!tpu.dma_semaphore, #tpu.memory_space<semaphore_mem>>
      %dma_start3A_72 = arith.constant 0 : i32
      %dma_start3A_73 = arith.constant 0 : i32
      %dma_start3A_74 = tpu.memref_slice %arg4[%arg1, %dma_start3A_72, %dma_start3A_73] : memref<16x250x80xi32, #tpu.memory_space<hbm>> -> memref<1x250x80xi32, #tpu.memory_space<hbm>>
      %dma_start3A_75 = tpu.memref_squeeze %dma_start3A_74 : memref<1x250x80xi32, #tpu.memory_space<hbm>> -> memref<250x80xi32, #tpu.memory_space<hbm>>
      %dma_start3A_76 = arith.constant 0 : i32
      %dma_start3A_77 = arith.constant 0 : i32
      %dma_start3A_78 = tpu.memref_slice %arg4[%arg1, %dma_start3A_76, %dma_start3A_77] : memref<16x250x80xi32, #tpu.memory_space<hbm>> -> memref<1x250x80xi32, #tpu.memory_space<hbm>>
      %dma_start3A_79 = tpu.memref_squeeze %dma_start3A_78 : memref<1x250x80xi32, #tpu.memory_space<hbm>> -> memref<250x80xi32, #tpu.memory_space<hbm>>
      tpu.enqueue_dma source(%dma_start3A_79 : memref<250x80xi32, #tpu.memory_space<hbm>>) target(%arg8 : memref<250x80xi32, #tpu.memory_space<vmem>>) target_semaphore(%run_scoped3A : memref<!tpu.dma_semaphore, #tpu.memory_space<semaphore_mem>>)
      %dma_wait3A = arith.constant 0 : i32
      %dma_wait3A_80 = arith.constant 0 : i32
      %dma_wait3A_81 = tpu.memref_slice %arg4[%arg1, %dma_wait3A, %dma_wait3A_80] : memref<16x250x80xi32, #tpu.memory_space<hbm>> -> memref<1x250x80xi32, #tpu.memory_space<hbm>>
      %dma_wait3A_82 = tpu.memref_squeeze %dma_wait3A_81 : memref<1x250x80xi32, #tpu.memory_space<hbm>> -> memref<250x80xi32, #tpu.memory_space<hbm>>
      %dma_wait3A_83 = arith.constant 0 : i32
      %dma_wait3A_84 = arith.constant 0 : i32
      %dma_wait3A_85 = tpu.memref_slice %arg4[%arg1, %dma_wait3A_83, %dma_wait3A_84] : memref<16x250x80xi32, #tpu.memory_space<hbm>> -> memref<1x250x80xi32, #tpu.memory_space<hbm>>
      %dma_wait3A_86 = tpu.memref_squeeze %dma_wait3A_85 : memref<1x250x80xi32, #tpu.memory_space<hbm>> -> memref<250x80xi32, #tpu.memory_space<hbm>>
      tpu.wait_dma2 semaphore(%run_scoped3A : memref<!tpu.dma_semaphore, #tpu.memory_space<semaphore_mem>>) src(%dma_wait3A_86 : memref<250x80xi32, #tpu.memory_space<hbm>>) dst(%arg8 : memref<250x80xi32, #tpu.memory_space<vmem>>)
      tpu.yield
    }) : () -> ()
    %barrier3A = arith.constant 0 : index
    tpu.barrier barrier_id(%barrier3A)
    %dma_start3A = arith.constant 0 : i32
    %dma_start3A_3 = arith.constant 0 : i32
    %dma_start3A_4 = arith.constant 0 : i32
    %dma_start3A_5 = arith.constant 0 : i32
    %dma_start3A_6 = tpu.memref_slice %arg9[%dma_start3A_3, %dma_start3A_4, %dma_start3A_5] : memref<5x80x64xf32, #tpu.memory_space<vmem>> -> memref<1x80x64xf32, #tpu.memory_space<vmem>>
    %dma_start3A_7 = tpu.memref_squeeze %dma_start3A_6 : memref<1x80x64xf32, #tpu.memory_space<vmem>> -> memref<80x64xf32, #tpu.memory_space<vmem>>
    %dma_start3A_8 = arith.constant 0 : i32
    %dma_start3A_9 = tpu.memref_slice %arg7[%dma_start3A, %dma_start3A_8] : memref<250x80xi32, #tpu.memory_space<vmem>> -> memref<1x80xi32, #tpu.memory_space<vmem>>
    %dma_start3A_10 = tpu.memref_squeeze %dma_start3A_9 : memref<1x80xi32, #tpu.memory_space<vmem>> -> memref<80xi32, #tpu.memory_space<vmem>>
    %dma_start3A_11 = arith.constant 0 : i32
    %dma_start3A_12 = arith.constant 0 : i32
    %dma_start3A_13 = tpu.memref_slice %arg2[%dma_start3A_11, %dma_start3A_12] : memref<100000x64xf32, #tpu.memory_space<hbm>> -> memref<100000x64xf32, #tpu.memory_space<hbm>>
    tpu.enqueue_indirect_dma source(%dma_start3A_13 : memref<100000x64xf32, #tpu.memory_space<hbm>>) target(%dma_start3A_7 : memref<80x64xf32, #tpu.memory_space<vmem>>) offsets(%dma_start3A_10 : memref<80xi32, #tpu.memory_space<vmem>>) semaphore(%arg11 : memref<!tpu.dma_semaphore, #tpu.memory_space<semaphore_mem>>)
    %dma_start3A_14 = arith.constant 1 : i32
    %dma_start3A_15 = arith.constant 1 : i32
    %dma_start3A_16 = arith.constant 0 : i32
    %dma_start3A_17 = arith.constant 0 : i32
    %dma_start3A_18 = tpu.memref_slice %arg9[%dma_start3A_15, %dma_start3A_16, %dma_start3A_17] : memref<5x80x64xf32, #tpu.memory_space<vmem>> -> memref<1x80x64xf32, #tpu.memory_space<vmem>>
    %dma_start3A_19 = tpu.memref_squeeze %dma_start3A_18 : memref<1x80x64xf32, #tpu.memory_space<vmem>> -> memref<80x64xf32, #tpu.memory_space<vmem>>
    %dma_start3A_20 = arith.constant 0 : i32
    %dma_start3A_21 = tpu.memref_slice %arg7[%dma_start3A_14, %dma_start3A_20] : memref<250x80xi32, #tpu.memory_space<vmem>> -> memref<1x80xi32, #tpu.memory_space<vmem>>
    %dma_start3A_22 = tpu.memref_squeeze %dma_start3A_21 : memref<1x80xi32, #tpu.memory_space<vmem>> -> memref<80xi32, #tpu.memory_space<vmem>>
    %dma_start3A_23 = arith.constant 0 : i32
    %dma_start3A_24 = arith.constant 0 : i32
    %dma_start3A_25 = tpu.memref_slice %arg2[%dma_start3A_23, %dma_start3A_24] : memref<100000x64xf32, #tpu.memory_space<hbm>> -> memref<100000x64xf32, #tpu.memory_space<hbm>>
    tpu.enqueue_indirect_dma source(%dma_start3A_25 : memref<100000x64xf32, #tpu.memory_space<hbm>>) target(%dma_start3A_19 : memref<80x64xf32, #tpu.memory_space<vmem>>) offsets(%dma_start3A_22 : memref<80xi32, #tpu.memory_space<vmem>>) semaphore(%arg12 : memref<!tpu.dma_semaphore, #tpu.memory_space<semaphore_mem>>)
    %dma_start3A_26 = arith.constant 2 : i32
    %dma_start3A_27 = arith.constant 2 : i32
    %dma_start3A_28 = arith.constant 0 : i32
    %dma_start3A_29 = arith.constant 0 : i32
    %dma_start3A_30 = tpu.memref_slice %arg9[%dma_start3A_27, %dma_start3A_28, %dma_start3A_29] : memref<5x80x64xf32, #tpu.memory_space<vmem>> -> memref<1x80x64xf32, #tpu.memory_space<vmem>>
    %dma_start3A_31 = tpu.memref_squeeze %dma_start3A_30 : memref<1x80x64xf32, #tpu.memory_space<vmem>> -> memref<80x64xf32, #tpu.memory_space<vmem>>
    %dma_start3A_32 = arith.constant 0 : i32
    %dma_start3A_33 = tpu.memref_slice %arg7[%dma_start3A_26, %dma_start3A_32] : memref<250x80xi32, #tpu.memory_space<vmem>> -> memref<1x80xi32, #tpu.memory_space<vmem>>
    %dma_start3A_34 = tpu.memref_squeeze %dma_start3A_33 : memref<1x80xi32, #tpu.memory_space<vmem>> -> memref<80xi32, #tpu.memory_space<vmem>>
    %dma_start3A_35 = arith.constant 0 : i32
    %dma_start3A_36 = arith.constant 0 : i32
    %dma_start3A_37 = tpu.memref_slice %arg2[%dma_start3A_35, %dma_start3A_36] : memref<100000x64xf32, #tpu.memory_space<hbm>> -> memref<100000x64xf32, #tpu.memory_space<hbm>>
    tpu.enqueue_indirect_dma source(%dma_start3A_37 : memref<100000x64xf32, #tpu.memory_space<hbm>>) target(%dma_start3A_31 : memref<80x64xf32, #tpu.memory_space<vmem>>) offsets(%dma_start3A_34 : memref<80xi32, #tpu.memory_space<vmem>>) semaphore(%arg13 : memref<!tpu.dma_semaphore, #tpu.memory_space<semaphore_mem>>)
    %dma_start3A_38 = arith.constant 3 : i32
    %dma_start3A_39 = arith.constant 3 : i32
    %dma_start3A_40 = arith.constant 0 : i32
    %dma_start3A_41 = arith.constant 0 : i32
    %dma_start3A_42 = tpu.memref_slice %arg9[%dma_start3A_39, %dma_start3A_40, %dma_start3A_41] : memref<5x80x64xf32, #tpu.memory_space<vmem>> -> memref<1x80x64xf32, #tpu.memory_space<vmem>>
    %dma_start3A_43 = tpu.memref_squeeze %dma_start3A_42 : memref<1x80x64xf32, #tpu.memory_space<vmem>> -> memref<80x64xf32, #tpu.memory_space<vmem>>
    %dma_start3A_44 = arith.constant 0 : i32
    %dma_start3A_45 = tpu.memref_slice %arg7[%dma_start3A_38, %dma_start3A_44] : memref<250x80xi32, #tpu.memory_space<vmem>> -> memref<1x80xi32, #tpu.memory_space<vmem>>
    %dma_start3A_46 = tpu.memref_squeeze %dma_start3A_45 : memref<1x80xi32, #tpu.memory_space<vmem>> -> memref<80xi32, #tpu.memory_space<vmem>>
    %dma_start3A_47 = arith.constant 0 : i32
    %dma_start3A_48 = arith.constant 0 : i32
    %dma_start3A_49 = tpu.memref_slice %arg2[%dma_start3A_47, %dma_start3A_48] : memref<100000x64xf32, #tpu.memory_space<hbm>> -> memref<100000x64xf32, #tpu.memory_space<hbm>>
    tpu.enqueue_indirect_dma source(%dma_start3A_49 : memref<100000x64xf32, #tpu.memory_space<hbm>>) target(%dma_start3A_43 : memref<80x64xf32, #tpu.memory_space<vmem>>) offsets(%dma_start3A_46 : memref<80xi32, #tpu.memory_space<vmem>>) semaphore(%arg14 : memref<!tpu.dma_semaphore, #tpu.memory_space<semaphore_mem>>)
    %dma_start3A_50 = arith.constant 4 : i32
    %dma_start3A_51 = arith.constant 4 : i32
    %dma_start3A_52 = arith.constant 0 : i32
    %dma_start3A_53 = arith.constant 0 : i32
    %dma_start3A_54 = tpu.memref_slice %arg9[%dma_start3A_51, %dma_start3A_52, %dma_start3A_53] : memref<5x80x64xf32, #tpu.memory_space<vmem>> -> memref<1x80x64xf32, #tpu.memory_space<vmem>>
    %dma_start3A_55 = tpu.memref_squeeze %dma_start3A_54 : memref<1x80x64xf32, #tpu.memory_space<vmem>> -> memref<80x64xf32, #tpu.memory_space<vmem>>
    %dma_start3A_56 = arith.constant 0 : i32
    %dma_start3A_57 = tpu.memref_slice %arg7[%dma_start3A_50, %dma_start3A_56] : memref<250x80xi32, #tpu.memory_space<vmem>> -> memref<1x80xi32, #tpu.memory_space<vmem>>
    %dma_start3A_58 = tpu.memref_squeeze %dma_start3A_57 : memref<1x80xi32, #tpu.memory_space<vmem>> -> memref<80xi32, #tpu.memory_space<vmem>>
    %dma_start3A_59 = arith.constant 0 : i32
    %dma_start3A_60 = arith.constant 0 : i32
    %dma_start3A_61 = tpu.memref_slice %arg2[%dma_start3A_59, %dma_start3A_60] : memref<100000x64xf32, #tpu.memory_space<hbm>> -> memref<100000x64xf32, #tpu.memory_space<hbm>>
    tpu.enqueue_indirect_dma source(%dma_start3A_61 : memref<100000x64xf32, #tpu.memory_space<hbm>>) target(%dma_start3A_55 : memref<80x64xf32, #tpu.memory_space<vmem>>) offsets(%dma_start3A_58 : memref<80xi32, #tpu.memory_space<vmem>>) semaphore(%arg15 : memref<!tpu.dma_semaphore, #tpu.memory_space<semaphore_mem>>)
    %scan3A = arith.constant 0 : i32
    %scan3A_62 = arith.constant 0 : i32
    %scan3A_63 = arith.constant 50 : i32
    %scan3A_64 = arith.addi %scan3A_62, %scan3A_63 : i32
    %scan3A_65 = arith.constant 1 : i32
    scf.for %scan3A_72 = %scan3A_62 to %scan3A_64 step %scan3A_65  : i32 {
      %mul3A_73 = arith.constant 5 : i32
      %mul3A_74 = arith.muli %scan3A_72, %mul3A_73 : i32
      %add3A = arith.constant 0 : i32
      %add3A_75 = arith.addi %mul3A_74, %add3A : i32
      %dma_wait3A = arith.constant 0 : i32
      %dma_wait3A_76 = arith.constant 0 : i32
      %dma_wait3A_77 = arith.constant 0 : i32
      %dma_wait3A_78 = tpu.memref_slice %arg9[%dma_wait3A, %dma_wait3A_76, %dma_wait3A_77] : memref<5x80x64xf32, #tpu.memory_space<vmem>> -> memref<1x80x64xf32, #tpu.memory_space<vmem>>
      %dma_wait3A_79 = tpu.memref_squeeze %dma_wait3A_78 : memref<1x80x64xf32, #tpu.memory_space<vmem>> -> memref<80x64xf32, #tpu.memory_space<vmem>>
      %dma_wait3A_80 = arith.constant 0 : i32
      %dma_wait3A_81 = tpu.memref_slice %arg7[%add3A_75, %dma_wait3A_80] : memref<250x80xi32, #tpu.memory_space<vmem>> -> memref<1x80xi32, #tpu.memory_space<vmem>>
      %dma_wait3A_82 = tpu.memref_squeeze %dma_wait3A_81 : memref<1x80xi32, #tpu.memory_space<vmem>> -> memref<80xi32, #tpu.memory_space<vmem>>
      %dma_wait3A_83 = arith.constant 0 : i32
      %dma_wait3A_84 = arith.constant 0 : i32
      %dma_wait3A_85 = tpu.memref_slice %arg2[%dma_wait3A_83, %dma_wait3A_84] : memref<100000x64xf32, #tpu.memory_space<hbm>> -> memref<100000x64xf32, #tpu.memory_space<hbm>>
      tpu.wait_indirect_dma semaphore(%arg11 : memref<!tpu.dma_semaphore, #tpu.memory_space<semaphore_mem>>) src(%dma_wait3A_85 : memref<100000x64xf32, #tpu.memory_space<hbm>>) dst(%dma_wait3A_79 : memref<80x64xf32, #tpu.memory_space<vmem>>)
      %run_scoped3A = arith.constant 0 : i32
      "tpu.region"() ({
        %run_scoped3A_182 = tpu.sem_alloc : memref<!tpu.dma_semaphore, #tpu.memory_space<semaphore_mem>>
        %dma_start3A_183 = arith.constant 0 : i32
        %dma_start3A_184 = arith.constant 0 : i32
        %dma_start3A_185 = tpu.memref_slice %arg9[%run_scoped3A, %dma_start3A_183, %dma_start3A_184] : memref<5x80x64xf32, #tpu.memory_space<vmem>> -> memref<1x80x64xf32, #tpu.memory_space<vmem>>
        %dma_start3A_186 = tpu.memref_squeeze %dma_start3A_185 : memref<1x80x64xf32, #tpu.memory_space<vmem>> -> memref<80x64xf32, #tpu.memory_space<vmem>>
        %dma_start3A_187 = arith.constant 0 : i32
        %dma_start3A_188 = tpu.memref_slice %arg8[%add3A_75, %dma_start3A_187] : memref<250x80xi32, #tpu.memory_space<vmem>> -> memref<1x80xi32, #tpu.memory_space<vmem>>
        %dma_start3A_189 = tpu.memref_squeeze %dma_start3A_188 : memref<1x80xi32, #tpu.memory_space<vmem>> -> memref<80xi32, #tpu.memory_space<vmem>>
        %dma_start3A_190 = arith.constant 0 : i32
        %dma_start3A_191 = arith.constant 0 : i32
        %dma_start3A_192 = tpu.memref_slice %arg10[%dma_start3A_190, %dma_start3A_191] : memref<10240x64xf32, #tpu.memory_space<vmem_shared>> -> memref<10240x64xf32, #tpu.memory_space<vmem_shared>>
        tpu.enqueue_indirect_dma source(%dma_start3A_186 : memref<80x64xf32, #tpu.memory_space<vmem>>) target(%dma_start3A_192 : memref<10240x64xf32, #tpu.memory_space<vmem_shared>>) offsets(%dma_start3A_189 : memref<80xi32, #tpu.memory_space<vmem>>) semaphore(%run_scoped3A_182 : memref<!tpu.dma_semaphore, #tpu.memory_space<semaphore_mem>>) {add = true}
        %dma_wait3A_193 = arith.constant 0 : i32
        %dma_wait3A_194 = arith.constant 0 : i32
        %dma_wait3A_195 = tpu.memref_slice %arg9[%run_scoped3A, %dma_wait3A_193, %dma_wait3A_194] : memref<5x80x64xf32, #tpu.memory_space<vmem>> -> memref<1x80x64xf32, #tpu.memory_space<vmem>>
        %dma_wait3A_196 = tpu.memref_squeeze %dma_wait3A_195 : memref<1x80x64xf32, #tpu.memory_space<vmem>> -> memref<80x64xf32, #tpu.memory_space<vmem>>
        %dma_wait3A_197 = arith.constant 0 : i32
        %dma_wait3A_198 = tpu.memref_slice %arg8[%add3A_75, %dma_wait3A_197] : memref<250x80xi32, #tpu.memory_space<vmem>> -> memref<1x80xi32, #tpu.memory_space<vmem>>
        %dma_wait3A_199 = tpu.memref_squeeze %dma_wait3A_198 : memref<1x80xi32, #tpu.memory_space<vmem>> -> memref<80xi32, #tpu.memory_space<vmem>>
        %dma_wait3A_200 = arith.constant 0 : i32
        %dma_wait3A_201 = arith.constant 0 : i32
        %dma_wait3A_202 = tpu.memref_slice %arg10[%dma_wait3A_200, %dma_wait3A_201] : memref<10240x64xf32, #tpu.memory_space<vmem_shared>> -> memref<10240x64xf32, #tpu.memory_space<vmem_shared>>
        tpu.wait_indirect_dma semaphore(%run_scoped3A_182 : memref<!tpu.dma_semaphore, #tpu.memory_space<semaphore_mem>>) src(%dma_wait3A_196 : memref<80x64xf32, #tpu.memory_space<vmem>>) dst(%dma_wait3A_202 : memref<10240x64xf32, #tpu.memory_space<vmem_shared>>)
        tpu.yield
      }) : () -> ()
      %add3A_86 = arith.constant 5 : i32
      %add3A_87 = arith.addi %add3A_75, %add3A_86 : i32
      %lt3A = arith.constant 250 : i32
      %lt3A_88 = arith.cmpi slt, %add3A_87, %lt3A : i32
      %convert_element_type3A = arith.extui %lt3A_88 : i1 to i32
      %cond3A = arith.constant 0 : i32
      %cond3A_89 = arith.cmpi ne, %convert_element_type3A, %cond3A : i32
      scf.if %cond3A_89 {
        %add3A_182 = arith.constant 5 : i32
        %add3A_183 = arith.addi %add3A_75, %add3A_182 : i32
        %dma_start3A_184 = arith.constant 0 : i32
        %dma_start3A_185 = arith.constant 0 : i32
        %dma_start3A_186 = arith.constant 0 : i32
        %dma_start3A_187 = tpu.memref_slice %arg9[%dma_start3A_184, %dma_start3A_185, %dma_start3A_186] : memref<5x80x64xf32, #tpu.memory_space<vmem>> -> memref<1x80x64xf32, #tpu.memory_space<vmem>>
        %dma_start3A_188 = tpu.memref_squeeze %dma_start3A_187 : memref<1x80x64xf32, #tpu.memory_space<vmem>> -> memref<80x64xf32, #tpu.memory_space<vmem>>
        %dma_start3A_189 = arith.constant 0 : i32
        %dma_start3A_190 = tpu.memref_slice %arg7[%add3A_183, %dma_start3A_189] : memref<250x80xi32, #tpu.memory_space<vmem>> -> memref<1x80xi32, #tpu.memory_space<vmem>>
        %dma_start3A_191 = tpu.memref_squeeze %dma_start3A_190 : memref<1x80xi32, #tpu.memory_space<vmem>> -> memref<80xi32, #tpu.memory_space<vmem>>
        %dma_start3A_192 = arith.constant 0 : i32
        %dma_start3A_193 = arith.constant 0 : i32
        %dma_start3A_194 = tpu.memref_slice %arg2[%dma_start3A_192, %dma_start3A_193] : memref<100000x64xf32, #tpu.memory_space<hbm>> -> memref<100000x64xf32, #tpu.memory_space<hbm>>
        tpu.enqueue_indirect_dma source(%dma_start3A_194 : memref<100000x64xf32, #tpu.memory_space<hbm>>) target(%dma_start3A_188 : memref<80x64xf32, #tpu.memory_space<vmem>>) offsets(%dma_start3A_191 : memref<80xi32, #tpu.memory_space<vmem>>) semaphore(%arg11 : memref<!tpu.dma_semaphore, #tpu.memory_space<semaphore_mem>>)
      } else {
      }
      %mul3A_90 = arith.constant 5 : i32
      %mul3A_91 = arith.muli %scan3A_72, %mul3A_90 : i32
      %add3A_92 = arith.constant 1 : i32
      %add3A_93 = arith.addi %mul3A_91, %add3A_92 : i32
      %dma_wait3A_94 = arith.constant 1 : i32
      %dma_wait3A_95 = arith.constant 0 : i32
      %dma_wait3A_96 = arith.constant 0 : i32
      %dma_wait3A_97 = tpu.memref_slice %arg9[%dma_wait3A_94, %dma_wait3A_95, %dma_wait3A_96] : memref<5x80x64xf32, #tpu.memory_space<vmem>> -> memref<1x80x64xf32, #tpu.memory_space<vmem>>
      %dma_wait3A_98 = tpu.memref_squeeze %dma_wait3A_97 : memref<1x80x64xf32, #tpu.memory_space<vmem>> -> memref<80x64xf32, #tpu.memory_space<vmem>>
      %dma_wait3A_99 = arith.constant 0 : i32
      %dma_wait3A_100 = tpu.memref_slice %arg7[%add3A_93, %dma_wait3A_99] : memref<250x80xi32, #tpu.memory_space<vmem>> -> memref<1x80xi32, #tpu.memory_space<vmem>>
      %dma_wait3A_101 = tpu.memref_squeeze %dma_wait3A_100 : memref<1x80xi32, #tpu.memory_space<vmem>> -> memref<80xi32, #tpu.memory_space<vmem>>
      %dma_wait3A_102 = arith.constant 0 : i32
      %dma_wait3A_103 = arith.constant 0 : i32
      %dma_wait3A_104 = tpu.memref_slice %arg2[%dma_wait3A_102, %dma_wait3A_103] : memref<100000x64xf32, #tpu.memory_space<hbm>> -> memref<100000x64xf32, #tpu.memory_space<hbm>>
      tpu.wait_indirect_dma semaphore(%arg12 : memref<!tpu.dma_semaphore, #tpu.memory_space<semaphore_mem>>) src(%dma_wait3A_104 : memref<100000x64xf32, #tpu.memory_space<hbm>>) dst(%dma_wait3A_98 : memref<80x64xf32, #tpu.memory_space<vmem>>)
      %run_scoped3A_105 = arith.constant 1 : i32
      "tpu.region"() ({
        %run_scoped3A_182 = tpu.sem_alloc : memref<!tpu.dma_semaphore, #tpu.memory_space<semaphore_mem>>
        %dma_start3A_183 = arith.constant 0 : i32
        %dma_start3A_184 = arith.constant 0 : i32
        %dma_start3A_185 = tpu.memref_slice %arg9[%run_scoped3A_105, %dma_start3A_183, %dma_start3A_184] : memref<5x80x64xf32, #tpu.memory_space<vmem>> -> memref<1x80x64xf32, #tpu.memory_space<vmem>>
        %dma_start3A_186 = tpu.memref_squeeze %dma_start3A_185 : memref<1x80x64xf32, #tpu.memory_space<vmem>> -> memref<80x64xf32, #tpu.memory_space<vmem>>
        %dma_start3A_187 = arith.constant 0 : i32
        %dma_start3A_188 = tpu.memref_slice %arg8[%add3A_93, %dma_start3A_187] : memref<250x80xi32, #tpu.memory_space<vmem>> -> memref<1x80xi32, #tpu.memory_space<vmem>>
        %dma_start3A_189 = tpu.memref_squeeze %dma_start3A_188 : memref<1x80xi32, #tpu.memory_space<vmem>> -> memref<80xi32, #tpu.memory_space<vmem>>
        %dma_start3A_190 = arith.constant 0 : i32
        %dma_start3A_191 = arith.constant 0 : i32
        %dma_start3A_192 = tpu.memref_slice %arg10[%dma_start3A_190, %dma_start3A_191] : memref<10240x64xf32, #tpu.memory_space<vmem_shared>> -> memref<10240x64xf32, #tpu.memory_space<vmem_shared>>
        tpu.enqueue_indirect_dma source(%dma_start3A_186 : memref<80x64xf32, #tpu.memory_space<vmem>>) target(%dma_start3A_192 : memref<10240x64xf32, #tpu.memory_space<vmem_shared>>) offsets(%dma_start3A_189 : memref<80xi32, #tpu.memory_space<vmem>>) semaphore(%run_scoped3A_182 : memref<!tpu.dma_semaphore, #tpu.memory_space<semaphore_mem>>) {add = true}
        %dma_wait3A_193 = arith.constant 0 : i32
        %dma_wait3A_194 = arith.constant 0 : i32
        %dma_wait3A_195 = tpu.memref_slice %arg9[%run_scoped3A_105, %dma_wait3A_193, %dma_wait3A_194] : memref<5x80x64xf32, #tpu.memory_space<vmem>> -> memref<1x80x64xf32, #tpu.memory_space<vmem>>
        %dma_wait3A_196 = tpu.memref_squeeze %dma_wait3A_195 : memref<1x80x64xf32, #tpu.memory_space<vmem>> -> memref<80x64xf32, #tpu.memory_space<vmem>>
        %dma_wait3A_197 = arith.constant 0 : i32
        %dma_wait3A_198 = tpu.memref_slice %arg8[%add3A_93, %dma_wait3A_197] : memref<250x80xi32, #tpu.memory_space<vmem>> -> memref<1x80xi32, #tpu.memory_space<vmem>>
        %dma_wait3A_199 = tpu.memref_squeeze %dma_wait3A_198 : memref<1x80xi32, #tpu.memory_space<vmem>> -> memref<80xi32, #tpu.memory_space<vmem>>
        %dma_wait3A_200 = arith.constant 0 : i32
        %dma_wait3A_201 = arith.constant 0 : i32
        %dma_wait3A_202 = tpu.memref_slice %arg10[%dma_wait3A_200, %dma_wait3A_201] : memref<10240x64xf32, #tpu.memory_space<vmem_shared>> -> memref<10240x64xf32, #tpu.memory_space<vmem_shared>>
        tpu.wait_indirect_dma semaphore(%run_scoped3A_182 : memref<!tpu.dma_semaphore, #tpu.memory_space<semaphore_mem>>) src(%dma_wait3A_196 : memref<80x64xf32, #tpu.memory_space<vmem>>) dst(%dma_wait3A_202 : memref<10240x64xf32, #tpu.memory_space<vmem_shared>>)
        tpu.yield
      }) : () -> ()
      %add3A_106 = arith.constant 5 : i32
      %add3A_107 = arith.addi %add3A_93, %add3A_106 : i32
      %lt3A_108 = arith.constant 250 : i32
      %lt3A_109 = arith.cmpi slt, %add3A_107, %lt3A_108 : i32
      %convert_element_type3A_110 = arith.extui %lt3A_109 : i1 to i32
      %cond3A_111 = arith.constant 0 : i32
      %cond3A_112 = arith.cmpi ne, %convert_element_type3A_110, %cond3A_111 : i32
      scf.if %cond3A_112 {
        %add3A_182 = arith.constant 5 : i32
        %add3A_183 = arith.addi %add3A_93, %add3A_182 : i32
        %dma_start3A_184 = arith.constant 1 : i32
        %dma_start3A_185 = arith.constant 0 : i32
        %dma_start3A_186 = arith.constant 0 : i32
        %dma_start3A_187 = tpu.memref_slice %arg9[%dma_start3A_184, %dma_start3A_185, %dma_start3A_186] : memref<5x80x64xf32, #tpu.memory_space<vmem>> -> memref<1x80x64xf32, #tpu.memory_space<vmem>>
        %dma_start3A_188 = tpu.memref_squeeze %dma_start3A_187 : memref<1x80x64xf32, #tpu.memory_space<vmem>> -> memref<80x64xf32, #tpu.memory_space<vmem>>
        %dma_start3A_189 = arith.constant 0 : i32
        %dma_start3A_190 = tpu.memref_slice %arg7[%add3A_183, %dma_start3A_189] : memref<250x80xi32, #tpu.memory_space<vmem>> -> memref<1x80xi32, #tpu.memory_space<vmem>>
        %dma_start3A_191 = tpu.memref_squeeze %dma_start3A_190 : memref<1x80xi32, #tpu.memory_space<vmem>> -> memref<80xi32, #tpu.memory_space<vmem>>
        %dma_start3A_192 = arith.constant 0 : i32
        %dma_start3A_193 = arith.constant 0 : i32
        %dma_start3A_194 = tpu.memref_slice %arg2[%dma_start3A_192, %dma_start3A_193] : memref<100000x64xf32, #tpu.memory_space<hbm>> -> memref<100000x64xf32, #tpu.memory_space<hbm>>
        tpu.enqueue_indirect_dma source(%dma_start3A_194 : memref<100000x64xf32, #tpu.memory_space<hbm>>) target(%dma_start3A_188 : memref<80x64xf32, #tpu.memory_space<vmem>>) offsets(%dma_start3A_191 : memref<80xi32, #tpu.memory_space<vmem>>) semaphore(%arg12 : memref<!tpu.dma_semaphore, #tpu.memory_space<semaphore_mem>>)
      } else {
      }
      %mul3A_113 = arith.constant 5 : i32
      %mul3A_114 = arith.muli %scan3A_72, %mul3A_113 : i32
      %add3A_115 = arith.constant 2 : i32
      %add3A_116 = arith.addi %mul3A_114, %add3A_115 : i32
      %dma_wait3A_117 = arith.constant 2 : i32
      %dma_wait3A_118 = arith.constant 0 : i32
      %dma_wait3A_119 = arith.constant 0 : i32
      %dma_wait3A_120 = tpu.memref_slice %arg9[%dma_wait3A_117, %dma_wait3A_118, %dma_wait3A_119] : memref<5x80x64xf32, #tpu.memory_space<vmem>> -> memref<1x80x64xf32, #tpu.memory_space<vmem>>
      %dma_wait3A_121 = tpu.memref_squeeze %dma_wait3A_120 : memref<1x80x64xf32, #tpu.memory_space<vmem>> -> memref<80x64xf32, #tpu.memory_space<vmem>>
      %dma_wait3A_122 = arith.constant 0 : i32
      %dma_wait3A_123 = tpu.memref_slice %arg7[%add3A_116, %dma_wait3A_122] : memref<250x80xi32, #tpu.memory_space<vmem>> -> memref<1x80xi32, #tpu.memory_space<vmem>>
      %dma_wait3A_124 = tpu.memref_squeeze %dma_wait3A_123 : memref<1x80xi32, #tpu.memory_space<vmem>> -> memref<80xi32, #tpu.memory_space<vmem>>
      %dma_wait3A_125 = arith.constant 0 : i32
      %dma_wait3A_126 = arith.constant 0 : i32
      %dma_wait3A_127 = tpu.memref_slice %arg2[%dma_wait3A_125, %dma_wait3A_126] : memref<100000x64xf32, #tpu.memory_space<hbm>> -> memref<100000x64xf32, #tpu.memory_space<hbm>>
      tpu.wait_indirect_dma semaphore(%arg13 : memref<!tpu.dma_semaphore, #tpu.memory_space<semaphore_mem>>) src(%dma_wait3A_127 : memref<100000x64xf32, #tpu.memory_space<hbm>>) dst(%dma_wait3A_121 : memref<80x64xf32, #tpu.memory_space<vmem>>)
      %run_scoped3A_128 = arith.constant 2 : i32
      "tpu.region"() ({
        %run_scoped3A_182 = tpu.sem_alloc : memref<!tpu.dma_semaphore, #tpu.memory_space<semaphore_mem>>
        %dma_start3A_183 = arith.constant 0 : i32
        %dma_start3A_184 = arith.constant 0 : i32
        %dma_start3A_185 = tpu.memref_slice %arg9[%run_scoped3A_128, %dma_start3A_183, %dma_start3A_184] : memref<5x80x64xf32, #tpu.memory_space<vmem>> -> memref<1x80x64xf32, #tpu.memory_space<vmem>>
        %dma_start3A_186 = tpu.memref_squeeze %dma_start3A_185 : memref<1x80x64xf32, #tpu.memory_space<vmem>> -> memref<80x64xf32, #tpu.memory_space<vmem>>
        %dma_start3A_187 = arith.constant 0 : i32
        %dma_start3A_188 = tpu.memref_slice %arg8[%add3A_116, %dma_start3A_187] : memref<250x80xi32, #tpu.memory_space<vmem>> -> memref<1x80xi32, #tpu.memory_space<vmem>>
        %dma_start3A_189 = tpu.memref_squeeze %dma_start3A_188 : memref<1x80xi32, #tpu.memory_space<vmem>> -> memref<80xi32, #tpu.memory_space<vmem>>
        %dma_start3A_190 = arith.constant 0 : i32
        %dma_start3A_191 = arith.constant 0 : i32
        %dma_start3A_192 = tpu.memref_slice %arg10[%dma_start3A_190, %dma_start3A_191] : memref<10240x64xf32, #tpu.memory_space<vmem_shared>> -> memref<10240x64xf32, #tpu.memory_space<vmem_shared>>
        tpu.enqueue_indirect_dma source(%dma_start3A_186 : memref<80x64xf32, #tpu.memory_space<vmem>>) target(%dma_start3A_192 : memref<10240x64xf32, #tpu.memory_space<vmem_shared>>) offsets(%dma_start3A_189 : memref<80xi32, #tpu.memory_space<vmem>>) semaphore(%run_scoped3A_182 : memref<!tpu.dma_semaphore, #tpu.memory_space<semaphore_mem>>) {add = true}
        %dma_wait3A_193 = arith.constant 0 : i32
        %dma_wait3A_194 = arith.constant 0 : i32
        %dma_wait3A_195 = tpu.memref_slice %arg9[%run_scoped3A_128, %dma_wait3A_193, %dma_wait3A_194] : memref<5x80x64xf32, #tpu.memory_space<vmem>> -> memref<1x80x64xf32, #tpu.memory_space<vmem>>
        %dma_wait3A_196 = tpu.memref_squeeze %dma_wait3A_195 : memref<1x80x64xf32, #tpu.memory_space<vmem>> -> memref<80x64xf32, #tpu.memory_space<vmem>>
        %dma_wait3A_197 = arith.constant 0 : i32
        %dma_wait3A_198 = tpu.memref_slice %arg8[%add3A_116, %dma_wait3A_197] : memref<250x80xi32, #tpu.memory_space<vmem>> -> memref<1x80xi32, #tpu.memory_space<vmem>>
        %dma_wait3A_199 = tpu.memref_squeeze %dma_wait3A_198 : memref<1x80xi32, #tpu.memory_space<vmem>> -> memref<80xi32, #tpu.memory_space<vmem>>
        %dma_wait3A_200 = arith.constant 0 : i32
        %dma_wait3A_201 = arith.constant 0 : i32
        %dma_wait3A_202 = tpu.memref_slice %arg10[%dma_wait3A_200, %dma_wait3A_201] : memref<10240x64xf32, #tpu.memory_space<vmem_shared>> -> memref<10240x64xf32, #tpu.memory_space<vmem_shared>>
        tpu.wait_indirect_dma semaphore(%run_scoped3A_182 : memref<!tpu.dma_semaphore, #tpu.memory_space<semaphore_mem>>) src(%dma_wait3A_196 : memref<80x64xf32, #tpu.memory_space<vmem>>) dst(%dma_wait3A_202 : memref<10240x64xf32, #tpu.memory_space<vmem_shared>>)
        tpu.yield
      }) : () -> ()
      %add3A_129 = arith.constant 5 : i32
      %add3A_130 = arith.addi %add3A_116, %add3A_129 : i32
      %lt3A_131 = arith.constant 250 : i32
      %lt3A_132 = arith.cmpi slt, %add3A_130, %lt3A_131 : i32
      %convert_element_type3A_133 = arith.extui %lt3A_132 : i1 to i32
      %cond3A_134 = arith.constant 0 : i32
      %cond3A_135 = arith.cmpi ne, %convert_element_type3A_133, %cond3A_134 : i32
      scf.if %cond3A_135 {
        %add3A_182 = arith.constant 5 : i32
        %add3A_183 = arith.addi %add3A_116, %add3A_182 : i32
        %dma_start3A_184 = arith.constant 2 : i32
        %dma_start3A_185 = arith.constant 0 : i32
        %dma_start3A_186 = arith.constant 0 : i32
        %dma_start3A_187 = tpu.memref_slice %arg9[%dma_start3A_184, %dma_start3A_185, %dma_start3A_186] : memref<5x80x64xf32, #tpu.memory_space<vmem>> -> memref<1x80x64xf32, #tpu.memory_space<vmem>>
        %dma_start3A_188 = tpu.memref_squeeze %dma_start3A_187 : memref<1x80x64xf32, #tpu.memory_space<vmem>> -> memref<80x64xf32, #tpu.memory_space<vmem>>
        %dma_start3A_189 = arith.constant 0 : i32
        %dma_start3A_190 = tpu.memref_slice %arg7[%add3A_183, %dma_start3A_189] : memref<250x80xi32, #tpu.memory_space<vmem>> -> memref<1x80xi32, #tpu.memory_space<vmem>>
        %dma_start3A_191 = tpu.memref_squeeze %dma_start3A_190 : memref<1x80xi32, #tpu.memory_space<vmem>> -> memref<80xi32, #tpu.memory_space<vmem>>
        %dma_start3A_192 = arith.constant 0 : i32
        %dma_start3A_193 = arith.constant 0 : i32
        %dma_start3A_194 = tpu.memref_slice %arg2[%dma_start3A_192, %dma_start3A_193] : memref<100000x64xf32, #tpu.memory_space<hbm>> -> memref<100000x64xf32, #tpu.memory_space<hbm>>
        tpu.enqueue_indirect_dma source(%dma_start3A_194 : memref<100000x64xf32, #tpu.memory_space<hbm>>) target(%dma_start3A_188 : memref<80x64xf32, #tpu.memory_space<vmem>>) offsets(%dma_start3A_191 : memref<80xi32, #tpu.memory_space<vmem>>) semaphore(%arg13 : memref<!tpu.dma_semaphore, #tpu.memory_space<semaphore_mem>>)
      } else {
      }
      %mul3A_136 = arith.constant 5 : i32
      %mul3A_137 = arith.muli %scan3A_72, %mul3A_136 : i32
      %add3A_138 = arith.constant 3 : i32
      %add3A_139 = arith.addi %mul3A_137, %add3A_138 : i32
      %dma_wait3A_140 = arith.constant 3 : i32
      %dma_wait3A_141 = arith.constant 0 : i32
      %dma_wait3A_142 = arith.constant 0 : i32
      %dma_wait3A_143 = tpu.memref_slice %arg9[%dma_wait3A_140, %dma_wait3A_141, %dma_wait3A_142] : memref<5x80x64xf32, #tpu.memory_space<vmem>> -> memref<1x80x64xf32, #tpu.memory_space<vmem>>
      %dma_wait3A_144 = tpu.memref_squeeze %dma_wait3A_143 : memref<1x80x64xf32, #tpu.memory_space<vmem>> -> memref<80x64xf32, #tpu.memory_space<vmem>>
      %dma_wait3A_145 = arith.constant 0 : i32
      %dma_wait3A_146 = tpu.memref_slice %arg7[%add3A_139, %dma_wait3A_145] : memref<250x80xi32, #tpu.memory_space<vmem>> -> memref<1x80xi32, #tpu.memory_space<vmem>>
      %dma_wait3A_147 = tpu.memref_squeeze %dma_wait3A_146 : memref<1x80xi32, #tpu.memory_space<vmem>> -> memref<80xi32, #tpu.memory_space<vmem>>
      %dma_wait3A_148 = arith.constant 0 : i32
      %dma_wait3A_149 = arith.constant 0 : i32
      %dma_wait3A_150 = tpu.memref_slice %arg2[%dma_wait3A_148, %dma_wait3A_149] : memref<100000x64xf32, #tpu.memory_space<hbm>> -> memref<100000x64xf32, #tpu.memory_space<hbm>>
      tpu.wait_indirect_dma semaphore(%arg14 : memref<!tpu.dma_semaphore, #tpu.memory_space<semaphore_mem>>) src(%dma_wait3A_150 : memref<100000x64xf32, #tpu.memory_space<hbm>>) dst(%dma_wait3A_144 : memref<80x64xf32, #tpu.memory_space<vmem>>)
      %run_scoped3A_151 = arith.constant 3 : i32
      "tpu.region"() ({
        %run_scoped3A_182 = tpu.sem_alloc : memref<!tpu.dma_semaphore, #tpu.memory_space<semaphore_mem>>
        %dma_start3A_183 = arith.constant 0 : i32
        %dma_start3A_184 = arith.constant 0 : i32
        %dma_start3A_185 = tpu.memref_slice %arg9[%run_scoped3A_151, %dma_start3A_183, %dma_start3A_184] : memref<5x80x64xf32, #tpu.memory_space<vmem>> -> memref<1x80x64xf32, #tpu.memory_space<vmem>>
        %dma_start3A_186 = tpu.memref_squeeze %dma_start3A_185 : memref<1x80x64xf32, #tpu.memory_space<vmem>> -> memref<80x64xf32, #tpu.memory_space<vmem>>
        %dma_start3A_187 = arith.constant 0 : i32
        %dma_start3A_188 = tpu.memref_slice %arg8[%add3A_139, %dma_start3A_187] : memref<250x80xi32, #tpu.memory_space<vmem>> -> memref<1x80xi32, #tpu.memory_space<vmem>>
        %dma_start3A_189 = tpu.memref_squeeze %dma_start3A_188 : memref<1x80xi32, #tpu.memory_space<vmem>> -> memref<80xi32, #tpu.memory_space<vmem>>
        %dma_start3A_190 = arith.constant 0 : i32
        %dma_start3A_191 = arith.constant 0 : i32
        %dma_start3A_192 = tpu.memref_slice %arg10[%dma_start3A_190, %dma_start3A_191] : memref<10240x64xf32, #tpu.memory_space<vmem_shared>> -> memref<10240x64xf32, #tpu.memory_space<vmem_shared>>
        tpu.enqueue_indirect_dma source(%dma_start3A_186 : memref<80x64xf32, #tpu.memory_space<vmem>>) target(%dma_start3A_192 : memref<10240x64xf32, #tpu.memory_space<vmem_shared>>) offsets(%dma_start3A_189 : memref<80xi32, #tpu.memory_space<vmem>>) semaphore(%run_scoped3A_182 : memref<!tpu.dma_semaphore, #tpu.memory_space<semaphore_mem>>) {add = true}
        %dma_wait3A_193 = arith.constant 0 : i32
        %dma_wait3A_194 = arith.constant 0 : i32
        %dma_wait3A_195 = tpu.memref_slice %arg9[%run_scoped3A_151, %dma_wait3A_193, %dma_wait3A_194] : memref<5x80x64xf32, #tpu.memory_space<vmem>> -> memref<1x80x64xf32, #tpu.memory_space<vmem>>
        %dma_wait3A_196 = tpu.memref_squeeze %dma_wait3A_195 : memref<1x80x64xf32, #tpu.memory_space<vmem>> -> memref<80x64xf32, #tpu.memory_space<vmem>>
        %dma_wait3A_197 = arith.constant 0 : i32
        %dma_wait3A_198 = tpu.memref_slice %arg8[%add3A_139, %dma_wait3A_197] : memref<250x80xi32, #tpu.memory_space<vmem>> -> memref<1x80xi32, #tpu.memory_space<vmem>>
        %dma_wait3A_199 = tpu.memref_squeeze %dma_wait3A_198 : memref<1x80xi32, #tpu.memory_space<vmem>> -> memref<80xi32, #tpu.memory_space<vmem>>
        %dma_wait3A_200 = arith.constant 0 : i32
        %dma_wait3A_201 = arith.constant 0 : i32
        %dma_wait3A_202 = tpu.memref_slice %arg10[%dma_wait3A_200, %dma_wait3A_201] : memref<10240x64xf32, #tpu.memory_space<vmem_shared>> -> memref<10240x64xf32, #tpu.memory_space<vmem_shared>>
        tpu.wait_indirect_dma semaphore(%run_scoped3A_182 : memref<!tpu.dma_semaphore, #tpu.memory_space<semaphore_mem>>) src(%dma_wait3A_196 : memref<80x64xf32, #tpu.memory_space<vmem>>) dst(%dma_wait3A_202 : memref<10240x64xf32, #tpu.memory_space<vmem_shared>>)
        tpu.yield
      }) : () -> ()
      %add3A_152 = arith.constant 5 : i32
      %add3A_153 = arith.addi %add3A_139, %add3A_152 : i32
      %lt3A_154 = arith.constant 250 : i32
      %lt3A_155 = arith.cmpi slt, %add3A_153, %lt3A_154 : i32
      %convert_element_type3A_156 = arith.extui %lt3A_155 : i1 to i32
      %cond3A_157 = arith.constant 0 : i32
      %cond3A_158 = arith.cmpi ne, %convert_element_type3A_156, %cond3A_157 : i32
      scf.if %cond3A_158 {
        %add3A_182 = arith.constant 5 : i32
        %add3A_183 = arith.addi %add3A_139, %add3A_182 : i32
        %dma_start3A_184 = arith.constant 3 : i32
        %dma_start3A_185 = arith.constant 0 : i32
        %dma_start3A_186 = arith.constant 0 : i32
        %dma_start3A_187 = tpu.memref_slice %arg9[%dma_start3A_184, %dma_start3A_185, %dma_start3A_186] : memref<5x80x64xf32, #tpu.memory_space<vmem>> -> memref<1x80x64xf32, #tpu.memory_space<vmem>>
        %dma_start3A_188 = tpu.memref_squeeze %dma_start3A_187 : memref<1x80x64xf32, #tpu.memory_space<vmem>> -> memref<80x64xf32, #tpu.memory_space<vmem>>
        %dma_start3A_189 = arith.constant 0 : i32
        %dma_start3A_190 = tpu.memref_slice %arg7[%add3A_183, %dma_start3A_189] : memref<250x80xi32, #tpu.memory_space<vmem>> -> memref<1x80xi32, #tpu.memory_space<vmem>>
        %dma_start3A_191 = tpu.memref_squeeze %dma_start3A_190 : memref<1x80xi32, #tpu.memory_space<vmem>> -> memref<80xi32, #tpu.memory_space<vmem>>
        %dma_start3A_192 = arith.constant 0 : i32
        %dma_start3A_193 = arith.constant 0 : i32
        %dma_start3A_194 = tpu.memref_slice %arg2[%dma_start3A_192, %dma_start3A_193] : memref<100000x64xf32, #tpu.memory_space<hbm>> -> memref<100000x64xf32, #tpu.memory_space<hbm>>
        tpu.enqueue_indirect_dma source(%dma_start3A_194 : memref<100000x64xf32, #tpu.memory_space<hbm>>) target(%dma_start3A_188 : memref<80x64xf32, #tpu.memory_space<vmem>>) offsets(%dma_start3A_191 : memref<80xi32, #tpu.memory_space<vmem>>) semaphore(%arg14 : memref<!tpu.dma_semaphore, #tpu.memory_space<semaphore_mem>>)
      } else {
      }
      %mul3A_159 = arith.constant 5 : i32
      %mul3A_160 = arith.muli %scan3A_72, %mul3A_159 : i32
      %add3A_161 = arith.constant 4 : i32
      %add3A_162 = arith.addi %mul3A_160, %add3A_161 : i32
      %dma_wait3A_163 = arith.constant 4 : i32
      %dma_wait3A_164 = arith.constant 0 : i32
      %dma_wait3A_165 = arith.constant 0 : i32
      %dma_wait3A_166 = tpu.memref_slice %arg9[%dma_wait3A_163, %dma_wait3A_164, %dma_wait3A_165] : memref<5x80x64xf32, #tpu.memory_space<vmem>> -> memref<1x80x64xf32, #tpu.memory_space<vmem>>
      %dma_wait3A_167 = tpu.memref_squeeze %dma_wait3A_166 : memref<1x80x64xf32, #tpu.memory_space<vmem>> -> memref<80x64xf32, #tpu.memory_space<vmem>>
      %dma_wait3A_168 = arith.constant 0 : i32
      %dma_wait3A_169 = tpu.memref_slice %arg7[%add3A_162, %dma_wait3A_168] : memref<250x80xi32, #tpu.memory_space<vmem>> -> memref<1x80xi32, #tpu.memory_space<vmem>>
      %dma_wait3A_170 = tpu.memref_squeeze %dma_wait3A_169 : memref<1x80xi32, #tpu.memory_space<vmem>> -> memref<80xi32, #tpu.memory_space<vmem>>
      %dma_wait3A_171 = arith.constant 0 : i32
      %dma_wait3A_172 = arith.constant 0 : i32
      %dma_wait3A_173 = tpu.memref_slice %arg2[%dma_wait3A_171, %dma_wait3A_172] : memref<100000x64xf32, #tpu.memory_space<hbm>> -> memref<100000x64xf32, #tpu.memory_space<hbm>>
      tpu.wait_indirect_dma semaphore(%arg15 : memref<!tpu.dma_semaphore, #tpu.memory_space<semaphore_mem>>) src(%dma_wait3A_173 : memref<100000x64xf32, #tpu.memory_space<hbm>>) dst(%dma_wait3A_167 : memref<80x64xf32, #tpu.memory_space<vmem>>)
      %run_scoped3A_174 = arith.constant 4 : i32
      "tpu.region"() ({
        %run_scoped3A_182 = tpu.sem_alloc : memref<!tpu.dma_semaphore, #tpu.memory_space<semaphore_mem>>
        %dma_start3A_183 = arith.constant 0 : i32
        %dma_start3A_184 = arith.constant 0 : i32
        %dma_start3A_185 = tpu.memref_slice %arg9[%run_scoped3A_174, %dma_start3A_183, %dma_start3A_184] : memref<5x80x64xf32, #tpu.memory_space<vmem>> -> memref<1x80x64xf32, #tpu.memory_space<vmem>>
        %dma_start3A_186 = tpu.memref_squeeze %dma_start3A_185 : memref<1x80x64xf32, #tpu.memory_space<vmem>> -> memref<80x64xf32, #tpu.memory_space<vmem>>
        %dma_start3A_187 = arith.constant 0 : i32
        %dma_start3A_188 = tpu.memref_slice %arg8[%add3A_162, %dma_start3A_187] : memref<250x80xi32, #tpu.memory_space<vmem>> -> memref<1x80xi32, #tpu.memory_space<vmem>>
        %dma_start3A_189 = tpu.memref_squeeze %dma_start3A_188 : memref<1x80xi32, #tpu.memory_space<vmem>> -> memref<80xi32, #tpu.memory_space<vmem>>
        %dma_start3A_190 = arith.constant 0 : i32
        %dma_start3A_191 = arith.constant 0 : i32
        %dma_start3A_192 = tpu.memref_slice %arg10[%dma_start3A_190, %dma_start3A_191] : memref<10240x64xf32, #tpu.memory_space<vmem_shared>> -> memref<10240x64xf32, #tpu.memory_space<vmem_shared>>
        tpu.enqueue_indirect_dma source(%dma_start3A_186 : memref<80x64xf32, #tpu.memory_space<vmem>>) target(%dma_start3A_192 : memref<10240x64xf32, #tpu.memory_space<vmem_shared>>) offsets(%dma_start3A_189 : memref<80xi32, #tpu.memory_space<vmem>>) semaphore(%run_scoped3A_182 : memref<!tpu.dma_semaphore, #tpu.memory_space<semaphore_mem>>) {add = true}
        %dma_wait3A_193 = arith.constant 0 : i32
        %dma_wait3A_194 = arith.constant 0 : i32
        %dma_wait3A_195 = tpu.memref_slice %arg9[%run_scoped3A_174, %dma_wait3A_193, %dma_wait3A_194] : memref<5x80x64xf32, #tpu.memory_space<vmem>> -> memref<1x80x64xf32, #tpu.memory_space<vmem>>
        %dma_wait3A_196 = tpu.memref_squeeze %dma_wait3A_195 : memref<1x80x64xf32, #tpu.memory_space<vmem>> -> memref<80x64xf32, #tpu.memory_space<vmem>>
        %dma_wait3A_197 = arith.constant 0 : i32
        %dma_wait3A_198 = tpu.memref_slice %arg8[%add3A_162, %dma_wait3A_197] : memref<250x80xi32, #tpu.memory_space<vmem>> -> memref<1x80xi32, #tpu.memory_space<vmem>>
        %dma_wait3A_199 = tpu.memref_squeeze %dma_wait3A_198 : memref<1x80xi32, #tpu.memory_space<vmem>> -> memref<80xi32, #tpu.memory_space<vmem>>
        %dma_wait3A_200 = arith.constant 0 : i32
        %dma_wait3A_201 = arith.constant 0 : i32
        %dma_wait3A_202 = tpu.memref_slice %arg10[%dma_wait3A_200, %dma_wait3A_201] : memref<10240x64xf32, #tpu.memory_space<vmem_shared>> -> memref<10240x64xf32, #tpu.memory_space<vmem_shared>>
        tpu.wait_indirect_dma semaphore(%run_scoped3A_182 : memref<!tpu.dma_semaphore, #tpu.memory_space<semaphore_mem>>) src(%dma_wait3A_196 : memref<80x64xf32, #tpu.memory_space<vmem>>) dst(%dma_wait3A_202 : memref<10240x64xf32, #tpu.memory_space<vmem_shared>>)
        tpu.yield
      }) : () -> ()
      %add3A_175 = arith.constant 5 : i32
      %add3A_176 = arith.addi %add3A_162, %add3A_175 : i32
      %lt3A_177 = arith.constant 250 : i32
      %lt3A_178 = arith.cmpi slt, %add3A_176, %lt3A_177 : i32
      %convert_element_type3A_179 = arith.extui %lt3A_178 : i1 to i32
      %cond3A_180 = arith.constant 0 : i32
      %cond3A_181 = arith.cmpi ne, %convert_element_type3A_179, %cond3A_180 : i32
      scf.if %cond3A_181 {
        %add3A_182 = arith.constant 5 : i32
        %add3A_183 = arith.addi %add3A_162, %add3A_182 : i32
        %dma_start3A_184 = arith.constant 4 : i32
        %dma_start3A_185 = arith.constant 0 : i32
        %dma_start3A_186 = arith.constant 0 : i32
        %dma_start3A_187 = tpu.memref_slice %arg9[%dma_start3A_184, %dma_start3A_185, %dma_start3A_186] : memref<5x80x64xf32, #tpu.memory_space<vmem>> -> memref<1x80x64xf32, #tpu.memory_space<vmem>>
        %dma_start3A_188 = tpu.memref_squeeze %dma_start3A_187 : memref<1x80x64xf32, #tpu.memory_space<vmem>> -> memref<80x64xf32, #tpu.memory_space<vmem>>
        %dma_start3A_189 = arith.constant 0 : i32
        %dma_start3A_190 = tpu.memref_slice %arg7[%add3A_183, %dma_start3A_189] : memref<250x80xi32, #tpu.memory_space<vmem>> -> memref<1x80xi32, #tpu.memory_space<vmem>>
        %dma_start3A_191 = tpu.memref_squeeze %dma_start3A_190 : memref<1x80xi32, #tpu.memory_space<vmem>> -> memref<80xi32, #tpu.memory_space<vmem>>
        %dma_start3A_192 = arith.constant 0 : i32
        %dma_start3A_193 = arith.constant 0 : i32
        %dma_start3A_194 = tpu.memref_slice %arg2[%dma_start3A_192, %dma_start3A_193] : memref<100000x64xf32, #tpu.memory_space<hbm>> -> memref<100000x64xf32, #tpu.memory_space<hbm>>
        tpu.enqueue_indirect_dma source(%dma_start3A_194 : memref<100000x64xf32, #tpu.memory_space<hbm>>) target(%dma_start3A_188 : memref<80x64xf32, #tpu.memory_space<vmem>>) offsets(%dma_start3A_191 : memref<80xi32, #tpu.memory_space<vmem>>) semaphore(%arg15 : memref<!tpu.dma_semaphore, #tpu.memory_space<semaphore_mem>>)
      } else {
      }
    }
    %scan3A_66 = arith.constant 50 : i32
    %barrier3A_67 = arith.constant 0 : index
    tpu.barrier barrier_id(%barrier3A_67)
    %mul3A_68 = arith.constant 640 : i32
    %mul3A_69 = arith.muli %arg1, %mul3A_68 : i32
    %mul3A_70 = arith.constant 640 : i32
    %mul3A_71 = arith.muli %arg1, %mul3A_70 : i32
    "tpu.region"() ({
      %run_scoped3A = tpu.sem_alloc : memref<!tpu.dma_semaphore, #tpu.memory_space<semaphore_mem>>
      %dma_start3A_72 = arith.constant 0 : i32
      %dma_start3A_73 = tpu.memref_slice %arg6[%arg0, %mul3A_71, %dma_start3A_72] : memref<2x10240x64xf32, #tpu.memory_space<hbm>> -> memref<1x640x64xf32, #tpu.memory_space<hbm>>
      %dma_start3A_74 = tpu.memref_squeeze %dma_start3A_73 : memref<1x640x64xf32, #tpu.memory_space<hbm>> -> memref<640x64xf32, #tpu.memory_space<hbm>>
      %dma_start3A_75 = arith.constant 0 : i32
      %dma_start3A_76 = tpu.memref_slice %arg10[%mul3A_69, %dma_start3A_75] : memref<10240x64xf32, #tpu.memory_space<vmem_shared>> -> memref<640x64xf32, #tpu.memory_space<vmem_shared>>
      tpu.enqueue_dma source(%dma_start3A_76 : memref<640x64xf32, #tpu.memory_space<vmem_shared>>) target(%dma_start3A_74 : memref<640x64xf32, #tpu.memory_space<hbm>>) target_semaphore(%run_scoped3A : memref<!tpu.dma_semaphore, #tpu.memory_space<semaphore_mem>>)
      %dma_wait3A = arith.constant 0 : i32
      %dma_wait3A_77 = tpu.memref_slice %arg6[%arg0, %mul3A_71, %dma_wait3A] : memref<2x10240x64xf32, #tpu.memory_space<hbm>> -> memref<1x640x64xf32, #tpu.memory_space<hbm>>
      %dma_wait3A_78 = tpu.memref_squeeze %dma_wait3A_77 : memref<1x640x64xf32, #tpu.memory_space<hbm>> -> memref<640x64xf32, #tpu.memory_space<hbm>>
      %dma_wait3A_79 = arith.constant 0 : i32
      %dma_wait3A_80 = tpu.memref_slice %arg10[%mul3A_69, %dma_wait3A_79] : memref<10240x64xf32, #tpu.memory_space<vmem_shared>> -> memref<640x64xf32, #tpu.memory_space<vmem_shared>>
      tpu.wait_dma2 semaphore(%run_scoped3A : memref<!tpu.dma_semaphore, #tpu.memory_space<semaphore_mem>>) src(%dma_wait3A_80 : memref<640x64xf32, #tpu.memory_space<vmem_shared>>) dst(%dma_wait3A_78 : memref<640x64xf32, #tpu.memory_space<hbm>>)
      tpu.yield
    }) : () -> ()
    return
  }
}

module attributes {stable_mosaic.version = 14 : i64} {
  func.func @_prep_body(%arg0: i32, %arg1: memref<25x8x128xi32, #tpu.memory_space<vmem>>, %arg2: memref<25x8x128xi32, #tpu.memory_space<vmem>>, %arg3: memref<25x8x128xi32, #tpu.memory_space<vmem>>, %arg4: memref<25x8x128xi32, #tpu.memory_space<vmem>>) attributes {dimension_semantics = [#tpu.dimension_semantics<arbitrary>], iteration_bounds = array<i64: 25>, scalar_prefetch = 0 : i64, scratch_operands = 0 : i64, tpu.core_type = #tpu.core_type<tc>, window_params = [{transform_indices = @transform_0, window_bounds = array<i64: 25, 8, 128>}, {transform_indices = @transform_1, window_bounds = array<i64: 25, 8, 128>}, {transform_indices = @transform_2, window_bounds = array<i64: 25, 8, 128>}, {transform_indices = @transform_3, window_bounds = array<i64: 25, 8, 128>}]} {
    %get3A = arith.constant 0 : index
    %get3A_0 = arith.constant 0 : index
    %get3A_1 = arith.constant 0 : index
    %get3A_2 = vector.load %arg2[%get3A, %get3A_0, %get3A_1] : memref<25x8x128xi32, #tpu.memory_space<vmem>>, vector<25x8x128xi32>
    %mul3A = arith.constant 10000 : i32
    %mul3A_3 = vector.broadcast %mul3A : i32 to vector<25x8x128xi32>
    %mul3A_4 = arith.muli %get3A_2, %mul3A_3 : vector<25x8x128xi32>
    %get3A_5 = arith.constant 0 : index
    %get3A_6 = arith.constant 0 : index
    %get3A_7 = arith.constant 0 : index
    %get3A_8 = vector.load %arg1[%get3A_5, %get3A_6, %get3A_7] : memref<25x8x128xi32, #tpu.memory_space<vmem>>, vector<25x8x128xi32>
    %add3A = arith.addi %mul3A_4, %get3A_8 : vector<25x8x128xi32>
    %mul3A_9 = arith.constant 2 : i32
    %mul3A_10 = vector.broadcast %mul3A_9 : i32 to vector<25x8x128xi32>
    %mul3A_11 = arith.muli %add3A, %mul3A_10 : vector<25x8x128xi32>
    %swap3A = arith.constant 0 : index
    %swap3A_12 = arith.constant 0 : index
    %swap3A_13 = arith.constant 0 : index
    %swap3A_14 = vector.load %arg3[%swap3A, %swap3A_12, %swap3A_13] : memref<25x8x128xi32, #tpu.memory_space<vmem>>, vector<25x8x128xi32>
    tpu.vector_store %arg3[%swap3A, %swap3A_12, %swap3A_13], %mul3A_11 {strides = array<i32>} : memref<25x8x128xi32, #tpu.memory_space<vmem>>, vector<25x8x128xi32>,
    %add3A_15 = arith.constant 1 : i32
    %add3A_16 = vector.broadcast %add3A_15 : i32 to vector<25x8x128xi32>
    %add3A_17 = arith.addi %mul3A_11, %add3A_16 : vector<25x8x128xi32>
    %swap3A_18 = arith.constant 0 : index
    %swap3A_19 = arith.constant 0 : index
    %swap3A_20 = arith.constant 0 : index
    %swap3A_21 = vector.load %arg4[%swap3A_18, %swap3A_19, %swap3A_20] : memref<25x8x128xi32, #tpu.memory_space<vmem>>, vector<25x8x128xi32>
    tpu.vector_store %arg4[%swap3A_18, %swap3A_19, %swap3A_20], %add3A_17 {strides = array<i32>} : memref<25x8x128xi32, #tpu.memory_space<vmem>>, vector<25x8x128xi32>,
    return
  }
  func.func @transform_0(%arg0: i32) -> (i32, i32, i32) {
    %c0_i32 = arith.constant 0 : i32
    %c0_i32_0 = arith.constant 0 : i32
    %c0_i32_1 = arith.constant 0 : i32
    return %arg0, %c0_i32, %c0_i32_0 : i32, i32, i32
  }
  func.func @transform_1(%arg0: i32) -> (i32, i32, i32) {
    %c0_i32 = arith.constant 0 : i32
    %c0_i32_0 = arith.constant 0 : i32
    %c0_i32_1 = arith.constant 0 : i32
    return %arg0, %c0_i32, %c0_i32_0 : i32, i32, i32
  }
  func.func @transform_2(%arg0: i32) -> (i32, i32, i32) {
    %c0_i32 = arith.constant 0 : i32
    %c0_i32_0 = arith.constant 0 : i32
    %c0_i32_1 = arith.constant 0 : i32
    return %arg0, %c0_i32, %c0_i32_0 : i32, i32, i32
  }
  func.func @transform_3(%arg0: i32) -> (i32, i32, i32) {
    %c0_i32 = arith.constant 0 : i32
    %c0_i32_0 = arith.constant 0 : i32
    %c0_i32_1 = arith.constant 0 : i32
    return %arg0, %c0_i32, %c0_i32_0 : i32, i32, i32
  }
}

module attributes {stable_mosaic.version = 14 : i64} {
  func.func @_stage_a1_body(%arg0: i32, %arg1: memref<1000x128xf32, #tpu.memory_space<vmem>>, %arg2: memref<1x128xf32, #tpu.memory_space<vmem>>, %arg3: memref<1x128xf32, #tpu.memory_space<vmem>>, %arg4: memref<128x640xbf16, #tpu.memory_space<vmem>>, %arg5: memref<5x1000x128xf32, #tpu.memory_space<vmem>>) attributes {dimension_semantics = [#tpu.dimension_semantics<arbitrary>], iteration_bounds = array<i64: 10>, scalar_prefetch = 0 : i64, scratch_operands = 0 : i64, tpu.core_type = #tpu.core_type<tc>, window_params = [{transform_indices = @transform_0, window_bounds = array<i64: 1000, 128>}, {pipeline_mode = #tpu.pipeline_mode<synchronous>, transform_indices = @transform_1, window_bounds = array<i64: 1, 128>}, {pipeline_mode = #tpu.pipeline_mode<synchronous>, transform_indices = @transform_2, window_bounds = array<i64: 1, 128>}, {pipeline_mode = #tpu.pipeline_mode<synchronous>, transform_indices = @transform_3, window_bounds = array<i64: 128, 640>}, {transform_indices = @transform_4, window_bounds = array<i64: 5, 1000, 128>}]} {
    %get3A = arith.constant 0 : index
    %get3A_0 = arith.constant 0 : index
    %get3A_1 = vector.load %arg1[%get3A, %get3A_0] : memref<1000x128xf32, #tpu.memory_space<vmem>>, vector<1000x128xf32>
    %get3A_2 = arith.constant 0 : index
    %get3A_3 = arith.constant 0 : index
    %get3A_4 = vector.load %arg2[%get3A_2, %get3A_3] : memref<1x128xf32, #tpu.memory_space<vmem>>, vector<1x128xf32>
    %mul3A = vector.broadcast %get3A_4 : vector<1x128xf32> to vector<1000x128xf32>
    %mul3A_5 = arith.mulf %get3A_1, %mul3A : vector<1000x128xf32>
    %get3A_6 = arith.constant 0 : index
    %get3A_7 = arith.constant 0 : index
    %get3A_8 = vector.load %arg3[%get3A_6, %get3A_7] : memref<1x128xf32, #tpu.memory_space<vmem>>, vector<1x128xf32>
    %add3A = vector.broadcast %get3A_8 : vector<1x128xf32> to vector<1000x128xf32>
    %add3A_9 = arith.addf %mul3A_5, %add3A : vector<1000x128xf32>
    %convert_element_type3A = arith.truncf %add3A_9 : vector<1000x128xf32> to vector<1000x128xbf16>
    %get3A_10 = arith.constant 0 : index
    %get3A_11 = arith.constant 0 : index
    %get3A_12 = vector.load %arg4[%get3A_10, %get3A_11] : memref<128x640xbf16, #tpu.memory_space<vmem>>, vector<128x640xbf16>
    %dot_general3A = arith.constant dense<0.000000e+00> : vector<1000x640xf32>
    %dot_general3A_13 = tpu.matmul %convert_element_type3A, %get3A_12, %dot_general3A {dimension_numbers = #tpu.dot_dimension_numbers<[1], [0], [0], [1], [0, 0, 1, 1], [], []>, transpose_lhs_hint = false} : vector<1000x128xbf16>, vector<128x640xbf16>, vector<1000x640xf32> -> vector<1000x640xf32>
    %slice3A = vector.extract_strided_slice %dot_general3A_13 {offsets = [0, 0], sizes = [1000, 128], strides = [1, 1]} : vector<1000x640xf32> to vector<1000x128xf32>
    %swap3A = arith.constant 0 : index
    %swap3A_14 = arith.constant 0 : index
    %swap3A_15 = arith.constant 0 : index
    %swap3A_16 = vector.load %arg5[%swap3A, %swap3A_14, %swap3A_15] : memref<5x1000x128xf32, #tpu.memory_space<vmem>>, vector<1x1000x128xf32>
    %swap3A_17 = vector.shape_cast %swap3A_16 : vector<1x1000x128xf32> to vector<1000x128xf32>
    %swap3A_18 = vector.shape_cast %slice3A : vector<1000x128xf32> to vector<1x1000x128xf32>
    tpu.vector_store %arg5[%swap3A, %swap3A_14, %swap3A_15], %swap3A_18 {strides = array<i32>} : memref<5x1000x128xf32, #tpu.memory_space<vmem>>, vector<1x1000x128xf32>,
    %slice3A_19 = vector.extract_strided_slice %dot_general3A_13 {offsets = [0, 128], sizes = [1000, 128], strides = [1, 1]} : vector<1000x640xf32> to vector<1000x128xf32>
    %swap3A_20 = arith.constant 1 : index
    %swap3A_21 = arith.constant 0 : index
    %swap3A_22 = arith.constant 0 : index
    %swap3A_23 = vector.load %arg5[%swap3A_20, %swap3A_21, %swap3A_22] : memref<5x1000x128xf32, #tpu.memory_space<vmem>>, vector<1x1000x128xf32>
    %swap3A_24 = vector.shape_cast %swap3A_23 : vector<1x1000x128xf32> to vector<1000x128xf32>
    %swap3A_25 = vector.shape_cast %slice3A_19 : vector<1000x128xf32> to vector<1x1000x128xf32>
    tpu.vector_store %arg5[%swap3A_20, %swap3A_21, %swap3A_22], %swap3A_25 {strides = array<i32>} : memref<5x1000x128xf32, #tpu.memory_space<vmem>>, vector<1x1000x128xf32>,
    %slice3A_26 = vector.extract_strided_slice %dot_general3A_13 {offsets = [0, 256], sizes = [1000, 128], strides = [1, 1]} : vector<1000x640xf32> to vector<1000x128xf32>
    %swap3A_27 = arith.constant 2 : index
    %swap3A_28 = arith.constant 0 : index
    %swap3A_29 = arith.constant 0 : index
    %swap3A_30 = vector.load %arg5[%swap3A_27, %swap3A_28, %swap3A_29] : memref<5x1000x128xf32, #tpu.memory_space<vmem>>, vector<1x1000x128xf32>
    %swap3A_31 = vector.shape_cast %swap3A_30 : vector<1x1000x128xf32> to vector<1000x128xf32>
    %swap3A_32 = vector.shape_cast %slice3A_26 : vector<1000x128xf32> to vector<1x1000x128xf32>
    tpu.vector_store %arg5[%swap3A_27, %swap3A_28, %swap3A_29], %swap3A_32 {strides = array<i32>} : memref<5x1000x128xf32, #tpu.memory_space<vmem>>, vector<1x1000x128xf32>,
    %slice3A_33 = vector.extract_strided_slice %dot_general3A_13 {offsets = [0, 384], sizes = [1000, 128], strides = [1, 1]} : vector<1000x640xf32> to vector<1000x128xf32>
    %swap3A_34 = arith.constant 3 : index
    %swap3A_35 = arith.constant 0 : index
    %swap3A_36 = arith.constant 0 : index
    %swap3A_37 = vector.load %arg5[%swap3A_34, %swap3A_35, %swap3A_36] : memref<5x1000x128xf32, #tpu.memory_space<vmem>>, vector<1x1000x128xf32>
    %swap3A_38 = vector.shape_cast %swap3A_37 : vector<1x1000x128xf32> to vector<1000x128xf32>
    %swap3A_39 = vector.shape_cast %slice3A_33 : vector<1000x128xf32> to vector<1x1000x128xf32>
    tpu.vector_store %arg5[%swap3A_34, %swap3A_35, %swap3A_36], %swap3A_39 {strides = array<i32>} : memref<5x1000x128xf32, #tpu.memory_space<vmem>>, vector<1x1000x128xf32>,
    %slice3A_40 = vector.extract_strided_slice %dot_general3A_13 {offsets = [0, 512], sizes = [1000, 128], strides = [1, 1]} : vector<1000x640xf32> to vector<1000x128xf32>
    %swap3A_41 = arith.constant 4 : index
    %swap3A_42 = arith.constant 0 : index
    %swap3A_43 = arith.constant 0 : index
    %swap3A_44 = vector.load %arg5[%swap3A_41, %swap3A_42, %swap3A_43] : memref<5x1000x128xf32, #tpu.memory_space<vmem>>, vector<1x1000x128xf32>
    %swap3A_45 = vector.shape_cast %swap3A_44 : vector<1x1000x128xf32> to vector<1000x128xf32>
    %swap3A_46 = vector.shape_cast %slice3A_40 : vector<1000x128xf32> to vector<1x1000x128xf32>
    tpu.vector_store %arg5[%swap3A_41, %swap3A_42, %swap3A_43], %swap3A_46 {strides = array<i32>} : memref<5x1000x128xf32, #tpu.memory_space<vmem>>, vector<1x1000x128xf32>,
    return
  }
  func.func @transform_0(%arg0: i32) -> (i32, i32) {
    %c0_i32 = arith.constant 0 : i32
    %c0_i32_0 = arith.constant 0 : i32
    return %arg0, %c0_i32 : i32, i32
  }
  func.func @transform_1(%arg0: i32) -> (i32, i32) {
    %c0_i32 = arith.constant 0 : i32
    %c0_i32_0 = arith.constant 0 : i32
    %c0_i32_1 = arith.constant 0 : i32
    return %c0_i32, %c0_i32_0 : i32, i32
  }
  func.func @transform_2(%arg0: i32) -> (i32, i32) {
    %c0_i32 = arith.constant 0 : i32
    %c0_i32_0 = arith.constant 0 : i32
    %c0_i32_1 = arith.constant 0 : i32
    return %c0_i32, %c0_i32_0 : i32, i32
  }
  func.func @transform_3(%arg0: i32) -> (i32, i32) {
    %c0_i32 = arith.constant 0 : i32
    %c0_i32_0 = arith.constant 0 : i32
    %c0_i32_1 = arith.constant 0 : i32
    return %c0_i32, %c0_i32_0 : i32, i32
  }
  func.func @transform_4(%arg0: i32) -> (i32, i32, i32) {
    %c0_i32 = arith.constant 0 : i32
    %c0_i32_0 = arith.constant 0 : i32
    %c0_i32_1 = arith.constant 0 : i32
    return %c0_i32, %arg0, %c0_i32_0 : i32, i32, i32
  }
}

module attributes {stable_mosaic.version = 14 : i64} {
  func.func @_stage_a2_body(%arg0: i32, %arg1: memref<1000x128xf32, #tpu.memory_space<vmem>>, %arg2: memref<1x128xf32, #tpu.memory_space<vmem>>, %arg3: memref<1x128xf32, #tpu.memory_space<vmem>>, %arg4: memref<128x128xbf16, #tpu.memory_space<vmem>>, %arg5: memref<1x128xf32, #tpu.memory_space<vmem>>, %arg6: memref<1000x128xf32, #tpu.memory_space<vmem>>, %arg7: memref<1000x128xf32, #tpu.memory_space<vmem>>, %arg8: memref<128x128xf32, #tpu.memory_space<vmem>>) attributes {dimension_semantics = [#tpu.dimension_semantics<arbitrary>], iteration_bounds = array<i64: 10>, scalar_prefetch = 0 : i64, scratch_operands = 0 : i64, tpu.core_type = #tpu.core_type<tc>, window_params = [{transform_indices = @transform_0, window_bounds = array<i64: 1000, 128>}, {pipeline_mode = #tpu.pipeline_mode<synchronous>, transform_indices = @transform_1, window_bounds = array<i64: 1, 128>}, {pipeline_mode = #tpu.pipeline_mode<synchronous>, transform_indices = @transform_2, window_bounds = array<i64: 1, 128>}, {pipeline_mode = #tpu.pipeline_mode<synchronous>, transform_indices = @transform_3, window_bounds = array<i64: 128, 128>}, {pipeline_mode = #tpu.pipeline_mode<synchronous>, transform_indices = @transform_4, window_bounds = array<i64: 1, 128>}, {transform_indices = @transform_5, window_bounds = array<i64: 1000, 128>}, {transform_indices = @transform_6, window_bounds = array<i64: 1000, 128>}, {pipeline_mode = #tpu.pipeline_mode<synchronous>, transform_indices = @transform_7, window_bounds = array<i64: 128, 128>}]} {
    %get3A = arith.constant 0 : index
    %get3A_0 = arith.constant 0 : index
    %get3A_1 = vector.load %arg1[%get3A, %get3A_0] : memref<1000x128xf32, #tpu.memory_space<vmem>>, vector<1000x128xf32>
    %get3A_2 = arith.constant 0 : index
    %get3A_3 = arith.constant 0 : index
    %get3A_4 = vector.load %arg2[%get3A_2, %get3A_3] : memref<1x128xf32, #tpu.memory_space<vmem>>, vector<1x128xf32>
    %mul3A = vector.broadcast %get3A_4 : vector<1x128xf32> to vector<1000x128xf32>
    %mul3A_5 = arith.mulf %get3A_1, %mul3A : vector<1000x128xf32>
    %get3A_6 = arith.constant 0 : index
    %get3A_7 = arith.constant 0 : index
    %get3A_8 = vector.load %arg3[%get3A_6, %get3A_7] : memref<1x128xf32, #tpu.memory_space<vmem>>, vector<1x128xf32>
    %add3A = vector.broadcast %get3A_8 : vector<1x128xf32> to vector<1000x128xf32>
    %add3A_9 = arith.addf %mul3A_5, %add3A : vector<1000x128xf32>
    %convert_element_type3A = arith.truncf %add3A_9 : vector<1000x128xf32> to vector<1000x128xbf16>
    %get3A_10 = arith.constant 0 : index
    %get3A_11 = arith.constant 0 : index
    %get3A_12 = vector.load %arg4[%get3A_10, %get3A_11] : memref<128x128xbf16, #tpu.memory_space<vmem>>, vector<128x128xbf16>
    %dot_general3A = arith.constant dense<0.000000e+00> : vector<1000x128xf32>
    %dot_general3A_13 = tpu.matmul %convert_element_type3A, %get3A_12, %dot_general3A {dimension_numbers = #tpu.dot_dimension_numbers<[1], [0], [0], [1], [0, 0, 1, 1], [], []>, transpose_lhs_hint = false} : vector<1000x128xbf16>, vector<128x128xbf16>, vector<1000x128xf32> -> vector<1000x128xf32>
    %get3A_14 = arith.constant 0 : index
    %get3A_15 = arith.constant 0 : index
    %get3A_16 = vector.load %arg5[%get3A_14, %get3A_15] : memref<1x128xf32, #tpu.memory_space<vmem>>, vector<1x128xf32>
    %add3A_17 = vector.broadcast %get3A_16 : vector<1x128xf32> to vector<1000x128xf32>
    %add3A_18 = arith.addf %dot_general3A_13, %add3A_17 : vector<1000x128xf32>
    %swap3A = arith.constant 0 : index
    %swap3A_19 = arith.constant 0 : index
    %swap3A_20 = vector.load %arg7[%swap3A, %swap3A_19] : memref<1000x128xf32, #tpu.memory_space<vmem>>, vector<1000x128xf32>
    tpu.vector_store %arg7[%swap3A, %swap3A_19], %add3A_18 {strides = array<i32>} : memref<1000x128xf32, #tpu.memory_space<vmem>>, vector<1000x128xf32>,
    %get3A_21 = arith.constant 0 : index
    %get3A_22 = arith.constant 0 : index
    %get3A_23 = vector.load %arg6[%get3A_21, %get3A_22] : memref<1000x128xf32, #tpu.memory_space<vmem>>, vector<1000x128xf32>
    %dot_general3A_24 = arith.constant dense<0.000000e+00> : vector<128x128xf32>
    %dot_general3A_25 = tpu.matmul %get3A_23, %add3A_9, %dot_general3A_24 {dimension_numbers = #tpu.dot_dimension_numbers<[0], [0], [1], [1], [0, 1, 1, 1], [], []>, precision = #tpu.contract_precision<fp32>, transpose_lhs_hint = false} : vector<1000x128xf32>, vector<1000x128xf32>, vector<128x128xf32> -> vector<128x128xf32>
    %eq3A = arith.constant 0 : i32
    %eq3A_26 = arith.cmpi eq, %arg0, %eq3A : i32
    %convert_element_type3A_27 = arith.extui %eq3A_26 : i1 to i32
    %cond3A = arith.constant 0 : i32
    %cond3A_28 = arith.cmpi ne, %convert_element_type3A_27, %cond3A : i32
    scf.if %cond3A_28 {
      %swap3A_33 = arith.constant 0 : index
      %swap3A_34 = arith.constant 0 : index
      %swap3A_35 = vector.load %arg8[%swap3A_33, %swap3A_34] : memref<128x128xf32, #tpu.memory_space<vmem>>, vector<128x128xf32>
      tpu.vector_store %arg8[%swap3A_33, %swap3A_34], %dot_general3A_25 {strides = array<i32>} : memref<128x128xf32, #tpu.memory_space<vmem>>, vector<128x128xf32>,
    } else {
    }
    %gt3A = arith.constant 0 : i32
    %gt3A_29 = arith.cmpi sgt, %arg0, %gt3A : i32
    %convert_element_type3A_30 = arith.extui %gt3A_29 : i1 to i32
    %cond3A_31 = arith.constant 0 : i32
    %cond3A_32 = arith.cmpi ne, %convert_element_type3A_30, %cond3A_31 : i32
    scf.if %cond3A_32 {
      %get3A_33 = arith.constant 0 : index
      %get3A_34 = arith.constant 0 : index
      %get3A_35 = vector.load %arg8[%get3A_33, %get3A_34] : memref<128x128xf32, #tpu.memory_space<vmem>>, vector<128x128xf32>
      %add3A_36 = arith.addf %get3A_35, %dot_general3A_25 : vector<128x128xf32>
      %swap3A_37 = arith.constant 0 : index
      %swap3A_38 = arith.constant 0 : index
      %swap3A_39 = vector.load %arg8[%swap3A_37, %swap3A_38] : memref<128x128xf32, #tpu.memory_space<vmem>>, vector<128x128xf32>
      tpu.vector_store %arg8[%swap3A_37, %swap3A_38], %add3A_36 {strides = array<i32>} : memref<128x128xf32, #tpu.memory_space<vmem>>, vector<128x128xf32>,
    } else {
    }
    return
  }
  func.func @transform_0(%arg0: i32) -> (i32, i32) {
    %c0_i32 = arith.constant 0 : i32
    %c0_i32_0 = arith.constant 0 : i32
    return %arg0, %c0_i32 : i32, i32
  }
  func.func @transform_1(%arg0: i32) -> (i32, i32) {
    %c0_i32 = arith.constant 0 : i32
    %c0_i32_0 = arith.constant 0 : i32
    %c0_i32_1 = arith.constant 0 : i32
    return %c0_i32, %c0_i32_0 : i32, i32
  }
  func.func @transform_2(%arg0: i32) -> (i32, i32) {
    %c0_i32 = arith.constant 0 : i32
    %c0_i32_0 = arith.constant 0 : i32
    %c0_i32_1 = arith.constant 0 : i32
    return %c0_i32, %c0_i32_0 : i32, i32
  }
  func.func @transform_3(%arg0: i32) -> (i32, i32) {
    %c0_i32 = arith.constant 0 : i32
    %c0_i32_0 = arith.constant 0 : i32
    %c0_i32_1 = arith.constant 0 : i32
    return %c0_i32, %c0_i32_0 : i32, i32
  }
  func.func @transform_4(%arg0: i32) -> (i32, i32) {
    %c0_i32 = arith.constant 0 : i32
    %c0_i32_0 = arith.constant 0 : i32
    %c0_i32_1 = arith.constant 0 : i32
    return %c0_i32, %c0_i32_0 : i32, i32
  }
  func.func @transform_5(%arg0: i32) -> (i32, i32) {
    %c0_i32 = arith.constant 0 : i32
    %c0_i32_0 = arith.constant 0 : i32
    return %arg0, %c0_i32 : i32, i32
  }
  func.func @transform_6(%arg0: i32) -> (i32, i32) {
    %c0_i32 = arith.constant 0 : i32
    %c0_i32_0 = arith.constant 0 : i32
    return %arg0, %c0_i32 : i32, i32
  }
  func.func @transform_7(%arg0: i32) -> (i32, i32) {
    %c0_i32 = arith.constant 0 : i32
    %c0_i32_0 = arith.constant 0 : i32
    %c0_i32_1 = arith.constant 0 : i32
    return %c0_i32, %c0_i32_0 : i32, i32
  }
}

module attributes {stable_mosaic.version = 14 : i64} {
  func.func @_stage_c_body(%arg0: i32, %arg1: memref<1000x128xf32, #tpu.memory_space<vmem>>, %arg2: memref<2x1000x64xf32, #tpu.memory_space<vmem>>, %arg3: memref<128x128xf32, #tpu.memory_space<vmem>>, %arg4: memref<128x128xbf16, #tpu.memory_space<vmem>>, %arg5: memref<1000x128xf32, #tpu.memory_space<vmem>>, %arg6: memref<1x128xf32, #tpu.memory_space<vmem>>, %arg7: memref<1x128xf32, #tpu.memory_space<vmem>>, %arg8: memref<1000x128xf32, #tpu.memory_space<vmem>>, %arg9: memref<1x128xf32, #tpu.memory_space<vmem>>, %arg10: memref<1x128xf32, #tpu.memory_space<vmem>>, %arg11: memref<8x128xf32, #tpu.memory_space<vmem>>) attributes {dimension_semantics = [#tpu.dimension_semantics<arbitrary>], iteration_bounds = array<i64: 10>, scalar_prefetch = 0 : i64, scratch_operands = 1 : i64, tpu.core_type = #tpu.core_type<tc>, window_params = [{transform_indices = @transform_0, window_bounds = array<i64: 1000, 128>}, {transform_indices = @transform_1, window_bounds = array<i64: 2, 1000, 64>}, {pipeline_mode = #tpu.pipeline_mode<synchronous>, transform_indices = @transform_2, window_bounds = array<i64: 128, 128>}, {pipeline_mode = #tpu.pipeline_mode<synchronous>, transform_indices = @transform_3, window_bounds = array<i64: 128, 128>}, {transform_indices = @transform_4, window_bounds = array<i64: 1000, 128>}, {pipeline_mode = #tpu.pipeline_mode<synchronous>, transform_indices = @transform_5, window_bounds = array<i64: 1, 128>}, {pipeline_mode = #tpu.pipeline_mode<synchronous>, transform_indices = @transform_6, window_bounds = array<i64: 1, 128>}, {transform_indices = @transform_7, window_bounds = array<i64: 1000, 128>}, {pipeline_mode = #tpu.pipeline_mode<synchronous>, transform_indices = @transform_8, window_bounds = array<i64: 1, 128>}, {pipeline_mode = #tpu.pipeline_mode<synchronous>, transform_indices = @transform_9, window_bounds = array<i64: 1, 128>}]} {
    %get3A = arith.constant 0 : index
    %get3A_0 = arith.constant 0 : index
    %get3A_1 = vector.load %arg3[%get3A, %get3A_0] : memref<128x128xf32, #tpu.memory_space<vmem>>, vector<128x128xf32>
    %convert_element_type3A = arith.truncf %get3A_1 : vector<128x128xf32> to vector<128x128xbf16>
    %get3A_2 = arith.constant 0 : index
    %get3A_3 = arith.constant 0 : index
    %get3A_4 = vector.load %arg4[%get3A_2, %get3A_3] : memref<128x128xbf16, #tpu.memory_space<vmem>>, vector<128x128xbf16>
    %dot_general3A = arith.constant dense<0.000000e+00> : vector<128x128xf32>
    %dot_general3A_5 = tpu.matmul %convert_element_type3A, %get3A_4, %dot_general3A {dimension_numbers = #tpu.dot_dimension_numbers<[1], [0], [0], [1], [0, 0, 1, 1], [], []>, transpose_lhs_hint = false} : vector<128x128xbf16>, vector<128x128xbf16>, vector<128x128xf32> -> vector<128x128xf32>
    %get3A_6 = arith.constant 0 : index
    %get3A_7 = arith.constant 0 : index
    %get3A_8 = arith.constant 0 : index
    %get3A_9 = vector.load %arg2[%get3A_6, %get3A_7, %get3A_8] : memref<2x1000x64xf32, #tpu.memory_space<vmem>>, vector<1x1000x64xf32>
    %get3A_10 = vector.shape_cast %get3A_9 : vector<1x1000x64xf32> to vector<1000x64xf32>
    %get3A_11 = arith.constant 1 : index
    %get3A_12 = arith.constant 0 : index
    %get3A_13 = arith.constant 0 : index
    %get3A_14 = vector.load %arg2[%get3A_11, %get3A_12, %get3A_13] : memref<2x1000x64xf32, #tpu.memory_space<vmem>>, vector<1x1000x64xf32>
    %get3A_15 = vector.shape_cast %get3A_14 : vector<1x1000x64xf32> to vector<1000x64xf32>
    %concatenate3A = tpu.concatenate %get3A_10, %get3A_15 in 1 : vector<1000x64xf32>, vector<1000x64xf32> -> vector<1000x128xf32>
    %get3A_16 = arith.constant 0 : index
    %get3A_17 = arith.constant 0 : index
    %get3A_18 = vector.load %arg1[%get3A_16, %get3A_17] : memref<1000x128xf32, #tpu.memory_space<vmem>>, vector<1000x128xf32>
    %add3A = arith.addf %get3A_18, %concatenate3A : vector<1000x128xf32>
    %get3A_19 = arith.constant 0 : index
    %get3A_20 = arith.constant 0 : index
    %get3A_21 = vector.load %arg5[%get3A_19, %get3A_20] : memref<1000x128xf32, #tpu.memory_space<vmem>>, vector<1000x128xf32>
    %dot_general3A_22 = arith.constant dense<0.000000e+00> : vector<1000x128xf32>
    %dot_general3A_23 = tpu.matmul %get3A_21, %dot_general3A_5, %dot_general3A_22 {dimension_numbers = #tpu.dot_dimension_numbers<[1], [0], [0], [1], [0, 0, 1, 1], [], []>, precision = #tpu.contract_precision<fp32>, transpose_lhs_hint = false} : vector<1000x128xf32>, vector<128x128xf32>, vector<1000x128xf32> -> vector<1000x128xf32>
    %add3A_24 = arith.addf %add3A, %dot_general3A_23 : vector<1000x128xf32>
    %max3A = arith.constant 0.000000e+00 : f32
    %max3A_25 = vector.broadcast %max3A : f32 to vector<1000x128xf32>
    %max3A_26 = arith.maximumf %add3A_24, %max3A_25 : vector<1000x128xf32>
    %swap3A = arith.constant 0 : index
    %swap3A_27 = arith.constant 0 : index
    %swap3A_28 = vector.load %arg8[%swap3A, %swap3A_27] : memref<1000x128xf32, #tpu.memory_space<vmem>>, vector<1000x128xf32>
    tpu.vector_store %arg8[%swap3A, %swap3A_27], %max3A_26 {strides = array<i32>} : memref<1000x128xf32, #tpu.memory_space<vmem>>, vector<1000x128xf32>,
    %reduce_sum3A = arith.constant dense<0.000000e+00> : vector<128xf32>
    %reduce_sum3A_29 = vector.multi_reduction <add>, %max3A_26, %reduce_sum3A [0] : vector<1000x128xf32> to vector<128xf32>
    %broadcast_in_dim3A = vector.shape_cast %reduce_sum3A_29 : vector<128xf32> to vector<1x128xf32>
    %mul3A = arith.mulf %max3A_26, %max3A_26 : vector<1000x128xf32>
    %reduce_sum3A_30 = arith.constant dense<0.000000e+00> : vector<128xf32>
    %reduce_sum3A_31 = vector.multi_reduction <add>, %mul3A, %reduce_sum3A_30 [0] : vector<1000x128xf32> to vector<128xf32>
    %broadcast_in_dim3A_32 = vector.shape_cast %reduce_sum3A_31 : vector<128xf32> to vector<1x128xf32>
    %eq3A = arith.constant 0 : i32
    %eq3A_33 = arith.cmpi eq, %arg0, %eq3A : i32
    %convert_element_type3A_34 = arith.extui %eq3A_33 : i1 to i32
    %cond3A = arith.constant 0 : i32
    %cond3A_35 = arith.cmpi ne, %convert_element_type3A_34, %cond3A : i32
    scf.if %cond3A_35 {
      %swap3A_45 = arith.constant 0 : index
      %swap3A_46 = arith.constant 0 : index
      %swap3A_47 = vector.load %arg11[%swap3A_45, %swap3A_46] : memref<8x128xf32, #tpu.memory_space<vmem>>, vector<1x128xf32>
      tpu.vector_store %arg11[%swap3A_45, %swap3A_46], %broadcast_in_dim3A {strides = array<i32>} : memref<8x128xf32, #tpu.memory_space<vmem>>, vector<1x128xf32>,
      %swap3A_48 = arith.constant 1 : index
      %swap3A_49 = arith.constant 0 : index
      %swap3A_50 = vector.load %arg11[%swap3A_48, %swap3A_49] : memref<8x128xf32, #tpu.memory_space<vmem>>, vector<1x128xf32>
      tpu.vector_store %arg11[%swap3A_48, %swap3A_49], %broadcast_in_dim3A_32 {strides = array<i32>} : memref<8x128xf32, #tpu.memory_space<vmem>>, vector<1x128xf32>,
    } else {
    }
    %gt3A = arith.constant 0 : i32
    %gt3A_36 = arith.cmpi sgt, %arg0, %gt3A : i32
    %convert_element_type3A_37 = arith.extui %gt3A_36 : i1 to i32
    %cond3A_38 = arith.constant 0 : i32
    %cond3A_39 = arith.cmpi ne, %convert_element_type3A_37, %cond3A_38 : i32
    scf.if %cond3A_39 {
      %get3A_45 = arith.constant 0 : index
      %get3A_46 = arith.constant 0 : index
      %get3A_47 = vector.load %arg11[%get3A_45, %get3A_46] : memref<8x128xf32, #tpu.memory_space<vmem>>, vector<1x128xf32>
      %add3A_48 = arith.addf %get3A_47, %broadcast_in_dim3A : vector<1x128xf32>
      %swap3A_49 = arith.constant 0 : index
      %swap3A_50 = arith.constant 0 : index
      %swap3A_51 = vector.load %arg11[%swap3A_49, %swap3A_50] : memref<8x128xf32, #tpu.memory_space<vmem>>, vector<1x128xf32>
      tpu.vector_store %arg11[%swap3A_49, %swap3A_50], %add3A_48 {strides = array<i32>} : memref<8x128xf32, #tpu.memory_space<vmem>>, vector<1x128xf32>,
      %get3A_52 = arith.constant 1 : index
      %get3A_53 = arith.constant 0 : index
      %get3A_54 = vector.load %arg11[%get3A_52, %get3A_53] : memref<8x128xf32, #tpu.memory_space<vmem>>, vector<1x128xf32>
      %add3A_55 = arith.addf %get3A_54, %broadcast_in_dim3A_32 : vector<1x128xf32>
      %swap3A_56 = arith.constant 1 : index
      %swap3A_57 = arith.constant 0 : index
      %swap3A_58 = vector.load %arg11[%swap3A_56, %swap3A_57] : memref<8x128xf32, #tpu.memory_space<vmem>>, vector<1x128xf32>
      tpu.vector_store %arg11[%swap3A_56, %swap3A_57], %add3A_55 {strides = array<i32>} : memref<8x128xf32, #tpu.memory_space<vmem>>, vector<1x128xf32>,
    } else {
    }
    %eq3A_40 = arith.constant 9 : i32
    %eq3A_41 = arith.cmpi eq, %arg0, %eq3A_40 : i32
    %convert_element_type3A_42 = arith.extui %eq3A_41 : i1 to i32
    %cond3A_43 = arith.constant 0 : i32
    %cond3A_44 = arith.cmpi ne, %convert_element_type3A_42, %cond3A_43 : i32
    scf.if %cond3A_44 {
      %get3A_45 = arith.constant 0 : index
      %get3A_46 = arith.constant 0 : index
      %get3A_47 = vector.load %arg11[%get3A_45, %get3A_46] : memref<8x128xf32, #tpu.memory_space<vmem>>, vector<1x128xf32>
      %div3A = arith.constant 1.000000e+04 : f32
      %div3A_48 = vector.broadcast %div3A : f32 to vector<1x128xf32>
      %div3A_49 = arith.divf %get3A_47, %div3A_48 : vector<1x128xf32>
      %get3A_50 = arith.constant 1 : index
      %get3A_51 = arith.constant 0 : index
      %get3A_52 = vector.load %arg11[%get3A_50, %get3A_51] : memref<8x128xf32, #tpu.memory_space<vmem>>, vector<1x128xf32>
      %div3A_53 = arith.constant 1.000000e+04 : f32
      %div3A_54 = vector.broadcast %div3A_53 : f32 to vector<1x128xf32>
      %div3A_55 = arith.divf %get3A_52, %div3A_54 : vector<1x128xf32>
      %mul3A_56 = arith.mulf %div3A_49, %div3A_49 : vector<1x128xf32>
      %sub3A = arith.subf %div3A_55, %mul3A_56 : vector<1x128xf32>
      %add3A_57 = arith.constant 9.99999974E-6 : f32
      %add3A_58 = vector.broadcast %add3A_57 : f32 to vector<1x128xf32>
      %add3A_59 = arith.addf %sub3A, %add3A_58 : vector<1x128xf32>
      %rsqrt3A = math.rsqrt %add3A_59 : vector<1x128xf32>
      %get3A_60 = arith.constant 0 : index
      %get3A_61 = arith.constant 0 : index
      %get3A_62 = vector.load %arg6[%get3A_60, %get3A_61] : memref<1x128xf32, #tpu.memory_space<vmem>>, vector<1x128xf32>
      %mul3A_63 = arith.mulf %get3A_62, %rsqrt3A : vector<1x128xf32>
      %swap3A_64 = arith.constant 0 : index
      %swap3A_65 = arith.constant 0 : index
      %swap3A_66 = vector.load %arg9[%swap3A_64, %swap3A_65] : memref<1x128xf32, #tpu.memory_space<vmem>>, vector<1x128xf32>
      tpu.vector_store %arg9[%swap3A_64, %swap3A_65], %mul3A_63 {strides = array<i32>} : memref<1x128xf32, #tpu.memory_space<vmem>>, vector<1x128xf32>,
      %get3A_67 = arith.constant 0 : index
      %get3A_68 = arith.constant 0 : index
      %get3A_69 = vector.load %arg7[%get3A_67, %get3A_68] : memref<1x128xf32, #tpu.memory_space<vmem>>, vector<1x128xf32>
      %mul3A_70 = arith.mulf %div3A_49, %mul3A_63 : vector<1x128xf32>
      %sub3A_71 = arith.subf %get3A_69, %mul3A_70 : vector<1x128xf32>
      %swap3A_72 = arith.constant 0 : index
      %swap3A_73 = arith.constant 0 : index
      %swap3A_74 = vector.load %arg10[%swap3A_72, %swap3A_73] : memref<1x128xf32, #tpu.memory_space<vmem>>, vector<1x128xf32>
      tpu.vector_store %arg10[%swap3A_72, %swap3A_73], %sub3A_71 {strides = array<i32>} : memref<1x128xf32, #tpu.memory_space<vmem>>, vector<1x128xf32>,
    } else {
    }
    return
  }
  func.func @transform_0(%arg0: i32) -> (i32, i32) {
    %c0_i32 = arith.constant 0 : i32
    %c0_i32_0 = arith.constant 0 : i32
    return %arg0, %c0_i32 : i32, i32
  }
  func.func @transform_1(%arg0: i32) -> (i32, i32, i32) {
    %c0_i32 = arith.constant 0 : i32
    %c0_i32_0 = arith.constant 0 : i32
    %c0_i32_1 = arith.constant 0 : i32
    return %c0_i32, %arg0, %c0_i32_0 : i32, i32, i32
  }
  func.func @transform_2(%arg0: i32) -> (i32, i32) {
    %c0_i32 = arith.constant 0 : i32
    %c0_i32_0 = arith.constant 0 : i32
    %c0_i32_1 = arith.constant 0 : i32
    return %c0_i32, %c0_i32_0 : i32, i32
  }
  func.func @transform_3(%arg0: i32) -> (i32, i32) {
    %c0_i32 = arith.constant 0 : i32
    %c0_i32_0 = arith.constant 0 : i32
    %c0_i32_1 = arith.constant 0 : i32
    return %c0_i32, %c0_i32_0 : i32, i32
  }
  func.func @transform_4(%arg0: i32) -> (i32, i32) {
    %c0_i32 = arith.constant 0 : i32
    %c0_i32_0 = arith.constant 0 : i32
    return %arg0, %c0_i32 : i32, i32
  }
  func.func @transform_5(%arg0: i32) -> (i32, i32) {
    %c0_i32 = arith.constant 0 : i32
    %c0_i32_0 = arith.constant 0 : i32
    %c0_i32_1 = arith.constant 0 : i32
    return %c0_i32, %c0_i32_0 : i32, i32
  }
  func.func @transform_6(%arg0: i32) -> (i32, i32) {
    %c0_i32 = arith.constant 0 : i32
    %c0_i32_0 = arith.constant 0 : i32
    %c0_i32_1 = arith.constant 0 : i32
    return %c0_i32, %c0_i32_0 : i32, i32
  }
  func.func @transform_7(%arg0: i32) -> (i32, i32) {
    %c0_i32 = arith.constant 0 : i32
    %c0_i32_0 = arith.constant 0 : i32
    return %arg0, %c0_i32 : i32, i32
  }
  func.func @transform_8(%arg0: i32) -> (i32, i32) {
    %c0_i32 = arith.constant 0 : i32
    %c0_i32_0 = arith.constant 0 : i32
    %c0_i32_1 = arith.constant 0 : i32
    return %c0_i32, %c0_i32_0 : i32, i32
  }
  func.func @transform_9(%arg0: i32) -> (i32, i32) {
    %c0_i32 = arith.constant 0 : i32
    %c0_i32_0 = arith.constant 0 : i32
    %c0_i32_1 = arith.constant 0 : i32
    return %c0_i32, %c0_i32_0 : i32, i32
  }
}

module attributes {stable_mosaic.version = 14 : i64} {
  func.func @_final_body(%arg0: i32, %arg1: memref<1000x128xf32, #tpu.memory_space<vmem>>, %arg2: memref<1x128xf32, #tpu.memory_space<vmem>>, %arg3: memref<1x128xf32, #tpu.memory_space<vmem>>, %arg4: memref<128x128xbf16, #tpu.memory_space<vmem>>, %arg5: memref<1x128xf32, #tpu.memory_space<vmem>>, %arg6: memref<1000x128xf32, #tpu.memory_space<vmem>>) attributes {dimension_semantics = [#tpu.dimension_semantics<arbitrary>], iteration_bounds = array<i64: 10>, scalar_prefetch = 0 : i64, scratch_operands = 0 : i64, tpu.core_type = #tpu.core_type<tc>, window_params = [{transform_indices = @transform_0, window_bounds = array<i64: 1000, 128>}, {pipeline_mode = #tpu.pipeline_mode<synchronous>, transform_indices = @transform_1, window_bounds = array<i64: 1, 128>}, {pipeline_mode = #tpu.pipeline_mode<synchronous>, transform_indices = @transform_2, window_bounds = array<i64: 1, 128>}, {pipeline_mode = #tpu.pipeline_mode<synchronous>, transform_indices = @transform_3, window_bounds = array<i64: 128, 128>}, {pipeline_mode = #tpu.pipeline_mode<synchronous>, transform_indices = @transform_4, window_bounds = array<i64: 1, 128>}, {transform_indices = @transform_5, window_bounds = array<i64: 1000, 128>}]} {
    %get3A = arith.constant 0 : index
    %get3A_0 = arith.constant 0 : index
    %get3A_1 = vector.load %arg1[%get3A, %get3A_0] : memref<1000x128xf32, #tpu.memory_space<vmem>>, vector<1000x128xf32>
    %get3A_2 = arith.constant 0 : index
    %get3A_3 = arith.constant 0 : index
    %get3A_4 = vector.load %arg2[%get3A_2, %get3A_3] : memref<1x128xf32, #tpu.memory_space<vmem>>, vector<1x128xf32>
    %mul3A = vector.broadcast %get3A_4 : vector<1x128xf32> to vector<1000x128xf32>
    %mul3A_5 = arith.mulf %get3A_1, %mul3A : vector<1000x128xf32>
    %get3A_6 = arith.constant 0 : index
    %get3A_7 = arith.constant 0 : index
    %get3A_8 = vector.load %arg3[%get3A_6, %get3A_7] : memref<1x128xf32, #tpu.memory_space<vmem>>, vector<1x128xf32>
    %add3A = vector.broadcast %get3A_8 : vector<1x128xf32> to vector<1000x128xf32>
    %add3A_9 = arith.addf %mul3A_5, %add3A : vector<1000x128xf32>
    %convert_element_type3A = arith.truncf %add3A_9 : vector<1000x128xf32> to vector<1000x128xbf16>
    %get3A_10 = arith.constant 0 : index
    %get3A_11 = arith.constant 0 : index
    %get3A_12 = vector.load %arg4[%get3A_10, %get3A_11] : memref<128x128xbf16, #tpu.memory_space<vmem>>, vector<128x128xbf16>
    %dot_general3A = arith.constant dense<0.000000e+00> : vector<1000x128xf32>
    %dot_general3A_13 = tpu.matmul %convert_element_type3A, %get3A_12, %dot_general3A {dimension_numbers = #tpu.dot_dimension_numbers<[1], [0], [0], [1], [0, 0, 1, 1], [], []>, transpose_lhs_hint = false} : vector<1000x128xbf16>, vector<128x128xbf16>, vector<1000x128xf32> -> vector<1000x128xf32>
    %get3A_14 = arith.constant 0 : index
    %get3A_15 = arith.constant 0 : index
    %get3A_16 = vector.load %arg5[%get3A_14, %get3A_15] : memref<1x128xf32, #tpu.memory_space<vmem>>, vector<1x128xf32>
    %add3A_17 = vector.broadcast %get3A_16 : vector<1x128xf32> to vector<1000x128xf32>
    %add3A_18 = arith.addf %dot_general3A_13, %add3A_17 : vector<1000x128xf32>
    %swap3A = arith.constant 0 : index
    %swap3A_19 = arith.constant 0 : index
    %swap3A_20 = vector.load %arg6[%swap3A, %swap3A_19] : memref<1000x128xf32, #tpu.memory_space<vmem>>, vector<1000x128xf32>
    tpu.vector_store %arg6[%swap3A, %swap3A_19], %add3A_18 {strides = array<i32>} : memref<1000x128xf32, #tpu.memory_space<vmem>>, vector<1000x128xf32>,
    return
  }
  func.func @transform_0(%arg0: i32) -> (i32, i32) {
    %c0_i32 = arith.constant 0 : i32
    %c0_i32_0 = arith.constant 0 : i32
    return %arg0, %c0_i32 : i32, i32
  }
  func.func @transform_1(%arg0: i32) -> (i32, i32) {
    %c0_i32 = arith.constant 0 : i32
    %c0_i32_0 = arith.constant 0 : i32
    %c0_i32_1 = arith.constant 0 : i32
    return %c0_i32, %c0_i32_0 : i32, i32
  }
  func.func @transform_2(%arg0: i32) -> (i32, i32) {
    %c0_i32 = arith.constant 0 : i32
    %c0_i32_0 = arith.constant 0 : i32
    %c0_i32_1 = arith.constant 0 : i32
    return %c0_i32, %c0_i32_0 : i32, i32
  }
  func.func @transform_3(%arg0: i32) -> (i32, i32) {
    %c0_i32 = arith.constant 0 : i32
    %c0_i32_0 = arith.constant 0 : i32
    %c0_i32_1 = arith.constant 0 : i32
    return %c0_i32, %c0_i32_0 : i32, i32
  }
  func.func @transform_4(%arg0: i32) -> (i32, i32) {
    %c0_i32 = arith.constant 0 : i32
    %c0_i32_0 = arith.constant 0 : i32
    %c0_i32_1 = arith.constant 0 : i32
    return %c0_i32, %c0_i32_0 : i32, i32
  }
  func.func @transform_5(%arg0: i32) -> (i32, i32) {
    %c0_i32 = arith.constant 0 : i32
    %c0_i32_0 = arith.constant 0 : i32
    return %arg0, %c0_i32 : i32, i32
  }
}

</mosaic_0001>

<sc_bundles>
// kernel: kernel.20.cloned.1.call-start
scs
__scs_entry_jumppad:
0x0: {  	(pc) =	sbr.rel $0x88, $3  }
0x1: {  	(tag) =	ssettag $0x0;
	lr =	simm.s32 $0x1  }
0x2: {  	[smem:$0x3F95] =	sst lr;
	_ =	strace $0xD0000000  }
0x3: {  	_ = 	snop  }
0x4: {  	_ = 	snop  }
0x5: {  	_ = 	snop  }
0x6: {  	_ = 	snop  }
0x7: {  	_ = 	snop  }
__scs_overlays_trampoline_lowered:
0x8: {  	[smem:$0x3FA4] =	sst s0  }
0x9: {  	[smem:$0x3FA5] =	sst s1  }
0xa: {  	[smem:$0x3FA6] =	sst s2  }
0xb: {  	[smem:$0x3FA7] =	sst s3  }
0xc: {  	[smem:$0x3FA8] =	sst s4  }
0xd: {  	[smem:$0x3FA9] =	sst s5  }
0xe: {  	[smem:$0x3FAA] =	sst s6  }
0xf: {  	[smem:$0x3FAB] =	sst s7  }
0x10: {  	[smem:$0x3FAC] =	sst s8  }
0x11: {  	[smem:$0x3FAD] =	sst s9;
	s0 =	simm.s32 @!p0 $0x0  }
0x12: {  	s1 =	sld [smem:$0x3F93];
	s0 =	simm.s32 @p0 $0x1  }
0x13: {  	[smem:$0x3FAE] =	sst s0;
	s0 =	simm.s32 @!p1 $0x0  }
0x14: {  	s2 =	sld [smem:$0x3F92];
	s0 =	simm.s32 @p1 $0x1  }
0x15: {  	[smem:$0x3FAF] =	sst s0;
	s0 =	simm.s32 @!p2 $0x0  }
0x16: {  	s3 =	sld [smem:$0x3FDB];
	s0 =	simm.s32 @p2 $0x1  }
0x17: {  	s4 =	simm.s32 $0x1BF5;
	[smem:$0x3FB1] =	sst s0  }
0x18: {  	s0 =	sld [smem:$0x3F94];
	_ =	swait.ge [sflag:s4], $0x0  }
0x19: {  	s7 =	sld [smem:$0x3F95]  }
0x1a: {  	s8 =	sadd.s32 $0xFFFFE003, lr  }
0x1b: {  	s9 =	sadd.s32 $0xFFFFFEF7, lr;
	s5 =	simm.s32 $0xFFFFFFFF;
	p2 =	slt.u32 s8, $0xFFFFF086  }
0x1c: {  	p1 =	slt.u32 s9, $0xF7A;
	s5 =	simm.s32 @!p2 $0x0  }
0x1d: {  	s5 =	simm.s32 @p1 $0x1;
	p0 =	seq.s32 s7, s2  }
0x1e: {  	s7 =	smul.u32 @!p0 $0xF7A, s2;
	p2 =	seq.s32 @!p0 s5, $0x0  }
0x1f: {  	s9 =	smul.u32 $0xF7A, s1;
	s8 =	simm.s32 @!p0 $0x1BF5;
	p2 =	por !p2, p0  }
0x20: {  	[sflag:s8] =	ssyncset.s32 @!p0 $0xFFFFF086;
	s6 =	sadd.s32 @!p0 s3, s7;
	s7 =	simm.s32 @!p0 $0x108  }
0x21: {  	s3 =	sadd.s32 s3, s9;
	s6 =	sadd.s32 @!p0 $0x88, s6;
	s7 =	simm.s32 @p2 $0x1082  }
0x22: {  	[simem:s7], [sflag:s8] =	dma.local @!p0 [hbm:s6], $0xF7A  }
0x23: {  	s9 =	sor.u32 $0xD0000000, s2;
	s6 =	simm.s32 $0x108;
	_ =	swait.ge @!p0 [sflag:s8], $0x0  }
0x24: {  	s3 =	sadd.s32 $0x88, s3;
	s6 =	simm.s32 @!p1 $0x1082;
	[sflag:s4] =	ssyncset.s32 $0xFFFFF086  }
0x25: {  	[simem:s6], [sflag:s4] =	dma.local [hbm:s3], $0xF7A  }
0x26: {  	[smem:$0x3F95] =	sst s1;
	(tag) =	ssettag s2;
	_ =	strace s9  }
0x27: {  	s1 =	sld [smem:$0x3FA5]  }
0x28: {  	s2 =	sld [smem:$0x3FA6]  }
0x29: {  	s4 =	sld [smem:$0x3FA8]  }
0x2a: {  	p0 =	seq.s32 s5, $0x0;
	s5 =	sld [smem:$0x3FA9]  }
0x2b: {  	s6 =	sld [smem:$0x3FAA]  }
0x2c: {  	s7 =	sld [smem:$0x3FAB]  }
0x2d: {  	s3 =	simm.s32 $0x108;
	s8 =	sld [smem:$0x3FAC]  }
0x2e: {  	s3 =	simm.s32 @!p0 $0x1082;
	s9 =	sld [smem:$0x3FAD]  }
0x2f: {  	lr =	sadd.s32 s0, s3;
	s0 =	sld [smem:$0x3FA4]  }
0x30: {  	s3 =	sld [smem:$0x3FA7]  }
0x31: {  	[smem:$0x3FB0] =	sst s10  }
0x32: {  	s10 =	sld [smem:$0x3FAE];
	_ =	sdelay $0x3  }
0x33: {  	p0 =	seq.s32 s10, $0x1;
	s10 =	sld [smem:$0x3FB0];
	_ =	sdelay $0x3  }
0x34: {  	[smem:$0x3FB0] =	sst s10  }
0x35: {  	s10 =	sld [smem:$0x3FAF];
	_ =	sdelay $0x3  }
0x36: {  	p1 =	seq.s32 s10, $0x1;
	s10 =	sld [smem:$0x3FB0];
	_ =	sdelay $0x3  }
0x37: {  	[smem:$0x3FB0] =	sst s10  }
0x38: {  	s10 =	sld [smem:$0x3FB1]  }
0x39: {  	_ = 	snop;
	(pc) =	sbr.ind lr, $3  }
0x3a: {  	_ = 	snop  }
0x3b: {  	_ = 	snop  }
0x3c: {  	p2 =	seq.s32 s10, $0x1;
	s10 =	sld [smem:$0x3FB0]  }
0x3d: {  	_ =	shalt  }
0x3e: {  	_ =	shalt  }
0x3f: {  	_ =	shalt  }
0x40: {  	_ =	shalt  }
0x41: {  	_ =	shalt  }
0x42: {  	_ =	shalt  }
0x43: {  	_ =	shalt  }
0x44: {  	_ =	shalt  }
0x45: {  	_ =	shalt  }
0x46: {  	_ =	shalt  }
0x47: {  	_ =	shalt  }
0x48: {  	_ =	shalt  }
0x49: {  	_ =	shalt  }
0x4a: {  	_ =	shalt  }
0x4b: {  	_ =	shalt  }
0x4c: {  	_ =	shalt  }
0x4d: {  	_ =	shalt  }
0x4e: {  	_ =	shalt  }
0x4f: {  	_ =	shalt  }
0x50: {  	_ =	shalt  }
0x51: {  	_ =	shalt  }
0x52: {  	_ =	shalt  }
0x53: {  	_ =	shalt  }
0x54: {  	_ =	shalt  }
0x55: {  	_ =	shalt  }
0x56: {  	_ =	shalt  }
0x57: {  	_ =	shalt  }
0x58: {  	_ =	shalt  }
0x59: {  	_ =	shalt  }
0x5a: {  	_ =	shalt  }
0x5b: {  	_ =	shalt  }
0x5c: {  	_ =	shalt  }
0x5d: {  	_ =	shalt  }
0x5e: {  	_ =	shalt  }
0x5f: {  	_ =	shalt  }
0x60: {  	_ =	shalt  }
0x61: {  	_ =	shalt  }
0x62: {  	_ =	shalt  }
0x63: {  	_ =	shalt  }
0x64: {  	_ =	shalt  }
0x65: {  	_ =	shalt  }
0x66: {  	_ =	shalt  }
0x67: {  	_ =	shalt  }
0x68: {  	_ =	shalt  }
0x69: {  	_ =	shalt  }
0x6a: {  	_ =	shalt  }
0x6b: {  	_ =	shalt  }
0x6c: {  	_ =	shalt  }
0x6d: {  	_ =	shalt  }
0x6e: {  	_ =	shalt  }
0x6f: {  	_ =	shalt  }
0x70: {  	_ =	shalt  }
0x71: {  	_ =	shalt  }
0x72: {  	_ =	shalt  }
0x73: {  	_ =	shalt  }
0x74: {  	_ =	shalt  }
0x75: {  	_ =	shalt  }
0x76: {  	_ =	shalt  }
0x77: {  	_ =	shalt  }
0x78: {  	_ =	shalt  }
0x79: {  	_ =	shalt  }
0x7a: {  	_ =	shalt  }
0x7b: {  	_ =	shalt  }
0x7c: {  	_ =	shalt  }
0x7d: {  	_ =	shalt  }
0x7e: {  	_ =	shalt  }
0x7f: {  	_ =	shalt  }
0x80: {  	_ =	shalt  }
0x81: {  	_ =	shalt  }
0x82: {  	_ =	shalt  }
0x83: {  	_ =	shalt  }
0x84: {  	_ =	shalt  }
0x85: {  	_ =	shalt  }
0x86: {  	_ =	shalt  }
0x87: {  	_ =	shalt  }
.Lfunc_end0:
.L_simem_size_0:
called_computation_lowered:
.L_overlay_start_0:
0x88: {  	s2 =	sld [smem:$0x3FD9]  }
0x89: {  	s3 =	sld [smem:$0x3FFE];
	_ =	sdelay $0x1  }
0x8a: {  	s1 =	srdreg.scid  }
0x8b: {  	s0 =	sand.u32 $0x1, s1  }
0x8c: {  	s17 =	sshll.u32 s0, $0xA;
	s2 =	sadd.s32 s3, s2  }
0x8d: {  	s2 =	sadd.s32 s2, s17  }
0x8e: {  	[smem:$0x3FBC] =	sst s2  }
0x8f: {  	_ = 	snop  }
0x90: {  	s2 =	sld [smem:$0x3FD0];
	(tm) =	ssettm $0x1  }
0x91: {  	s18 =	sld [smem:$0x3FFB];
	_ =	sdelay $0x3  }
0x92: {  	_ =	strace s18  }
0x93: {  	s3 =	sld [smem:$0x3FFC];
	_ =	sdelay $0x3  }
0x94: {  	_ =	strace s3  }
0x95: {  	s3 =	sld [smem:$0x3FFD];
	_ =	sdelay $0x3  }
0x96: {  	_ =	strace s3  }
0x97: {  	_ =	strace $0x8FFFFFFF  }
0x98: {  	s19 =	sld [smem:$0x3FDB];
	_ =	sdelay $0x1  }
0x99: {  	s4 =	simm.s32 $_scs_section_size  }
0x9a: {  	s5 =	simm.s32 $_size__tile_overlayer_lowered;
	s6 =	simm.s32 $_tile_overlayer_lowered  }
0x9b: {  	s22 =	simm.s32 $0x1BFF;
	s21 =	sshll.u32 s6, $0x1;
	s3 =	sadd.s32 s4, s19  }
0x9c: {  	s7 =	simm.s32 $0x0;
	s20 =	sshll.u32 s5, $0x1;
	s5 =	sadd.s32 s21, s3  }
0x9d: {  	[timem:s7], [sflag:s22] =	dma.local [hbm:s5], s20  }
0x9e: {  	_ =	swait.ge [sflag:s22], s20  }
0x9f: {  	s4 =	ssub.s32 $0x0, s20;
	[sflag:s22] =	ssyncset.done $0x0  }
0xa0: {  	[sflag:s22] =	ssyncadd.s32 s4;
	_ =	sdelay $0x1  }
0xa1: {  	s23 =	simm.s32 $0x1B8B  }
0xa2: {  	_ =	swait.ge [sflag:s23], $0x1  }
0xa3: {  	[sflag:s23] =	ssyncset.done $0x0  }
0xa4: {  	s25 =	simm.s32 $0x1B8E;
	s24 =	sld [smem:$0x3FFE];
	[sflag:s23] =	ssyncadd.s32 $0xFFFFFFFF  }
0xa5: {  	s26 =	simm.s32 $execute0_lowered;
	[smem:$0x3FD2] =	sst s25  }
0xa6: {  	s5 =	sshll.u32 s26, $0x1;
	_ =	strace $0x80000046;
	[dreg:$0x1] =	wrdreg $0xFFFFFFFF  }
0xa7: {  	s28 =	simm.s32 $_size_execute0_lowered;
	s3 =	sadd.s32 s3, s5;
	[dreg:$0x0] =	wrdreg $0x0  }
0xa8: {  	s5 =	sshll.u32 s28, $0x1;
	[dreg:$0x2] =	wrdreg s3  }
0xa9: {  	[dreg:$0x3] =	wrdreg s5  }
0xaa: {  	[dreg:$0x4] =	wrdreg $0xC0  }
0xab: {  	_ =	task [dreg:s7], $0x5FFFF  }
0xac: {  	[dreg:$0x1] =	wrdreg $0xFFFFFFFF  }
0xad: {  	[dreg:$0x0] =	wrdreg $0x60  }
0xae: {  	[dreg:$0x2] =	wrdreg s24  }
0xaf: {  	[dreg:$0x3] =	wrdreg s2  }
0xb0: {  	[dreg:$0x4] =	wrdreg $0x100400  }
0xb1: {  	[dreg:$0x5] =	wrdreg $0x9  }
0xb2: {  	_ =	task.clear_ibuf [dreg:s7], $0x6FFFF;
	_ =	strace $0x90000046  }
0xb3: {  	s29 =	simm.s32 $0x9;
	_ =	strace $0x80000048  }
0xb4: {  	_ =	swait.ge [sflag:s29], $0x1  }
0xb5: {  	[sflag:s29] =	ssyncadd.s32 $0xFFFFFFFF  }
0xb6: {  	_ =	strace $0x90000048  }
0xb7: {  	_ =	sfence  }
0xb8: {  	s30 =	sld [smem:$0x0];
	_ =	sdelay $0x2  }
0xb9: {  	s31 =	sshll.u32 s1, $0xD;
	s1 =	sshrl.u32 s1, $0x2  }
0xba: {  	s3 =	sand.u32 $0x4000, s31;
	s1 =	sadd.s32 s1, s30  }
0xbb: {  	s0 =	sor.u32 s3, s0;
	s1 =	sshll.u32 s1, $0x11  }
0xbc: {  	s0 =	sor.u32 s1, s0  }
0xbd: {  	s0 =	sadd.s32 $0x8F2B, s0  }
0xbe: {  	[sflag:s0] =	ssyncadd.remote.s32 $0x1  }
0xbf: {  	_ =	sfence.sel $0xFFFF  }
0xc0: {  	[dreg:$0x0] =	wrdreg $0xFFFFFFFF;
	(pc) =	sbr.abs _section_cstart, $3  }
0xc1: {  	[dreg:$0x1] =	wrdreg $0xFFFFFFFF  }
0xc2: {  	_ =	task.clear_ibuf [dreg:s7], $0x2FFFF;
	_ =	strace $0x9FFFFFFF  }
0xc3: {  	(tm) =	ssettm $0x7FFFFFFF  }
tec
execute0_lowered:
.L_overlay_start_1:
0x0: {  	(tag) =	ssettag $0x1  }
0x1: {  	s0 =	rddreg [dreg:$0x0]  }
0x2: {  	s1 =	rddreg [dreg:$0x1]  }
0x3: {  	s2 =	rddreg [dreg:$0x2]  }
0x4: {  	s13 =	stileid.u32;
	s4 =	srdreg.scid  }
0x5: {  	s3 =	simm.s32 $0x0;
	s14 =	simm.s32 $0x50;
	s15 =	simm.s32 $0x9C40  }
0x6: {  	s16 =	simm.s32 $0xB040;
	s18 =	simm.s32 $0xC440;
	s20 =	simm.s32 $0xD840  }
0x7: {  	s22 =	simm.s32 $0xEC40;
	s23 =	simm.s32 $0x1;
	s24 =	simm.s32 $0x2  }
0x8: {  	s28 =	simm.s32 $0x5;
	s29 =	simm.s32 $0x9AB0;
	s5 =	smul.u32 $0x4E20, s13  }
0x9: {  	s30 =	simm.s32 $0x9B00;
	s31 =	simm.s32 $0x9B50;
	s6 =	smul.u32 $0xA000, s13  }
0xa: {  	s7 =	sand.u32 $0x1, s4;
	[smem:$0x7FF] =	sst s3;
	s4 =	sadd.s32 $0x11000, s0  }
0xb: {  	s26 =	sshll.u32 s13, $0x6;
	s13 =	simm.s32 $0x0;
	s9 =	smul.u32 $0xA0000, s7  }
0xc: {  	_ =	strace $0x80000047;
	s11 =	ssub.s32 $0x2, s7;
	s7 =	smul.u32 $0x4E200, s7  }
0xd: {  	s8 =	sshrl.u32 s5, $0x3;
	s10 =	sshrl.u32 s6, $0x3;
	s12 =	sshrl.u32 s11, $0x1  }
0xe: {  	s25 =	sadd.s32 s6, s2;
	s8 =	sadd.s32 s8, s0;
	s9 =	sadd.s32 s6, s9  }
0xf: {  	s10 =	sadd.s32 s10, s0;
	s11 =	ssub.s32 s11, s12;
	s7 =	sadd.s32 s5, s7  }
0x10: {  	s6 =	sor.u32 $0x1C06, s26;
	s12 =	simm.s32 $0x6;
	s26 =	simm.s32 $0x4  }
0x11: {  	s9 =	sshrl.u32 s9, $0x3;
	s5 =	sadd.s32 $0xD4600, s10;
	s7 =	sshrl.u32 s7, $0x3  }
0x12: {  	s8 =	sadd.s32 $0x5E00, s8;
	s10 =	smax.u32 s11, $0x1;
	s11 =	sshrl.u32 s25, $0x3  }
0x13: {  	s25 =	simm.s32 $0x3;
	s0 =	sadd.s32 s9, s0;
	s7 =	sadd.s32 s1, s7  }
0x14: {  	s1 =	simm.s32 $0x9BF0;
	s9 =	sadd.s32 $0xE8600, s0;
	s0 =	simm.s32 $0x9BA0  }
.LBB2_1:
0x15: {  	[spmem:s11], [sflag:s6] =	dma.local [hbm:s5], $0x1400  }
0x16: {  	_ =	swait.ge [sflag:s12], $0x1400  }
0x17: {  	[sflag:s12] =	ssyncset.done $0x0  }
0x18: {  	[sflag:s12] =	ssyncadd.s32 $0xFFFFEC00  }
0x19: {  	[tilespmem:s3], [sflag:$0x6] =	stream.linear.gather [hbm4b:s7+s3], $0x4E20, $0x38;
	[tilespmem:$0x1A040] =	vst v63  }
0x1a: {  	_ =	swait.ge [sflag:s12], $0x4E20  }
0x1b: {  	[sflag:s12] =	ssyncset.done $0x0  }
0x1c: {  	s17 =	simm.s32 $0x4E20;
	[sflag:s12] =	ssyncadd.s32 $0xFFFFB1E0  }
0x1d: {  	[tilespmem:s17], [sflag:$0x6] =	stream.linear.gather [hbm4b:s8+s3], $0x4E20, $0x38;
	[tilespmem:$0x1A040] =	vst v63  }
0x1e: {  	_ =	swait.ge [sflag:s12], $0x4E20  }
0x1f: {  	[sflag:s12] =	ssyncset.done $0x0  }
0x20: {  	[sflag:s12] =	ssyncadd.s32 $0xFFFFB1E0  }
0x21: {  	[bflag:$0x0] =	sbarrier.arrive $0xFFFF  }
0x22: {  	[tilespmem:s15], [sflag:$0x1] =	stream.indirect.gather [hbm4b:s4+s14], $0x40, s3, s14, $0xb8;
	[tilespmem:$0x1A040] =	vst v63  }
0x23: {  	_ = 	snop  }
0x24: {  	[tilespmem:s16], [sflag:$0x2] =	stream.indirect.gather [hbm4b:s4+s14], $0x40, s14, s14, $0xb8;
	[tilespmem:$0x1A040] =	vst v63  }
0x25: {  	s19 =	simm.s32 $0xA0  }
0x26: {  	[tilespmem:s18], [sflag:$0x3] =	stream.indirect.gather [hbm4b:s4+s14], $0x40, s19, s14, $0xb8;
	[tilespmem:$0x1A040] =	vst v63  }
0x27: {  	s21 =	simm.s32 $0xF0  }
0x28: {  	[tilespmem:s20], [sflag:$0x4] =	stream.indirect.gather [hbm4b:s4+s14], $0x40, s21, s14, $0xb8;
	[tilespmem:$0x1A040] =	vst v63  }
0x29: {  	s19 =	simm.s32 $0x140  }
0x2a: {  	[tilespmem:s22], [sflag:$0x5] =	stream.indirect.gather [hbm4b:s4+s14], $0x40, s19, s14, $0xb8;
	[tilespmem:$0x1A040] =	vst v63  }
0x2b: {  	_ =	swait.ge [sflag:s23], $0x1400  }
0x2c: {  	[sflag:s23] =	ssyncset.done $0x0  }
0x2d: {  	s21 =	simm.s32 $0x4E20;
	[sflag:s23] =	ssyncadd.s32 $0xFFFFEC00  }
0x2e: {  	[spmem:s2] =	stream.indirect.scatter.add.f32 [tilespmem:s15], [sflag:$0x6], $0x40, s21, s14, $0xb8;
	[tilespmem:$0x1A040] =	vst v63  }
0x2f: {  	_ =	swait.ge [sflag:s12], $0x1400  }
0x30: {  	[sflag:s12] =	ssyncset.done $0x0  }
0x31: {  	s19 =	simm.s32 $0x190;
	[sflag:s12] =	ssyncadd.s32 $0xFFFFEC00  }
0x32: {  	[tilespmem:s15], [sflag:$0x1] =	stream.indirect.gather [hbm4b:s4+s14], $0x40, s19, s14, $0xb8;
	[tilespmem:$0x1A040] =	vst v63  }
0x33: {  	_ =	swait.ge [sflag:s24], $0x1400  }
0x34: {  	[sflag:s24] =	ssyncset.done $0x0  }
0x35: {  	s21 =	simm.s32 $0x4E70;
	[sflag:s24] =	ssyncadd.s32 $0xFFFFEC00  }
0x36: {  	[spmem:s2] =	stream.indirect.scatter.add.f32 [tilespmem:s16], [sflag:$0x6], $0x40, s21, s14, $0xb8;
	[tilespmem:$0x1A040] =	vst v63  }
0x37: {  	_ =	swait.ge [sflag:s12], $0x1400  }
0x38: {  	[sflag:s12] =	ssyncset.done $0x0  }
0x39: {  	s19 =	simm.s32 $0x1E0;
	[sflag:s12] =	ssyncadd.s32 $0xFFFFEC00  }
0x3a: {  	[tilespmem:s16], [sflag:$0x2] =	stream.indirect.gather [hbm4b:s4+s14], $0x40, s19, s14, $0xb8;
	[tilespmem:$0x1A040] =	vst v63  }
0x3b: {  	_ =	swait.ge [sflag:s25], $0x1400  }
0x3c: {  	[sflag:s25] =	ssyncset.done $0x0  }
0x3d: {  	s21 =	simm.s32 $0x4EC0;
	[sflag:s25] =	ssyncadd.s32 $0xFFFFEC00  }
0x3e: {  	[spmem:s2] =	stream.indirect.scatter.add.f32 [tilespmem:s18], [sflag:$0x6], $0x40, s21, s14, $0xb8;
	[tilespmem:$0x1A040] =	vst v63  }
0x3f: {  	_ =	swait.ge [sflag:s12], $0x1400  }
0x40: {  	[sflag:s12] =	ssyncset.done $0x0  }
0x41: {  	s19 =	simm.s32 $0x230;
	[sflag:s12] =	ssyncadd.s32 $0xFFFFEC00  }
0x42: {  	[tilespmem:s18], [sflag:$0x3] =	stream.indirect.gather [hbm4b:s4+s14], $0x40, s19, s14, $0xb8;
	[tilespmem:$0x1A040] =	vst v63  }
0x43: {  	_ =	swait.ge [sflag:s26], $0x1400  }
0x44: {  	[sflag:s26] =	ssyncset.done $0x0  }
0x45: {  	s21 =	simm.s32 $0x4F10;
	[sflag:s26] =	ssyncadd.s32 $0xFFFFEC00  }
0x46: {  	[spmem:s2] =	stream.indirect.scatter.add.f32 [tilespmem:s20], [sflag:$0x6], $0x40, s21, s14, $0xb8;
	[tilespmem:$0x1A040] =	vst v63  }
0x47: {  	_ =	swait.ge [sflag:s12], $0x1400  }
0x48: {  	[sflag:s12] =	ssyncset.done $0x0  }
0x49: {  	s19 =	simm.s32 $0x280;
	[sflag:s12] =	ssyncadd.s32 $0xFFFFEC00  }
0x4a: {  	[tilespmem:s20], [sflag:$0x4] =	stream.indirect.gather [hbm4b:s4+s14], $0x40, s19, s14, $0xb8;
	[tilespmem:$0x1A040] =	vst v63  }
0x4b: {  	_ =	swait.ge [sflag:s28], $0x1400  }
0x4c: {  	[sflag:s28] =	ssyncset.done $0x0  }
0x4d: {  	s21 =	simm.s32 $0x4F60;
	[sflag:s28] =	ssyncadd.s32 $0xFFFFEC00  }
0x4e: {  	[spmem:s2] =	stream.indirect.scatter.add.f32 [tilespmem:s22], [sflag:$0x6], $0x40, s21, s14, $0xb8;
	[tilespmem:$0x1A040] =	vst v63  }
0x4f: {  	_ =	swait.ge [sflag:s12], $0x1400  }
0x50: {  	[sflag:s12] =	ssyncset.done $0x0  }
0x51: {  	s17 =	simm.s32 $0x640;
	s19 =	simm.s32 $0x2D0;
	[sflag:s12] =	ssyncadd.s32 $0xFFFFEC00  }
.LBB2_2:
0x52: {  	[tilespmem:s22], [sflag:$0x5] =	stream.indirect.gather [hbm4b:s4+s14], $0x40, s19, s14, $0xb8;
	[tilespmem:$0x1A040] =	vst v63  }
0x53: {  	s19 =	smov.u32 s17  }
0x54: {  	p0 =	sne.s32 s17, $0x12C00;
	s17 =	sadd.s32 $0x640, s17;
	_ =	swait.ge [sflag:s23], $0x1400  }
0x55: {  	s19 =	sshra.s32 s19, $0x2;
	[sflag:s23] =	ssyncset.done $0x0  }
0x56: {  	s21 =	sadd.s32 $0x4E20, s19;
	[sflag:s23] =	ssyncadd.s32 $0xFFFFEC00  }
0x57: {  	[spmem:s2] =	stream.indirect.scatter.add.f32 [tilespmem:s15], [sflag:$0x6], $0x40, s21, s14, $0xb8;
	[tilespmem:$0x1A040] =	vst v63  }
0x58: {  	_ =	swait.ge [sflag:s12], $0x1400  }
0x59: {  	[sflag:s12] =	ssyncset.done $0x0  }
0x5a: {  	s21 =	sadd.s32 $0x190, s19;
	[sflag:s12] =	ssyncadd.s32 $0xFFFFEC00  }
0x5b: {  	[tilespmem:s15], [sflag:$0x1] =	stream.indirect.gather [hbm4b:s4+s14], $0x40, s21, s14, $0xb8;
	[tilespmem:$0x1A040] =	vst v63  }
0x5c: {  	_ =	swait.ge [sflag:s24], $0x1400  }
0x5d: {  	[sflag:s24] =	ssyncset.done $0x0  }
0x5e: {  	s21 =	sadd.s32 $0x4E70, s19;
	[sflag:s24] =	ssyncadd.s32 $0xFFFFEC00  }
0x5f: {  	[spmem:s2] =	stream.indirect.scatter.add.f32 [tilespmem:s16], [sflag:$0x6], $0x40, s21, s14, $0xb8;
	[tilespmem:$0x1A040] =	vst v63  }
0x60: {  	_ =	swait.ge [sflag:s12], $0x1400  }
0x61: {  	[sflag:s12] =	ssyncset.done $0x0  }
0x62: {  	s21 =	sadd.s32 $0x1E0, s19;
	[sflag:s12] =	ssyncadd.s32 $0xFFFFEC00  }
0x63: {  	[tilespmem:s16], [sflag:$0x2] =	stream.indirect.gather [hbm4b:s4+s14], $0x40, s21, s14, $0xb8;
	[tilespmem:$0x1A040] =	vst v63  }
0x64: {  	_ =	swait.ge [sflag:s25], $0x1400  }
0x65: {  	[sflag:s25] =	ssyncset.done $0x0  }
0x66: {  	s21 =	sadd.s32 $0x4EC0, s19;
	[sflag:s25] =	ssyncadd.s32 $0xFFFFEC00  }
0x67: {  	[spmem:s2] =	stream.indirect.scatter.add.f32 [tilespmem:s18], [sflag:$0x6], $0x40, s21, s14, $0xb8;
	[tilespmem:$0x1A040] =	vst v63  }
0x68: {  	_ =	swait.ge [sflag:s12], $0x1400  }
0x69: {  	[sflag:s12] =	ssyncset.done $0x0  }
0x6a: {  	s21 =	sadd.s32 $0x230, s19;
	[sflag:s12] =	ssyncadd.s32 $0xFFFFEC00  }
0x6b: {  	[tilespmem:s18], [sflag:$0x3] =	stream.indirect.gather [hbm4b:s4+s14], $0x40, s21, s14, $0xb8;
	[tilespmem:$0x1A040] =	vst v63  }
0x6c: {  	_ =	swait.ge [sflag:s26], $0x1400  }
0x6d: {  	[sflag:s26] =	ssyncset.done $0x0  }
0x6e: {  	s21 =	sadd.s32 $0x4F10, s19;
	[sflag:s26] =	ssyncadd.s32 $0xFFFFEC00  }
0x6f: {  	[spmem:s2] =	stream.indirect.scatter.add.f32 [tilespmem:s20], [sflag:$0x6], $0x40, s21, s14, $0xb8;
	[tilespmem:$0x1A040] =	vst v63  }
0x70: {  	_ =	swait.ge [sflag:s12], $0x1400  }
0x71: {  	[sflag:s12] =	ssyncset.done $0x0  }
0x72: {  	s21 =	sadd.s32 $0x280, s19;
	[sflag:s12] =	ssyncadd.s32 $0xFFFFEC00  }
0x73: {  	[tilespmem:s20], [sflag:$0x4] =	stream.indirect.gather [hbm4b:s4+s14], $0x40, s21, s14, $0xb8;
	[tilespmem:$0x1A040] =	vst v63  }
0x74: {  	_ =	swait.ge [sflag:s28], $0x1400  }
0x75: {  	[sflag:s28] =	ssyncset.done $0x0  }
.Ltmp0:
0x76: {  	s21 =	sadd.s32 $0x4F60, s19;
	[sflag:s28] =	ssyncadd.s32 $0xFFFFEC00;
	(pc) =	sbr.rel @p0 .LBB2_2-.Ltmp0, $4  }
0x77: {  	[spmem:s2] =	stream.indirect.scatter.add.f32 [tilespmem:s22], [sflag:$0x6], $0x40, s21, s14, $0xb8;
	[tilespmem:$0x1A040] =	vst v63  }
0x78: {  	_ =	swait.ge [sflag:s12], $0x1400  }
0x79: {  	[sflag:s12] =	ssyncset.done $0x0  }
0x7a: {  	s19 =	sadd.s32 $0x2D0, s19;
	[sflag:s12] =	ssyncadd.s32 $0xFFFFEC00  }
0x7b: {  	[tilespmem:s22], [sflag:$0x5] =	stream.indirect.gather [hbm4b:s4+s14], $0x40, s19, s14, $0xb8;
	[tilespmem:$0x1A040] =	vst v63  }
0x7c: {  	_ =	swait.ge [sflag:s23], $0x1400  }
0x7d: {  	[sflag:s23] =	ssyncset.done $0x0  }
0x7e: {  	[sflag:s23] =	ssyncadd.s32 $0xFFFFEC00  }
0x7f: {  	[spmem:s2] =	stream.indirect.scatter.add.f32 [tilespmem:s15], [sflag:$0x6], $0x40, s29, s14, $0xb8;
	[tilespmem:$0x1A040] =	vst v63  }
0x80: {  	_ =	swait.ge [sflag:s12], $0x1400  }
0x81: {  	[sflag:s12] =	ssyncset.done $0x0  }
0x82: {  	[sflag:s12] =	ssyncadd.s32 $0xFFFFEC00  }
0x83: {  	_ =	swait.ge [sflag:s24], $0x1400  }
0x84: {  	[sflag:s24] =	ssyncset.done $0x0  }
0x85: {  	[sflag:s24] =	ssyncadd.s32 $0xFFFFEC00  }
0x86: {  	[spmem:s2] =	stream.indirect.scatter.add.f32 [tilespmem:s16], [sflag:$0x6], $0x40, s30, s14, $0xb8;
	[tilespmem:$0x1A040] =	vst v63  }
0x87: {  	_ =	swait.ge [sflag:s12], $0x1400  }
0x88: {  	[sflag:s12] =	ssyncset.done $0x0  }
0x89: {  	[sflag:s12] =	ssyncadd.s32 $0xFFFFEC00  }
0x8a: {  	_ =	swait.ge [sflag:s25], $0x1400  }
0x8b: {  	[sflag:s25] =	ssyncset.done $0x0  }
0x8c: {  	[sflag:s25] =	ssyncadd.s32 $0xFFFFEC00  }
0x8d: {  	[spmem:s2] =	stream.indirect.scatter.add.f32 [tilespmem:s18], [sflag:$0x6], $0x40, s31, s14, $0xb8;
	[tilespmem:$0x1A040] =	vst v63  }
0x8e: {  	_ =	swait.ge [sflag:s12], $0x1400  }
0x8f: {  	[sflag:s12] =	ssyncset.done $0x0  }
0x90: {  	[sflag:s12] =	ssyncadd.s32 $0xFFFFEC00  }
0x91: {  	_ =	swait.ge [sflag:s26], $0x1400  }
0x92: {  	[sflag:s26] =	ssyncset.done $0x0  }
0x93: {  	[sflag:s26] =	ssyncadd.s32 $0xFFFFEC00  }
0x94: {  	[spmem:s2] =	stream.indirect.scatter.add.f32 [tilespmem:s20], [sflag:$0x6], $0x40, s0, s14, $0xb8;
	[tilespmem:$0x1A040] =	vst v63  }
0x95: {  	_ =	swait.ge [sflag:s12], $0x1400  }
0x96: {  	[sflag:s12] =	ssyncset.done $0x0  }
0x97: {  	[sflag:s12] =	ssyncadd.s32 $0xFFFFEC00  }
0x98: {  	_ =	swait.ge [sflag:s28], $0x1400  }
0x99: {  	[sflag:s28] =	ssyncset.done $0x0  }
0x9a: {  	[sflag:s28] =	ssyncadd.s32 $0xFFFFEC00  }
0x9b: {  	[spmem:s2] =	stream.indirect.scatter.add.f32 [tilespmem:s22], [sflag:$0x6], $0x40, s1, s14, $0xb8;
	[tilespmem:$0x1A040] =	vst v63  }
0x9c: {  	_ =	swait.ge [sflag:s12], $0x1400  }
0x9d: {  	s13 =	sadd.s32 $0x1, s13;
	[sflag:s12] =	ssyncset.done $0x0  }
0x9e: {  	p0 =	sne.s32 s13, s10;
	[sflag:s12] =	ssyncadd.s32 $0xFFFFEC00  }
.Ltmp1:
0x9f: {  	[bflag:$0x0] =	sbarrier.arrive $0xFFFF;
	(pc) =	sbr.rel @p0 .LBB2_1-.Ltmp1, $4  }
0xa0: {  	[hbm:s9], [sflag:s6] =	dma.local [spmem:s11], $0x1400  }
0xa1: {  	_ =	swait.ge [sflag:s12], $0x1400  }
0xa2: {  	[sflag:s12] =	ssyncset.done $0x0  }
0xa3: {  	[sflag:s12] =	ssyncadd.s32 $0xFFFFEC00  }
0xa4: {  	_ =	sfence.sel $0x180000  }
0xa5: {  	[bflag:$0x0] =	sbarrier.arrive $0xFFFF  }
0xa6: {  	_ =	strace $0x90000047  }
0xa7: {  	s0 =	stileid.u32;
	[bflag:$0x2] =	sbarrier.arrive $0xFFFF  }
0xa8: {  	p0 =	sne.s32 s0, $0x0;
	s0 =	rddreg [dreg:$0x3]  }
0xa9: {  	s0 =	sadd.s32 @!p0 $0x100000, s0  }
0xaa: {  	[sflag:s0] =	ssyncadd.tile.s32 @!p0 $0x1;
	_ =	shalt  }
.Lfunc_end2:
_tile_overlayer_lowered:
.L_overlay_start_2:
0xab: {  	(tag) =	ssettag $0x2  }
0xac: {  	s0 =	rddreg [dreg:$0x0];
	s2 =	stileid.u32  }
0xad: {  	s1 =	rddreg [dreg:$0x1];
	p0 =	sne.s32 s2, $0x0  }
0xae: {  	s3 =	rddreg [dreg:$0x2];
	[bflag:$0x3] =	sbarrier.arrive $0xFFFF;
	s2 =	simm.s32 @!p0 $0x1C06  }
0xaf: {  	[timem:s3], [sflag:s2] =	dma.local @!p0 [hbm:s0], s1  }
0xb0: {  	s0 =	simm.s32 @!p0 $0x6  }
0xb1: {  	_ =	swait.ge @!p0 [sflag:s0], s1  }
0xb2: {  	s1 =	ssub.s32 @!p0 $0x0, s1;
	[sflag:s0] =	ssyncset.done @!p0 $0x0  }
0xb3: {  	[sflag:s0] =	ssyncadd.s32 @!p0 s1  }
0xb4: {  	[bflag:$0x3] =	sbarrier.arrive $0xFFFF  }
0xb5: {  	_ =	shalt  }

// kernel: kernel.23.cloned.1.call-start
scs
__scs_entry_jumppad:
0x0: {  	(pc) =	sbr.rel $0x88, $3  }
0x1: {  	(tag) =	ssettag $0x0;
	lr =	simm.s32 $0x1  }
0x2: {  	[smem:$0x3F95] =	sst lr;
	_ =	strace $0xD0000000  }
0x3: {  	_ = 	snop  }
0x4: {  	_ = 	snop  }
0x5: {  	_ = 	snop  }
0x6: {  	_ = 	snop  }
0x7: {  	_ = 	snop  }
__scs_overlays_trampoline_lowered:
0x8: {  	[smem:$0x3FA4] =	sst s0  }
0x9: {  	[smem:$0x3FA5] =	sst s1  }
0xa: {  	[smem:$0x3FA6] =	sst s2  }
0xb: {  	[smem:$0x3FA7] =	sst s3  }
0xc: {  	[smem:$0x3FA8] =	sst s4  }
0xd: {  	[smem:$0x3FA9] =	sst s5  }
0xe: {  	[smem:$0x3FAA] =	sst s6  }
0xf: {  	[smem:$0x3FAB] =	sst s7  }
0x10: {  	[smem:$0x3FAC] =	sst s8  }
0x11: {  	[smem:$0x3FAD] =	sst s9;
	s0 =	simm.s32 @!p0 $0x0  }
0x12: {  	s1 =	sld [smem:$0x3F93];
	s0 =	simm.s32 @p0 $0x1  }
0x13: {  	[smem:$0x3FAE] =	sst s0;
	s0 =	simm.s32 @!p1 $0x0  }
0x14: {  	s2 =	sld [smem:$0x3F92];
	s0 =	simm.s32 @p1 $0x1  }
0x15: {  	[smem:$0x3FAF] =	sst s0;
	s0 =	simm.s32 @!p2 $0x0  }
0x16: {  	s3 =	sld [smem:$0x3FDB];
	s0 =	simm.s32 @p2 $0x1  }
0x17: {  	s4 =	simm.s32 $0x1BF5;
	[smem:$0x3FB1] =	sst s0  }
0x18: {  	s0 =	sld [smem:$0x3F94];
	_ =	swait.ge [sflag:s4], $0x0  }
0x19: {  	s7 =	sld [smem:$0x3F95]  }
0x1a: {  	s8 =	sadd.s32 $0xFFFFE003, lr  }
0x1b: {  	s9 =	sadd.s32 $0xFFFFFEF7, lr;
	s5 =	simm.s32 $0xFFFFFFFF;
	p2 =	slt.u32 s8, $0xFFFFF086  }
0x1c: {  	p1 =	slt.u32 s9, $0xF7A;
	s5 =	simm.s32 @!p2 $0x0  }
0x1d: {  	s5 =	simm.s32 @p1 $0x1;
	p0 =	seq.s32 s7, s2  }
0x1e: {  	s7 =	smul.u32 @!p0 $0xF7A, s2;
	p2 =	seq.s32 @!p0 s5, $0x0  }
0x1f: {  	s9 =	smul.u32 $0xF7A, s1;
	s8 =	simm.s32 @!p0 $0x1BF5;
	p2 =	por !p2, p0  }
0x20: {  	[sflag:s8] =	ssyncset.s32 @!p0 $0xFFFFF086;
	s6 =	sadd.s32 @!p0 s3, s7;
	s7 =	simm.s32 @!p0 $0x108  }
0x21: {  	s3 =	sadd.s32 s3, s9;
	s6 =	sadd.s32 @!p0 $0x88, s6;
	s7 =	simm.s32 @p2 $0x1082  }
0x22: {  	[simem:s7], [sflag:s8] =	dma.local @!p0 [hbm:s6], $0xF7A  }
0x23: {  	s9 =	sor.u32 $0xD0000000, s2;
	s6 =	simm.s32 $0x108;
	_ =	swait.ge @!p0 [sflag:s8], $0x0  }
0x24: {  	s3 =	sadd.s32 $0x88, s3;
	s6 =	simm.s32 @!p1 $0x1082;
	[sflag:s4] =	ssyncset.s32 $0xFFFFF086  }
0x25: {  	[simem:s6], [sflag:s4] =	dma.local [hbm:s3], $0xF7A  }
0x26: {  	[smem:$0x3F95] =	sst s1;
	(tag) =	ssettag s2;
	_ =	strace s9  }
0x27: {  	s1 =	sld [smem:$0x3FA5]  }
0x28: {  	s2 =	sld [smem:$0x3FA6]  }
0x29: {  	s4 =	sld [smem:$0x3FA8]  }
0x2a: {  	p0 =	seq.s32 s5, $0x0;
	s5 =	sld [smem:$0x3FA9]  }
0x2b: {  	s6 =	sld [smem:$0x3FAA]  }
0x2c: {  	s7 =	sld [smem:$0x3FAB]  }
0x2d: {  	s3 =	simm.s32 $0x108;
	s8 =	sld [smem:$0x3FAC]  }
0x2e: {  	s3 =	simm.s32 @!p0 $0x1082;
	s9 =	sld [smem:$0x3FAD]  }
0x2f: {  	lr =	sadd.s32 s0, s3;
	s0 =	sld [smem:$0x3FA4]  }
0x30: {  	s3 =	sld [smem:$0x3FA7]  }
0x31: {  	[smem:$0x3FB0] =	sst s10  }
0x32: {  	s10 =	sld [smem:$0x3FAE];
	_ =	sdelay $0x3  }
0x33: {  	p0 =	seq.s32 s10, $0x1;
	s10 =	sld [smem:$0x3FB0];
	_ =	sdelay $0x3  }
0x34: {  	[smem:$0x3FB0] =	sst s10  }
0x35: {  	s10 =	sld [smem:$0x3FAF];
	_ =	sdelay $0x3  }
0x36: {  	p1 =	seq.s32 s10, $0x1;
	s10 =	sld [smem:$0x3FB0];
	_ =	sdelay $0x3  }
0x37: {  	[smem:$0x3FB0] =	sst s10  }
0x38: {  	s10 =	sld [smem:$0x3FB1]  }
0x39: {  	_ = 	snop;
	(pc) =	sbr.ind lr, $3  }
0x3a: {  	_ = 	snop  }
0x3b: {  	_ = 	snop  }
0x3c: {  	p2 =	seq.s32 s10, $0x1;
	s10 =	sld [smem:$0x3FB0]  }
0x3d: {  	_ =	shalt  }
0x3e: {  	_ =	shalt  }
0x3f: {  	_ =	shalt  }
0x40: {  	_ =	shalt  }
0x41: {  	_ =	shalt  }
0x42: {  	_ =	shalt  }
0x43: {  	_ =	shalt  }
0x44: {  	_ =	shalt  }
0x45: {  	_ =	shalt  }
0x46: {  	_ =	shalt  }
0x47: {  	_ =	shalt  }
0x48: {  	_ =	shalt  }
0x49: {  	_ =	shalt  }
0x4a: {  	_ =	shalt  }
0x4b: {  	_ =	shalt  }
0x4c: {  	_ =	shalt  }
0x4d: {  	_ =	shalt  }
0x4e: {  	_ =	shalt  }
0x4f: {  	_ =	shalt  }
0x50: {  	_ =	shalt  }
0x51: {  	_ =	shalt  }
0x52: {  	_ =	shalt  }
0x53: {  	_ =	shalt  }
0x54: {  	_ =	shalt  }
0x55: {  	_ =	shalt  }
0x56: {  	_ =	shalt  }
0x57: {  	_ =	shalt  }
0x58: {  	_ =	shalt  }
0x59: {  	_ =	shalt  }
0x5a: {  	_ =	shalt  }
0x5b: {  	_ =	shalt  }
0x5c: {  	_ =	shalt  }
0x5d: {  	_ =	shalt  }
0x5e: {  	_ =	shalt  }
0x5f: {  	_ =	shalt  }
0x60: {  	_ =	shalt  }
0x61: {  	_ =	shalt  }
0x62: {  	_ =	shalt  }
0x63: {  	_ =	shalt  }
0x64: {  	_ =	shalt  }
0x65: {  	_ =	shalt  }
0x66: {  	_ =	shalt  }
0x67: {  	_ =	shalt  }
0x68: {  	_ =	shalt  }
0x69: {  	_ =	shalt  }
0x6a: {  	_ =	shalt  }
0x6b: {  	_ =	shalt  }
0x6c: {  	_ =	shalt  }
0x6d: {  	_ =	shalt  }
0x6e: {  	_ =	shalt  }
0x6f: {  	_ =	shalt  }
0x70: {  	_ =	shalt  }
0x71: {  	_ =	shalt  }
0x72: {  	_ =	shalt  }
0x73: {  	_ =	shalt  }
0x74: {  	_ =	shalt  }
0x75: {  	_ =	shalt  }
0x76: {  	_ =	shalt  }
0x77: {  	_ =	shalt  }
0x78: {  	_ =	shalt  }
0x79: {  	_ =	shalt  }
0x7a: {  	_ =	shalt  }
0x7b: {  	_ =	shalt  }
0x7c: {  	_ =	shalt  }
0x7d: {  	_ =	shalt  }
0x7e: {  	_ =	shalt  }
0x7f: {  	_ =	shalt  }
0x80: {  	_ =	shalt  }
0x81: {  	_ =	shalt  }
0x82: {  	_ =	shalt  }
0x83: {  	_ =	shalt  }
0x84: {  	_ =	shalt  }
0x85: {  	_ =	shalt  }
0x86: {  	_ =	shalt  }
0x87: {  	_ =	shalt  }
.Lfunc_end0:
.L_simem_size_0:
called_computation.1_lowered:
.L_overlay_start_0:
0x88: {  	s2 =	sld [smem:$0x3FD9]  }
0x89: {  	s3 =	sld [smem:$0x3FFE];
	_ =	sdelay $0x1  }
0x8a: {  	s1 =	srdreg.scid  }
0x8b: {  	s0 =	sand.u32 $0x1, s1  }
0x8c: {  	s17 =	sshll.u32 s0, $0xA;
	s2 =	sadd.s32 s3, s2  }
0x8d: {  	s2 =	sadd.s32 s2, s17  }
0x8e: {  	[smem:$0x3FBC] =	sst s2  }
0x8f: {  	_ = 	snop  }
0x90: {  	s2 =	sld [smem:$0x3FD0];
	(tm) =	ssettm $0x1  }
0x91: {  	s18 =	sld [smem:$0x3FFB];
	_ =	sdelay $0x3  }
0x92: {  	_ =	strace s18  }
0x93: {  	s3 =	sld [smem:$0x3FFC];
	_ =	sdelay $0x3  }
0x94: {  	_ =	strace s3  }
0x95: {  	s3 =	sld [smem:$0x3FFD];
	_ =	sdelay $0x3  }
0x96: {  	_ =	strace s3  }
0x97: {  	_ =	strace $0x8FFFFFFF  }
0x98: {  	s19 =	sld [smem:$0x3FDB];
	_ =	sdelay $0x1  }
0x99: {  	s4 =	simm.s32 $_scs_section_size  }
0x9a: {  	s5 =	simm.s32 $_size__tile_overlayer_lowered;
	s6 =	simm.s32 $_tile_overlayer_lowered  }
0x9b: {  	s22 =	simm.s32 $0x1BFF;
	s21 =	sshll.u32 s6, $0x1;
	s3 =	sadd.s32 s4, s19  }
0x9c: {  	s7 =	simm.s32 $0x0;
	s20 =	sshll.u32 s5, $0x1;
	s5 =	sadd.s32 s21, s3  }
0x9d: {  	[timem:s7], [sflag:s22] =	dma.local [hbm:s5], s20  }
0x9e: {  	_ =	swait.ge [sflag:s22], s20  }
0x9f: {  	s4 =	ssub.s32 $0x0, s20;
	[sflag:s22] =	ssyncset.done $0x0  }
0xa0: {  	[sflag:s22] =	ssyncadd.s32 s4;
	_ =	sdelay $0x1  }
0xa1: {  	s23 =	simm.s32 $0x1B8B  }
0xa2: {  	_ =	swait.ge [sflag:s23], $0x1  }
0xa3: {  	[sflag:s23] =	ssyncset.done $0x0  }
0xa4: {  	s25 =	simm.s32 $0x1B8E;
	s24 =	sld [smem:$0x3FFE];
	[sflag:s23] =	ssyncadd.s32 $0xFFFFFFFF  }
0xa5: {  	s26 =	simm.s32 $execute0_lowered;
	[smem:$0x3FD2] =	sst s25  }
0xa6: {  	s5 =	sshll.u32 s26, $0x1;
	_ =	strace $0x80000049;
	[dreg:$0x1] =	wrdreg $0xFFFFFFFF  }
0xa7: {  	s28 =	simm.s32 $_size_execute0_lowered;
	s3 =	sadd.s32 s3, s5;
	[dreg:$0x0] =	wrdreg $0x0  }
0xa8: {  	s5 =	sshll.u32 s28, $0x1;
	[dreg:$0x2] =	wrdreg s3  }
0xa9: {  	[dreg:$0x3] =	wrdreg s5  }
0xaa: {  	[dreg:$0x4] =	wrdreg $0xC0  }
0xab: {  	_ =	task [dreg:s7], $0x5FFFF  }
0xac: {  	[dreg:$0x1] =	wrdreg $0xFFFFFFFF  }
0xad: {  	[dreg:$0x0] =	wrdreg $0x60  }
0xae: {  	[dreg:$0x2] =	wrdreg s24  }
0xaf: {  	[dreg:$0x3] =	wrdreg s2  }
0xb0: {  	[dreg:$0x4] =	wrdreg $0x100400  }
0xb1: {  	[dreg:$0x5] =	wrdreg $0x9  }
0xb2: {  	_ =	task.clear_ibuf [dreg:s7], $0x6FFFF;
	_ =	strace $0x90000049  }
0xb3: {  	s29 =	simm.s32 $0x9;
	_ =	strace $0x8000004B  }
0xb4: {  	_ =	swait.ge [sflag:s29], $0x1  }
0xb5: {  	[sflag:s29] =	ssyncadd.s32 $0xFFFFFFFF  }
0xb6: {  	_ =	strace $0x9000004B  }
0xb7: {  	_ =	sfence  }
0xb8: {  	s30 =	sld [smem:$0x0];
	_ =	sdelay $0x2  }
0xb9: {  	s31 =	sshll.u32 s1, $0xD;
	s1 =	sshrl.u32 s1, $0x2  }
0xba: {  	s3 =	sand.u32 $0x4000, s31;
	s1 =	sadd.s32 s1, s30  }
0xbb: {  	s0 =	sor.u32 s3, s0;
	s1 =	sshll.u32 s1, $0x11  }
0xbc: {  	s0 =	sor.u32 s1, s0  }
0xbd: {  	s0 =	sadd.s32 $0x8F2B, s0  }
0xbe: {  	[sflag:s0] =	ssyncadd.remote.s32 $0x1  }
0xbf: {  	_ =	sfence.sel $0xFFFF  }
0xc0: {  	[dreg:$0x0] =	wrdreg $0xFFFFFFFF;
	(pc) =	sbr.abs _section_cstart, $3  }
0xc1: {  	[dreg:$0x1] =	wrdreg $0xFFFFFFFF  }
0xc2: {  	_ =	task.clear_ibuf [dreg:s7], $0x2FFFF;
	_ =	strace $0x9FFFFFFF  }
0xc3: {  	(tm) =	ssettm $0x7FFFFFFF  }
tec
execute0_lowered:
.L_overlay_start_1:
0x0: {  	(tag) =	ssettag $0x1  }
0x1: {  	s0 =	rddreg [dreg:$0x0]  }
0x2: {  	s1 =	rddreg [dreg:$0x1]  }
0x3: {  	s2 =	rddreg [dreg:$0x2]  }
0x4: {  	s13 =	stileid.u32;
	s4 =	srdreg.scid  }
0x5: {  	s3 =	simm.s32 $0x0;
	s14 =	simm.s32 $0x50;
	s15 =	simm.s32 $0x9C40  }
0x6: {  	s16 =	simm.s32 $0xB040;
	s18 =	simm.s32 $0xC440;
	s20 =	simm.s32 $0xD840  }
0x7: {  	s22 =	simm.s32 $0xEC40;
	s23 =	simm.s32 $0x1;
	s24 =	simm.s32 $0x2  }
0x8: {  	s28 =	simm.s32 $0x5;
	s29 =	simm.s32 $0x9AB0;
	s5 =	smul.u32 $0x4E20, s13  }
0x9: {  	s30 =	simm.s32 $0x9B00;
	s31 =	simm.s32 $0x9B50;
	s6 =	smul.u32 $0xA000, s13  }
0xa: {  	s7 =	sand.u32 $0x1, s4;
	[smem:$0x7FF] =	sst s3;
	s4 =	sadd.s32 $0x11000, s0  }
0xb: {  	s26 =	sshll.u32 s13, $0x6;
	s13 =	simm.s32 $0x0;
	s9 =	smul.u32 $0xA0000, s7  }
0xc: {  	_ =	strace $0x8000004A;
	s11 =	ssub.s32 $0x2, s7;
	s7 =	smul.u32 $0x4E200, s7  }
0xd: {  	s8 =	sshrl.u32 s5, $0x3;
	s10 =	sshrl.u32 s6, $0x3;
	s12 =	sshrl.u32 s11, $0x1  }
0xe: {  	s25 =	sadd.s32 s6, s2;
	s8 =	sadd.s32 s8, s0;
	s9 =	sadd.s32 s6, s9  }
0xf: {  	s10 =	sadd.s32 s10, s0;
	s11 =	ssub.s32 s11, s12;
	s7 =	sadd.s32 s5, s7  }
0x10: {  	s6 =	sor.u32 $0x1C06, s26;
	s12 =	simm.s32 $0x6;
	s26 =	simm.s32 $0x4  }
0x11: {  	s9 =	sshrl.u32 s9, $0x3;
	s5 =	sadd.s32 $0xD4600, s10;
	s7 =	sshrl.u32 s7, $0x3  }
0x12: {  	s8 =	sadd.s32 $0x5E00, s8;
	s10 =	smax.u32 s11, $0x1;
	s11 =	sshrl.u32 s25, $0x3  }
0x13: {  	s25 =	simm.s32 $0x3;
	s0 =	sadd.s32 s9, s0;
	s7 =	sadd.s32 s1, s7  }
0x14: {  	s1 =	simm.s32 $0x9BF0;
	s9 =	sadd.s32 $0xE8600, s0;
	s0 =	simm.s32 $0x9BA0  }
.LBB2_1:
0x15: {  	[spmem:s11], [sflag:s6] =	dma.local [hbm:s5], $0x1400  }
0x16: {  	_ =	swait.ge [sflag:s12], $0x1400  }
0x17: {  	[sflag:s12] =	ssyncset.done $0x0  }
0x18: {  	[sflag:s12] =	ssyncadd.s32 $0xFFFFEC00  }
0x19: {  	[tilespmem:s3], [sflag:$0x6] =	stream.linear.gather [hbm4b:s7+s3], $0x4E20, $0x38;
	[tilespmem:$0x1A040] =	vst v63  }
0x1a: {  	_ =	swait.ge [sflag:s12], $0x4E20  }
0x1b: {  	[sflag:s12] =	ssyncset.done $0x0  }
0x1c: {  	s17 =	simm.s32 $0x4E20;
	[sflag:s12] =	ssyncadd.s32 $0xFFFFB1E0  }
0x1d: {  	[tilespmem:s17], [sflag:$0x6] =	stream.linear.gather [hbm4b:s8+s3], $0x4E20, $0x38;
	[tilespmem:$0x1A040] =	vst v63  }
0x1e: {  	_ =	swait.ge [sflag:s12], $0x4E20  }
0x1f: {  	[sflag:s12] =	ssyncset.done $0x0  }
0x20: {  	[sflag:s12] =	ssyncadd.s32 $0xFFFFB1E0  }
0x21: {  	[bflag:$0x0] =	sbarrier.arrive $0xFFFF  }
0x22: {  	[tilespmem:s15], [sflag:$0x1] =	stream.indirect.gather [hbm4b:s4+s14], $0x40, s3, s14, $0xb8;
	[tilespmem:$0x1A040] =	vst v63  }
0x23: {  	_ = 	snop  }
0x24: {  	[tilespmem:s16], [sflag:$0x2] =	stream.indirect.gather [hbm4b:s4+s14], $0x40, s14, s14, $0xb8;
	[tilespmem:$0x1A040] =	vst v63  }
0x25: {  	s19 =	simm.s32 $0xA0  }
0x26: {  	[tilespmem:s18], [sflag:$0x3] =	stream.indirect.gather [hbm4b:s4+s14], $0x40, s19, s14, $0xb8;
	[tilespmem:$0x1A040] =	vst v63  }
0x27: {  	s21 =	simm.s32 $0xF0  }
0x28: {  	[tilespmem:s20], [sflag:$0x4] =	stream.indirect.gather [hbm4b:s4+s14], $0x40, s21, s14, $0xb8;
	[tilespmem:$0x1A040] =	vst v63  }
0x29: {  	s19 =	simm.s32 $0x140  }
0x2a: {  	[tilespmem:s22], [sflag:$0x5] =	stream.indirect.gather [hbm4b:s4+s14], $0x40, s19, s14, $0xb8;
	[tilespmem:$0x1A040] =	vst v63  }
0x2b: {  	_ =	swait.ge [sflag:s23], $0x1400  }
0x2c: {  	[sflag:s23] =	ssyncset.done $0x0  }
0x2d: {  	s21 =	simm.s32 $0x4E20;
	[sflag:s23] =	ssyncadd.s32 $0xFFFFEC00  }
0x2e: {  	[spmem:s2] =	stream.indirect.scatter.add.f32 [tilespmem:s15], [sflag:$0x6], $0x40, s21, s14, $0xb8;
	[tilespmem:$0x1A040] =	vst v63  }
0x2f: {  	_ =	swait.ge [sflag:s12], $0x1400  }
0x30: {  	[sflag:s12] =	ssyncset.done $0x0  }
0x31: {  	s19 =	simm.s32 $0x190;
	[sflag:s12] =	ssyncadd.s32 $0xFFFFEC00  }
0x32: {  	[tilespmem:s15], [sflag:$0x1] =	stream.indirect.gather [hbm4b:s4+s14], $0x40, s19, s14, $0xb8;
	[tilespmem:$0x1A040] =	vst v63  }
0x33: {  	_ =	swait.ge [sflag:s24], $0x1400  }
0x34: {  	[sflag:s24] =	ssyncset.done $0x0  }
0x35: {  	s21 =	simm.s32 $0x4E70;
	[sflag:s24] =	ssyncadd.s32 $0xFFFFEC00  }
0x36: {  	[spmem:s2] =	stream.indirect.scatter.add.f32 [tilespmem:s16], [sflag:$0x6], $0x40, s21, s14, $0xb8;
	[tilespmem:$0x1A040] =	vst v63  }
0x37: {  	_ =	swait.ge [sflag:s12], $0x1400  }
0x38: {  	[sflag:s12] =	ssyncset.done $0x0  }
0x39: {  	s19 =	simm.s32 $0x1E0;
	[sflag:s12] =	ssyncadd.s32 $0xFFFFEC00  }
0x3a: {  	[tilespmem:s16], [sflag:$0x2] =	stream.indirect.gather [hbm4b:s4+s14], $0x40, s19, s14, $0xb8;
	[tilespmem:$0x1A040] =	vst v63  }
0x3b: {  	_ =	swait.ge [sflag:s25], $0x1400  }
0x3c: {  	[sflag:s25] =	ssyncset.done $0x0  }
0x3d: {  	s21 =	simm.s32 $0x4EC0;
	[sflag:s25] =	ssyncadd.s32 $0xFFFFEC00  }
0x3e: {  	[spmem:s2] =	stream.indirect.scatter.add.f32 [tilespmem:s18], [sflag:$0x6], $0x40, s21, s14, $0xb8;
	[tilespmem:$0x1A040] =	vst v63  }
0x3f: {  	_ =	swait.ge [sflag:s12], $0x1400  }
0x40: {  	[sflag:s12] =	ssyncset.done $0x0  }
0x41: {  	s19 =	simm.s32 $0x230;
	[sflag:s12] =	ssyncadd.s32 $0xFFFFEC00  }
0x42: {  	[tilespmem:s18], [sflag:$0x3] =	stream.indirect.gather [hbm4b:s4+s14], $0x40, s19, s14, $0xb8;
	[tilespmem:$0x1A040] =	vst v63  }
0x43: {  	_ =	swait.ge [sflag:s26], $0x1400  }
0x44: {  	[sflag:s26] =	ssyncset.done $0x0  }
0x45: {  	s21 =	simm.s32 $0x4F10;
	[sflag:s26] =	ssyncadd.s32 $0xFFFFEC00  }
0x46: {  	[spmem:s2] =	stream.indirect.scatter.add.f32 [tilespmem:s20], [sflag:$0x6], $0x40, s21, s14, $0xb8;
	[tilespmem:$0x1A040] =	vst v63  }
0x47: {  	_ =	swait.ge [sflag:s12], $0x1400  }
0x48: {  	[sflag:s12] =	ssyncset.done $0x0  }
0x49: {  	s19 =	simm.s32 $0x280;
	[sflag:s12] =	ssyncadd.s32 $0xFFFFEC00  }
0x4a: {  	[tilespmem:s20], [sflag:$0x4] =	stream.indirect.gather [hbm4b:s4+s14], $0x40, s19, s14, $0xb8;
	[tilespmem:$0x1A040] =	vst v63  }
0x4b: {  	_ =	swait.ge [sflag:s28], $0x1400  }
0x4c: {  	[sflag:s28] =	ssyncset.done $0x0  }
0x4d: {  	s21 =	simm.s32 $0x4F60;
	[sflag:s28] =	ssyncadd.s32 $0xFFFFEC00  }
0x4e: {  	[spmem:s2] =	stream.indirect.scatter.add.f32 [tilespmem:s22], [sflag:$0x6], $0x40, s21, s14, $0xb8;
	[tilespmem:$0x1A040] =	vst v63  }
0x4f: {  	_ =	swait.ge [sflag:s12], $0x1400  }
0x50: {  	[sflag:s12] =	ssyncset.done $0x0  }
0x51: {  	s17 =	simm.s32 $0x640;
	s19 =	simm.s32 $0x2D0;
	[sflag:s12] =	ssyncadd.s32 $0xFFFFEC00  }
.LBB2_2:
0x52: {  	[tilespmem:s22], [sflag:$0x5] =	stream.indirect.gather [hbm4b:s4+s14], $0x40, s19, s14, $0xb8;
	[tilespmem:$0x1A040] =	vst v63  }
0x53: {  	s19 =	smov.u32 s17  }
0x54: {  	p0 =	sne.s32 s17, $0x12C00;
	s17 =	sadd.s32 $0x640, s17;
	_ =	swait.ge [sflag:s23], $0x1400  }
0x55: {  	s19 =	sshra.s32 s19, $0x2;
	[sflag:s23] =	ssyncset.done $0x0  }
0x56: {  	s21 =	sadd.s32 $0x4E20, s19;
	[sflag:s23] =	ssyncadd.s32 $0xFFFFEC00  }
0x57: {  	[spmem:s2] =	stream.indirect.scatter.add.f32 [tilespmem:s15], [sflag:$0x6], $0x40, s21, s14, $0xb8;
	[tilespmem:$0x1A040] =	vst v63  }
0x58: {  	_ =	swait.ge [sflag:s12], $0x1400  }
0x59: {  	[sflag:s12] =	ssyncset.done $0x0  }
0x5a: {  	s21 =	sadd.s32 $0x190, s19;
	[sflag:s12] =	ssyncadd.s32 $0xFFFFEC00  }
0x5b: {  	[tilespmem:s15], [sflag:$0x1] =	stream.indirect.gather [hbm4b:s4+s14], $0x40, s21, s14, $0xb8;
	[tilespmem:$0x1A040] =	vst v63  }
0x5c: {  	_ =	swait.ge [sflag:s24], $0x1400  }
0x5d: {  	[sflag:s24] =	ssyncset.done $0x0  }
0x5e: {  	s21 =	sadd.s32 $0x4E70, s19;
	[sflag:s24] =	ssyncadd.s32 $0xFFFFEC00  }
0x5f: {  	[spmem:s2] =	stream.indirect.scatter.add.f32 [tilespmem:s16], [sflag:$0x6], $0x40, s21, s14, $0xb8;
	[tilespmem:$0x1A040] =	vst v63  }
0x60: {  	_ =	swait.ge [sflag:s12], $0x1400  }
0x61: {  	[sflag:s12] =	ssyncset.done $0x0  }
0x62: {  	s21 =	sadd.s32 $0x1E0, s19;
	[sflag:s12] =	ssyncadd.s32 $0xFFFFEC00  }
0x63: {  	[tilespmem:s16], [sflag:$0x2] =	stream.indirect.gather [hbm4b:s4+s14], $0x40, s21, s14, $0xb8;
	[tilespmem:$0x1A040] =	vst v63  }
0x64: {  	_ =	swait.ge [sflag:s25], $0x1400  }
0x65: {  	[sflag:s25] =	ssyncset.done $0x0  }
0x66: {  	s21 =	sadd.s32 $0x4EC0, s19;
	[sflag:s25] =	ssyncadd.s32 $0xFFFFEC00  }
0x67: {  	[spmem:s2] =	stream.indirect.scatter.add.f32 [tilespmem:s18], [sflag:$0x6], $0x40, s21, s14, $0xb8;
	[tilespmem:$0x1A040] =	vst v63  }
0x68: {  	_ =	swait.ge [sflag:s12], $0x1400  }
0x69: {  	[sflag:s12] =	ssyncset.done $0x0  }
0x6a: {  	s21 =	sadd.s32 $0x230, s19;
	[sflag:s12] =	ssyncadd.s32 $0xFFFFEC00  }
0x6b: {  	[tilespmem:s18], [sflag:$0x3] =	stream.indirect.gather [hbm4b:s4+s14], $0x40, s21, s14, $0xb8;
	[tilespmem:$0x1A040] =	vst v63  }
0x6c: {  	_ =	swait.ge [sflag:s26], $0x1400  }
0x6d: {  	[sflag:s26] =	ssyncset.done $0x0  }
0x6e: {  	s21 =	sadd.s32 $0x4F10, s19;
	[sflag:s26] =	ssyncadd.s32 $0xFFFFEC00  }
0x6f: {  	[spmem:s2] =	stream.indirect.scatter.add.f32 [tilespmem:s20], [sflag:$0x6], $0x40, s21, s14, $0xb8;
	[tilespmem:$0x1A040] =	vst v63  }
0x70: {  	_ =	swait.ge [sflag:s12], $0x1400  }
0x71: {  	[sflag:s12] =	ssyncset.done $0x0  }
0x72: {  	s21 =	sadd.s32 $0x280, s19;
	[sflag:s12] =	ssyncadd.s32 $0xFFFFEC00  }
0x73: {  	[tilespmem:s20], [sflag:$0x4] =	stream.indirect.gather [hbm4b:s4+s14], $0x40, s21, s14, $0xb8;
	[tilespmem:$0x1A040] =	vst v63  }
0x74: {  	_ =	swait.ge [sflag:s28], $0x1400  }
0x75: {  	[sflag:s28] =	ssyncset.done $0x0  }
.Ltmp0:
0x76: {  	s21 =	sadd.s32 $0x4F60, s19;
	[sflag:s28] =	ssyncadd.s32 $0xFFFFEC00;
	(pc) =	sbr.rel @p0 .LBB2_2-.Ltmp0, $4  }
0x77: {  	[spmem:s2] =	stream.indirect.scatter.add.f32 [tilespmem:s22], [sflag:$0x6], $0x40, s21, s14, $0xb8;
	[tilespmem:$0x1A040] =	vst v63  }
0x78: {  	_ =	swait.ge [sflag:s12], $0x1400  }
0x79: {  	[sflag:s12] =	ssyncset.done $0x0  }
0x7a: {  	s19 =	sadd.s32 $0x2D0, s19;
	[sflag:s12] =	ssyncadd.s32 $0xFFFFEC00  }
0x7b: {  	[tilespmem:s22], [sflag:$0x5] =	stream.indirect.gather [hbm4b:s4+s14], $0x40, s19, s14, $0xb8;
	[tilespmem:$0x1A040] =	vst v63  }
0x7c: {  	_ =	swait.ge [sflag:s23], $0x1400  }
0x7d: {  	[sflag:s23] =	ssyncset.done $0x0  }
0x7e: {  	[sflag:s23] =	ssyncadd.s32 $0xFFFFEC00  }
0x7f: {  	[spmem:s2] =	stream.indirect.scatter.add.f32 [tilespmem:s15], [sflag:$0x6], $0x40, s29, s14, $0xb8;
	[tilespmem:$0x1A040] =	vst v63  }
0x80: {  	_ =	swait.ge [sflag:s12], $0x1400  }
0x81: {  	[sflag:s12] =	ssyncset.done $0x0  }
0x82: {  	[sflag:s12] =	ssyncadd.s32 $0xFFFFEC00  }
0x83: {  	_ =	swait.ge [sflag:s24], $0x1400  }
0x84: {  	[sflag:s24] =	ssyncset.done $0x0  }
0x85: {  	[sflag:s24] =	ssyncadd.s32 $0xFFFFEC00  }
0x86: {  	[spmem:s2] =	stream.indirect.scatter.add.f32 [tilespmem:s16], [sflag:$0x6], $0x40, s30, s14, $0xb8;
	[tilespmem:$0x1A040] =	vst v63  }
0x87: {  	_ =	swait.ge [sflag:s12], $0x1400  }
0x88: {  	[sflag:s12] =	ssyncset.done $0x0  }
0x89: {  	[sflag:s12] =	ssyncadd.s32 $0xFFFFEC00  }
0x8a: {  	_ =	swait.ge [sflag:s25], $0x1400  }
0x8b: {  	[sflag:s25] =	ssyncset.done $0x0  }
0x8c: {  	[sflag:s25] =	ssyncadd.s32 $0xFFFFEC00  }
0x8d: {  	[spmem:s2] =	stream.indirect.scatter.add.f32 [tilespmem:s18], [sflag:$0x6], $0x40, s31, s14, $0xb8;
	[tilespmem:$0x1A040] =	vst v63  }
0x8e: {  	_ =	swait.ge [sflag:s12], $0x1400  }
0x8f: {  	[sflag:s12] =	ssyncset.done $0x0  }
0x90: {  	[sflag:s12] =	ssyncadd.s32 $0xFFFFEC00  }
0x91: {  	_ =	swait.ge [sflag:s26], $0x1400  }
0x92: {  	[sflag:s26] =	ssyncset.done $0x0  }
0x93: {  	[sflag:s26] =	ssyncadd.s32 $0xFFFFEC00  }
0x94: {  	[spmem:s2] =	stream.indirect.scatter.add.f32 [tilespmem:s20], [sflag:$0x6], $0x40, s0, s14, $0xb8;
	[tilespmem:$0x1A040] =	vst v63  }
0x95: {  	_ =	swait.ge [sflag:s12], $0x1400  }
0x96: {  	[sflag:s12] =	ssyncset.done $0x0  }
0x97: {  	[sflag:s12] =	ssyncadd.s32 $0xFFFFEC00  }
0x98: {  	_ =	swait.ge [sflag:s28], $0x1400  }
0x99: {  	[sflag:s28] =	ssyncset.done $0x0  }
0x9a: {  	[sflag:s28] =	ssyncadd.s32 $0xFFFFEC00  }
0x9b: {  	[spmem:s2] =	stream.indirect.scatter.add.f32 [tilespmem:s22], [sflag:$0x6], $0x40, s1, s14, $0xb8;
	[tilespmem:$0x1A040] =	vst v63  }
0x9c: {  	_ =	swait.ge [sflag:s12], $0x1400  }
0x9d: {  	s13 =	sadd.s32 $0x1, s13;
	[sflag:s12] =	ssyncset.done $0x0  }
0x9e: {  	p0 =	sne.s32 s13, s10;
	[sflag:s12] =	ssyncadd.s32 $0xFFFFEC00  }
.Ltmp1:
0x9f: {  	[bflag:$0x0] =	sbarrier.arrive $0xFFFF;
	(pc) =	sbr.rel @p0 .LBB2_1-.Ltmp1, $4  }
0xa0: {  	[hbm:s9], [sflag:s6] =	dma.local [spmem:s11], $0x1400  }
0xa1: {  	_ =	swait.ge [sflag:s12], $0x1400  }
0xa2: {  	[sflag:s12] =	ssyncset.done $0x0  }
0xa3: {  	[sflag:s12] =	ssyncadd.s32 $0xFFFFEC00  }
0xa4: {  	_ =	sfence.sel $0x180000  }
0xa5: {  	[bflag:$0x0] =	sbarrier.arrive $0xFFFF  }
0xa6: {  	_ =	strace $0x9000004A  }
0xa7: {  	s0 =	stileid.u32;
	[bflag:$0x2] =	sbarrier.arrive $0xFFFF  }
0xa8: {  	p0 =	sne.s32 s0, $0x0;
	s0 =	rddreg [dreg:$0x3]  }
0xa9: {  	s0 =	sadd.s32 @!p0 $0x100000, s0  }
0xaa: {  	[sflag:s0] =	ssyncadd.tile.s32 @!p0 $0x1;
	_ =	shalt  }
.Lfunc_end2:
_tile_overlayer_lowered:
.L_overlay_start_2:
0xab: {  	(tag) =	ssettag $0x2  }
0xac: {  	s0 =	rddreg [dreg:$0x0];
	s2 =	stileid.u32  }
0xad: {  	s1 =	rddreg [dreg:$0x1];
	p0 =	sne.s32 s2, $0x0  }
0xae: {  	s3 =	rddreg [dreg:$0x2];
	[bflag:$0x3] =	sbarrier.arrive $0xFFFF;
	s2 =	simm.s32 @!p0 $0x1C06  }
0xaf: {  	[timem:s3], [sflag:s2] =	dma.local @!p0 [hbm:s0], s1  }
0xb0: {  	s0 =	simm.s32 @!p0 $0x6  }
0xb1: {  	_ =	swait.ge @!p0 [sflag:s0], s1  }
0xb2: {  	s1 =	ssub.s32 @!p0 $0x0, s1;
	[sflag:s0] =	ssyncset.done @!p0 $0x0  }
0xb3: {  	[sflag:s0] =	ssyncadd.s32 @!p0 s1  }
0xb4: {  	[bflag:$0x3] =	sbarrier.arrive $0xFFFF  }
0xb5: {  	_ =	shalt  }

// kernel: kernel.26.cloned.1.call-start
scs
__scs_entry_jumppad:
0x0: {  	(pc) =	sbr.rel $0x88, $3  }
0x1: {  	(tag) =	ssettag $0x0;
	lr =	simm.s32 $0x1  }
0x2: {  	[smem:$0x3F95] =	sst lr;
	_ =	strace $0xD0000000  }
0x3: {  	_ = 	snop  }
0x4: {  	_ = 	snop  }
0x5: {  	_ = 	snop  }
0x6: {  	_ = 	snop  }
0x7: {  	_ = 	snop  }
__scs_overlays_trampoline_lowered:
0x8: {  	[smem:$0x3FA4] =	sst s0  }
0x9: {  	[smem:$0x3FA5] =	sst s1  }
0xa: {  	[smem:$0x3FA6] =	sst s2  }
0xb: {  	[smem:$0x3FA7] =	sst s3  }
0xc: {  	[smem:$0x3FA8] =	sst s4  }
0xd: {  	[smem:$0x3FA9] =	sst s5  }
0xe: {  	[smem:$0x3FAA] =	sst s6  }
0xf: {  	[smem:$0x3FAB] =	sst s7  }
0x10: {  	[smem:$0x3FAC] =	sst s8  }
0x11: {  	[smem:$0x3FAD] =	sst s9;
	s0 =	simm.s32 @!p0 $0x0  }
0x12: {  	s1 =	sld [smem:$0x3F93];
	s0 =	simm.s32 @p0 $0x1  }
0x13: {  	[smem:$0x3FAE] =	sst s0;
	s0 =	simm.s32 @!p1 $0x0  }
0x14: {  	s2 =	sld [smem:$0x3F92];
	s0 =	simm.s32 @p1 $0x1  }
0x15: {  	[smem:$0x3FAF] =	sst s0;
	s0 =	simm.s32 @!p2 $0x0  }
0x16: {  	s3 =	sld [smem:$0x3FDB];
	s0 =	simm.s32 @p2 $0x1  }
0x17: {  	s4 =	simm.s32 $0x1BF5;
	[smem:$0x3FB1] =	sst s0  }
0x18: {  	s0 =	sld [smem:$0x3F94];
	_ =	swait.ge [sflag:s4], $0x0  }
0x19: {  	s7 =	sld [smem:$0x3F95]  }
0x1a: {  	s8 =	sadd.s32 $0xFFFFE003, lr  }
0x1b: {  	s9 =	sadd.s32 $0xFFFFFEF7, lr;
	s5 =	simm.s32 $0xFFFFFFFF;
	p2 =	slt.u32 s8, $0xFFFFF086  }
0x1c: {  	p1 =	slt.u32 s9, $0xF7A;
	s5 =	simm.s32 @!p2 $0x0  }
0x1d: {  	s5 =	simm.s32 @p1 $0x1;
	p0 =	seq.s32 s7, s2  }
0x1e: {  	s7 =	smul.u32 @!p0 $0xF7A, s2;
	p2 =	seq.s32 @!p0 s5, $0x0  }
0x1f: {  	s9 =	smul.u32 $0xF7A, s1;
	s8 =	simm.s32 @!p0 $0x1BF5;
	p2 =	por !p2, p0  }
0x20: {  	[sflag:s8] =	ssyncset.s32 @!p0 $0xFFFFF086;
	s6 =	sadd.s32 @!p0 s3, s7;
	s7 =	simm.s32 @!p0 $0x108  }
0x21: {  	s3 =	sadd.s32 s3, s9;
	s6 =	sadd.s32 @!p0 $0x88, s6;
	s7 =	simm.s32 @p2 $0x1082  }
0x22: {  	[simem:s7], [sflag:s8] =	dma.local @!p0 [hbm:s6], $0xF7A  }
0x23: {  	s9 =	sor.u32 $0xD0000000, s2;
	s6 =	simm.s32 $0x108;
	_ =	swait.ge @!p0 [sflag:s8], $0x0  }
0x24: {  	s3 =	sadd.s32 $0x88, s3;
	s6 =	simm.s32 @!p1 $0x1082;
	[sflag:s4] =	ssyncset.s32 $0xFFFFF086  }
0x25: {  	[simem:s6], [sflag:s4] =	dma.local [hbm:s3], $0xF7A  }
0x26: {  	[smem:$0x3F95] =	sst s1;
	(tag) =	ssettag s2;
	_ =	strace s9  }
0x27: {  	s1 =	sld [smem:$0x3FA5]  }
0x28: {  	s2 =	sld [smem:$0x3FA6]  }
0x29: {  	s4 =	sld [smem:$0x3FA8]  }
0x2a: {  	p0 =	seq.s32 s5, $0x0;
	s5 =	sld [smem:$0x3FA9]  }
0x2b: {  	s6 =	sld [smem:$0x3FAA]  }
0x2c: {  	s7 =	sld [smem:$0x3FAB]  }
0x2d: {  	s3 =	simm.s32 $0x108;
	s8 =	sld [smem:$0x3FAC]  }
0x2e: {  	s3 =	simm.s32 @!p0 $0x1082;
	s9 =	sld [smem:$0x3FAD]  }
0x2f: {  	lr =	sadd.s32 s0, s3;
	s0 =	sld [smem:$0x3FA4]  }
0x30: {  	s3 =	sld [smem:$0x3FA7]  }
0x31: {  	[smem:$0x3FB0] =	sst s10  }
0x32: {  	s10 =	sld [smem:$0x3FAE];
	_ =	sdelay $0x3  }
0x33: {  	p0 =	seq.s32 s10, $0x1;
	s10 =	sld [smem:$0x3FB0];
	_ =	sdelay $0x3  }
0x34: {  	[smem:$0x3FB0] =	sst s10  }
0x35: {  	s10 =	sld [smem:$0x3FAF];
	_ =	sdelay $0x3  }
0x36: {  	p1 =	seq.s32 s10, $0x1;
	s10 =	sld [smem:$0x3FB0];
	_ =	sdelay $0x3  }
0x37: {  	[smem:$0x3FB0] =	sst s10  }
0x38: {  	s10 =	sld [smem:$0x3FB1]  }
0x39: {  	_ = 	snop;
	(pc) =	sbr.ind lr, $3  }
0x3a: {  	_ = 	snop  }
0x3b: {  	_ = 	snop  }
0x3c: {  	p2 =	seq.s32 s10, $0x1;
	s10 =	sld [smem:$0x3FB0]  }
0x3d: {  	_ =	shalt  }
0x3e: {  	_ =	shalt  }
0x3f: {  	_ =	shalt  }
0x40: {  	_ =	shalt  }
0x41: {  	_ =	shalt  }
0x42: {  	_ =	shalt  }
0x43: {  	_ =	shalt  }
0x44: {  	_ =	shalt  }
0x45: {  	_ =	shalt  }
0x46: {  	_ =	shalt  }
0x47: {  	_ =	shalt  }
0x48: {  	_ =	shalt  }
0x49: {  	_ =	shalt  }
0x4a: {  	_ =	shalt  }
0x4b: {  	_ =	shalt  }
0x4c: {  	_ =	shalt  }
0x4d: {  	_ =	shalt  }
0x4e: {  	_ =	shalt  }
0x4f: {  	_ =	shalt  }
0x50: {  	_ =	shalt  }
0x51: {  	_ =	shalt  }
0x52: {  	_ =	shalt  }
0x53: {  	_ =	shalt  }
0x54: {  	_ =	shalt  }
0x55: {  	_ =	shalt  }
0x56: {  	_ =	shalt  }
0x57: {  	_ =	shalt  }
0x58: {  	_ =	shalt  }
0x59: {  	_ =	shalt  }
0x5a: {  	_ =	shalt  }
0x5b: {  	_ =	shalt  }
0x5c: {  	_ =	shalt  }
0x5d: {  	_ =	shalt  }
0x5e: {  	_ =	shalt  }
0x5f: {  	_ =	shalt  }
0x60: {  	_ =	shalt  }
0x61: {  	_ =	shalt  }
0x62: {  	_ =	shalt  }
0x63: {  	_ =	shalt  }
0x64: {  	_ =	shalt  }
0x65: {  	_ =	shalt  }
0x66: {  	_ =	shalt  }
0x67: {  	_ =	shalt  }
0x68: {  	_ =	shalt  }
0x69: {  	_ =	shalt  }
0x6a: {  	_ =	shalt  }
0x6b: {  	_ =	shalt  }
0x6c: {  	_ =	shalt  }
0x6d: {  	_ =	shalt  }
0x6e: {  	_ =	shalt  }
0x6f: {  	_ =	shalt  }
0x70: {  	_ =	shalt  }
0x71: {  	_ =	shalt  }
0x72: {  	_ =	shalt  }
0x73: {  	_ =	shalt  }
0x74: {  	_ =	shalt  }
0x75: {  	_ =	shalt  }
0x76: {  	_ =	shalt  }
0x77: {  	_ =	shalt  }
0x78: {  	_ =	shalt  }
0x79: {  	_ =	shalt  }
0x7a: {  	_ =	shalt  }
0x7b: {  	_ =	shalt  }
0x7c: {  	_ =	shalt  }
0x7d: {  	_ =	shalt  }
0x7e: {  	_ =	shalt  }
0x7f: {  	_ =	shalt  }
0x80: {  	_ =	shalt  }
0x81: {  	_ =	shalt  }
0x82: {  	_ =	shalt  }
0x83: {  	_ =	shalt  }
0x84: {  	_ =	shalt  }
0x85: {  	_ =	shalt  }
0x86: {  	_ =	shalt  }
0x87: {  	_ =	shalt  }
.Lfunc_end0:
.L_simem_size_0:
called_computation.2_lowered:
.L_overlay_start_0:
0x88: {  	s2 =	sld [smem:$0x3FD9]  }
0x89: {  	s3 =	sld [smem:$0x3FFE];
	_ =	sdelay $0x1  }
0x8a: {  	s1 =	srdreg.scid  }
0x8b: {  	s0 =	sand.u32 $0x1, s1  }
0x8c: {  	s16 =	sshll.u32 s0, $0xA;
	s2 =	sadd.s32 s3, s2  }
0x8d: {  	s2 =	sadd.s32 s2, s16  }
0x8e: {  	[smem:$0x3FBC] =	sst s2  }
0x8f: {  	_ = 	snop  }
0x90: {  	(tm) =	ssettm $0x1  }
0x91: {  	s17 =	sld [smem:$0x3FFB];
	_ =	sdelay $0x3  }
0x92: {  	_ =	strace s17  }
0x93: {  	s2 =	sld [smem:$0x3FFC];
	_ =	sdelay $0x3  }
0x94: {  	_ =	strace s2  }
0x95: {  	s2 =	sld [smem:$0x3FFD];
	_ =	sdelay $0x3  }
0x96: {  	_ =	strace s2  }
0x97: {  	_ =	strace $0x8FFFFFFF  }
0x98: {  	s18 =	sld [smem:$0x3FDB];
	_ =	sdelay $0x1  }
0x99: {  	s19 =	simm.s32 $_scs_section_size  }
0x9a: {  	s4 =	simm.s32 $_size__tile_overlayer_lowered;
	s5 =	simm.s32 $_tile_overlayer_lowered  }
0x9b: {  	s22 =	simm.s32 $0x1BFF;
	s21 =	sshll.u32 s5, $0x1;
	s2 =	sadd.s32 s19, s18  }
0x9c: {  	s6 =	simm.s32 $0x0;
	s20 =	sshll.u32 s4, $0x1;
	s4 =	sadd.s32 s21, s2  }
0x9d: {  	[timem:s6], [sflag:s22] =	dma.local [hbm:s4], s20  }
0x9e: {  	_ =	swait.ge [sflag:s22], s20  }
0x9f: {  	s3 =	ssub.s32 $0x0, s20;
	[sflag:s22] =	ssyncset.done $0x0  }
0xa0: {  	[sflag:s22] =	ssyncadd.s32 s3;
	_ =	sdelay $0x1  }
0xa1: {  	s23 =	simm.s32 $0x1B8B  }
0xa2: {  	_ =	swait.ge [sflag:s23], $0x1  }
0xa3: {  	[sflag:s23] =	ssyncset.done $0x0  }
0xa4: {  	s25 =	simm.s32 $0x1B8E;
	s24 =	sld [smem:$0x3FFE];
	[sflag:s23] =	ssyncadd.s32 $0xFFFFFFFF  }
0xa5: {  	s26 =	simm.s32 $execute0_lowered;
	[smem:$0x3FD2] =	sst s25  }
0xa6: {  	s4 =	sshll.u32 s26, $0x1;
	_ =	strace $0x8000004C;
	[dreg:$0x1] =	wrdreg $0xFFFFFFFF  }
0xa7: {  	s28 =	simm.s32 $_size_execute0_lowered;
	s2 =	sadd.s32 s2, s4;
	[dreg:$0x0] =	wrdreg $0x0  }
0xa8: {  	s4 =	sshll.u32 s28, $0x1;
	[dreg:$0x2] =	wrdreg s2  }
0xa9: {  	[dreg:$0x3] =	wrdreg s4  }
0xaa: {  	[dreg:$0x4] =	wrdreg $0xC0  }
0xab: {  	_ =	task [dreg:s6], $0x5FFFF  }
0xac: {  	[dreg:$0x1] =	wrdreg $0xFFFFFFFF  }
0xad: {  	[dreg:$0x0] =	wrdreg $0x60  }
0xae: {  	[dreg:$0x2] =	wrdreg s24  }
0xaf: {  	[dreg:$0x3] =	wrdreg $0x100400  }
0xb0: {  	[dreg:$0x4] =	wrdreg $0x9  }
0xb1: {  	_ =	task.clear_ibuf [dreg:s6], $0x5FFFF;
	_ =	strace $0x9000004C  }
0xb2: {  	s29 =	simm.s32 $0x9;
	_ =	strace $0x8000004E  }
0xb3: {  	_ =	swait.ge [sflag:s29], $0x1  }
0xb4: {  	[sflag:s29] =	ssyncadd.s32 $0xFFFFFFFF  }
0xb5: {  	_ =	strace $0x9000004E  }
0xb6: {  	_ =	sfence  }
0xb7: {  	s30 =	sld [smem:$0x0];
	_ =	sdelay $0x2  }
0xb8: {  	s31 =	sshll.u32 s1, $0xD;
	s1 =	sshrl.u32 s1, $0x2  }
0xb9: {  	s3 =	sand.u32 $0x4000, s31;
	s1 =	sadd.s32 s1, s30  }
0xba: {  	s0 =	sor.u32 s3, s0;
	s1 =	sshll.u32 s1, $0x11  }
0xbb: {  	s0 =	sor.u32 s1, s0  }
0xbc: {  	s0 =	sadd.s32 $0x8F2B, s0  }
0xbd: {  	[sflag:s0] =	ssyncadd.remote.s32 $0x1  }
0xbe: {  	_ =	sfence.sel $0xFFFF  }
0xbf: {  	[dreg:$0x0] =	wrdreg $0xFFFFFFFF;
	(pc) =	sbr.abs _section_cstart, $3  }
0xc0: {  	[dreg:$0x1] =	wrdreg $0xFFFFFFFF  }
0xc1: {  	_ =	task.clear_ibuf [dreg:s6], $0x2FFFF;
	_ =	strace $0x9FFFFFFF  }
0xc2: {  	(tm) =	ssettm $0x7FFFFFFF  }
0xc3: {  	_ =	shalt  }
tec
execute0_lowered:
.L_overlay_start_1:
0x0: {  	(tag) =	ssettag $0x1  }
0x1: {  	s0 =	rddreg [dreg:$0x0];
	s1 =	srdreg.scid  }
0x2: {  	s12 =	stileid.u32;
	s2 =	rddreg [dreg:$0x1];
	s3 =	simm.s32 $0x0  }
0x3: {  	s14 =	simm.s32 $0x50;
	s15 =	simm.s32 $0x9C40;
	s16 =	simm.s32 $0xB040  }
0x4: {  	s18 =	simm.s32 $0xC440;
	s20 =	simm.s32 $0xD840;
	s22 =	simm.s32 $0xEC40  }
0x5: {  	s28 =	simm.s32 $0x5;
	s29 =	simm.s32 $0x9AB0;
	s30 =	simm.s32 $0x9B00  }
0x6: {  	s31 =	simm.s32 $0x9B50;
	s13 =	simm.s32 $0x0;
	s4 =	smul.u32 $0x4E20, s12  }
0x7: {  	s1 =	sand.u32 $0x1, s1;
	[smem:$0x7FF] =	sst s3;
	s6 =	smul.u32 $0xA000, s12  }
0x8: {  	s26 =	sshll.u32 s12, $0x6;
	s12 =	simm.s32 $0x6;
	s5 =	smul.u32 $0x4E200, s1  }
0x9: {  	_ =	strace $0x8000004D;
	s8 =	smul.u32 $0xA0000, s1;
	s1 =	ssub.s32 $0x2, s1  }
0xa: {  	s7 =	sshrl.u32 s4, $0x3;
	s23 =	sshrl.u32 s6, $0x3;
	s25 =	sshrl.u32 s1, $0x1  }
0xb: {  	s11 =	sadd.s32 s6, s2;
	s5 =	sadd.s32 s4, s5;
	s4 =	sadd.s32 $0x11000, s0  }
0xc: {  	s10 =	sadd.s32 s7, s0;
	s24 =	sadd.s32 s6, s8;
	s1 =	ssub.s32 s1, s25  }
0xd: {  	s11 =	sshrl.u32 s11, $0x3;
	s25 =	simm.s32 $0x3;
	s5 =	sshrl.u32 s5, $0x3  }
0xe: {  	s7 =	sshrl.u32 s24, $0x3;
	s8 =	sadd.s32 $0x110C00, s10;
	s10 =	smax.u32 s1, $0x1  }
0xf: {  	s24 =	simm.s32 $0x2;
	s1 =	simm.s32 $0x9BA0;
	s9 =	sadd.s32 s5, s0  }
0x10: {  	s5 =	sadd.s32 s23, s0;
	s0 =	sadd.s32 s7, s0;
	s7 =	sor.u32 $0x1C06, s26  }
0x11: {  	s23 =	simm.s32 $0x1;
	s26 =	simm.s32 $0x4;
	s5 =	sadd.s32 $0xD4600, s5  }
0x12: {  	s6 =	sadd.s32 $0x11AA00, s9;
	s9 =	sadd.s32 $0xE8600, s0;
	s0 =	simm.s32 $0x9BF0  }
.LBB2_1:
0x13: {  	[spmem:s11], [sflag:s7] =	dma.local [hbm:s5], $0x1400  }
0x14: {  	_ =	swait.ge [sflag:s12], $0x1400  }
0x15: {  	[sflag:s12] =	ssyncset.done $0x0  }
0x16: {  	[sflag:s12] =	ssyncadd.s32 $0xFFFFEC00  }
0x17: {  	[tilespmem:s3], [sflag:$0x6] =	stream.linear.gather [hbm4b:s6+s3], $0x4E20, $0x38;
	[tilespmem:$0x1A040] =	vst v63  }
0x18: {  	_ =	swait.ge [sflag:s12], $0x4E20  }
0x19: {  	[sflag:s12] =	ssyncset.done $0x0  }
0x1a: {  	s17 =	simm.s32 $0x4E20;
	[sflag:s12] =	ssyncadd.s32 $0xFFFFB1E0  }
0x1b: {  	[tilespmem:s17], [sflag:$0x6] =	stream.linear.gather [hbm4b:s8+s3], $0x4E20, $0x38;
	[tilespmem:$0x1A040] =	vst v63  }
0x1c: {  	_ =	swait.ge [sflag:s12], $0x4E20  }
0x1d: {  	[sflag:s12] =	ssyncset.done $0x0  }
0x1e: {  	[sflag:s12] =	ssyncadd.s32 $0xFFFFB1E0  }
0x1f: {  	[bflag:$0x0] =	sbarrier.arrive $0xFFFF  }
0x20: {  	[tilespmem:s15], [sflag:$0x1] =	stream.indirect.gather [hbm4b:s4+s14], $0x40, s3, s14, $0xb8;
	[tilespmem:$0x1A040] =	vst v63  }
0x21: {  	_ = 	snop  }
0x22: {  	[tilespmem:s16], [sflag:$0x2] =	stream.indirect.gather [hbm4b:s4+s14], $0x40, s14, s14, $0xb8;
	[tilespmem:$0x1A040] =	vst v63  }
0x23: {  	s19 =	simm.s32 $0xA0  }
0x24: {  	[tilespmem:s18], [sflag:$0x3] =	stream.indirect.gather [hbm4b:s4+s14], $0x40, s19, s14, $0xb8;
	[tilespmem:$0x1A040] =	vst v63  }
0x25: {  	s21 =	simm.s32 $0xF0  }
0x26: {  	[tilespmem:s20], [sflag:$0x4] =	stream.indirect.gather [hbm4b:s4+s14], $0x40, s21, s14, $0xb8;
	[tilespmem:$0x1A040] =	vst v63  }
0x27: {  	s19 =	simm.s32 $0x140  }
0x28: {  	[tilespmem:s22], [sflag:$0x5] =	stream.indirect.gather [hbm4b:s4+s14], $0x40, s19, s14, $0xb8;
	[tilespmem:$0x1A040] =	vst v63  }
0x29: {  	_ =	swait.ge [sflag:s23], $0x1400  }
0x2a: {  	[sflag:s23] =	ssyncset.done $0x0  }
0x2b: {  	s21 =	simm.s32 $0x4E20;
	[sflag:s23] =	ssyncadd.s32 $0xFFFFEC00  }
0x2c: {  	[spmem:s2] =	stream.indirect.scatter.add.f32 [tilespmem:s15], [sflag:$0x6], $0x40, s21, s14, $0xb8;
	[tilespmem:$0x1A040] =	vst v63  }
0x2d: {  	_ =	swait.ge [sflag:s12], $0x1400  }
0x2e: {  	[sflag:s12] =	ssyncset.done $0x0  }
0x2f: {  	s19 =	simm.s32 $0x190;
	[sflag:s12] =	ssyncadd.s32 $0xFFFFEC00  }
0x30: {  	[tilespmem:s15], [sflag:$0x1] =	stream.indirect.gather [hbm4b:s4+s14], $0x40, s19, s14, $0xb8;
	[tilespmem:$0x1A040] =	vst v63  }
0x31: {  	_ =	swait.ge [sflag:s24], $0x1400  }
0x32: {  	[sflag:s24] =	ssyncset.done $0x0  }
0x33: {  	s21 =	simm.s32 $0x4E70;
	[sflag:s24] =	ssyncadd.s32 $0xFFFFEC00  }
0x34: {  	[spmem:s2] =	stream.indirect.scatter.add.f32 [tilespmem:s16], [sflag:$0x6], $0x40, s21, s14, $0xb8;
	[tilespmem:$0x1A040] =	vst v63  }
0x35: {  	_ =	swait.ge [sflag:s12], $0x1400  }
0x36: {  	[sflag:s12] =	ssyncset.done $0x0  }
0x37: {  	s19 =	simm.s32 $0x1E0;
	[sflag:s12] =	ssyncadd.s32 $0xFFFFEC00  }
0x38: {  	[tilespmem:s16], [sflag:$0x2] =	stream.indirect.gather [hbm4b:s4+s14], $0x40, s19, s14, $0xb8;
	[tilespmem:$0x1A040] =	vst v63  }
0x39: {  	_ =	swait.ge [sflag:s25], $0x1400  }
0x3a: {  	[sflag:s25] =	ssyncset.done $0x0  }
0x3b: {  	s21 =	simm.s32 $0x4EC0;
	[sflag:s25] =	ssyncadd.s32 $0xFFFFEC00  }
0x3c: {  	[spmem:s2] =	stream.indirect.scatter.add.f32 [tilespmem:s18], [sflag:$0x6], $0x40, s21, s14, $0xb8;
	[tilespmem:$0x1A040] =	vst v63  }
0x3d: {  	_ =	swait.ge [sflag:s12], $0x1400  }
0x3e: {  	[sflag:s12] =	ssyncset.done $0x0  }
0x3f: {  	s19 =	simm.s32 $0x230;
	[sflag:s12] =	ssyncadd.s32 $0xFFFFEC00  }
0x40: {  	[tilespmem:s18], [sflag:$0x3] =	stream.indirect.gather [hbm4b:s4+s14], $0x40, s19, s14, $0xb8;
	[tilespmem:$0x1A040] =	vst v63  }
0x41: {  	_ =	swait.ge [sflag:s26], $0x1400  }
0x42: {  	[sflag:s26] =	ssyncset.done $0x0  }
0x43: {  	s21 =	simm.s32 $0x4F10;
	[sflag:s26] =	ssyncadd.s32 $0xFFFFEC00  }
0x44: {  	[spmem:s2] =	stream.indirect.scatter.add.f32 [tilespmem:s20], [sflag:$0x6], $0x40, s21, s14, $0xb8;
	[tilespmem:$0x1A040] =	vst v63  }
0x45: {  	_ =	swait.ge [sflag:s12], $0x1400  }
0x46: {  	[sflag:s12] =	ssyncset.done $0x0  }
0x47: {  	s19 =	simm.s32 $0x280;
	[sflag:s12] =	ssyncadd.s32 $0xFFFFEC00  }
0x48: {  	[tilespmem:s20], [sflag:$0x4] =	stream.indirect.gather [hbm4b:s4+s14], $0x40, s19, s14, $0xb8;
	[tilespmem:$0x1A040] =	vst v63  }
0x49: {  	_ =	swait.ge [sflag:s28], $0x1400  }
0x4a: {  	[sflag:s28] =	ssyncset.done $0x0  }
0x4b: {  	s21 =	simm.s32 $0x4F60;
	[sflag:s28] =	ssyncadd.s32 $0xFFFFEC00  }
0x4c: {  	[spmem:s2] =	stream.indirect.scatter.add.f32 [tilespmem:s22], [sflag:$0x6], $0x40, s21, s14, $0xb8;
	[tilespmem:$0x1A040] =	vst v63  }
0x4d: {  	_ =	swait.ge [sflag:s12], $0x1400  }
0x4e: {  	[sflag:s12] =	ssyncset.done $0x0  }
0x4f: {  	s17 =	simm.s32 $0x640;
	s19 =	simm.s32 $0x2D0;
	[sflag:s12] =	ssyncadd.s32 $0xFFFFEC00  }
.LBB2_2:
0x50: {  	[tilespmem:s22], [sflag:$0x5] =	stream.indirect.gather [hbm4b:s4+s14], $0x40, s19, s14, $0xb8;
	[tilespmem:$0x1A040] =	vst v63  }
0x51: {  	s19 =	smov.u32 s17  }
0x52: {  	p0 =	sne.s32 s17, $0x12C00;
	s17 =	sadd.s32 $0x640, s17;
	_ =	swait.ge [sflag:s23], $0x1400  }
0x53: {  	s19 =	sshra.s32 s19, $0x2;
	[sflag:s23] =	ssyncset.done $0x0  }
0x54: {  	s21 =	sadd.s32 $0x4E20, s19;
	[sflag:s23] =	ssyncadd.s32 $0xFFFFEC00  }
0x55: {  	[spmem:s2] =	stream.indirect.scatter.add.f32 [tilespmem:s15], [sflag:$0x6], $0x40, s21, s14, $0xb8;
	[tilespmem:$0x1A040] =	vst v63  }
0x56: {  	_ =	swait.ge [sflag:s12], $0x1400  }
0x57: {  	[sflag:s12] =	ssyncset.done $0x0  }
0x58: {  	s21 =	sadd.s32 $0x190, s19;
	[sflag:s12] =	ssyncadd.s32 $0xFFFFEC00  }
0x59: {  	[tilespmem:s15], [sflag:$0x1] =	stream.indirect.gather [hbm4b:s4+s14], $0x40, s21, s14, $0xb8;
	[tilespmem:$0x1A040] =	vst v63  }
0x5a: {  	_ =	swait.ge [sflag:s24], $0x1400  }
0x5b: {  	[sflag:s24] =	ssyncset.done $0x0  }
0x5c: {  	s21 =	sadd.s32 $0x4E70, s19;
	[sflag:s24] =	ssyncadd.s32 $0xFFFFEC00  }
0x5d: {  	[spmem:s2] =	stream.indirect.scatter.add.f32 [tilespmem:s16], [sflag:$0x6], $0x40, s21, s14, $0xb8;
	[tilespmem:$0x1A040] =	vst v63  }
0x5e: {  	_ =	swait.ge [sflag:s12], $0x1400  }
0x5f: {  	[sflag:s12] =	ssyncset.done $0x0  }
0x60: {  	s21 =	sadd.s32 $0x1E0, s19;
	[sflag:s12] =	ssyncadd.s32 $0xFFFFEC00  }
0x61: {  	[tilespmem:s16], [sflag:$0x2] =	stream.indirect.gather [hbm4b:s4+s14], $0x40, s21, s14, $0xb8;
	[tilespmem:$0x1A040] =	vst v63  }
0x62: {  	_ =	swait.ge [sflag:s25], $0x1400  }
0x63: {  	[sflag:s25] =	ssyncset.done $0x0  }
0x64: {  	s21 =	sadd.s32 $0x4EC0, s19;
	[sflag:s25] =	ssyncadd.s32 $0xFFFFEC00  }
0x65: {  	[spmem:s2] =	stream.indirect.scatter.add.f32 [tilespmem:s18], [sflag:$0x6], $0x40, s21, s14, $0xb8;
	[tilespmem:$0x1A040] =	vst v63  }
0x66: {  	_ =	swait.ge [sflag:s12], $0x1400  }
0x67: {  	[sflag:s12] =	ssyncset.done $0x0  }
0x68: {  	s21 =	sadd.s32 $0x230, s19;
	[sflag:s12] =	ssyncadd.s32 $0xFFFFEC00  }
0x69: {  	[tilespmem:s18], [sflag:$0x3] =	stream.indirect.gather [hbm4b:s4+s14], $0x40, s21, s14, $0xb8;
	[tilespmem:$0x1A040] =	vst v63  }
0x6a: {  	_ =	swait.ge [sflag:s26], $0x1400  }
0x6b: {  	[sflag:s26] =	ssyncset.done $0x0  }
0x6c: {  	s21 =	sadd.s32 $0x4F10, s19;
	[sflag:s26] =	ssyncadd.s32 $0xFFFFEC00  }
0x6d: {  	[spmem:s2] =	stream.indirect.scatter.add.f32 [tilespmem:s20], [sflag:$0x6], $0x40, s21, s14, $0xb8;
	[tilespmem:$0x1A040] =	vst v63  }
0x6e: {  	_ =	swait.ge [sflag:s12], $0x1400  }
0x6f: {  	[sflag:s12] =	ssyncset.done $0x0  }
0x70: {  	s21 =	sadd.s32 $0x280, s19;
	[sflag:s12] =	ssyncadd.s32 $0xFFFFEC00  }
0x71: {  	[tilespmem:s20], [sflag:$0x4] =	stream.indirect.gather [hbm4b:s4+s14], $0x40, s21, s14, $0xb8;
	[tilespmem:$0x1A040] =	vst v63  }
0x72: {  	_ =	swait.ge [sflag:s28], $0x1400  }
0x73: {  	[sflag:s28] =	ssyncset.done $0x0  }
.Ltmp0:
0x74: {  	s21 =	sadd.s32 $0x4F60, s19;
	[sflag:s28] =	ssyncadd.s32 $0xFFFFEC00;
	(pc) =	sbr.rel @p0 .LBB2_2-.Ltmp0, $4  }
0x75: {  	[spmem:s2] =	stream.indirect.scatter.add.f32 [tilespmem:s22], [sflag:$0x6], $0x40, s21, s14, $0xb8;
	[tilespmem:$0x1A040] =	vst v63  }
0x76: {  	_ =	swait.ge [sflag:s12], $0x1400  }
0x77: {  	[sflag:s12] =	ssyncset.done $0x0  }
0x78: {  	s19 =	sadd.s32 $0x2D0, s19;
	[sflag:s12] =	ssyncadd.s32 $0xFFFFEC00  }
0x79: {  	[tilespmem:s22], [sflag:$0x5] =	stream.indirect.gather [hbm4b:s4+s14], $0x40, s19, s14, $0xb8;
	[tilespmem:$0x1A040] =	vst v63  }
0x7a: {  	_ =	swait.ge [sflag:s23], $0x1400  }
0x7b: {  	[sflag:s23] =	ssyncset.done $0x0  }
0x7c: {  	[sflag:s23] =	ssyncadd.s32 $0xFFFFEC00  }
0x7d: {  	[spmem:s2] =	stream.indirect.scatter.add.f32 [tilespmem:s15], [sflag:$0x6], $0x40, s29, s14, $0xb8;
	[tilespmem:$0x1A040] =	vst v63  }
0x7e: {  	_ =	swait.ge [sflag:s12], $0x1400  }
0x7f: {  	[sflag:s12] =	ssyncset.done $0x0  }
0x80: {  	[sflag:s12] =	ssyncadd.s32 $0xFFFFEC00  }
0x81: {  	_ =	swait.ge [sflag:s24], $0x1400  }
0x82: {  	[sflag:s24] =	ssyncset.done $0x0  }
0x83: {  	[sflag:s24] =	ssyncadd.s32 $0xFFFFEC00  }
0x84: {  	[spmem:s2] =	stream.indirect.scatter.add.f32 [tilespmem:s16], [sflag:$0x6], $0x40, s30, s14, $0xb8;
	[tilespmem:$0x1A040] =	vst v63  }
0x85: {  	_ =	swait.ge [sflag:s12], $0x1400  }
0x86: {  	[sflag:s12] =	ssyncset.done $0x0  }
0x87: {  	[sflag:s12] =	ssyncadd.s32 $0xFFFFEC00  }
0x88: {  	_ =	swait.ge [sflag:s25], $0x1400  }
0x89: {  	[sflag:s25] =	ssyncset.done $0x0  }
0x8a: {  	[sflag:s25] =	ssyncadd.s32 $0xFFFFEC00  }
0x8b: {  	[spmem:s2] =	stream.indirect.scatter.add.f32 [tilespmem:s18], [sflag:$0x6], $0x40, s31, s14, $0xb8;
	[tilespmem:$0x1A040] =	vst v63  }
0x8c: {  	_ =	swait.ge [sflag:s12], $0x1400  }
0x8d: {  	[sflag:s12] =	ssyncset.done $0x0  }
0x8e: {  	[sflag:s12] =	ssyncadd.s32 $0xFFFFEC00  }
0x8f: {  	_ =	swait.ge [sflag:s26], $0x1400  }
0x90: {  	[sflag:s26] =	ssyncset.done $0x0  }
0x91: {  	[sflag:s26] =	ssyncadd.s32 $0xFFFFEC00  }
0x92: {  	[spmem:s2] =	stream.indirect.scatter.add.f32 [tilespmem:s20], [sflag:$0x6], $0x40, s1, s14, $0xb8;
	[tilespmem:$0x1A040] =	vst v63  }
0x93: {  	_ =	swait.ge [sflag:s12], $0x1400  }
0x94: {  	[sflag:s12] =	ssyncset.done $0x0  }
0x95: {  	[sflag:s12] =	ssyncadd.s32 $0xFFFFEC00  }
0x96: {  	_ =	swait.ge [sflag:s28], $0x1400  }
0x97: {  	[sflag:s28] =	ssyncset.done $0x0  }
0x98: {  	[sflag:s28] =	ssyncadd.s32 $0xFFFFEC00  }
0x99: {  	[spmem:s2] =	stream.indirect.scatter.add.f32 [tilespmem:s22], [sflag:$0x6], $0x40, s0, s14, $0xb8;
	[tilespmem:$0x1A040] =	vst v63  }
0x9a: {  	_ =	swait.ge [sflag:s12], $0x1400  }
0x9b: {  	s13 =	sadd.s32 $0x1, s13;
	[sflag:s12] =	ssyncset.done $0x0  }
0x9c: {  	p0 =	sne.s32 s13, s10;
	[sflag:s12] =	ssyncadd.s32 $0xFFFFEC00  }
.Ltmp1:
0x9d: {  	[bflag:$0x0] =	sbarrier.arrive $0xFFFF;
	(pc) =	sbr.rel @p0 .LBB2_1-.Ltmp1, $4  }
0x9e: {  	[hbm:s9], [sflag:s7] =	dma.local [spmem:s11], $0x1400  }
0x9f: {  	_ =	swait.ge [sflag:s12], $0x1400  }
0xa0: {  	[sflag:s12] =	ssyncset.done $0x0  }
0xa1: {  	[sflag:s12] =	ssyncadd.s32 $0xFFFFEC00  }
0xa2: {  	_ =	sfence.sel $0x180000  }
0xa3: {  	[bflag:$0x0] =	sbarrier.arrive $0xFFFF  }
0xa4: {  	_ =	strace $0x9000004D  }
0xa5: {  	s0 =	stileid.u32;
	[bflag:$0x2] =	sbarrier.arrive $0xFFFF  }
0xa6: {  	p0 =	sne.s32 s0, $0x0;
	s0 =	rddreg [dreg:$0x2]  }
0xa7: {  	s0 =	sadd.s32 @!p0 $0x100000, s0  }
0xa8: {  	[sflag:s0] =	ssyncadd.tile.s32 @!p0 $0x1;
	_ =	shalt  }
.Lfunc_end2:
_tile_overlayer_lowered:
.L_overlay_start_2:
0xa9: {  	(tag) =	ssettag $0x2  }
0xaa: {  	s0 =	rddreg [dreg:$0x0];
	s2 =	stileid.u32  }
0xab: {  	s1 =	rddreg [dreg:$0x1];
	p0 =	sne.s32 s2, $0x0  }
0xac: {  	s3 =	rddreg [dreg:$0x2];
	[bflag:$0x3] =	sbarrier.arrive $0xFFFF;
	s2 =	simm.s32 @!p0 $0x1C06  }
0xad: {  	[timem:s3], [sflag:s2] =	dma.local @!p0 [hbm:s0], s1  }
0xae: {  	s0 =	simm.s32 @!p0 $0x6  }
0xaf: {  	_ =	swait.ge @!p0 [sflag:s0], s1  }
0xb0: {  	s1 =	ssub.s32 @!p0 $0x0, s1;
	[sflag:s0] =	ssyncset.done @!p0 $0x0  }
0xb1: {  	[sflag:s0] =	ssyncadd.s32 @!p0 s1  }
0xb2: {  	[bflag:$0x3] =	sbarrier.arrive $0xFFFF  }
0xb3: {  	_ =	shalt  }

// kernel: kernel.29.cloned.1.call-start
scs
__scs_entry_jumppad:
0x0: {  	(pc) =	sbr.rel $0x88, $3  }
0x1: {  	(tag) =	ssettag $0x0;
	lr =	simm.s32 $0x1  }
0x2: {  	[smem:$0x3F95] =	sst lr;
	_ =	strace $0xD0000000  }
0x3: {  	_ = 	snop  }
0x4: {  	_ = 	snop  }
0x5: {  	_ = 	snop  }
0x6: {  	_ = 	snop  }
0x7: {  	_ = 	snop  }
__scs_overlays_trampoline_lowered:
0x8: {  	[smem:$0x3FA4] =	sst s0  }
0x9: {  	[smem:$0x3FA5] =	sst s1  }
0xa: {  	[smem:$0x3FA6] =	sst s2  }
0xb: {  	[smem:$0x3FA7] =	sst s3  }
0xc: {  	[smem:$0x3FA8] =	sst s4  }
0xd: {  	[smem:$0x3FA9] =	sst s5  }
0xe: {  	[smem:$0x3FAA] =	sst s6  }
0xf: {  	[smem:$0x3FAB] =	sst s7  }
0x10: {  	[smem:$0x3FAC] =	sst s8  }
0x11: {  	[smem:$0x3FAD] =	sst s9;
	s0 =	simm.s32 @!p0 $0x0  }
0x12: {  	s1 =	sld [smem:$0x3F93];
	s0 =	simm.s32 @p0 $0x1  }
0x13: {  	[smem:$0x3FAE] =	sst s0;
	s0 =	simm.s32 @!p1 $0x0  }
0x14: {  	s2 =	sld [smem:$0x3F92];
	s0 =	simm.s32 @p1 $0x1  }
0x15: {  	[smem:$0x3FAF] =	sst s0;
	s0 =	simm.s32 @!p2 $0x0  }
0x16: {  	s3 =	sld [smem:$0x3FDB];
	s0 =	simm.s32 @p2 $0x1  }
0x17: {  	s4 =	simm.s32 $0x1BF5;
	[smem:$0x3FB1] =	sst s0  }
0x18: {  	s0 =	sld [smem:$0x3F94];
	_ =	swait.ge [sflag:s4], $0x0  }
0x19: {  	s7 =	sld [smem:$0x3F95]  }
0x1a: {  	s8 =	sadd.s32 $0xFFFFE003, lr  }
0x1b: {  	s9 =	sadd.s32 $0xFFFFFEF7, lr;
	s5 =	simm.s32 $0xFFFFFFFF;
	p2 =	slt.u32 s8, $0xFFFFF086  }
0x1c: {  	p1 =	slt.u32 s9, $0xF7A;
	s5 =	simm.s32 @!p2 $0x0  }
0x1d: {  	s5 =	simm.s32 @p1 $0x1;
	p0 =	seq.s32 s7, s2  }
0x1e: {  	s7 =	smul.u32 @!p0 $0xF7A, s2;
	p2 =	seq.s32 @!p0 s5, $0x0  }
0x1f: {  	s9 =	smul.u32 $0xF7A, s1;
	s8 =	simm.s32 @!p0 $0x1BF5;
	p2 =	por !p2, p0  }
0x20: {  	[sflag:s8] =	ssyncset.s32 @!p0 $0xFFFFF086;
	s6 =	sadd.s32 @!p0 s3, s7;
	s7 =	simm.s32 @!p0 $0x108  }
0x21: {  	s3 =	sadd.s32 s3, s9;
	s6 =	sadd.s32 @!p0 $0x88, s6;
	s7 =	simm.s32 @p2 $0x1082  }
0x22: {  	[simem:s7], [sflag:s8] =	dma.local @!p0 [hbm:s6], $0xF7A  }
0x23: {  	s9 =	sor.u32 $0xD0000000, s2;
	s6 =	simm.s32 $0x108;
	_ =	swait.ge @!p0 [sflag:s8], $0x0  }
0x24: {  	s3 =	sadd.s32 $0x88, s3;
	s6 =	simm.s32 @!p1 $0x1082;
	[sflag:s4] =	ssyncset.s32 $0xFFFFF086  }
0x25: {  	[simem:s6], [sflag:s4] =	dma.local [hbm:s3], $0xF7A  }
0x26: {  	[smem:$0x3F95] =	sst s1;
	(tag) =	ssettag s2;
	_ =	strace s9  }
0x27: {  	s1 =	sld [smem:$0x3FA5]  }
0x28: {  	s2 =	sld [smem:$0x3FA6]  }
0x29: {  	s4 =	sld [smem:$0x3FA8]  }
0x2a: {  	p0 =	seq.s32 s5, $0x0;
	s5 =	sld [smem:$0x3FA9]  }
0x2b: {  	s6 =	sld [smem:$0x3FAA]  }
0x2c: {  	s7 =	sld [smem:$0x3FAB]  }
0x2d: {  	s3 =	simm.s32 $0x108;
	s8 =	sld [smem:$0x3FAC]  }
0x2e: {  	s3 =	simm.s32 @!p0 $0x1082;
	s9 =	sld [smem:$0x3FAD]  }
0x2f: {  	lr =	sadd.s32 s0, s3;
	s0 =	sld [smem:$0x3FA4]  }
0x30: {  	s3 =	sld [smem:$0x3FA7]  }
0x31: {  	[smem:$0x3FB0] =	sst s10  }
0x32: {  	s10 =	sld [smem:$0x3FAE];
	_ =	sdelay $0x3  }
0x33: {  	p0 =	seq.s32 s10, $0x1;
	s10 =	sld [smem:$0x3FB0];
	_ =	sdelay $0x3  }
0x34: {  	[smem:$0x3FB0] =	sst s10  }
0x35: {  	s10 =	sld [smem:$0x3FAF];
	_ =	sdelay $0x3  }
0x36: {  	p1 =	seq.s32 s10, $0x1;
	s10 =	sld [smem:$0x3FB0];
	_ =	sdelay $0x3  }
0x37: {  	[smem:$0x3FB0] =	sst s10  }
0x38: {  	s10 =	sld [smem:$0x3FB1]  }
0x39: {  	_ = 	snop;
	(pc) =	sbr.ind lr, $3  }
0x3a: {  	_ = 	snop  }
0x3b: {  	_ = 	snop  }
0x3c: {  	p2 =	seq.s32 s10, $0x1;
	s10 =	sld [smem:$0x3FB0]  }
0x3d: {  	_ =	shalt  }
0x3e: {  	_ =	shalt  }
0x3f: {  	_ =	shalt  }
0x40: {  	_ =	shalt  }
0x41: {  	_ =	shalt  }
0x42: {  	_ =	shalt  }
0x43: {  	_ =	shalt  }
0x44: {  	_ =	shalt  }
0x45: {  	_ =	shalt  }
0x46: {  	_ =	shalt  }
0x47: {  	_ =	shalt  }
0x48: {  	_ =	shalt  }
0x49: {  	_ =	shalt  }
0x4a: {  	_ =	shalt  }
0x4b: {  	_ =	shalt  }
0x4c: {  	_ =	shalt  }
0x4d: {  	_ =	shalt  }
0x4e: {  	_ =	shalt  }
0x4f: {  	_ =	shalt  }
0x50: {  	_ =	shalt  }
0x51: {  	_ =	shalt  }
0x52: {  	_ =	shalt  }
0x53: {  	_ =	shalt  }
0x54: {  	_ =	shalt  }
0x55: {  	_ =	shalt  }
0x56: {  	_ =	shalt  }
0x57: {  	_ =	shalt  }
0x58: {  	_ =	shalt  }
0x59: {  	_ =	shalt  }
0x5a: {  	_ =	shalt  }
0x5b: {  	_ =	shalt  }
0x5c: {  	_ =	shalt  }
0x5d: {  	_ =	shalt  }
0x5e: {  	_ =	shalt  }
0x5f: {  	_ =	shalt  }
0x60: {  	_ =	shalt  }
0x61: {  	_ =	shalt  }
0x62: {  	_ =	shalt  }
0x63: {  	_ =	shalt  }
0x64: {  	_ =	shalt  }
0x65: {  	_ =	shalt  }
0x66: {  	_ =	shalt  }
0x67: {  	_ =	shalt  }
0x68: {  	_ =	shalt  }
0x69: {  	_ =	shalt  }
0x6a: {  	_ =	shalt  }
0x6b: {  	_ =	shalt  }
0x6c: {  	_ =	shalt  }
0x6d: {  	_ =	shalt  }
0x6e: {  	_ =	shalt  }
0x6f: {  	_ =	shalt  }
0x70: {  	_ =	shalt  }
0x71: {  	_ =	shalt  }
0x72: {  	_ =	shalt  }
0x73: {  	_ =	shalt  }
0x74: {  	_ =	shalt  }
0x75: {  	_ =	shalt  }
0x76: {  	_ =	shalt  }
0x77: {  	_ =	shalt  }
0x78: {  	_ =	shalt  }
0x79: {  	_ =	shalt  }
0x7a: {  	_ =	shalt  }
0x7b: {  	_ =	shalt  }
0x7c: {  	_ =	shalt  }
0x7d: {  	_ =	shalt  }
0x7e: {  	_ =	shalt  }
0x7f: {  	_ =	shalt  }
0x80: {  	_ =	shalt  }
0x81: {  	_ =	shalt  }
0x82: {  	_ =	shalt  }
0x83: {  	_ =	shalt  }
0x84: {  	_ =	shalt  }
0x85: {  	_ =	shalt  }
0x86: {  	_ =	shalt  }
0x87: {  	_ =	shalt  }
.Lfunc_end0:
.L_simem_size_0:
called_computation.3_lowered:
.L_overlay_start_0:
0x88: {  	s2 =	sld [smem:$0x3FD9]  }
0x89: {  	s3 =	sld [smem:$0x3FFE];
	_ =	sdelay $0x1  }
0x8a: {  	s1 =	srdreg.scid  }
0x8b: {  	s0 =	sand.u32 $0x1, s1  }
0x8c: {  	s16 =	sshll.u32 s0, $0xA;
	s2 =	sadd.s32 s3, s2  }
0x8d: {  	s2 =	sadd.s32 s2, s16  }
0x8e: {  	[smem:$0x3FBC] =	sst s2  }
0x8f: {  	_ = 	snop  }
0x90: {  	(tm) =	ssettm $0x1  }
0x91: {  	s17 =	sld [smem:$0x3FFB];
	_ =	sdelay $0x3  }
0x92: {  	_ =	strace s17  }
0x93: {  	s2 =	sld [smem:$0x3FFC];
	_ =	sdelay $0x3  }
0x94: {  	_ =	strace s2  }
0x95: {  	s2 =	sld [smem:$0x3FFD];
	_ =	sdelay $0x3  }
0x96: {  	_ =	strace s2  }
0x97: {  	_ =	strace $0x8FFFFFFF  }
0x98: {  	s18 =	sld [smem:$0x3FDB];
	_ =	sdelay $0x1  }
0x99: {  	s19 =	simm.s32 $_scs_section_size  }
0x9a: {  	s4 =	simm.s32 $_size__tile_overlayer_lowered;
	s5 =	simm.s32 $_tile_overlayer_lowered  }
0x9b: {  	s22 =	simm.s32 $0x1BFF;
	s21 =	sshll.u32 s5, $0x1;
	s2 =	sadd.s32 s19, s18  }
0x9c: {  	s6 =	simm.s32 $0x0;
	s20 =	sshll.u32 s4, $0x1;
	s4 =	sadd.s32 s21, s2  }
0x9d: {  	[timem:s6], [sflag:s22] =	dma.local [hbm:s4], s20  }
0x9e: {  	_ =	swait.ge [sflag:s22], s20  }
0x9f: {  	s3 =	ssub.s32 $0x0, s20;
	[sflag:s22] =	ssyncset.done $0x0  }
0xa0: {  	[sflag:s22] =	ssyncadd.s32 s3;
	_ =	sdelay $0x1  }
0xa1: {  	s23 =	simm.s32 $0x1B8B  }
0xa2: {  	_ =	swait.ge [sflag:s23], $0x1  }
0xa3: {  	[sflag:s23] =	ssyncset.done $0x0  }
0xa4: {  	s25 =	simm.s32 $0x1B8E;
	s24 =	sld [smem:$0x3FFE];
	[sflag:s23] =	ssyncadd.s32 $0xFFFFFFFF  }
0xa5: {  	s26 =	simm.s32 $execute0_lowered;
	[smem:$0x3FD2] =	sst s25  }
0xa6: {  	s4 =	sshll.u32 s26, $0x1;
	_ =	strace $0x8000004F;
	[dreg:$0x1] =	wrdreg $0xFFFFFFFF  }
0xa7: {  	s28 =	simm.s32 $_size_execute0_lowered;
	s2 =	sadd.s32 s2, s4;
	[dreg:$0x0] =	wrdreg $0x0  }
0xa8: {  	s4 =	sshll.u32 s28, $0x1;
	[dreg:$0x2] =	wrdreg s2  }
0xa9: {  	[dreg:$0x3] =	wrdreg s4  }
0xaa: {  	[dreg:$0x4] =	wrdreg $0xC0  }
0xab: {  	_ =	task [dreg:s6], $0x5FFFF  }
0xac: {  	[dreg:$0x1] =	wrdreg $0xFFFFFFFF  }
0xad: {  	[dreg:$0x0] =	wrdreg $0x60  }
0xae: {  	[dreg:$0x2] =	wrdreg s24  }
0xaf: {  	[dreg:$0x3] =	wrdreg $0x100400  }
0xb0: {  	[dreg:$0x4] =	wrdreg $0x9  }
0xb1: {  	_ =	task.clear_ibuf [dreg:s6], $0x5FFFF;
	_ =	strace $0x9000004F  }
0xb2: {  	s29 =	simm.s32 $0x9;
	_ =	strace $0x80000051  }
0xb3: {  	_ =	swait.ge [sflag:s29], $0x1  }
0xb4: {  	[sflag:s29] =	ssyncadd.s32 $0xFFFFFFFF  }
0xb5: {  	_ =	strace $0x90000051  }
0xb6: {  	_ =	sfence  }
0xb7: {  	s30 =	sld [smem:$0x0];
	_ =	sdelay $0x2  }
0xb8: {  	s31 =	sshll.u32 s1, $0xD;
	s1 =	sshrl.u32 s1, $0x2  }
0xb9: {  	s3 =	sand.u32 $0x4000, s31;
	s1 =	sadd.s32 s1, s30  }
0xba: {  	s0 =	sor.u32 s3, s0;
	s1 =	sshll.u32 s1, $0x11  }
0xbb: {  	s0 =	sor.u32 s1, s0  }
0xbc: {  	s0 =	sadd.s32 $0x8F2B, s0  }
0xbd: {  	[sflag:s0] =	ssyncadd.remote.s32 $0x1  }
0xbe: {  	_ =	sfence.sel $0xFFFF  }
0xbf: {  	[dreg:$0x0] =	wrdreg $0xFFFFFFFF;
	(pc) =	sbr.abs _section_cstart, $3  }
0xc0: {  	[dreg:$0x1] =	wrdreg $0xFFFFFFFF  }
0xc1: {  	_ =	task.clear_ibuf [dreg:s6], $0x2FFFF;
	_ =	strace $0x9FFFFFFF  }
0xc2: {  	(tm) =	ssettm $0x7FFFFFFF  }
0xc3: {  	_ =	shalt  }
tec
execute0_lowered:
.L_overlay_start_1:
0x0: {  	(tag) =	ssettag $0x1  }
0x1: {  	s0 =	rddreg [dreg:$0x0];
	s1 =	srdreg.scid  }
0x2: {  	s12 =	stileid.u32;
	s2 =	rddreg [dreg:$0x1];
	s3 =	simm.s32 $0x0  }
0x3: {  	s14 =	simm.s32 $0x50;
	s15 =	simm.s32 $0x9C40;
	s16 =	simm.s32 $0xB040  }
0x4: {  	s18 =	simm.s32 $0xC440;
	s20 =	simm.s32 $0xD840;
	s22 =	simm.s32 $0xEC40  }
0x5: {  	s28 =	simm.s32 $0x5;
	s29 =	simm.s32 $0x9AB0;
	s30 =	simm.s32 $0x9B00  }
0x6: {  	s31 =	simm.s32 $0x9B50;
	s13 =	simm.s32 $0x0;
	s4 =	smul.u32 $0x4E20, s12  }
0x7: {  	s1 =	sand.u32 $0x1, s1;
	[smem:$0x7FF] =	sst s3;
	s6 =	smul.u32 $0xA000, s12  }
0x8: {  	s26 =	sshll.u32 s12, $0x6;
	s12 =	simm.s32 $0x6;
	s5 =	smul.u32 $0x4E200, s1  }
0x9: {  	_ =	strace $0x80000050;
	s8 =	smul.u32 $0xA0000, s1;
	s1 =	ssub.s32 $0x2, s1  }
0xa: {  	s7 =	sshrl.u32 s4, $0x3;
	s23 =	sshrl.u32 s6, $0x3;
	s25 =	sshrl.u32 s1, $0x1  }
0xb: {  	s11 =	sadd.s32 s6, s2;
	s5 =	sadd.s32 s4, s5;
	s4 =	sadd.s32 $0x5E00, s0  }
0xc: {  	s10 =	sadd.s32 s7, s0;
	s24 =	sadd.s32 s6, s8;
	s1 =	ssub.s32 s1, s25  }
0xd: {  	s11 =	sshrl.u32 s11, $0x3;
	s25 =	simm.s32 $0x3;
	s5 =	sshrl.u32 s5, $0x3  }
0xe: {  	s7 =	sshrl.u32 s24, $0x3;
	s8 =	sadd.s32 $0x110C00, s10;
	s10 =	smax.u32 s1, $0x1  }
0xf: {  	s24 =	simm.s32 $0x2;
	s1 =	simm.s32 $0x9BA0;
	s9 =	sadd.s32 s5, s0  }
0x10: {  	s5 =	sadd.s32 s23, s0;
	s0 =	sadd.s32 s7, s0;
	s7 =	sor.u32 $0x1C06, s26  }
0x11: {  	s23 =	simm.s32 $0x1;
	s26 =	simm.s32 $0x4;
	s5 =	sadd.s32 $0xD4600, s5  }
0x12: {  	s6 =	sadd.s32 $0x11AA00, s9;
	s9 =	sadd.s32 $0xE8600, s0;
	s0 =	simm.s32 $0x9BF0  }
.LBB2_1:
0x13: {  	[spmem:s11], [sflag:s7] =	dma.local [hbm:s5], $0x1400  }
0x14: {  	_ =	swait.ge [sflag:s12], $0x1400  }
0x15: {  	[sflag:s12] =	ssyncset.done $0x0  }
0x16: {  	[sflag:s12] =	ssyncadd.s32 $0xFFFFEC00  }
0x17: {  	[tilespmem:s3], [sflag:$0x6] =	stream.linear.gather [hbm4b:s6+s3], $0x4E20, $0x38;
	[tilespmem:$0x1A040] =	vst v63  }
0x18: {  	_ =	swait.ge [sflag:s12], $0x4E20  }
0x19: {  	[sflag:s12] =	ssyncset.done $0x0  }
0x1a: {  	s17 =	simm.s32 $0x4E20;
	[sflag:s12] =	ssyncadd.s32 $0xFFFFB1E0  }
0x1b: {  	[tilespmem:s17], [sflag:$0x6] =	stream.linear.gather [hbm4b:s8+s3], $0x4E20, $0x38;
	[tilespmem:$0x1A040] =	vst v63  }
0x1c: {  	_ =	swait.ge [sflag:s12], $0x4E20  }
0x1d: {  	[sflag:s12] =	ssyncset.done $0x0  }
0x1e: {  	[sflag:s12] =	ssyncadd.s32 $0xFFFFB1E0  }
0x1f: {  	[bflag:$0x0] =	sbarrier.arrive $0xFFFF  }
0x20: {  	[tilespmem:s15], [sflag:$0x1] =	stream.indirect.gather [hbm4b:s4+s14], $0x40, s3, s14, $0xb8;
	[tilespmem:$0x1A040] =	vst v63  }
0x21: {  	_ = 	snop  }
0x22: {  	[tilespmem:s16], [sflag:$0x2] =	stream.indirect.gather [hbm4b:s4+s14], $0x40, s14, s14, $0xb8;
	[tilespmem:$0x1A040] =	vst v63  }
0x23: {  	s19 =	simm.s32 $0xA0  }
0x24: {  	[tilespmem:s18], [sflag:$0x3] =	stream.indirect.gather [hbm4b:s4+s14], $0x40, s19, s14, $0xb8;
	[tilespmem:$0x1A040] =	vst v63  }
0x25: {  	s21 =	simm.s32 $0xF0  }
0x26: {  	[tilespmem:s20], [sflag:$0x4] =	stream.indirect.gather [hbm4b:s4+s14], $0x40, s21, s14, $0xb8;
	[tilespmem:$0x1A040] =	vst v63  }
0x27: {  	s19 =	simm.s32 $0x140  }
0x28: {  	[tilespmem:s22], [sflag:$0x5] =	stream.indirect.gather [hbm4b:s4+s14], $0x40, s19, s14, $0xb8;
	[tilespmem:$0x1A040] =	vst v63  }
0x29: {  	_ =	swait.ge [sflag:s23], $0x1400  }
0x2a: {  	[sflag:s23] =	ssyncset.done $0x0  }
0x2b: {  	s21 =	simm.s32 $0x4E20;
	[sflag:s23] =	ssyncadd.s32 $0xFFFFEC00  }
0x2c: {  	[spmem:s2] =	stream.indirect.scatter.add.f32 [tilespmem:s15], [sflag:$0x6], $0x40, s21, s14, $0xb8;
	[tilespmem:$0x1A040] =	vst v63  }
0x2d: {  	_ =	swait.ge [sflag:s12], $0x1400  }
0x2e: {  	[sflag:s12] =	ssyncset.done $0x0  }
0x2f: {  	s19 =	simm.s32 $0x190;
	[sflag:s12] =	ssyncadd.s32 $0xFFFFEC00  }
0x30: {  	[tilespmem:s15], [sflag:$0x1] =	stream.indirect.gather [hbm4b:s4+s14], $0x40, s19, s14, $0xb8;
	[tilespmem:$0x1A040] =	vst v63  }
0x31: {  	_ =	swait.ge [sflag:s24], $0x1400  }
0x32: {  	[sflag:s24] =	ssyncset.done $0x0  }
0x33: {  	s21 =	simm.s32 $0x4E70;
	[sflag:s24] =	ssyncadd.s32 $0xFFFFEC00  }
0x34: {  	[spmem:s2] =	stream.indirect.scatter.add.f32 [tilespmem:s16], [sflag:$0x6], $0x40, s21, s14, $0xb8;
	[tilespmem:$0x1A040] =	vst v63  }
0x35: {  	_ =	swait.ge [sflag:s12], $0x1400  }
0x36: {  	[sflag:s12] =	ssyncset.done $0x0  }
0x37: {  	s19 =	simm.s32 $0x1E0;
	[sflag:s12] =	ssyncadd.s32 $0xFFFFEC00  }
0x38: {  	[tilespmem:s16], [sflag:$0x2] =	stream.indirect.gather [hbm4b:s4+s14], $0x40, s19, s14, $0xb8;
	[tilespmem:$0x1A040] =	vst v63  }
0x39: {  	_ =	swait.ge [sflag:s25], $0x1400  }
0x3a: {  	[sflag:s25] =	ssyncset.done $0x0  }
0x3b: {  	s21 =	simm.s32 $0x4EC0;
	[sflag:s25] =	ssyncadd.s32 $0xFFFFEC00  }
0x3c: {  	[spmem:s2] =	stream.indirect.scatter.add.f32 [tilespmem:s18], [sflag:$0x6], $0x40, s21, s14, $0xb8;
	[tilespmem:$0x1A040] =	vst v63  }
0x3d: {  	_ =	swait.ge [sflag:s12], $0x1400  }
0x3e: {  	[sflag:s12] =	ssyncset.done $0x0  }
0x3f: {  	s19 =	simm.s32 $0x230;
	[sflag:s12] =	ssyncadd.s32 $0xFFFFEC00  }
0x40: {  	[tilespmem:s18], [sflag:$0x3] =	stream.indirect.gather [hbm4b:s4+s14], $0x40, s19, s14, $0xb8;
	[tilespmem:$0x1A040] =	vst v63  }
0x41: {  	_ =	swait.ge [sflag:s26], $0x1400  }
0x42: {  	[sflag:s26] =	ssyncset.done $0x0  }
0x43: {  	s21 =	simm.s32 $0x4F10;
	[sflag:s26] =	ssyncadd.s32 $0xFFFFEC00  }
0x44: {  	[spmem:s2] =	stream.indirect.scatter.add.f32 [tilespmem:s20], [sflag:$0x6], $0x40, s21, s14, $0xb8;
	[tilespmem:$0x1A040] =	vst v63  }
0x45: {  	_ =	swait.ge [sflag:s12], $0x1400  }
0x46: {  	[sflag:s12] =	ssyncset.done $0x0  }
0x47: {  	s19 =	simm.s32 $0x280;
	[sflag:s12] =	ssyncadd.s32 $0xFFFFEC00  }
0x48: {  	[tilespmem:s20], [sflag:$0x4] =	stream.indirect.gather [hbm4b:s4+s14], $0x40, s19, s14, $0xb8;
	[tilespmem:$0x1A040] =	vst v63  }
0x49: {  	_ =	swait.ge [sflag:s28], $0x1400  }
0x4a: {  	[sflag:s28] =	ssyncset.done $0x0  }
0x4b: {  	s21 =	simm.s32 $0x4F60;
	[sflag:s28] =	ssyncadd.s32 $0xFFFFEC00  }
0x4c: {  	[spmem:s2] =	stream.indirect.scatter.add.f32 [tilespmem:s22], [sflag:$0x6], $0x40, s21, s14, $0xb8;
	[tilespmem:$0x1A040] =	vst v63  }
0x4d: {  	_ =	swait.ge [sflag:s12], $0x1400  }
0x4e: {  	[sflag:s12] =	ssyncset.done $0x0  }
0x4f: {  	s17 =	simm.s32 $0x640;
	s19 =	simm.s32 $0x2D0;
	[sflag:s12] =	ssyncadd.s32 $0xFFFFEC00  }
.LBB2_2:
0x50: {  	[tilespmem:s22], [sflag:$0x5] =	stream.indirect.gather [hbm4b:s4+s14], $0x40, s19, s14, $0xb8;
	[tilespmem:$0x1A040] =	vst v63  }
0x51: {  	s19 =	smov.u32 s17  }
0x52: {  	p0 =	sne.s32 s17, $0x12C00;
	s17 =	sadd.s32 $0x640, s17;
	_ =	swait.ge [sflag:s23], $0x1400  }
0x53: {  	s19 =	sshra.s32 s19, $0x2;
	[sflag:s23] =	ssyncset.done $0x0  }
0x54: {  	s21 =	sadd.s32 $0x4E20, s19;
	[sflag:s23] =	ssyncadd.s32 $0xFFFFEC00  }
0x55: {  	[spmem:s2] =	stream.indirect.scatter.add.f32 [tilespmem:s15], [sflag:$0x6], $0x40, s21, s14, $0xb8;
	[tilespmem:$0x1A040] =	vst v63  }
0x56: {  	_ =	swait.ge [sflag:s12], $0x1400  }
0x57: {  	[sflag:s12] =	ssyncset.done $0x0  }
0x58: {  	s21 =	sadd.s32 $0x190, s19;
	[sflag:s12] =	ssyncadd.s32 $0xFFFFEC00  }
0x59: {  	[tilespmem:s15], [sflag:$0x1] =	stream.indirect.gather [hbm4b:s4+s14], $0x40, s21, s14, $0xb8;
	[tilespmem:$0x1A040] =	vst v63  }
0x5a: {  	_ =	swait.ge [sflag:s24], $0x1400  }
0x5b: {  	[sflag:s24] =	ssyncset.done $0x0  }
0x5c: {  	s21 =	sadd.s32 $0x4E70, s19;
	[sflag:s24] =	ssyncadd.s32 $0xFFFFEC00  }
0x5d: {  	[spmem:s2] =	stream.indirect.scatter.add.f32 [tilespmem:s16], [sflag:$0x6], $0x40, s21, s14, $0xb8;
	[tilespmem:$0x1A040] =	vst v63  }
0x5e: {  	_ =	swait.ge [sflag:s12], $0x1400  }
0x5f: {  	[sflag:s12] =	ssyncset.done $0x0  }
0x60: {  	s21 =	sadd.s32 $0x1E0, s19;
	[sflag:s12] =	ssyncadd.s32 $0xFFFFEC00  }
0x61: {  	[tilespmem:s16], [sflag:$0x2] =	stream.indirect.gather [hbm4b:s4+s14], $0x40, s21, s14, $0xb8;
	[tilespmem:$0x1A040] =	vst v63  }
0x62: {  	_ =	swait.ge [sflag:s25], $0x1400  }
0x63: {  	[sflag:s25] =	ssyncset.done $0x0  }
0x64: {  	s21 =	sadd.s32 $0x4EC0, s19;
	[sflag:s25] =	ssyncadd.s32 $0xFFFFEC00  }
0x65: {  	[spmem:s2] =	stream.indirect.scatter.add.f32 [tilespmem:s18], [sflag:$0x6], $0x40, s21, s14, $0xb8;
	[tilespmem:$0x1A040] =	vst v63  }
0x66: {  	_ =	swait.ge [sflag:s12], $0x1400  }
0x67: {  	[sflag:s12] =	ssyncset.done $0x0  }
0x68: {  	s21 =	sadd.s32 $0x230, s19;
	[sflag:s12] =	ssyncadd.s32 $0xFFFFEC00  }
0x69: {  	[tilespmem:s18], [sflag:$0x3] =	stream.indirect.gather [hbm4b:s4+s14], $0x40, s21, s14, $0xb8;
	[tilespmem:$0x1A040] =	vst v63  }
0x6a: {  	_ =	swait.ge [sflag:s26], $0x1400  }
0x6b: {  	[sflag:s26] =	ssyncset.done $0x0  }
0x6c: {  	s21 =	sadd.s32 $0x4F10, s19;
	[sflag:s26] =	ssyncadd.s32 $0xFFFFEC00  }
0x6d: {  	[spmem:s2] =	stream.indirect.scatter.add.f32 [tilespmem:s20], [sflag:$0x6], $0x40, s21, s14, $0xb8;
	[tilespmem:$0x1A040] =	vst v63  }
0x6e: {  	_ =	swait.ge [sflag:s12], $0x1400  }
0x6f: {  	[sflag:s12] =	ssyncset.done $0x0  }
0x70: {  	s21 =	sadd.s32 $0x280, s19;
	[sflag:s12] =	ssyncadd.s32 $0xFFFFEC00  }
0x71: {  	[tilespmem:s20], [sflag:$0x4] =	stream.indirect.gather [hbm4b:s4+s14], $0x40, s21, s14, $0xb8;
	[tilespmem:$0x1A040] =	vst v63  }
0x72: {  	_ =	swait.ge [sflag:s28], $0x1400  }
0x73: {  	[sflag:s28] =	ssyncset.done $0x0  }
.Ltmp0:
0x74: {  	s21 =	sadd.s32 $0x4F60, s19;
	[sflag:s28] =	ssyncadd.s32 $0xFFFFEC00;
	(pc) =	sbr.rel @p0 .LBB2_2-.Ltmp0, $4  }
0x75: {  	[spmem:s2] =	stream.indirect.scatter.add.f32 [tilespmem:s22], [sflag:$0x6], $0x40, s21, s14, $0xb8;
	[tilespmem:$0x1A040] =	vst v63  }
0x76: {  	_ =	swait.ge [sflag:s12], $0x1400  }
0x77: {  	[sflag:s12] =	ssyncset.done $0x0  }
0x78: {  	s19 =	sadd.s32 $0x2D0, s19;
	[sflag:s12] =	ssyncadd.s32 $0xFFFFEC00  }
0x79: {  	[tilespmem:s22], [sflag:$0x5] =	stream.indirect.gather [hbm4b:s4+s14], $0x40, s19, s14, $0xb8;
	[tilespmem:$0x1A040] =	vst v63  }
0x7a: {  	_ =	swait.ge [sflag:s23], $0x1400  }
0x7b: {  	[sflag:s23] =	ssyncset.done $0x0  }
0x7c: {  	[sflag:s23] =	ssyncadd.s32 $0xFFFFEC00  }
0x7d: {  	[spmem:s2] =	stream.indirect.scatter.add.f32 [tilespmem:s15], [sflag:$0x6], $0x40, s29, s14, $0xb8;
	[tilespmem:$0x1A040] =	vst v63  }
0x7e: {  	_ =	swait.ge [sflag:s12], $0x1400  }
0x7f: {  	[sflag:s12] =	ssyncset.done $0x0  }
0x80: {  	[sflag:s12] =	ssyncadd.s32 $0xFFFFEC00  }
0x81: {  	_ =	swait.ge [sflag:s24], $0x1400  }
0x82: {  	[sflag:s24] =	ssyncset.done $0x0  }
0x83: {  	[sflag:s24] =	ssyncadd.s32 $0xFFFFEC00  }
0x84: {  	[spmem:s2] =	stream.indirect.scatter.add.f32 [tilespmem:s16], [sflag:$0x6], $0x40, s30, s14, $0xb8;
	[tilespmem:$0x1A040] =	vst v63  }
0x85: {  	_ =	swait.ge [sflag:s12], $0x1400  }
0x86: {  	[sflag:s12] =	ssyncset.done $0x0  }
0x87: {  	[sflag:s12] =	ssyncadd.s32 $0xFFFFEC00  }
0x88: {  	_ =	swait.ge [sflag:s25], $0x1400  }
0x89: {  	[sflag:s25] =	ssyncset.done $0x0  }
0x8a: {  	[sflag:s25] =	ssyncadd.s32 $0xFFFFEC00  }
0x8b: {  	[spmem:s2] =	stream.indirect.scatter.add.f32 [tilespmem:s18], [sflag:$0x6], $0x40, s31, s14, $0xb8;
	[tilespmem:$0x1A040] =	vst v63  }
0x8c: {  	_ =	swait.ge [sflag:s12], $0x1400  }
0x8d: {  	[sflag:s12] =	ssyncset.done $0x0  }
0x8e: {  	[sflag:s12] =	ssyncadd.s32 $0xFFFFEC00  }
0x8f: {  	_ =	swait.ge [sflag:s26], $0x1400  }
0x90: {  	[sflag:s26] =	ssyncset.done $0x0  }
0x91: {  	[sflag:s26] =	ssyncadd.s32 $0xFFFFEC00  }
0x92: {  	[spmem:s2] =	stream.indirect.scatter.add.f32 [tilespmem:s20], [sflag:$0x6], $0x40, s1, s14, $0xb8;
	[tilespmem:$0x1A040] =	vst v63  }
0x93: {  	_ =	swait.ge [sflag:s12], $0x1400  }
0x94: {  	[sflag:s12] =	ssyncset.done $0x0  }
0x95: {  	[sflag:s12] =	ssyncadd.s32 $0xFFFFEC00  }
0x96: {  	_ =	swait.ge [sflag:s28], $0x1400  }
0x97: {  	[sflag:s28] =	ssyncset.done $0x0  }
0x98: {  	[sflag:s28] =	ssyncadd.s32 $0xFFFFEC00  }
0x99: {  	[spmem:s2] =	stream.indirect.scatter.add.f32 [tilespmem:s22], [sflag:$0x6], $0x40, s0, s14, $0xb8;
	[tilespmem:$0x1A040] =	vst v63  }
0x9a: {  	_ =	swait.ge [sflag:s12], $0x1400  }
0x9b: {  	s13 =	sadd.s32 $0x1, s13;
	[sflag:s12] =	ssyncset.done $0x0  }
0x9c: {  	p0 =	sne.s32 s13, s10;
	[sflag:s12] =	ssyncadd.s32 $0xFFFFEC00  }
.Ltmp1:
0x9d: {  	[bflag:$0x0] =	sbarrier.arrive $0xFFFF;
	(pc) =	sbr.rel @p0 .LBB2_1-.Ltmp1, $4  }
0x9e: {  	[hbm:s9], [sflag:s7] =	dma.local [spmem:s11], $0x1400  }
0x9f: {  	_ =	swait.ge [sflag:s12], $0x1400  }
0xa0: {  	[sflag:s12] =	ssyncset.done $0x0  }
0xa1: {  	[sflag:s12] =	ssyncadd.s32 $0xFFFFEC00  }
0xa2: {  	_ =	sfence.sel $0x180000  }
0xa3: {  	[bflag:$0x0] =	sbarrier.arrive $0xFFFF  }
0xa4: {  	_ =	strace $0x90000050  }
0xa5: {  	s0 =	stileid.u32;
	[bflag:$0x2] =	sbarrier.arrive $0xFFFF  }
0xa6: {  	p0 =	sne.s32 s0, $0x0;
	s0 =	rddreg [dreg:$0x2]  }
0xa7: {  	s0 =	sadd.s32 @!p0 $0x100000, s0  }
0xa8: {  	[sflag:s0] =	ssyncadd.tile.s32 @!p0 $0x1;
	_ =	shalt  }
.Lfunc_end2:
_tile_overlayer_lowered:
.L_overlay_start_2:
0xa9: {  	(tag) =	ssettag $0x2  }
0xaa: {  	s0 =	rddreg [dreg:$0x0];
	s2 =	stileid.u32  }
0xab: {  	s1 =	rddreg [dreg:$0x1];
	p0 =	sne.s32 s2, $0x0  }
0xac: {  	s3 =	rddreg [dreg:$0x2];
	[bflag:$0x3] =	sbarrier.arrive $0xFFFF;
	s2 =	simm.s32 @!p0 $0x1C06  }
0xad: {  	[timem:s3], [sflag:s2] =	dma.local @!p0 [hbm:s0], s1  }
0xae: {  	s0 =	simm.s32 @!p0 $0x6  }
0xaf: {  	_ =	swait.ge @!p0 [sflag:s0], s1  }
0xb0: {  	s1 =	ssub.s32 @!p0 $0x0, s1;
	[sflag:s0] =	ssyncset.done @!p0 $0x0  }
0xb1: {  	[sflag:s0] =	ssyncadd.s32 @!p0 s1  }
0xb2: {  	[bflag:$0x3] =	sbarrier.arrive $0xFFFF  }
0xb3: {  	_ =	shalt  }

</sc_bundles>
